<compile_context>
chip_gen: v7x
topology: tpu7x:2x2x1
jax: 0.10.2.dev20260603
libtpu: 0.0.44.dev20260713+nightly
codegen_flags: <defaults>
</compile_context>

<pallas_src>
import jax
import jax.numpy as jnp
from jax import lax
from jax.experimental import pallas as pl
from jax.experimental.pallas import tpu as pltpu
from jax.experimental.pallas import tpu_sc as plsc

N = 100000
D = 128
G = 512
NC = 2
NS = 16
NW = NC * NS
BLK = 160
NBLOCKS = N // BLK
NBHI = 20
NBLO = 19
NTHI = NBLOCKS - NW * NBLO
CH = NBHI * BLK
CHLO = NBLO * BLK
NG = BLK // 16


def _sc_body(x_hbm, bat_hbm, sm_hbm, w_hbm, bv_hbm, iden_hbm,
             wout_hbm, part_hbm,
             xbuf0, xbuf1, bbuf, sbuf, wbuf, accloc, idenbuf, Wbuf, bvbuf,
             shacc, sem0, sem1):
    cid = lax.axis_index("c")
    sid = lax.axis_index("s")
    wid = sid * NC + cid

    zv = jnp.zeros((16,), jnp.float32)
    zi = jnp.zeros((16,), jnp.int32)
    lane = lax.iota(jnp.int32, 16)
    lane0 = lane == 0

    hi = wid < NTHI
    nb = jnp.where(hi, NBHI, NBLO)
    sb = wid * NBLO + jnp.minimum(wid, NTHI)
    row_start = sb * BLK
    nrows = nb * BLK

    pltpu.async_copy(x_hbm.at[pl.ds(row_start * D, BLK * D)], xbuf0, sem0)
    pltpu.async_copy(x_hbm.at[pl.ds((row_start + BLK) * D, BLK * D)], xbuf1,
                     sem1)

    @pl.when(hi)
    def _():
        pltpu.sync_copy(bat_hbm.at[pl.ds(row_start, CH)], bbuf.at[pl.ds(0, CH)])
        pltpu.sync_copy(sm_hbm.at[pl.ds(row_start, CH)], sbuf.at[pl.ds(0, CH)])

    @pl.when(jnp.logical_not(hi))
    def _():
        pltpu.sync_copy(bat_hbm.at[pl.ds(row_start, CHLO)],
                        bbuf.at[pl.ds(0, CHLO)])
        pltpu.sync_copy(sm_hbm.at[pl.ds(row_start, CHLO)],
                        sbuf.at[pl.ds(0, CHLO)])

    def _zrow(i, _):
        for j in range(8):
            accloc[i, pl.ds(16 * j, 16)] = zv
        return 0
    lax.fori_loop(0, G, _zrow, 0)

    pltpu.sync_copy(accloc.at[pl.ds(0, 32)], shacc.at[pl.ds(sid * 32, 32)])

    pltpu.sync_copy(w_hbm, Wbuf)
    pltpu.sync_copy(bv_hbm, bvbuf)
    pltpu.sync_copy(iden_hbm, idenbuf)
    Wv = [Wbuf[j, :] for j in range(8)]
    bv = bvbuf[:]

    smin = plsc.load_gather(bbuf, [zi])[0]
    smax = plsc.load_gather(bbuf, [jnp.broadcast_to(nrows - 1, (16,))])[0]

    plsc.subcore_barrier()

    def process(k, xbuf, sem):
        @pl.when(k < nb)
        def _():
            row0 = row_start + k * BLK
            pltpu.make_async_copy(x_hbm.at[pl.ds(row0 * D, BLK * D)], xbuf,
                                  sem).wait()

            def group(g, _):
                rg = k * BLK + g * 16
                rv = rg + lane
                segv = plsc.load_gather(bbuf, [rv])
                smv = plsc.load_gather(sbuf, [rv])

                for l in range(16):
                    xb = (g * 16 + l) * D
                    xv = [xbuf[pl.ds(xb + 16 * j, 16)] for j in range(8)]
                    p0 = xv[0] * Wv[0] + xv[1] * Wv[1]
                    p1 = xv[2] * Wv[2] + xv[3] * Wv[3]
                    p2 = xv[4] * Wv[4] + xv[5] * Wv[5]
                    p3 = xv[6] * Wv[6] + xv[7] * Wv[7]
                    p = (p0 + p1) + (p2 + p3)
                    z = jnp.broadcast_to(jnp.sum(p), (16,)) + bv
                    e = jnp.exp(-z)
                    w_vec = jnp.broadcast_to(smv[l], (16,)) / (1.0 + e)

                    plsc.store_scatter(
                        wbuf, [jnp.broadcast_to(rg + l, (16,))], w_vec,
                        mask=lane0)

                    seg = segv[l]
                    plsc.addupdate(accloc.at[seg, pl.ds(0, 16)], w_vec)
                return 0

            lax.fori_loop(0, NG, group, 0)

            @pl.when(k + 2 < nb)
            def _():
                row2 = row_start + (k + 2) * BLK
                pltpu.async_copy(x_hbm.at[pl.ds(row2 * D, BLK * D)], xbuf,
                                 sem)
        return None

    def do_pair(k2, _):
        process(2 * k2, xbuf0, sem0)
        process(2 * k2 + 1, xbuf1, sem1)
        return 0

    lax.fori_loop(0, NBHI // 2, do_pair, 0)

    @pl.when(hi)
    def _():
        pltpu.sync_copy(wbuf.at[pl.ds(0, CH)],
                        wout_hbm.at[pl.ds(row_start, CH)])

    @pl.when(jnp.logical_not(hi))
    def _():
        pltpu.sync_copy(wbuf.at[pl.ds(0, CHLO)],
                        wout_hbm.at[pl.ds(row_start, CHLO)])

    def merge(c32, _):
        lo = c32 * 32

        @pl.when((lo + 31 >= smin) & (lo <= smax))
        def _():
            pltpu.sync_copy(accloc.at[pl.ds(lo, 32)],
                            shacc.at[idenbuf.at[c32]], add=True)
        return 0

    lax.fori_loop(0, G // 32, merge, 0)
    plsc.subcore_barrier()
    pltpu.sync_copy(shacc.at[pl.ds(sid * 32, 32)],
                    part_hbm.at[pl.ds(cid * G + sid * 32, 32)])


def _combine(parts_ref, o_ref):
    o_ref[...] = parts_ref[0:G, :] + parts_ref[G:2 * G, :]


@jax.jit
def kernel(x, batch, smask, W, b):
    bat2 = batch.astype(jnp.int32)
    Wf = W.reshape(8, 16)
    bvec = jnp.broadcast_to(b.astype(jnp.float32), (16,))
    iden = jnp.arange(G, dtype=jnp.int32).reshape(G // 32, 32)

    mesh = plsc.VectorSubcoreMesh(core_axis_name="c", subcore_axis_name="s",
                                  num_cores=NC, num_subcores=NS)
    sc = pl.kernel(
        _sc_body,
        out_type=(
            jax.ShapeDtypeStruct((N,), jnp.float32),
            jax.ShapeDtypeStruct((NC * G, D), jnp.float32),
        ),
        mesh=mesh,
        compiler_params=pltpu.CompilerParams(needs_layout_passes=False),
        scratch_types=[
            pltpu.VMEM((BLK * D,), jnp.float32),
            pltpu.VMEM((BLK * D,), jnp.float32),
            pltpu.VMEM((CH,), jnp.int32),
            pltpu.VMEM((CH,), jnp.float32),
            pltpu.VMEM((CH,), jnp.float32),
            pltpu.VMEM((G, D), jnp.float32),
            pltpu.VMEM((G // 32, 32), jnp.int32),
            pltpu.VMEM((8, 16), jnp.float32),
            pltpu.VMEM((16,), jnp.float32),
            pltpu.VMEM_SHARED((G, D), jnp.float32),
            pltpu.SemaphoreType.DMA,
            pltpu.SemaphoreType.DMA,
        ],
    )
    wout, parts = sc(x.reshape(-1), bat2, smask, Wf, bvec, iden)

    h = pl.pallas_call(
        _combine,
        out_shape=jax.ShapeDtypeStruct((G, D), jnp.float32),
    )(parts)

    return h, wout.reshape(N, 1)

# --- scband reference (transcript-rebuilt; emitter-appended) ---
"""Pipeline reference for scband-weight-and-sum-47553877901903 (READ-ONLY COPY).

The authoritative reference and input builder live on the scoring server;
editing this copy changes nothing except your own understanding.
"""

import jax, jax.numpy as jnp
import numpy as np

N = 100000
D = 128
G = 512

def setup_inputs(seed: int = 0) -> dict:
    key = jax.random.key(seed)
    k1, k2, k3, k4 = jax.random.split(key, 4)
    x = jax.random.normal(k1, (N, D), dtype=jnp.float32)
    batch = jnp.sort(jax.random.randint(k2, (N,), 0, G)).astype(jnp.int64)
    smask = jax.random.uniform(k3, (N,), dtype=jnp.float32)
    # learned params of nn.Linear(in_feats, 1)
    W = jax.random.normal(k4, (D, 1), dtype=jnp.float32) * (1.0 / np.sqrt(D))
    b = jnp.zeros((1,), dtype=jnp.float32)
    return {"x": x, "batch": batch, "smask": smask, "W": W, "b": b}

def reference(x, batch, smask, W, b):
    # atom_weighting: Linear(in_feats, 1) -> Sigmoid
    weight = jax.nn.sigmoid(x @ W + b)            # [N, 1]
    # smask modulation
    weight = weight * smask[:, None]              # [N, 1]
    weighted_feats = x * weight                   # [N, D]
    # sum_nodes: per-graph segment sum over the batch vector
    h_g_sum = jax.ops.segment_sum(weighted_feats, batch, num_segments=G)  # [G, D]
    return (h_g_sum, weight)

if __name__ == "__main__":
    import jax
    _d = setup_inputs()
    print(jax.jit(kernel)(*tuple(_d.values())))

</pallas_src>

<mosaic_0001>
#map = affine_map<(d0, d1) -> (0)>
#map1 = affine_map<(d0, d1) -> (0, 0)>
module attributes {stable_mosaic.version = 14 : i64} {
  func.func @_sc_body(%arg0: i32, %arg1: i32, %arg2: memref<12800000xf32, #tpu.memory_space<hbm>>, %arg3: memref<100000xi32, #tpu.memory_space<hbm>>, %arg4: memref<100000xf32, #tpu.memory_space<hbm>>, %arg5: memref<8x16xf32, #tpu.memory_space<hbm>>, %arg6: memref<16xf32, #tpu.memory_space<hbm>>, %arg7: memref<16x32xi32, #tpu.memory_space<hbm>>, %arg8: memref<100000xf32, #tpu.memory_space<hbm>>, %arg9: memref<1024x128xf32, #tpu.memory_space<hbm>>, %arg10: memref<20480xf32, #tpu.memory_space<vmem>>, %arg11: memref<20480xf32, #tpu.memory_space<vmem>>, %arg12: memref<3200xi32, #tpu.memory_space<vmem>>, %arg13: memref<3200xf32, #tpu.memory_space<vmem>>, %arg14: memref<3200xf32, #tpu.memory_space<vmem>>, %arg15: memref<512x128xf32, #tpu.memory_space<vmem>>, %arg16: memref<16x32xi32, #tpu.memory_space<vmem>>, %arg17: memref<8x16xf32, #tpu.memory_space<vmem>>, %arg18: memref<16xf32, #tpu.memory_space<vmem>>, %arg19: memref<512x128xf32, #tpu.memory_space<vmem_shared>>, %arg20: memref<!tpu.dma_semaphore, #tpu.memory_space<semaphore_mem>>, %arg21: memref<!tpu.dma_semaphore, #tpu.memory_space<semaphore_mem>>) attributes {dimension_semantics = [#tpu.dimension_semantics<core_parallel>, #tpu.dimension_semantics<subcore_parallel>], iteration_bounds = array<i64: 2, 16>, scalar_prefetch = 0 : i64, scratch_operands = 12 : i64, tpu.core_type = #tpu.core_type<sc_vector_subcore>, window_params = [{transform_indices = #map}, {transform_indices = #map}, {transform_indices = #map}, {transform_indices = #map1}, {transform_indices = #map}, {transform_indices = #map1}, {transform_indices = #map}, {transform_indices = #map1}]} {
    %mul3A = arith.constant 2 : i32
    %mul3A_0 = arith.muli %arg1, %mul3A : i32
    %add3A = arith.addi %mul3A_0, %arg0 : i32
    %broadcast_in_dim3A = arith.constant 0.000000e+00 : f32
    %broadcast_in_dim3A_1 = vector.broadcast %broadcast_in_dim3A : f32 to vector<16xf32>
    %broadcast_in_dim3A_2 = arith.constant 0 : i32
    %broadcast_in_dim3A_3 = vector.broadcast %broadcast_in_dim3A_2 : i32 to vector<16xi32>
    %iota3A = tpu.iota {dimensions = array<i32: 0>} : vector<16xi32>
    %eq3A = arith.constant 0 : i32
    %eq3A_4 = vector.broadcast %eq3A : i32 to vector<16xi32>
    %eq3A_5 = arith.cmpi eq, %iota3A, %eq3A_4 : vector<16xi32>
    %lt3A = arith.constant 17 : i32
    %lt3A_6 = arith.cmpi slt, %add3A, %lt3A : i32
    %jit3A = arith.constant 20 : i32
    %jit3A_7 = arith.constant 19 : i32
    %select_n3A = arith.select %lt3A_6, %jit3A, %jit3A_7 : i32
    %mul3A_8 = arith.constant 19 : i32
    %mul3A_9 = arith.muli %add3A, %mul3A_8 : i32
    %min3A = arith.constant 17 : i32
    %min3A_10 = arith.minsi %add3A, %min3A : i32
    %add3A_11 = arith.addi %mul3A_9, %min3A_10 : i32
    %mul3A_12 = arith.constant 160 : i32
    %mul3A_13 = arith.muli %add3A_11, %mul3A_12 : i32
    %mul3A_14 = arith.constant 160 : i32
    %mul3A_15 = arith.muli %select_n3A, %mul3A_14 : i32
    %mul3A_16 = arith.constant 128 : i32
    %mul3A_17 = arith.muli %mul3A_13, %mul3A_16 : i32
    %dma_start3A = tpu.memref_slice %arg2[%mul3A_17] : memref<12800000xf32, #tpu.memory_space<hbm>> -> memref<20480xf32, #tpu.memory_space<hbm>>
    %dma_start3A_18 = tpu.memref_slice %arg2[%mul3A_17] : memref<12800000xf32, #tpu.memory_space<hbm>> -> memref<20480xf32, #tpu.memory_space<hbm>>
    tpu.enqueue_dma source(%dma_start3A_18 : memref<20480xf32, #tpu.memory_space<hbm>>) target(%arg10 : memref<20480xf32, #tpu.memory_space<vmem>>) target_semaphore(%arg20 : memref<!tpu.dma_semaphore, #tpu.memory_space<semaphore_mem>>)
    %add3A_19 = arith.constant 160 : i32
    %add3A_20 = arith.addi %mul3A_13, %add3A_19 : i32
    %mul3A_21 = arith.constant 128 : i32
    %mul3A_22 = arith.muli %add3A_20, %mul3A_21 : i32
    %dma_start3A_23 = tpu.memref_slice %arg2[%mul3A_22] : memref<12800000xf32, #tpu.memory_space<hbm>> -> memref<20480xf32, #tpu.memory_space<hbm>>
    %dma_start3A_24 = tpu.memref_slice %arg2[%mul3A_22] : memref<12800000xf32, #tpu.memory_space<hbm>> -> memref<20480xf32, #tpu.memory_space<hbm>>
    tpu.enqueue_dma source(%dma_start3A_24 : memref<20480xf32, #tpu.memory_space<hbm>>) target(%arg11 : memref<20480xf32, #tpu.memory_space<vmem>>) target_semaphore(%arg21 : memref<!tpu.dma_semaphore, #tpu.memory_space<semaphore_mem>>)
    %convert_element_type3A = arith.extui %lt3A_6 : i1 to i32
    %cond3A = arith.constant 0 : i32
    %cond3A_25 = arith.cmpi ne, %convert_element_type3A, %cond3A : i32
    scf.if %cond3A_25 {
      "tpu.region"() ({
        %run_scoped3A = tpu.sem_alloc : memref<!tpu.dma_semaphore, #tpu.memory_space<semaphore_mem>>
        %dma_start3A_106 = arith.constant 0 : i32
        %dma_start3A_107 = tpu.memref_slice %arg12[%dma_start3A_106] : memref<3200xi32, #tpu.memory_space<vmem>> -> memref<3200xi32, #tpu.memory_space<vmem>>
        %dma_start3A_108 = tpu.memref_slice %arg3[%mul3A_13] : memref<100000xi32, #tpu.memory_space<hbm>> -> memref<3200xi32, #tpu.memory_space<hbm>>
        %dma_start3A_109 = arith.constant 0 : i32
        %dma_start3A_110 = tpu.memref_slice %arg12[%dma_start3A_109] : memref<3200xi32, #tpu.memory_space<vmem>> -> memref<3200xi32, #tpu.memory_space<vmem>>
        %dma_start3A_111 = tpu.memref_slice %arg3[%mul3A_13] : memref<100000xi32, #tpu.memory_space<hbm>> -> memref<3200xi32, #tpu.memory_space<hbm>>
        tpu.enqueue_dma source(%dma_start3A_111 : memref<3200xi32, #tpu.memory_space<hbm>>) target(%dma_start3A_110 : memref<3200xi32, #tpu.memory_space<vmem>>) target_semaphore(%run_scoped3A : memref<!tpu.dma_semaphore, #tpu.memory_space<semaphore_mem>>)
        %dma_wait3A = arith.constant 0 : i32
        %dma_wait3A_112 = tpu.memref_slice %arg12[%dma_wait3A] : memref<3200xi32, #tpu.memory_space<vmem>> -> memref<3200xi32, #tpu.memory_space<vmem>>
        %dma_wait3A_113 = tpu.memref_slice %arg3[%mul3A_13] : memref<100000xi32, #tpu.memory_space<hbm>> -> memref<3200xi32, #tpu.memory_space<hbm>>
        %dma_wait3A_114 = arith.constant 0 : i32
        %dma_wait3A_115 = tpu.memref_slice %arg12[%dma_wait3A_114] : memref<3200xi32, #tpu.memory_space<vmem>> -> memref<3200xi32, #tpu.memory_space<vmem>>
        %dma_wait3A_116 = tpu.memref_slice %arg3[%mul3A_13] : memref<100000xi32, #tpu.memory_space<hbm>> -> memref<3200xi32, #tpu.memory_space<hbm>>
        tpu.wait_dma2 semaphore(%run_scoped3A : memref<!tpu.dma_semaphore, #tpu.memory_space<semaphore_mem>>) src(%dma_wait3A_116 : memref<3200xi32, #tpu.memory_space<hbm>>) dst(%dma_wait3A_115 : memref<3200xi32, #tpu.memory_space<vmem>>)
        tpu.yield
      }) : () -> ()
      "tpu.region"() ({
        %run_scoped3A = tpu.sem_alloc : memref<!tpu.dma_semaphore, #tpu.memory_space<semaphore_mem>>
        %dma_start3A_106 = arith.constant 0 : i32
        %dma_start3A_107 = tpu.memref_slice %arg13[%dma_start3A_106] : memref<3200xf32, #tpu.memory_space<vmem>> -> memref<3200xf32, #tpu.memory_space<vmem>>
        %dma_start3A_108 = tpu.memref_slice %arg4[%mul3A_13] : memref<100000xf32, #tpu.memory_space<hbm>> -> memref<3200xf32, #tpu.memory_space<hbm>>
        %dma_start3A_109 = arith.constant 0 : i32
        %dma_start3A_110 = tpu.memref_slice %arg13[%dma_start3A_109] : memref<3200xf32, #tpu.memory_space<vmem>> -> memref<3200xf32, #tpu.memory_space<vmem>>
        %dma_start3A_111 = tpu.memref_slice %arg4[%mul3A_13] : memref<100000xf32, #tpu.memory_space<hbm>> -> memref<3200xf32, #tpu.memory_space<hbm>>
        tpu.enqueue_dma source(%dma_start3A_111 : memref<3200xf32, #tpu.memory_space<hbm>>) target(%dma_start3A_110 : memref<3200xf32, #tpu.memory_space<vmem>>) target_semaphore(%run_scoped3A : memref<!tpu.dma_semaphore, #tpu.memory_space<semaphore_mem>>)
        %dma_wait3A = arith.constant 0 : i32
        %dma_wait3A_112 = tpu.memref_slice %arg13[%dma_wait3A] : memref<3200xf32, #tpu.memory_space<vmem>> -> memref<3200xf32, #tpu.memory_space<vmem>>
        %dma_wait3A_113 = tpu.memref_slice %arg4[%mul3A_13] : memref<100000xf32, #tpu.memory_space<hbm>> -> memref<3200xf32, #tpu.memory_space<hbm>>
        %dma_wait3A_114 = arith.constant 0 : i32
        %dma_wait3A_115 = tpu.memref_slice %arg13[%dma_wait3A_114] : memref<3200xf32, #tpu.memory_space<vmem>> -> memref<3200xf32, #tpu.memory_space<vmem>>
        %dma_wait3A_116 = tpu.memref_slice %arg4[%mul3A_13] : memref<100000xf32, #tpu.memory_space<hbm>> -> memref<3200xf32, #tpu.memory_space<hbm>>
        tpu.wait_dma2 semaphore(%run_scoped3A : memref<!tpu.dma_semaphore, #tpu.memory_space<semaphore_mem>>) src(%dma_wait3A_116 : memref<3200xf32, #tpu.memory_space<hbm>>) dst(%dma_wait3A_115 : memref<3200xf32, #tpu.memory_space<vmem>>)
        tpu.yield
      }) : () -> ()
    } else {
    }
    %not3A = arith.constant true
    %not3A_26 = arith.xori %lt3A_6, %not3A : i1
    %convert_element_type3A_27 = arith.extui %not3A_26 : i1 to i32
    %cond3A_28 = arith.constant 0 : i32
    %cond3A_29 = arith.cmpi ne, %convert_element_type3A_27, %cond3A_28 : i32
    scf.if %cond3A_29 {
      "tpu.region"() ({
        %run_scoped3A = tpu.sem_alloc : memref<!tpu.dma_semaphore, #tpu.memory_space<semaphore_mem>>
        %dma_start3A_106 = arith.constant 0 : i32
        %dma_start3A_107 = tpu.memref_slice %arg12[%dma_start3A_106] : memref<3200xi32, #tpu.memory_space<vmem>> -> memref<3040xi32, #tpu.memory_space<vmem>>
        %dma_start3A_108 = tpu.memref_slice %arg3[%mul3A_13] : memref<100000xi32, #tpu.memory_space<hbm>> -> memref<3040xi32, #tpu.memory_space<hbm>>
        %dma_start3A_109 = arith.constant 0 : i32
        %dma_start3A_110 = tpu.memref_slice %arg12[%dma_start3A_109] : memref<3200xi32, #tpu.memory_space<vmem>> -> memref<3040xi32, #tpu.memory_space<vmem>>
        %dma_start3A_111 = tpu.memref_slice %arg3[%mul3A_13] : memref<100000xi32, #tpu.memory_space<hbm>> -> memref<3040xi32, #tpu.memory_space<hbm>>
        tpu.enqueue_dma source(%dma_start3A_111 : memref<3040xi32, #tpu.memory_space<hbm>>) target(%dma_start3A_110 : memref<3040xi32, #tpu.memory_space<vmem>>) target_semaphore(%run_scoped3A : memref<!tpu.dma_semaphore, #tpu.memory_space<semaphore_mem>>)
        %dma_wait3A = arith.constant 0 : i32
        %dma_wait3A_112 = tpu.memref_slice %arg12[%dma_wait3A] : memref<3200xi32, #tpu.memory_space<vmem>> -> memref<3040xi32, #tpu.memory_space<vmem>>
        %dma_wait3A_113 = tpu.memref_slice %arg3[%mul3A_13] : memref<100000xi32, #tpu.memory_space<hbm>> -> memref<3040xi32, #tpu.memory_space<hbm>>
        %dma_wait3A_114 = arith.constant 0 : i32
        %dma_wait3A_115 = tpu.memref_slice %arg12[%dma_wait3A_114] : memref<3200xi32, #tpu.memory_space<vmem>> -> memref<3040xi32, #tpu.memory_space<vmem>>
        %dma_wait3A_116 = tpu.memref_slice %arg3[%mul3A_13] : memref<100000xi32, #tpu.memory_space<hbm>> -> memref<3040xi32, #tpu.memory_space<hbm>>
        tpu.wait_dma2 semaphore(%run_scoped3A : memref<!tpu.dma_semaphore, #tpu.memory_space<semaphore_mem>>) src(%dma_wait3A_116 : memref<3040xi32, #tpu.memory_space<hbm>>) dst(%dma_wait3A_115 : memref<3040xi32, #tpu.memory_space<vmem>>)
        tpu.yield
      }) : () -> ()
      "tpu.region"() ({
        %run_scoped3A = tpu.sem_alloc : memref<!tpu.dma_semaphore, #tpu.memory_space<semaphore_mem>>
        %dma_start3A_106 = arith.constant 0 : i32
        %dma_start3A_107 = tpu.memref_slice %arg13[%dma_start3A_106] : memref<3200xf32, #tpu.memory_space<vmem>> -> memref<3040xf32, #tpu.memory_space<vmem>>
        %dma_start3A_108 = tpu.memref_slice %arg4[%mul3A_13] : memref<100000xf32, #tpu.memory_space<hbm>> -> memref<3040xf32, #tpu.memory_space<hbm>>
        %dma_start3A_109 = arith.constant 0 : i32
        %dma_start3A_110 = tpu.memref_slice %arg13[%dma_start3A_109] : memref<3200xf32, #tpu.memory_space<vmem>> -> memref<3040xf32, #tpu.memory_space<vmem>>
        %dma_start3A_111 = tpu.memref_slice %arg4[%mul3A_13] : memref<100000xf32, #tpu.memory_space<hbm>> -> memref<3040xf32, #tpu.memory_space<hbm>>
        tpu.enqueue_dma source(%dma_start3A_111 : memref<3040xf32, #tpu.memory_space<hbm>>) target(%dma_start3A_110 : memref<3040xf32, #tpu.memory_space<vmem>>) target_semaphore(%run_scoped3A : memref<!tpu.dma_semaphore, #tpu.memory_space<semaphore_mem>>)
        %dma_wait3A = arith.constant 0 : i32
        %dma_wait3A_112 = tpu.memref_slice %arg13[%dma_wait3A] : memref<3200xf32, #tpu.memory_space<vmem>> -> memref<3040xf32, #tpu.memory_space<vmem>>
        %dma_wait3A_113 = tpu.memref_slice %arg4[%mul3A_13] : memref<100000xf32, #tpu.memory_space<hbm>> -> memref<3040xf32, #tpu.memory_space<hbm>>
        %dma_wait3A_114 = arith.constant 0 : i32
        %dma_wait3A_115 = tpu.memref_slice %arg13[%dma_wait3A_114] : memref<3200xf32, #tpu.memory_space<vmem>> -> memref<3040xf32, #tpu.memory_space<vmem>>
        %dma_wait3A_116 = tpu.memref_slice %arg4[%mul3A_13] : memref<100000xf32, #tpu.memory_space<hbm>> -> memref<3040xf32, #tpu.memory_space<hbm>>
        tpu.wait_dma2 semaphore(%run_scoped3A : memref<!tpu.dma_semaphore, #tpu.memory_space<semaphore_mem>>) src(%dma_wait3A_116 : memref<3040xf32, #tpu.memory_space<hbm>>) dst(%dma_wait3A_115 : memref<3040xf32, #tpu.memory_space<vmem>>)
        tpu.yield
      }) : () -> ()
    } else {
    }
    %scan3A = arith.constant 0 : i32
    %scan3A_30 = arith.constant 0 : i32
    %scan3A_31 = arith.constant 512 : i32
    %scan3A_32 = arith.addi %scan3A_30, %scan3A_31 : i32
    %scan3A_33 = arith.constant 1 : i32
    %scan3A_34 = scf.for %scan3A_106 = %scan3A_30 to %scan3A_32 step %scan3A_33 iter_args(%scan3A_107 = %scan3A) -> (i32)  : i32 {
      %swap3A = arith.index_cast %scan3A_106 : i32 to index
      %swap3A_108 = arith.constant 0 : index
      %swap3A_109 = tpu.vector_load %arg15[%swap3A, %swap3A_108] {strides = array<i32>} : memref<512x128xf32, #tpu.memory_space<vmem>>, vector<16xf32>,
      tpu.vector_store %arg15[%swap3A, %swap3A_108], %broadcast_in_dim3A_1 {strides = array<i32>} : memref<512x128xf32, #tpu.memory_space<vmem>>, vector<16xf32>,
      %swap3A_110 = arith.index_cast %scan3A_106 : i32 to index
      %swap3A_111 = arith.constant 16 : index
      %swap3A_112 = tpu.vector_load %arg15[%swap3A_110, %swap3A_111] {strides = array<i32>} : memref<512x128xf32, #tpu.memory_space<vmem>>, vector<16xf32>,
      tpu.vector_store %arg15[%swap3A_110, %swap3A_111], %broadcast_in_dim3A_1 {strides = array<i32>} : memref<512x128xf32, #tpu.memory_space<vmem>>, vector<16xf32>,
      %swap3A_113 = arith.index_cast %scan3A_106 : i32 to index
      %swap3A_114 = arith.constant 32 : index
      %swap3A_115 = tpu.vector_load %arg15[%swap3A_113, %swap3A_114] {strides = array<i32>} : memref<512x128xf32, #tpu.memory_space<vmem>>, vector<16xf32>,
      tpu.vector_store %arg15[%swap3A_113, %swap3A_114], %broadcast_in_dim3A_1 {strides = array<i32>} : memref<512x128xf32, #tpu.memory_space<vmem>>, vector<16xf32>,
      %swap3A_116 = arith.index_cast %scan3A_106 : i32 to index
      %swap3A_117 = arith.constant 48 : index
      %swap3A_118 = tpu.vector_load %arg15[%swap3A_116, %swap3A_117] {strides = array<i32>} : memref<512x128xf32, #tpu.memory_space<vmem>>, vector<16xf32>,
      tpu.vector_store %arg15[%swap3A_116, %swap3A_117], %broadcast_in_dim3A_1 {strides = array<i32>} : memref<512x128xf32, #tpu.memory_space<vmem>>, vector<16xf32>,
      %swap3A_119 = arith.index_cast %scan3A_106 : i32 to index
      %swap3A_120 = arith.constant 64 : index
      %swap3A_121 = tpu.vector_load %arg15[%swap3A_119, %swap3A_120] {strides = array<i32>} : memref<512x128xf32, #tpu.memory_space<vmem>>, vector<16xf32>,
      tpu.vector_store %arg15[%swap3A_119, %swap3A_120], %broadcast_in_dim3A_1 {strides = array<i32>} : memref<512x128xf32, #tpu.memory_space<vmem>>, vector<16xf32>,
      %swap3A_122 = arith.index_cast %scan3A_106 : i32 to index
      %swap3A_123 = arith.constant 80 : index
      %swap3A_124 = tpu.vector_load %arg15[%swap3A_122, %swap3A_123] {strides = array<i32>} : memref<512x128xf32, #tpu.memory_space<vmem>>, vector<16xf32>,
      tpu.vector_store %arg15[%swap3A_122, %swap3A_123], %broadcast_in_dim3A_1 {strides = array<i32>} : memref<512x128xf32, #tpu.memory_space<vmem>>, vector<16xf32>,
      %swap3A_125 = arith.index_cast %scan3A_106 : i32 to index
      %swap3A_126 = arith.constant 96 : index
      %swap3A_127 = tpu.vector_load %arg15[%swap3A_125, %swap3A_126] {strides = array<i32>} : memref<512x128xf32, #tpu.memory_space<vmem>>, vector<16xf32>,
      tpu.vector_store %arg15[%swap3A_125, %swap3A_126], %broadcast_in_dim3A_1 {strides = array<i32>} : memref<512x128xf32, #tpu.memory_space<vmem>>, vector<16xf32>,
      %swap3A_128 = arith.index_cast %scan3A_106 : i32 to index
      %swap3A_129 = arith.constant 112 : index
      %swap3A_130 = tpu.vector_load %arg15[%swap3A_128, %swap3A_129] {strides = array<i32>} : memref<512x128xf32, #tpu.memory_space<vmem>>, vector<16xf32>,
      tpu.vector_store %arg15[%swap3A_128, %swap3A_129], %broadcast_in_dim3A_1 {strides = array<i32>} : memref<512x128xf32, #tpu.memory_space<vmem>>, vector<16xf32>,
      %scan3A_131 = arith.constant 0 : i32
      scf.yield %scan3A_131 : i32
    }
    %scan3A_35 = arith.constant 512 : i32
    %mul3A_36 = arith.constant 32 : i32
    %mul3A_37 = arith.muli %arg1, %mul3A_36 : i32
    "tpu.region"() ({
      %run_scoped3A = tpu.sem_alloc : memref<!tpu.dma_semaphore, #tpu.memory_space<semaphore_mem>>
      %dma_start3A_106 = arith.constant 0 : i32
      %dma_start3A_107 = arith.constant 0 : i32
      %dma_start3A_108 = tpu.memref_slice %arg15[%dma_start3A_106, %dma_start3A_107] : memref<512x128xf32, #tpu.memory_space<vmem>> -> memref<32x128xf32, #tpu.memory_space<vmem>>
      %dma_start3A_109 = arith.constant 0 : i32
      %dma_start3A_110 = tpu.memref_slice %arg19[%mul3A_37, %dma_start3A_109] : memref<512x128xf32, #tpu.memory_space<vmem_shared>> -> memref<32x128xf32, #tpu.memory_space<vmem_shared>>
      %dma_start3A_111 = arith.constant 0 : i32
      %dma_start3A_112 = tpu.memref_slice %arg19[%mul3A_37, %dma_start3A_111] : memref<512x128xf32, #tpu.memory_space<vmem_shared>> -> memref<32x128xf32, #tpu.memory_space<vmem_shared>>
      %dma_start3A_113 = arith.constant 0 : i32
      %dma_start3A_114 = arith.constant 0 : i32
      %dma_start3A_115 = tpu.memref_slice %arg15[%dma_start3A_113, %dma_start3A_114] : memref<512x128xf32, #tpu.memory_space<vmem>> -> memref<32x128xf32, #tpu.memory_space<vmem>>
      tpu.enqueue_dma source(%dma_start3A_115 : memref<32x128xf32, #tpu.memory_space<vmem>>) target(%dma_start3A_112 : memref<32x128xf32, #tpu.memory_space<vmem_shared>>) target_semaphore(%run_scoped3A : memref<!tpu.dma_semaphore, #tpu.memory_space<semaphore_mem>>)
      %dma_wait3A = arith.constant 0 : i32
      %dma_wait3A_116 = arith.constant 0 : i32
      %dma_wait3A_117 = tpu.memref_slice %arg15[%dma_wait3A, %dma_wait3A_116] : memref<512x128xf32, #tpu.memory_space<vmem>> -> memref<32x128xf32, #tpu.memory_space<vmem>>
      %dma_wait3A_118 = arith.constant 0 : i32
      %dma_wait3A_119 = tpu.memref_slice %arg19[%mul3A_37, %dma_wait3A_118] : memref<512x128xf32, #tpu.memory_space<vmem_shared>> -> memref<32x128xf32, #tpu.memory_space<vmem_shared>>
      %dma_wait3A_120 = arith.constant 0 : i32
      %dma_wait3A_121 = tpu.memref_slice %arg19[%mul3A_37, %dma_wait3A_120] : memref<512x128xf32, #tpu.memory_space<vmem_shared>> -> memref<32x128xf32, #tpu.memory_space<vmem_shared>>
      %dma_wait3A_122 = arith.constant 0 : i32
      %dma_wait3A_123 = arith.constant 0 : i32
      %dma_wait3A_124 = tpu.memref_slice %arg15[%dma_wait3A_122, %dma_wait3A_123] : memref<512x128xf32, #tpu.memory_space<vmem>> -> memref<32x128xf32, #tpu.memory_space<vmem>>
      tpu.wait_dma2 semaphore(%run_scoped3A : memref<!tpu.dma_semaphore, #tpu.memory_space<semaphore_mem>>) src(%dma_wait3A_124 : memref<32x128xf32, #tpu.memory_space<vmem>>) dst(%dma_wait3A_121 : memref<32x128xf32, #tpu.memory_space<vmem_shared>>)
      tpu.yield
    }) : () -> ()
    "tpu.region"() ({
      %run_scoped3A = tpu.sem_alloc : memref<!tpu.dma_semaphore, #tpu.memory_space<semaphore_mem>>
      tpu.enqueue_dma source(%arg5 : memref<8x16xf32, #tpu.memory_space<hbm>>) target(%arg17 : memref<8x16xf32, #tpu.memory_space<vmem>>) target_semaphore(%run_scoped3A : memref<!tpu.dma_semaphore, #tpu.memory_space<semaphore_mem>>)
      tpu.wait_dma2 semaphore(%run_scoped3A : memref<!tpu.dma_semaphore, #tpu.memory_space<semaphore_mem>>) src(%arg5 : memref<8x16xf32, #tpu.memory_space<hbm>>) dst(%arg17 : memref<8x16xf32, #tpu.memory_space<vmem>>)
      tpu.yield
    }) : () -> ()
    "tpu.region"() ({
      %run_scoped3A = tpu.sem_alloc : memref<!tpu.dma_semaphore, #tpu.memory_space<semaphore_mem>>
      tpu.enqueue_dma source(%arg6 : memref<16xf32, #tpu.memory_space<hbm>>) target(%arg18 : memref<16xf32, #tpu.memory_space<vmem>>) target_semaphore(%run_scoped3A : memref<!tpu.dma_semaphore, #tpu.memory_space<semaphore_mem>>)
      tpu.wait_dma2 semaphore(%run_scoped3A : memref<!tpu.dma_semaphore, #tpu.memory_space<semaphore_mem>>) src(%arg6 : memref<16xf32, #tpu.memory_space<hbm>>) dst(%arg18 : memref<16xf32, #tpu.memory_space<vmem>>)
      tpu.yield
    }) : () -> ()
    "tpu.region"() ({
      %run_scoped3A = tpu.sem_alloc : memref<!tpu.dma_semaphore, #tpu.memory_space<semaphore_mem>>
      tpu.enqueue_dma source(%arg7 : memref<16x32xi32, #tpu.memory_space<hbm>>) target(%arg16 : memref<16x32xi32, #tpu.memory_space<vmem>>) target_semaphore(%run_scoped3A : memref<!tpu.dma_semaphore, #tpu.memory_space<semaphore_mem>>)
      tpu.wait_dma2 semaphore(%run_scoped3A : memref<!tpu.dma_semaphore, #tpu.memory_space<semaphore_mem>>) src(%arg7 : memref<16x32xi32, #tpu.memory_space<hbm>>) dst(%arg16 : memref<16x32xi32, #tpu.memory_space<vmem>>)
      tpu.yield
    }) : () -> ()
    %get3A = arith.constant 0 : i32
    %get3A_38 = arith.index_cast %get3A : i32 to index
    %get3A_39 = arith.constant 0 : index
    %get3A_40 = tpu.vector_load %arg17[%get3A_38, %get3A_39] {strides = array<i32>} : memref<8x16xf32, #tpu.memory_space<vmem>>, vector<16xf32>,
    %get3A_41 = arith.constant 1 : i32
    %get3A_42 = arith.index_cast %get3A_41 : i32 to index
    %get3A_43 = arith.constant 0 : index
    %get3A_44 = tpu.vector_load %arg17[%get3A_42, %get3A_43] {strides = array<i32>} : memref<8x16xf32, #tpu.memory_space<vmem>>, vector<16xf32>,
    %get3A_45 = arith.constant 2 : i32
    %get3A_46 = arith.index_cast %get3A_45 : i32 to index
    %get3A_47 = arith.constant 0 : index
    %get3A_48 = tpu.vector_load %arg17[%get3A_46, %get3A_47] {strides = array<i32>} : memref<8x16xf32, #tpu.memory_space<vmem>>, vector<16xf32>,
    %get3A_49 = arith.constant 3 : i32
    %get3A_50 = arith.index_cast %get3A_49 : i32 to index
    %get3A_51 = arith.constant 0 : index
    %get3A_52 = tpu.vector_load %arg17[%get3A_50, %get3A_51] {strides = array<i32>} : memref<8x16xf32, #tpu.memory_space<vmem>>, vector<16xf32>,
    %get3A_53 = arith.constant 4 : i32
    %get3A_54 = arith.index_cast %get3A_53 : i32 to index
    %get3A_55 = arith.constant 0 : index
    %get3A_56 = tpu.vector_load %arg17[%get3A_54, %get3A_55] {strides = array<i32>} : memref<8x16xf32, #tpu.memory_space<vmem>>, vector<16xf32>,
    %get3A_57 = arith.constant 5 : i32
    %get3A_58 = arith.index_cast %get3A_57 : i32 to index
    %get3A_59 = arith.constant 0 : index
    %get3A_60 = tpu.vector_load %arg17[%get3A_58, %get3A_59] {strides = array<i32>} : memref<8x16xf32, #tpu.memory_space<vmem>>, vector<16xf32>,
    %get3A_61 = arith.constant 6 : i32
    %get3A_62 = arith.index_cast %get3A_61 : i32 to index
    %get3A_63 = arith.constant 0 : index
    %get3A_64 = tpu.vector_load %arg17[%get3A_62, %get3A_63] {strides = array<i32>} : memref<8x16xf32, #tpu.memory_space<vmem>>, vector<16xf32>,
    %get3A_65 = arith.constant 7 : i32
    %get3A_66 = arith.index_cast %get3A_65 : i32 to index
    %get3A_67 = arith.constant 0 : index
    %get3A_68 = tpu.vector_load %arg17[%get3A_66, %get3A_67] {strides = array<i32>} : memref<8x16xf32, #tpu.memory_space<vmem>>, vector<16xf32>,
    %get3A_69 = arith.constant 0 : index
    %get3A_70 = tpu.vector_load %arg18[%get3A_69] {strides = array<i32>} : memref<16xf32, #tpu.memory_space<vmem>>, vector<16xf32>,
    %gather3A = tpu.vector_load_idx %arg12[%broadcast_in_dim3A_3] : memref<3200xi32, #tpu.memory_space<vmem>>[vector<16xi32>], vector<16xi32>,
    %slice3A = vector.extract_strided_slice %gather3A {offsets = [0], sizes = [1], strides = [1]} : vector<16xi32> to vector<1xi32>
    %squeeze3A = vector.extract %slice3A[0] : i32 from vector<1xi32>
    %sub3A = arith.constant 1 : i32
    %sub3A_71 = arith.subi %mul3A_15, %sub3A : i32
    %broadcast_in_dim3A_72 = vector.broadcast %sub3A_71 : i32 to vector<16xi32>
    %gather3A_73 = tpu.vector_load_idx %arg12[%broadcast_in_dim3A_72] : memref<3200xi32, #tpu.memory_space<vmem>>[vector<16xi32>], vector<16xi32>,
    %slice3A_74 = vector.extract_strided_slice %gather3A_73 {offsets = [0], sizes = [1], strides = [1]} : vector<16xi32> to vector<1xi32>
    %squeeze3A_75 = vector.extract %slice3A_74[0] : i32 from vector<1xi32>
    %barrier3A = arith.constant 0 : index
    tpu.barrier barrier_id(%barrier3A)
    %scan3A_76 = arith.constant 0 : i32
    %scan3A_77 = arith.constant 0 : i32
    %scan3A_78 = arith.constant 10 : i32
    %scan3A_79 = arith.addi %scan3A_77, %scan3A_78 : i32
    %scan3A_80 = arith.constant 1 : i32
    %scan3A_81 = scf.for %scan3A_106 = %scan3A_77 to %scan3A_79 step %scan3A_80 iter_args(%scan3A_107 = %scan3A_76) -> (i32)  : i32 {
      %mul3A_108 = arith.constant 2 : i32
      %mul3A_109 = arith.muli %mul3A_108, %scan3A_106 : i32
      %lt3A_110 = arith.cmpi slt, %mul3A_109, %select_n3A : i32
      %convert_element_type3A_111 = arith.extui %lt3A_110 : i1 to i32
      %cond3A_112 = arith.constant 0 : i32
      %cond3A_113 = arith.cmpi ne, %convert_element_type3A_111, %cond3A_112 : i32
      scf.if %cond3A_113 {
        %mul3A_123 = arith.constant 160 : i32
        %mul3A_124 = arith.muli %mul3A_109, %mul3A_123 : i32
        %add3A_125 = arith.addi %mul3A_13, %mul3A_124 : i32
        %mul3A_126 = arith.constant 128 : i32
        %mul3A_127 = arith.muli %add3A_125, %mul3A_126 : i32
        %dma_wait3A = tpu.memref_slice %arg2[%mul3A_127] : memref<12800000xf32, #tpu.memory_space<hbm>> -> memref<20480xf32, #tpu.memory_space<hbm>>
        %dma_wait3A_128 = tpu.memref_slice %arg2[%mul3A_127] : memref<12800000xf32, #tpu.memory_space<hbm>> -> memref<20480xf32, #tpu.memory_space<hbm>>
        tpu.wait_dma2 semaphore(%arg20 : memref<!tpu.dma_semaphore, #tpu.memory_space<semaphore_mem>>) src(%dma_wait3A_128 : memref<20480xf32, #tpu.memory_space<hbm>>) dst(%arg10 : memref<20480xf32, #tpu.memory_space<vmem>>)
        %scan3A_129 = arith.constant 0 : i32
        %scan3A_130 = arith.constant 0 : i32
        %scan3A_131 = arith.constant 10 : i32
        %scan3A_132 = arith.addi %scan3A_130, %scan3A_131 : i32
        %scan3A_133 = arith.constant 1 : i32
        %scan3A_134 = scf.for %scan3A_142 = %scan3A_130 to %scan3A_132 step %scan3A_133 iter_args(%scan3A_143 = %scan3A_129) -> (i32)  : i32 {
          %mul3A_144 = arith.constant 160 : i32
          %mul3A_145 = arith.muli %mul3A_109, %mul3A_144 : i32
          %mul3A_146 = arith.constant 16 : i32
          %mul3A_147 = arith.muli %scan3A_142, %mul3A_146 : i32
          %add3A_148 = arith.addi %mul3A_145, %mul3A_147 : i32
          %add3A_149 = vector.broadcast %add3A_148 : i32 to vector<16xi32>
          %add3A_150 = arith.addi %add3A_149, %iota3A : vector<16xi32>
          %gather3A_151 = tpu.vector_load_idx %arg12[%add3A_150] : memref<3200xi32, #tpu.memory_space<vmem>>[vector<16xi32>], vector<16xi32>,
          %gather3A_152 = tpu.vector_load_idx %arg13[%add3A_150] : memref<3200xf32, #tpu.memory_space<vmem>>[vector<16xi32>], vector<16xf32>,
          %mul3A_153 = arith.constant 16 : i32
          %mul3A_154 = arith.muli %scan3A_142, %mul3A_153 : i32
          %add3A_155 = arith.constant 0 : i32
          %add3A_156 = arith.addi %mul3A_154, %add3A_155 : i32
          %mul3A_157 = arith.constant 128 : i32
          %mul3A_158 = arith.muli %add3A_156, %mul3A_157 : i32
          %add3A_159 = arith.constant 0 : i32
          %add3A_160 = arith.addi %mul3A_158, %add3A_159 : i32
          %get3A_161 = arith.index_cast %add3A_160 : i32 to index
          %get3A_162 = tpu.vector_load %arg10[%get3A_161] {strides = array<i32>} : memref<20480xf32, #tpu.memory_space<vmem>>, vector<16xf32>,
          %add3A_163 = arith.constant 16 : i32
          %add3A_164 = arith.addi %mul3A_158, %add3A_163 : i32
          %get3A_165 = arith.index_cast %add3A_164 : i32 to index
          %get3A_166 = tpu.vector_load %arg10[%get3A_165] {strides = array<i32>} : memref<20480xf32, #tpu.memory_space<vmem>>, vector<16xf32>,
          %add3A_167 = arith.constant 32 : i32
          %add3A_168 = arith.addi %mul3A_158, %add3A_167 : i32
          %get3A_169 = arith.index_cast %add3A_168 : i32 to index
          %get3A_170 = tpu.vector_load %arg10[%get3A_169] {strides = array<i32>} : memref<20480xf32, #tpu.memory_space<vmem>>, vector<16xf32>,
          %add3A_171 = arith.constant 48 : i32
          %add3A_172 = arith.addi %mul3A_158, %add3A_171 : i32
          %get3A_173 = arith.index_cast %add3A_172 : i32 to index
          %get3A_174 = tpu.vector_load %arg10[%get3A_173] {strides = array<i32>} : memref<20480xf32, #tpu.memory_space<vmem>>, vector<16xf32>,
          %add3A_175 = arith.constant 64 : i32
          %add3A_176 = arith.addi %mul3A_158, %add3A_175 : i32
          %get3A_177 = arith.index_cast %add3A_176 : i32 to index
          %get3A_178 = tpu.vector_load %arg10[%get3A_177] {strides = array<i32>} : memref<20480xf32, #tpu.memory_space<vmem>>, vector<16xf32>,
          %add3A_179 = arith.constant 80 : i32
          %add3A_180 = arith.addi %mul3A_158, %add3A_179 : i32
          %get3A_181 = arith.index_cast %add3A_180 : i32 to index
          %get3A_182 = tpu.vector_load %arg10[%get3A_181] {strides = array<i32>} : memref<20480xf32, #tpu.memory_space<vmem>>, vector<16xf32>,
          %add3A_183 = arith.constant 96 : i32
          %add3A_184 = arith.addi %mul3A_158, %add3A_183 : i32
          %get3A_185 = arith.index_cast %add3A_184 : i32 to index
          %get3A_186 = tpu.vector_load %arg10[%get3A_185] {strides = array<i32>} : memref<20480xf32, #tpu.memory_space<vmem>>, vector<16xf32>,
          %add3A_187 = arith.constant 112 : i32
          %add3A_188 = arith.addi %mul3A_158, %add3A_187 : i32
          %get3A_189 = arith.index_cast %add3A_188 : i32 to index
          %get3A_190 = tpu.vector_load %arg10[%get3A_189] {strides = array<i32>} : memref<20480xf32, #tpu.memory_space<vmem>>, vector<16xf32>,
          %mul3A_191 = arith.mulf %get3A_162, %get3A_40 : vector<16xf32>
          %mul3A_192 = arith.mulf %get3A_166, %get3A_44 : vector<16xf32>
          %add3A_193 = arith.addf %mul3A_191, %mul3A_192 : vector<16xf32>
          %mul3A_194 = arith.mulf %get3A_170, %get3A_48 : vector<16xf32>
          %mul3A_195 = arith.mulf %get3A_174, %get3A_52 : vector<16xf32>
          %add3A_196 = arith.addf %mul3A_194, %mul3A_195 : vector<16xf32>
          %mul3A_197 = arith.mulf %get3A_178, %get3A_56 : vector<16xf32>
          %mul3A_198 = arith.mulf %get3A_182, %get3A_60 : vector<16xf32>
          %add3A_199 = arith.addf %mul3A_197, %mul3A_198 : vector<16xf32>
          %mul3A_200 = arith.mulf %get3A_186, %get3A_64 : vector<16xf32>
          %mul3A_201 = arith.mulf %get3A_190, %get3A_68 : vector<16xf32>
          %add3A_202 = arith.addf %mul3A_200, %mul3A_201 : vector<16xf32>
          %add3A_203 = arith.addf %add3A_193, %add3A_196 : vector<16xf32>
          %add3A_204 = arith.addf %add3A_199, %add3A_202 : vector<16xf32>
          %add3A_205 = arith.addf %add3A_203, %add3A_204 : vector<16xf32>
          %reduce_sum3A = arith.constant true
          %reduce_sum3A_206 = vector.broadcast %reduce_sum3A : i1 to vector<16xi1>
          %reduce_sum3A_207 = tpu.scan <sum>, %add3A_205 masked %reduce_sum3A_206 : vector<16xf32>, vector<16xi1> -> vector<16xf32>
          %reduce_sum3A_208 = vector.extract %reduce_sum3A_207[15] : f32 from vector<16xf32>
          %broadcast_in_dim3A_209 = vector.broadcast %reduce_sum3A_208 : f32 to vector<16xf32>
          %add3A_210 = arith.addf %broadcast_in_dim3A_209, %get3A_70 : vector<16xf32>
          %neg3A = arith.constant 0.000000e+00 : f32
          %neg3A_211 = vector.broadcast %neg3A : f32 to vector<16xf32>
          %neg3A_212 = arith.subf %neg3A_211, %add3A_210 : vector<16xf32>
          %exp3A = math.exp %neg3A_212 : vector<16xf32>
          %slice3A_213 = vector.extract_strided_slice %gather3A_152 {offsets = [0], sizes = [1], strides = [1]} : vector<16xf32> to vector<1xf32>
          %squeeze3A_214 = vector.extract %slice3A_213[0] : f32 from vector<1xf32>
          %broadcast_in_dim3A_215 = vector.broadcast %squeeze3A_214 : f32 to vector<16xf32>
          %add3A_216 = arith.constant 1.000000e+00 : f32
          %add3A_217 = vector.broadcast %add3A_216 : f32 to vector<16xf32>
          %add3A_218 = arith.addf %add3A_217, %exp3A : vector<16xf32>
          %div3A = arith.divf %broadcast_in_dim3A_215, %add3A_218 : vector<16xf32>
          %add3A_219 = arith.constant 0 : i32
          %add3A_220 = arith.addi %add3A_148, %add3A_219 : i32
          %broadcast_in_dim3A_221 = vector.broadcast %add3A_220 : i32 to vector<16xi32>
          tpu.vector_store_idx %arg14[%broadcast_in_dim3A_221], %div3A masked %eq3A_5 : memref<3200xf32, #tpu.memory_space<vmem>>[vector<16xi32>], vector<16xf32>, vector<16xi1>
          %slice3A_222 = vector.extract_strided_slice %gather3A_151 {offsets = [0], sizes = [1], strides = [1]} : vector<16xi32> to vector<1xi32>
          %squeeze3A_223 = vector.extract %slice3A_222[0] : i32 from vector<1xi32>
          %swap3A = arith.index_cast %squeeze3A_223 : i32 to index
          %swap3A_224 = arith.constant 0 : index
          %swap3A_225 = tpu.vector_load %arg15[%swap3A, %swap3A_224] {strides = array<i32>} : memref<512x128xf32, #tpu.memory_space<vmem>>, vector<16xf32>,
          tpu.vector_store %arg15[%swap3A, %swap3A_224], %div3A {add = true, strides = array<i32>} : memref<512x128xf32, #tpu.memory_space<vmem>>, vector<16xf32>,
          %mul3A_226 = arith.constant 16 : i32
          %mul3A_227 = arith.muli %scan3A_142, %mul3A_226 : i32
          %add3A_228 = arith.constant 1 : i32
          %add3A_229 = arith.addi %mul3A_227, %add3A_228 : i32
          %mul3A_230 = arith.constant 128 : i32
          %mul3A_231 = arith.muli %add3A_229, %mul3A_230 : i32
          %add3A_232 = arith.constant 0 : i32
          %add3A_233 = arith.addi %mul3A_231, %add3A_232 : i32
          %get3A_234 = arith.index_cast %add3A_233 : i32 to index
          %get3A_235 = tpu.vector_load %arg10[%get3A_234] {strides = array<i32>} : memref<20480xf32, #tpu.memory_space<vmem>>, vector<16xf32>,
          %add3A_236 = arith.constant 16 : i32
          %add3A_237 = arith.addi %mul3A_231, %add3A_236 : i32
          %get3A_238 = arith.index_cast %add3A_237 : i32 to index
          %get3A_239 = tpu.vector_load %arg10[%get3A_238] {strides = array<i32>} : memref<20480xf32, #tpu.memory_space<vmem>>, vector<16xf32>,
          %add3A_240 = arith.constant 32 : i32
          %add3A_241 = arith.addi %mul3A_231, %add3A_240 : i32
          %get3A_242 = arith.index_cast %add3A_241 : i32 to index
          %get3A_243 = tpu.vector_load %arg10[%get3A_242] {strides = array<i32>} : memref<20480xf32, #tpu.memory_space<vmem>>, vector<16xf32>,
          %add3A_244 = arith.constant 48 : i32
          %add3A_245 = arith.addi %mul3A_231, %add3A_244 : i32
          %get3A_246 = arith.index_cast %add3A_245 : i32 to index
          %get3A_247 = tpu.vector_load %arg10[%get3A_246] {strides = array<i32>} : memref<20480xf32, #tpu.memory_space<vmem>>, vector<16xf32>,
          %add3A_248 = arith.constant 64 : i32
          %add3A_249 = arith.addi %mul3A_231, %add3A_248 : i32
          %get3A_250 = arith.index_cast %add3A_249 : i32 to index
          %get3A_251 = tpu.vector_load %arg10[%get3A_250] {strides = array<i32>} : memref<20480xf32, #tpu.memory_space<vmem>>, vector<16xf32>,
          %add3A_252 = arith.constant 80 : i32
          %add3A_253 = arith.addi %mul3A_231, %add3A_252 : i32
          %get3A_254 = arith.index_cast %add3A_253 : i32 to index
          %get3A_255 = tpu.vector_load %arg10[%get3A_254] {strides = array<i32>} : memref<20480xf32, #tpu.memory_space<vmem>>, vector<16xf32>,
          %add3A_256 = arith.constant 96 : i32
          %add3A_257 = arith.addi %mul3A_231, %add3A_256 : i32
          %get3A_258 = arith.index_cast %add3A_257 : i32 to index
          %get3A_259 = tpu.vector_load %arg10[%get3A_258] {strides = array<i32>} : memref<20480xf32, #tpu.memory_space<vmem>>, vector<16xf32>,
          %add3A_260 = arith.constant 112 : i32
          %add3A_261 = arith.addi %mul3A_231, %add3A_260 : i32
          %get3A_262 = arith.index_cast %add3A_261 : i32 to index
          %get3A_263 = tpu.vector_load %arg10[%get3A_262] {strides = array<i32>} : memref<20480xf32, #tpu.memory_space<vmem>>, vector<16xf32>,
          %mul3A_264 = arith.mulf %get3A_235, %get3A_40 : vector<16xf32>
          %mul3A_265 = arith.mulf %get3A_239, %get3A_44 : vector<16xf32>
          %add3A_266 = arith.addf %mul3A_264, %mul3A_265 : vector<16xf32>
          %mul3A_267 = arith.mulf %get3A_243, %get3A_48 : vector<16xf32>
          %mul3A_268 = arith.mulf %get3A_247, %get3A_52 : vector<16xf32>
          %add3A_269 = arith.addf %mul3A_267, %mul3A_268 : vector<16xf32>
          %mul3A_270 = arith.mulf %get3A_251, %get3A_56 : vector<16xf32>
          %mul3A_271 = arith.mulf %get3A_255, %get3A_60 : vector<16xf32>
          %add3A_272 = arith.addf %mul3A_270, %mul3A_271 : vector<16xf32>
          %mul3A_273 = arith.mulf %get3A_259, %get3A_64 : vector<16xf32>
          %mul3A_274 = arith.mulf %get3A_263, %get3A_68 : vector<16xf32>
          %add3A_275 = arith.addf %mul3A_273, %mul3A_274 : vector<16xf32>
          %add3A_276 = arith.addf %add3A_266, %add3A_269 : vector<16xf32>
          %add3A_277 = arith.addf %add3A_272, %add3A_275 : vector<16xf32>
          %add3A_278 = arith.addf %add3A_276, %add3A_277 : vector<16xf32>
          %reduce_sum3A_279 = arith.constant true
          %reduce_sum3A_280 = vector.broadcast %reduce_sum3A_279 : i1 to vector<16xi1>
          %reduce_sum3A_281 = tpu.scan <sum>, %add3A_278 masked %reduce_sum3A_280 : vector<16xf32>, vector<16xi1> -> vector<16xf32>
          %reduce_sum3A_282 = vector.extract %reduce_sum3A_281[15] : f32 from vector<16xf32>
          %broadcast_in_dim3A_283 = vector.broadcast %reduce_sum3A_282 : f32 to vector<16xf32>
          %add3A_284 = arith.addf %broadcast_in_dim3A_283, %get3A_70 : vector<16xf32>
          %neg3A_285 = arith.constant 0.000000e+00 : f32
          %neg3A_286 = vector.broadcast %neg3A_285 : f32 to vector<16xf32>
          %neg3A_287 = arith.subf %neg3A_286, %add3A_284 : vector<16xf32>
          %exp3A_288 = math.exp %neg3A_287 : vector<16xf32>
          %slice3A_289 = vector.extract_strided_slice %gather3A_152 {offsets = [1], sizes = [1], strides = [1]} : vector<16xf32> to vector<1xf32>
          %squeeze3A_290 = vector.extract %slice3A_289[0] : f32 from vector<1xf32>
          %broadcast_in_dim3A_291 = vector.broadcast %squeeze3A_290 : f32 to vector<16xf32>
          %add3A_292 = arith.constant 1.000000e+00 : f32
          %add3A_293 = vector.broadcast %add3A_292 : f32 to vector<16xf32>
          %add3A_294 = arith.addf %add3A_293, %exp3A_288 : vector<16xf32>
          %div3A_295 = arith.divf %broadcast_in_dim3A_291, %add3A_294 : vector<16xf32>
          %add3A_296 = arith.constant 1 : i32
          %add3A_297 = arith.addi %add3A_148, %add3A_296 : i32
          %broadcast_in_dim3A_298 = vector.broadcast %add3A_297 : i32 to vector<16xi32>
          tpu.vector_store_idx %arg14[%broadcast_in_dim3A_298], %div3A_295 masked %eq3A_5 : memref<3200xf32, #tpu.memory_space<vmem>>[vector<16xi32>], vector<16xf32>, vector<16xi1>
          %slice3A_299 = vector.extract_strided_slice %gather3A_151 {offsets = [1], sizes = [1], strides = [1]} : vector<16xi32> to vector<1xi32>
          %squeeze3A_300 = vector.extract %slice3A_299[0] : i32 from vector<1xi32>
          %swap3A_301 = arith.index_cast %squeeze3A_300 : i32 to index
          %swap3A_302 = arith.constant 0 : index
          %swap3A_303 = tpu.vector_load %arg15[%swap3A_301, %swap3A_302] {strides = array<i32>} : memref<512x128xf32, #tpu.memory_space<vmem>>, vector<16xf32>,
          tpu.vector_store %arg15[%swap3A_301, %swap3A_302], %div3A_295 {add = true, strides = array<i32>} : memref<512x128xf32, #tpu.memory_space<vmem>>, vector<16xf32>,
          %mul3A_304 = arith.constant 16 : i32
          %mul3A_305 = arith.muli %scan3A_142, %mul3A_304 : i32
          %add3A_306 = arith.constant 2 : i32
          %add3A_307 = arith.addi %mul3A_305, %add3A_306 : i32
          %mul3A_308 = arith.constant 128 : i32
          %mul3A_309 = arith.muli %add3A_307, %mul3A_308 : i32
          %add3A_310 = arith.constant 0 : i32
          %add3A_311 = arith.addi %mul3A_309, %add3A_310 : i32
          %get3A_312 = arith.index_cast %add3A_311 : i32 to index
          %get3A_313 = tpu.vector_load %arg10[%get3A_312] {strides = array<i32>} : memref<20480xf32, #tpu.memory_space<vmem>>, vector<16xf32>,
          %add3A_314 = arith.constant 16 : i32
          %add3A_315 = arith.addi %mul3A_309, %add3A_314 : i32
          %get3A_316 = arith.index_cast %add3A_315 : i32 to index
          %get3A_317 = tpu.vector_load %arg10[%get3A_316] {strides = array<i32>} : memref<20480xf32, #tpu.memory_space<vmem>>, vector<16xf32>,
          %add3A_318 = arith.constant 32 : i32
          %add3A_319 = arith.addi %mul3A_309, %add3A_318 : i32
          %get3A_320 = arith.index_cast %add3A_319 : i32 to index
          %get3A_321 = tpu.vector_load %arg10[%get3A_320] {strides = array<i32>} : memref<20480xf32, #tpu.memory_space<vmem>>, vector<16xf32>,
          %add3A_322 = arith.constant 48 : i32
          %add3A_323 = arith.addi %mul3A_309, %add3A_322 : i32
          %get3A_324 = arith.index_cast %add3A_323 : i32 to index
          %get3A_325 = tpu.vector_load %arg10[%get3A_324] {strides = array<i32>} : memref<20480xf32, #tpu.memory_space<vmem>>, vector<16xf32>,
          %add3A_326 = arith.constant 64 : i32
          %add3A_327 = arith.addi %mul3A_309, %add3A_326 : i32
          %get3A_328 = arith.index_cast %add3A_327 : i32 to index
          %get3A_329 = tpu.vector_load %arg10[%get3A_328] {strides = array<i32>} : memref<20480xf32, #tpu.memory_space<vmem>>, vector<16xf32>,
          %add3A_330 = arith.constant 80 : i32
          %add3A_331 = arith.addi %mul3A_309, %add3A_330 : i32
          %get3A_332 = arith.index_cast %add3A_331 : i32 to index
          %get3A_333 = tpu.vector_load %arg10[%get3A_332] {strides = array<i32>} : memref<20480xf32, #tpu.memory_space<vmem>>, vector<16xf32>,
          %add3A_334 = arith.constant 96 : i32
          %add3A_335 = arith.addi %mul3A_309, %add3A_334 : i32
          %get3A_336 = arith.index_cast %add3A_335 : i32 to index
          %get3A_337 = tpu.vector_load %arg10[%get3A_336] {strides = array<i32>} : memref<20480xf32, #tpu.memory_space<vmem>>, vector<16xf32>,
          %add3A_338 = arith.constant 112 : i32
          %add3A_339 = arith.addi %mul3A_309, %add3A_338 : i32
          %get3A_340 = arith.index_cast %add3A_339 : i32 to index
          %get3A_341 = tpu.vector_load %arg10[%get3A_340] {strides = array<i32>} : memref<20480xf32, #tpu.memory_space<vmem>>, vector<16xf32>,
          %mul3A_342 = arith.mulf %get3A_313, %get3A_40 : vector<16xf32>
          %mul3A_343 = arith.mulf %get3A_317, %get3A_44 : vector<16xf32>
          %add3A_344 = arith.addf %mul3A_342, %mul3A_343 : vector<16xf32>
          %mul3A_345 = arith.mulf %get3A_321, %get3A_48 : vector<16xf32>
          %mul3A_346 = arith.mulf %get3A_325, %get3A_52 : vector<16xf32>
          %add3A_347 = arith.addf %mul3A_345, %mul3A_346 : vector<16xf32>
          %mul3A_348 = arith.mulf %get3A_329, %get3A_56 : vector<16xf32>
          %mul3A_349 = arith.mulf %get3A_333, %get3A_60 : vector<16xf32>
          %add3A_350 = arith.addf %mul3A_348, %mul3A_349 : vector<16xf32>
          %mul3A_351 = arith.mulf %get3A_337, %get3A_64 : vector<16xf32>
          %mul3A_352 = arith.mulf %get3A_341, %get3A_68 : vector<16xf32>
          %add3A_353 = arith.addf %mul3A_351, %mul3A_352 : vector<16xf32>
          %add3A_354 = arith.addf %add3A_344, %add3A_347 : vector<16xf32>
          %add3A_355 = arith.addf %add3A_350, %add3A_353 : vector<16xf32>
          %add3A_356 = arith.addf %add3A_354, %add3A_355 : vector<16xf32>
          %reduce_sum3A_357 = arith.constant true
          %reduce_sum3A_358 = vector.broadcast %reduce_sum3A_357 : i1 to vector<16xi1>
          %reduce_sum3A_359 = tpu.scan <sum>, %add3A_356 masked %reduce_sum3A_358 : vector<16xf32>, vector<16xi1> -> vector<16xf32>
          %reduce_sum3A_360 = vector.extract %reduce_sum3A_359[15] : f32 from vector<16xf32>
          %broadcast_in_dim3A_361 = vector.broadcast %reduce_sum3A_360 : f32 to vector<16xf32>
          %add3A_362 = arith.addf %broadcast_in_dim3A_361, %get3A_70 : vector<16xf32>
          %neg3A_363 = arith.constant 0.000000e+00 : f32
          %neg3A_364 = vector.broadcast %neg3A_363 : f32 to vector<16xf32>
          %neg3A_365 = arith.subf %neg3A_364, %add3A_362 : vector<16xf32>
          %exp3A_366 = math.exp %neg3A_365 : vector<16xf32>
          %slice3A_367 = vector.extract_strided_slice %gather3A_152 {offsets = [2], sizes = [1], strides = [1]} : vector<16xf32> to vector<1xf32>
          %squeeze3A_368 = vector.extract %slice3A_367[0] : f32 from vector<1xf32>
          %broadcast_in_dim3A_369 = vector.broadcast %squeeze3A_368 : f32 to vector<16xf32>
          %add3A_370 = arith.constant 1.000000e+00 : f32
          %add3A_371 = vector.broadcast %add3A_370 : f32 to vector<16xf32>
          %add3A_372 = arith.addf %add3A_371, %exp3A_366 : vector<16xf32>
          %div3A_373 = arith.divf %broadcast_in_dim3A_369, %add3A_372 : vector<16xf32>
          %add3A_374 = arith.constant 2 : i32
          %add3A_375 = arith.addi %add3A_148, %add3A_374 : i32
          %broadcast_in_dim3A_376 = vector.broadcast %add3A_375 : i32 to vector<16xi32>
          tpu.vector_store_idx %arg14[%broadcast_in_dim3A_376], %div3A_373 masked %eq3A_5 : memref<3200xf32, #tpu.memory_space<vmem>>[vector<16xi32>], vector<16xf32>, vector<16xi1>
          %slice3A_377 = vector.extract_strided_slice %gather3A_151 {offsets = [2], sizes = [1], strides = [1]} : vector<16xi32> to vector<1xi32>
          %squeeze3A_378 = vector.extract %slice3A_377[0] : i32 from vector<1xi32>
          %swap3A_379 = arith.index_cast %squeeze3A_378 : i32 to index
          %swap3A_380 = arith.constant 0 : index
          %swap3A_381 = tpu.vector_load %arg15[%swap3A_379, %swap3A_380] {strides = array<i32>} : memref<512x128xf32, #tpu.memory_space<vmem>>, vector<16xf32>,
          tpu.vector_store %arg15[%swap3A_379, %swap3A_380], %div3A_373 {add = true, strides = array<i32>} : memref<512x128xf32, #tpu.memory_space<vmem>>, vector<16xf32>,
          %mul3A_382 = arith.constant 16 : i32
          %mul3A_383 = arith.muli %scan3A_142, %mul3A_382 : i32
          %add3A_384 = arith.constant 3 : i32
          %add3A_385 = arith.addi %mul3A_383, %add3A_384 : i32
          %mul3A_386 = arith.constant 128 : i32
          %mul3A_387 = arith.muli %add3A_385, %mul3A_386 : i32
          %add3A_388 = arith.constant 0 : i32
          %add3A_389 = arith.addi %mul3A_387, %add3A_388 : i32
          %get3A_390 = arith.index_cast %add3A_389 : i32 to index
          %get3A_391 = tpu.vector_load %arg10[%get3A_390] {strides = array<i32>} : memref<20480xf32, #tpu.memory_space<vmem>>, vector<16xf32>,
          %add3A_392 = arith.constant 16 : i32
          %add3A_393 = arith.addi %mul3A_387, %add3A_392 : i32
          %get3A_394 = arith.index_cast %add3A_393 : i32 to index
          %get3A_395 = tpu.vector_load %arg10[%get3A_394] {strides = array<i32>} : memref<20480xf32, #tpu.memory_space<vmem>>, vector<16xf32>,
          %add3A_396 = arith.constant 32 : i32
          %add3A_397 = arith.addi %mul3A_387, %add3A_396 : i32
          %get3A_398 = arith.index_cast %add3A_397 : i32 to index
          %get3A_399 = tpu.vector_load %arg10[%get3A_398] {strides = array<i32>} : memref<20480xf32, #tpu.memory_space<vmem>>, vector<16xf32>,
          %add3A_400 = arith.constant 48 : i32
          %add3A_401 = arith.addi %mul3A_387, %add3A_400 : i32
          %get3A_402 = arith.index_cast %add3A_401 : i32 to index
          %get3A_403 = tpu.vector_load %arg10[%get3A_402] {strides = array<i32>} : memref<20480xf32, #tpu.memory_space<vmem>>, vector<16xf32>,
          %add3A_404 = arith.constant 64 : i32
          %add3A_405 = arith.addi %mul3A_387, %add3A_404 : i32
          %get3A_406 = arith.index_cast %add3A_405 : i32 to index
          %get3A_407 = tpu.vector_load %arg10[%get3A_406] {strides = array<i32>} : memref<20480xf32, #tpu.memory_space<vmem>>, vector<16xf32>,
          %add3A_408 = arith.constant 80 : i32
          %add3A_409 = arith.addi %mul3A_387, %add3A_408 : i32
          %get3A_410 = arith.index_cast %add3A_409 : i32 to index
          %get3A_411 = tpu.vector_load %arg10[%get3A_410] {strides = array<i32>} : memref<20480xf32, #tpu.memory_space<vmem>>, vector<16xf32>,
          %add3A_412 = arith.constant 96 : i32
          %add3A_413 = arith.addi %mul3A_387, %add3A_412 : i32
          %get3A_414 = arith.index_cast %add3A_413 : i32 to index
          %get3A_415 = tpu.vector_load %arg10[%get3A_414] {strides = array<i32>} : memref<20480xf32, #tpu.memory_space<vmem>>, vector<16xf32>,
          %add3A_416 = arith.constant 112 : i32
          %add3A_417 = arith.addi %mul3A_387, %add3A_416 : i32
          %get3A_418 = arith.index_cast %add3A_417 : i32 to index
          %get3A_419 = tpu.vector_load %arg10[%get3A_418] {strides = array<i32>} : memref<20480xf32, #tpu.memory_space<vmem>>, vector<16xf32>,
          %mul3A_420 = arith.mulf %get3A_391, %get3A_40 : vector<16xf32>
          %mul3A_421 = arith.mulf %get3A_395, %get3A_44 : vector<16xf32>
          %add3A_422 = arith.addf %mul3A_420, %mul3A_421 : vector<16xf32>
          %mul3A_423 = arith.mulf %get3A_399, %get3A_48 : vector<16xf32>
          %mul3A_424 = arith.mulf %get3A_403, %get3A_52 : vector<16xf32>
          %add3A_425 = arith.addf %mul3A_423, %mul3A_424 : vector<16xf32>
          %mul3A_426 = arith.mulf %get3A_407, %get3A_56 : vector<16xf32>
          %mul3A_427 = arith.mulf %get3A_411, %get3A_60 : vector<16xf32>
          %add3A_428 = arith.addf %mul3A_426, %mul3A_427 : vector<16xf32>
          %mul3A_429 = arith.mulf %get3A_415, %get3A_64 : vector<16xf32>
          %mul3A_430 = arith.mulf %get3A_419, %get3A_68 : vector<16xf32>
          %add3A_431 = arith.addf %mul3A_429, %mul3A_430 : vector<16xf32>
          %add3A_432 = arith.addf %add3A_422, %add3A_425 : vector<16xf32>
          %add3A_433 = arith.addf %add3A_428, %add3A_431 : vector<16xf32>
          %add3A_434 = arith.addf %add3A_432, %add3A_433 : vector<16xf32>
          %reduce_sum3A_435 = arith.constant true
          %reduce_sum3A_436 = vector.broadcast %reduce_sum3A_435 : i1 to vector<16xi1>
          %reduce_sum3A_437 = tpu.scan <sum>, %add3A_434 masked %reduce_sum3A_436 : vector<16xf32>, vector<16xi1> -> vector<16xf32>
          %reduce_sum3A_438 = vector.extract %reduce_sum3A_437[15] : f32 from vector<16xf32>
          %broadcast_in_dim3A_439 = vector.broadcast %reduce_sum3A_438 : f32 to vector<16xf32>
          %add3A_440 = arith.addf %broadcast_in_dim3A_439, %get3A_70 : vector<16xf32>
          %neg3A_441 = arith.constant 0.000000e+00 : f32
          %neg3A_442 = vector.broadcast %neg3A_441 : f32 to vector<16xf32>
          %neg3A_443 = arith.subf %neg3A_442, %add3A_440 : vector<16xf32>
          %exp3A_444 = math.exp %neg3A_443 : vector<16xf32>
          %slice3A_445 = vector.extract_strided_slice %gather3A_152 {offsets = [3], sizes = [1], strides = [1]} : vector<16xf32> to vector<1xf32>
          %squeeze3A_446 = vector.extract %slice3A_445[0] : f32 from vector<1xf32>
          %broadcast_in_dim3A_447 = vector.broadcast %squeeze3A_446 : f32 to vector<16xf32>
          %add3A_448 = arith.constant 1.000000e+00 : f32
          %add3A_449 = vector.broadcast %add3A_448 : f32 to vector<16xf32>
          %add3A_450 = arith.addf %add3A_449, %exp3A_444 : vector<16xf32>
          %div3A_451 = arith.divf %broadcast_in_dim3A_447, %add3A_450 : vector<16xf32>
          %add3A_452 = arith.constant 3 : i32
          %add3A_453 = arith.addi %add3A_148, %add3A_452 : i32
          %broadcast_in_dim3A_454 = vector.broadcast %add3A_453 : i32 to vector<16xi32>
          tpu.vector_store_idx %arg14[%broadcast_in_dim3A_454], %div3A_451 masked %eq3A_5 : memref<3200xf32, #tpu.memory_space<vmem>>[vector<16xi32>], vector<16xf32>, vector<16xi1>
          %slice3A_455 = vector.extract_strided_slice %gather3A_151 {offsets = [3], sizes = [1], strides = [1]} : vector<16xi32> to vector<1xi32>
          %squeeze3A_456 = vector.extract %slice3A_455[0] : i32 from vector<1xi32>
          %swap3A_457 = arith.index_cast %squeeze3A_456 : i32 to index
          %swap3A_458 = arith.constant 0 : index
          %swap3A_459 = tpu.vector_load %arg15[%swap3A_457, %swap3A_458] {strides = array<i32>} : memref<512x128xf32, #tpu.memory_space<vmem>>, vector<16xf32>,
          tpu.vector_store %arg15[%swap3A_457, %swap3A_458], %div3A_451 {add = true, strides = array<i32>} : memref<512x128xf32, #tpu.memory_space<vmem>>, vector<16xf32>,
          %mul3A_460 = arith.constant 16 : i32
          %mul3A_461 = arith.muli %scan3A_142, %mul3A_460 : i32
          %add3A_462 = arith.constant 4 : i32
          %add3A_463 = arith.addi %mul3A_461, %add3A_462 : i32
          %mul3A_464 = arith.constant 128 : i32
          %mul3A_465 = arith.muli %add3A_463, %mul3A_464 : i32
          %add3A_466 = arith.constant 0 : i32
          %add3A_467 = arith.addi %mul3A_465, %add3A_466 : i32
          %get3A_468 = arith.index_cast %add3A_467 : i32 to index
          %get3A_469 = tpu.vector_load %arg10[%get3A_468] {strides = array<i32>} : memref<20480xf32, #tpu.memory_space<vmem>>, vector<16xf32>,
          %add3A_470 = arith.constant 16 : i32
          %add3A_471 = arith.addi %mul3A_465, %add3A_470 : i32
          %get3A_472 = arith.index_cast %add3A_471 : i32 to index
          %get3A_473 = tpu.vector_load %arg10[%get3A_472] {strides = array<i32>} : memref<20480xf32, #tpu.memory_space<vmem>>, vector<16xf32>,
          %add3A_474 = arith.constant 32 : i32
          %add3A_475 = arith.addi %mul3A_465, %add3A_474 : i32
          %get3A_476 = arith.index_cast %add3A_475 : i32 to index
          %get3A_477 = tpu.vector_load %arg10[%get3A_476] {strides = array<i32>} : memref<20480xf32, #tpu.memory_space<vmem>>, vector<16xf32>,
          %add3A_478 = arith.constant 48 : i32
          %add3A_479 = arith.addi %mul3A_465, %add3A_478 : i32
          %get3A_480 = arith.index_cast %add3A_479 : i32 to index
          %get3A_481 = tpu.vector_load %arg10[%get3A_480] {strides = array<i32>} : memref<20480xf32, #tpu.memory_space<vmem>>, vector<16xf32>,
          %add3A_482 = arith.constant 64 : i32
          %add3A_483 = arith.addi %mul3A_465, %add3A_482 : i32
          %get3A_484 = arith.index_cast %add3A_483 : i32 to index
          %get3A_485 = tpu.vector_load %arg10[%get3A_484] {strides = array<i32>} : memref<20480xf32, #tpu.memory_space<vmem>>, vector<16xf32>,
          %add3A_486 = arith.constant 80 : i32
          %add3A_487 = arith.addi %mul3A_465, %add3A_486 : i32
          %get3A_488 = arith.index_cast %add3A_487 : i32 to index
          %get3A_489 = tpu.vector_load %arg10[%get3A_488] {strides = array<i32>} : memref<20480xf32, #tpu.memory_space<vmem>>, vector<16xf32>,
          %add3A_490 = arith.constant 96 : i32
          %add3A_491 = arith.addi %mul3A_465, %add3A_490 : i32
          %get3A_492 = arith.index_cast %add3A_491 : i32 to index
          %get3A_493 = tpu.vector_load %arg10[%get3A_492] {strides = array<i32>} : memref<20480xf32, #tpu.memory_space<vmem>>, vector<16xf32>,
          %add3A_494 = arith.constant 112 : i32
          %add3A_495 = arith.addi %mul3A_465, %add3A_494 : i32
          %get3A_496 = arith.index_cast %add3A_495 : i32 to index
          %get3A_497 = tpu.vector_load %arg10[%get3A_496] {strides = array<i32>} : memref<20480xf32, #tpu.memory_space<vmem>>, vector<16xf32>,
          %mul3A_498 = arith.mulf %get3A_469, %get3A_40 : vector<16xf32>
          %mul3A_499 = arith.mulf %get3A_473, %get3A_44 : vector<16xf32>
          %add3A_500 = arith.addf %mul3A_498, %mul3A_499 : vector<16xf32>
          %mul3A_501 = arith.mulf %get3A_477, %get3A_48 : vector<16xf32>
          %mul3A_502 = arith.mulf %get3A_481, %get3A_52 : vector<16xf32>
          %add3A_503 = arith.addf %mul3A_501, %mul3A_502 : vector<16xf32>
          %mul3A_504 = arith.mulf %get3A_485, %get3A_56 : vector<16xf32>
          %mul3A_505 = arith.mulf %get3A_489, %get3A_60 : vector<16xf32>
          %add3A_506 = arith.addf %mul3A_504, %mul3A_505 : vector<16xf32>
          %mul3A_507 = arith.mulf %get3A_493, %get3A_64 : vector<16xf32>
          %mul3A_508 = arith.mulf %get3A_497, %get3A_68 : vector<16xf32>
          %add3A_509 = arith.addf %mul3A_507, %mul3A_508 : vector<16xf32>
          %add3A_510 = arith.addf %add3A_500, %add3A_503 : vector<16xf32>
          %add3A_511 = arith.addf %add3A_506, %add3A_509 : vector<16xf32>
          %add3A_512 = arith.addf %add3A_510, %add3A_511 : vector<16xf32>
          %reduce_sum3A_513 = arith.constant true
          %reduce_sum3A_514 = vector.broadcast %reduce_sum3A_513 : i1 to vector<16xi1>
          %reduce_sum3A_515 = tpu.scan <sum>, %add3A_512 masked %reduce_sum3A_514 : vector<16xf32>, vector<16xi1> -> vector<16xf32>
          %reduce_sum3A_516 = vector.extract %reduce_sum3A_515[15] : f32 from vector<16xf32>
          %broadcast_in_dim3A_517 = vector.broadcast %reduce_sum3A_516 : f32 to vector<16xf32>
          %add3A_518 = arith.addf %broadcast_in_dim3A_517, %get3A_70 : vector<16xf32>
          %neg3A_519 = arith.constant 0.000000e+00 : f32
          %neg3A_520 = vector.broadcast %neg3A_519 : f32 to vector<16xf32>
          %neg3A_521 = arith.subf %neg3A_520, %add3A_518 : vector<16xf32>
          %exp3A_522 = math.exp %neg3A_521 : vector<16xf32>
          %slice3A_523 = vector.extract_strided_slice %gather3A_152 {offsets = [4], sizes = [1], strides = [1]} : vector<16xf32> to vector<1xf32>
          %squeeze3A_524 = vector.extract %slice3A_523[0] : f32 from vector<1xf32>
          %broadcast_in_dim3A_525 = vector.broadcast %squeeze3A_524 : f32 to vector<16xf32>
          %add3A_526 = arith.constant 1.000000e+00 : f32
          %add3A_527 = vector.broadcast %add3A_526 : f32 to vector<16xf32>
          %add3A_528 = arith.addf %add3A_527, %exp3A_522 : vector<16xf32>
          %div3A_529 = arith.divf %broadcast_in_dim3A_525, %add3A_528 : vector<16xf32>
          %add3A_530 = arith.constant 4 : i32
          %add3A_531 = arith.addi %add3A_148, %add3A_530 : i32
          %broadcast_in_dim3A_532 = vector.broadcast %add3A_531 : i32 to vector<16xi32>
          tpu.vector_store_idx %arg14[%broadcast_in_dim3A_532], %div3A_529 masked %eq3A_5 : memref<3200xf32, #tpu.memory_space<vmem>>[vector<16xi32>], vector<16xf32>, vector<16xi1>
          %slice3A_533 = vector.extract_strided_slice %gather3A_151 {offsets = [4], sizes = [1], strides = [1]} : vector<16xi32> to vector<1xi32>
          %squeeze3A_534 = vector.extract %slice3A_533[0] : i32 from vector<1xi32>
          %swap3A_535 = arith.index_cast %squeeze3A_534 : i32 to index
          %swap3A_536 = arith.constant 0 : index
          %swap3A_537 = tpu.vector_load %arg15[%swap3A_535, %swap3A_536] {strides = array<i32>} : memref<512x128xf32, #tpu.memory_space<vmem>>, vector<16xf32>,
          tpu.vector_store %arg15[%swap3A_535, %swap3A_536], %div3A_529 {add = true, strides = array<i32>} : memref<512x128xf32, #tpu.memory_space<vmem>>, vector<16xf32>,
          %mul3A_538 = arith.constant 16 : i32
          %mul3A_539 = arith.muli %scan3A_142, %mul3A_538 : i32
          %add3A_540 = arith.constant 5 : i32
          %add3A_541 = arith.addi %mul3A_539, %add3A_540 : i32
          %mul3A_542 = arith.constant 128 : i32
          %mul3A_543 = arith.muli %add3A_541, %mul3A_542 : i32
          %add3A_544 = arith.constant 0 : i32
          %add3A_545 = arith.addi %mul3A_543, %add3A_544 : i32
          %get3A_546 = arith.index_cast %add3A_545 : i32 to index
          %get3A_547 = tpu.vector_load %arg10[%get3A_546] {strides = array<i32>} : memref<20480xf32, #tpu.memory_space<vmem>>, vector<16xf32>,
          %add3A_548 = arith.constant 16 : i32
          %add3A_549 = arith.addi %mul3A_543, %add3A_548 : i32
          %get3A_550 = arith.index_cast %add3A_549 : i32 to index
          %get3A_551 = tpu.vector_load %arg10[%get3A_550] {strides = array<i32>} : memref<20480xf32, #tpu.memory_space<vmem>>, vector<16xf32>,
          %add3A_552 = arith.constant 32 : i32
          %add3A_553 = arith.addi %mul3A_543, %add3A_552 : i32
          %get3A_554 = arith.index_cast %add3A_553 : i32 to index
          %get3A_555 = tpu.vector_load %arg10[%get3A_554] {strides = array<i32>} : memref<20480xf32, #tpu.memory_space<vmem>>, vector<16xf32>,
          %add3A_556 = arith.constant 48 : i32
          %add3A_557 = arith.addi %mul3A_543, %add3A_556 : i32
          %get3A_558 = arith.index_cast %add3A_557 : i32 to index
          %get3A_559 = tpu.vector_load %arg10[%get3A_558] {strides = array<i32>} : memref<20480xf32, #tpu.memory_space<vmem>>, vector<16xf32>,
          %add3A_560 = arith.constant 64 : i32
          %add3A_561 = arith.addi %mul3A_543, %add3A_560 : i32
          %get3A_562 = arith.index_cast %add3A_561 : i32 to index
          %get3A_563 = tpu.vector_load %arg10[%get3A_562] {strides = array<i32>} : memref<20480xf32, #tpu.memory_space<vmem>>, vector<16xf32>,
          %add3A_564 = arith.constant 80 : i32
          %add3A_565 = arith.addi %mul3A_543, %add3A_564 : i32
          %get3A_566 = arith.index_cast %add3A_565 : i32 to index
          %get3A_567 = tpu.vector_load %arg10[%get3A_566] {strides = array<i32>} : memref<20480xf32, #tpu.memory_space<vmem>>, vector<16xf32>,
          %add3A_568 = arith.constant 96 : i32
          %add3A_569 = arith.addi %mul3A_543, %add3A_568 : i32
          %get3A_570 = arith.index_cast %add3A_569 : i32 to index
          %get3A_571 = tpu.vector_load %arg10[%get3A_570] {strides = array<i32>} : memref<20480xf32, #tpu.memory_space<vmem>>, vector<16xf32>,
          %add3A_572 = arith.constant 112 : i32
          %add3A_573 = arith.addi %mul3A_543, %add3A_572 : i32
          %get3A_574 = arith.index_cast %add3A_573 : i32 to index
          %get3A_575 = tpu.vector_load %arg10[%get3A_574] {strides = array<i32>} : memref<20480xf32, #tpu.memory_space<vmem>>, vector<16xf32>,
          %mul3A_576 = arith.mulf %get3A_547, %get3A_40 : vector<16xf32>
          %mul3A_577 = arith.mulf %get3A_551, %get3A_44 : vector<16xf32>
          %add3A_578 = arith.addf %mul3A_576, %mul3A_577 : vector<16xf32>
          %mul3A_579 = arith.mulf %get3A_555, %get3A_48 : vector<16xf32>
          %mul3A_580 = arith.mulf %get3A_559, %get3A_52 : vector<16xf32>
          %add3A_581 = arith.addf %mul3A_579, %mul3A_580 : vector<16xf32>
          %mul3A_582 = arith.mulf %get3A_563, %get3A_56 : vector<16xf32>
          %mul3A_583 = arith.mulf %get3A_567, %get3A_60 : vector<16xf32>
          %add3A_584 = arith.addf %mul3A_582, %mul3A_583 : vector<16xf32>
          %mul3A_585 = arith.mulf %get3A_571, %get3A_64 : vector<16xf32>
          %mul3A_586 = arith.mulf %get3A_575, %get3A_68 : vector<16xf32>
          %add3A_587 = arith.addf %mul3A_585, %mul3A_586 : vector<16xf32>
          %add3A_588 = arith.addf %add3A_578, %add3A_581 : vector<16xf32>
          %add3A_589 = arith.addf %add3A_584, %add3A_587 : vector<16xf32>
          %add3A_590 = arith.addf %add3A_588, %add3A_589 : vector<16xf32>
          %reduce_sum3A_591 = arith.constant true
          %reduce_sum3A_592 = vector.broadcast %reduce_sum3A_591 : i1 to vector<16xi1>
          %reduce_sum3A_593 = tpu.scan <sum>, %add3A_590 masked %reduce_sum3A_592 : vector<16xf32>, vector<16xi1> -> vector<16xf32>
          %reduce_sum3A_594 = vector.extract %reduce_sum3A_593[15] : f32 from vector<16xf32>
          %broadcast_in_dim3A_595 = vector.broadcast %reduce_sum3A_594 : f32 to vector<16xf32>
          %add3A_596 = arith.addf %broadcast_in_dim3A_595, %get3A_70 : vector<16xf32>
          %neg3A_597 = arith.constant 0.000000e+00 : f32
          %neg3A_598 = vector.broadcast %neg3A_597 : f32 to vector<16xf32>
          %neg3A_599 = arith.subf %neg3A_598, %add3A_596 : vector<16xf32>
          %exp3A_600 = math.exp %neg3A_599 : vector<16xf32>
          %slice3A_601 = vector.extract_strided_slice %gather3A_152 {offsets = [5], sizes = [1], strides = [1]} : vector<16xf32> to vector<1xf32>
          %squeeze3A_602 = vector.extract %slice3A_601[0] : f32 from vector<1xf32>
          %broadcast_in_dim3A_603 = vector.broadcast %squeeze3A_602 : f32 to vector<16xf32>
          %add3A_604 = arith.constant 1.000000e+00 : f32
          %add3A_605 = vector.broadcast %add3A_604 : f32 to vector<16xf32>
          %add3A_606 = arith.addf %add3A_605, %exp3A_600 : vector<16xf32>
          %div3A_607 = arith.divf %broadcast_in_dim3A_603, %add3A_606 : vector<16xf32>
          %add3A_608 = arith.constant 5 : i32
          %add3A_609 = arith.addi %add3A_148, %add3A_608 : i32
          %broadcast_in_dim3A_610 = vector.broadcast %add3A_609 : i32 to vector<16xi32>
          tpu.vector_store_idx %arg14[%broadcast_in_dim3A_610], %div3A_607 masked %eq3A_5 : memref<3200xf32, #tpu.memory_space<vmem>>[vector<16xi32>], vector<16xf32>, vector<16xi1>
          %slice3A_611 = vector.extract_strided_slice %gather3A_151 {offsets = [5], sizes = [1], strides = [1]} : vector<16xi32> to vector<1xi32>
          %squeeze3A_612 = vector.extract %slice3A_611[0] : i32 from vector<1xi32>
          %swap3A_613 = arith.index_cast %squeeze3A_612 : i32 to index
          %swap3A_614 = arith.constant 0 : index
          %swap3A_615 = tpu.vector_load %arg15[%swap3A_613, %swap3A_614] {strides = array<i32>} : memref<512x128xf32, #tpu.memory_space<vmem>>, vector<16xf32>,
          tpu.vector_store %arg15[%swap3A_613, %swap3A_614], %div3A_607 {add = true, strides = array<i32>} : memref<512x128xf32, #tpu.memory_space<vmem>>, vector<16xf32>,
          %mul3A_616 = arith.constant 16 : i32
          %mul3A_617 = arith.muli %scan3A_142, %mul3A_616 : i32
          %add3A_618 = arith.constant 6 : i32
          %add3A_619 = arith.addi %mul3A_617, %add3A_618 : i32
          %mul3A_620 = arith.constant 128 : i32
          %mul3A_621 = arith.muli %add3A_619, %mul3A_620 : i32
          %add3A_622 = arith.constant 0 : i32
          %add3A_623 = arith.addi %mul3A_621, %add3A_622 : i32
          %get3A_624 = arith.index_cast %add3A_623 : i32 to index
          %get3A_625 = tpu.vector_load %arg10[%get3A_624] {strides = array<i32>} : memref<20480xf32, #tpu.memory_space<vmem>>, vector<16xf32>,
          %add3A_626 = arith.constant 16 : i32
          %add3A_627 = arith.addi %mul3A_621, %add3A_626 : i32
          %get3A_628 = arith.index_cast %add3A_627 : i32 to index
          %get3A_629 = tpu.vector_load %arg10[%get3A_628] {strides = array<i32>} : memref<20480xf32, #tpu.memory_space<vmem>>, vector<16xf32>,
          %add3A_630 = arith.constant 32 : i32
          %add3A_631 = arith.addi %mul3A_621, %add3A_630 : i32
          %get3A_632 = arith.index_cast %add3A_631 : i32 to index
          %get3A_633 = tpu.vector_load %arg10[%get3A_632] {strides = array<i32>} : memref<20480xf32, #tpu.memory_space<vmem>>, vector<16xf32>,
          %add3A_634 = arith.constant 48 : i32
          %add3A_635 = arith.addi %mul3A_621, %add3A_634 : i32
          %get3A_636 = arith.index_cast %add3A_635 : i32 to index
          %get3A_637 = tpu.vector_load %arg10[%get3A_636] {strides = array<i32>} : memref<20480xf32, #tpu.memory_space<vmem>>, vector<16xf32>,
          %add3A_638 = arith.constant 64 : i32
          %add3A_639 = arith.addi %mul3A_621, %add3A_638 : i32
          %get3A_640 = arith.index_cast %add3A_639 : i32 to index
          %get3A_641 = tpu.vector_load %arg10[%get3A_640] {strides = array<i32>} : memref<20480xf32, #tpu.memory_space<vmem>>, vector<16xf32>,
          %add3A_642 = arith.constant 80 : i32
          %add3A_643 = arith.addi %mul3A_621, %add3A_642 : i32
          %get3A_644 = arith.index_cast %add3A_643 : i32 to index
          %get3A_645 = tpu.vector_load %arg10[%get3A_644] {strides = array<i32>} : memref<20480xf32, #tpu.memory_space<vmem>>, vector<16xf32>,
          %add3A_646 = arith.constant 96 : i32
          %add3A_647 = arith.addi %mul3A_621, %add3A_646 : i32
          %get3A_648 = arith.index_cast %add3A_647 : i32 to index
          %get3A_649 = tpu.vector_load %arg10[%get3A_648] {strides = array<i32>} : memref<20480xf32, #tpu.memory_space<vmem>>, vector<16xf32>,
          %add3A_650 = arith.constant 112 : i32
          %add3A_651 = arith.addi %mul3A_621, %add3A_650 : i32
          %get3A_652 = arith.index_cast %add3A_651 : i32 to index
          %get3A_653 = tpu.vector_load %arg10[%get3A_652] {strides = array<i32>} : memref<20480xf32, #tpu.memory_space<vmem>>, vector<16xf32>,
          %mul3A_654 = arith.mulf %get3A_625, %get3A_40 : vector<16xf32>
          %mul3A_655 = arith.mulf %get3A_629, %get3A_44 : vector<16xf32>
          %add3A_656 = arith.addf %mul3A_654, %mul3A_655 : vector<16xf32>
          %mul3A_657 = arith.mulf %get3A_633, %get3A_48 : vector<16xf32>
          %mul3A_658 = arith.mulf %get3A_637, %get3A_52 : vector<16xf32>
          %add3A_659 = arith.addf %mul3A_657, %mul3A_658 : vector<16xf32>
          %mul3A_660 = arith.mulf %get3A_641, %get3A_56 : vector<16xf32>
          %mul3A_661 = arith.mulf %get3A_645, %get3A_60 : vector<16xf32>
          %add3A_662 = arith.addf %mul3A_660, %mul3A_661 : vector<16xf32>
          %mul3A_663 = arith.mulf %get3A_649, %get3A_64 : vector<16xf32>
          %mul3A_664 = arith.mulf %get3A_653, %get3A_68 : vector<16xf32>
          %add3A_665 = arith.addf %mul3A_663, %mul3A_664 : vector<16xf32>
          %add3A_666 = arith.addf %add3A_656, %add3A_659 : vector<16xf32>
          %add3A_667 = arith.addf %add3A_662, %add3A_665 : vector<16xf32>
          %add3A_668 = arith.addf %add3A_666, %add3A_667 : vector<16xf32>
          %reduce_sum3A_669 = arith.constant true
          %reduce_sum3A_670 = vector.broadcast %reduce_sum3A_669 : i1 to vector<16xi1>
          %reduce_sum3A_671 = tpu.scan <sum>, %add3A_668 masked %reduce_sum3A_670 : vector<16xf32>, vector<16xi1> -> vector<16xf32>
          %reduce_sum3A_672 = vector.extract %reduce_sum3A_671[15] : f32 from vector<16xf32>
          %broadcast_in_dim3A_673 = vector.broadcast %reduce_sum3A_672 : f32 to vector<16xf32>
          %add3A_674 = arith.addf %broadcast_in_dim3A_673, %get3A_70 : vector<16xf32>
          %neg3A_675 = arith.constant 0.000000e+00 : f32
          %neg3A_676 = vector.broadcast %neg3A_675 : f32 to vector<16xf32>
          %neg3A_677 = arith.subf %neg3A_676, %add3A_674 : vector<16xf32>
          %exp3A_678 = math.exp %neg3A_677 : vector<16xf32>
          %slice3A_679 = vector.extract_strided_slice %gather3A_152 {offsets = [6], sizes = [1], strides = [1]} : vector<16xf32> to vector<1xf32>
          %squeeze3A_680 = vector.extract %slice3A_679[0] : f32 from vector<1xf32>
          %broadcast_in_dim3A_681 = vector.broadcast %squeeze3A_680 : f32 to vector<16xf32>
          %add3A_682 = arith.constant 1.000000e+00 : f32
          %add3A_683 = vector.broadcast %add3A_682 : f32 to vector<16xf32>
          %add3A_684 = arith.addf %add3A_683, %exp3A_678 : vector<16xf32>
          %div3A_685 = arith.divf %broadcast_in_dim3A_681, %add3A_684 : vector<16xf32>
          %add3A_686 = arith.constant 6 : i32
          %add3A_687 = arith.addi %add3A_148, %add3A_686 : i32
          %broadcast_in_dim3A_688 = vector.broadcast %add3A_687 : i32 to vector<16xi32>
          tpu.vector_store_idx %arg14[%broadcast_in_dim3A_688], %div3A_685 masked %eq3A_5 : memref<3200xf32, #tpu.memory_space<vmem>>[vector<16xi32>], vector<16xf32>, vector<16xi1>
          %slice3A_689 = vector.extract_strided_slice %gather3A_151 {offsets = [6], sizes = [1], strides = [1]} : vector<16xi32> to vector<1xi32>
          %squeeze3A_690 = vector.extract %slice3A_689[0] : i32 from vector<1xi32>
          %swap3A_691 = arith.index_cast %squeeze3A_690 : i32 to index
          %swap3A_692 = arith.constant 0 : index
          %swap3A_693 = tpu.vector_load %arg15[%swap3A_691, %swap3A_692] {strides = array<i32>} : memref<512x128xf32, #tpu.memory_space<vmem>>, vector<16xf32>,
          tpu.vector_store %arg15[%swap3A_691, %swap3A_692], %div3A_685 {add = true, strides = array<i32>} : memref<512x128xf32, #tpu.memory_space<vmem>>, vector<16xf32>,
          %mul3A_694 = arith.constant 16 : i32
          %mul3A_695 = arith.muli %scan3A_142, %mul3A_694 : i32
          %add3A_696 = arith.constant 7 : i32
          %add3A_697 = arith.addi %mul3A_695, %add3A_696 : i32
          %mul3A_698 = arith.constant 128 : i32
          %mul3A_699 = arith.muli %add3A_697, %mul3A_698 : i32
          %add3A_700 = arith.constant 0 : i32
          %add3A_701 = arith.addi %mul3A_699, %add3A_700 : i32
          %get3A_702 = arith.index_cast %add3A_701 : i32 to index
          %get3A_703 = tpu.vector_load %arg10[%get3A_702] {strides = array<i32>} : memref<20480xf32, #tpu.memory_space<vmem>>, vector<16xf32>,
          %add3A_704 = arith.constant 16 : i32
          %add3A_705 = arith.addi %mul3A_699, %add3A_704 : i32
          %get3A_706 = arith.index_cast %add3A_705 : i32 to index
          %get3A_707 = tpu.vector_load %arg10[%get3A_706] {strides = array<i32>} : memref<20480xf32, #tpu.memory_space<vmem>>, vector<16xf32>,
          %add3A_708 = arith.constant 32 : i32
          %add3A_709 = arith.addi %mul3A_699, %add3A_708 : i32
          %get3A_710 = arith.index_cast %add3A_709 : i32 to index
          %get3A_711 = tpu.vector_load %arg10[%get3A_710] {strides = array<i32>} : memref<20480xf32, #tpu.memory_space<vmem>>, vector<16xf32>,
          %add3A_712 = arith.constant 48 : i32
          %add3A_713 = arith.addi %mul3A_699, %add3A_712 : i32
          %get3A_714 = arith.index_cast %add3A_713 : i32 to index
          %get3A_715 = tpu.vector_load %arg10[%get3A_714] {strides = array<i32>} : memref<20480xf32, #tpu.memory_space<vmem>>, vector<16xf32>,
          %add3A_716 = arith.constant 64 : i32
          %add3A_717 = arith.addi %mul3A_699, %add3A_716 : i32
          %get3A_718 = arith.index_cast %add3A_717 : i32 to index
          %get3A_719 = tpu.vector_load %arg10[%get3A_718] {strides = array<i32>} : memref<20480xf32, #tpu.memory_space<vmem>>, vector<16xf32>,
          %add3A_720 = arith.constant 80 : i32
          %add3A_721 = arith.addi %mul3A_699, %add3A_720 : i32
          %get3A_722 = arith.index_cast %add3A_721 : i32 to index
          %get3A_723 = tpu.vector_load %arg10[%get3A_722] {strides = array<i32>} : memref<20480xf32, #tpu.memory_space<vmem>>, vector<16xf32>,
          %add3A_724 = arith.constant 96 : i32
          %add3A_725 = arith.addi %mul3A_699, %add3A_724 : i32
          %get3A_726 = arith.index_cast %add3A_725 : i32 to index
          %get3A_727 = tpu.vector_load %arg10[%get3A_726] {strides = array<i32>} : memref<20480xf32, #tpu.memory_space<vmem>>, vector<16xf32>,
          %add3A_728 = arith.constant 112 : i32
          %add3A_729 = arith.addi %mul3A_699, %add3A_728 : i32
          %get3A_730 = arith.index_cast %add3A_729 : i32 to index
          %get3A_731 = tpu.vector_load %arg10[%get3A_730] {strides = array<i32>} : memref<20480xf32, #tpu.memory_space<vmem>>, vector<16xf32>,
          %mul3A_732 = arith.mulf %get3A_703, %get3A_40 : vector<16xf32>
          %mul3A_733 = arith.mulf %get3A_707, %get3A_44 : vector<16xf32>
          %add3A_734 = arith.addf %mul3A_732, %mul3A_733 : vector<16xf32>
          %mul3A_735 = arith.mulf %get3A_711, %get3A_48 : vector<16xf32>
          %mul3A_736 = arith.mulf %get3A_715, %get3A_52 : vector<16xf32>
          %add3A_737 = arith.addf %mul3A_735, %mul3A_736 : vector<16xf32>
          %mul3A_738 = arith.mulf %get3A_719, %get3A_56 : vector<16xf32>
          %mul3A_739 = arith.mulf %get3A_723, %get3A_60 : vector<16xf32>
          %add3A_740 = arith.addf %mul3A_738, %mul3A_739 : vector<16xf32>
          %mul3A_741 = arith.mulf %get3A_727, %get3A_64 : vector<16xf32>
          %mul3A_742 = arith.mulf %get3A_731, %get3A_68 : vector<16xf32>
          %add3A_743 = arith.addf %mul3A_741, %mul3A_742 : vector<16xf32>
          %add3A_744 = arith.addf %add3A_734, %add3A_737 : vector<16xf32>
          %add3A_745 = arith.addf %add3A_740, %add3A_743 : vector<16xf32>
          %add3A_746 = arith.addf %add3A_744, %add3A_745 : vector<16xf32>
          %reduce_sum3A_747 = arith.constant true
          %reduce_sum3A_748 = vector.broadcast %reduce_sum3A_747 : i1 to vector<16xi1>
          %reduce_sum3A_749 = tpu.scan <sum>, %add3A_746 masked %reduce_sum3A_748 : vector<16xf32>, vector<16xi1> -> vector<16xf32>
          %reduce_sum3A_750 = vector.extract %reduce_sum3A_749[15] : f32 from vector<16xf32>
          %broadcast_in_dim3A_751 = vector.broadcast %reduce_sum3A_750 : f32 to vector<16xf32>
          %add3A_752 = arith.addf %broadcast_in_dim3A_751, %get3A_70 : vector<16xf32>
          %neg3A_753 = arith.constant 0.000000e+00 : f32
          %neg3A_754 = vector.broadcast %neg3A_753 : f32 to vector<16xf32>
          %neg3A_755 = arith.subf %neg3A_754, %add3A_752 : vector<16xf32>
          %exp3A_756 = math.exp %neg3A_755 : vector<16xf32>
          %slice3A_757 = vector.extract_strided_slice %gather3A_152 {offsets = [7], sizes = [1], strides = [1]} : vector<16xf32> to vector<1xf32>
          %squeeze3A_758 = vector.extract %slice3A_757[0] : f32 from vector<1xf32>
          %broadcast_in_dim3A_759 = vector.broadcast %squeeze3A_758 : f32 to vector<16xf32>
          %add3A_760 = arith.constant 1.000000e+00 : f32
          %add3A_761 = vector.broadcast %add3A_760 : f32 to vector<16xf32>
          %add3A_762 = arith.addf %add3A_761, %exp3A_756 : vector<16xf32>
          %div3A_763 = arith.divf %broadcast_in_dim3A_759, %add3A_762 : vector<16xf32>
          %add3A_764 = arith.constant 7 : i32
          %add3A_765 = arith.addi %add3A_148, %add3A_764 : i32
          %broadcast_in_dim3A_766 = vector.broadcast %add3A_765 : i32 to vector<16xi32>
          tpu.vector_store_idx %arg14[%broadcast_in_dim3A_766], %div3A_763 masked %eq3A_5 : memref<3200xf32, #tpu.memory_space<vmem>>[vector<16xi32>], vector<16xf32>, vector<16xi1>
          %slice3A_767 = vector.extract_strided_slice %gather3A_151 {offsets = [7], sizes = [1], strides = [1]} : vector<16xi32> to vector<1xi32>
          %squeeze3A_768 = vector.extract %slice3A_767[0] : i32 from vector<1xi32>
          %swap3A_769 = arith.index_cast %squeeze3A_768 : i32 to index
          %swap3A_770 = arith.constant 0 : index
          %swap3A_771 = tpu.vector_load %arg15[%swap3A_769, %swap3A_770] {strides = array<i32>} : memref<512x128xf32, #tpu.memory_space<vmem>>, vector<16xf32>,
          tpu.vector_store %arg15[%swap3A_769, %swap3A_770], %div3A_763 {add = true, strides = array<i32>} : memref<512x128xf32, #tpu.memory_space<vmem>>, vector<16xf32>,
          %mul3A_772 = arith.constant 16 : i32
          %mul3A_773 = arith.muli %scan3A_142, %mul3A_772 : i32
          %add3A_774 = arith.constant 8 : i32
          %add3A_775 = arith.addi %mul3A_773, %add3A_774 : i32
          %mul3A_776 = arith.constant 128 : i32
          %mul3A_777 = arith.muli %add3A_775, %mul3A_776 : i32
          %add3A_778 = arith.constant 0 : i32
          %add3A_779 = arith.addi %mul3A_777, %add3A_778 : i32
          %get3A_780 = arith.index_cast %add3A_779 : i32 to index
          %get3A_781 = tpu.vector_load %arg10[%get3A_780] {strides = array<i32>} : memref<20480xf32, #tpu.memory_space<vmem>>, vector<16xf32>,
          %add3A_782 = arith.constant 16 : i32
          %add3A_783 = arith.addi %mul3A_777, %add3A_782 : i32
          %get3A_784 = arith.index_cast %add3A_783 : i32 to index
          %get3A_785 = tpu.vector_load %arg10[%get3A_784] {strides = array<i32>} : memref<20480xf32, #tpu.memory_space<vmem>>, vector<16xf32>,
          %add3A_786 = arith.constant 32 : i32
          %add3A_787 = arith.addi %mul3A_777, %add3A_786 : i32
          %get3A_788 = arith.index_cast %add3A_787 : i32 to index
          %get3A_789 = tpu.vector_load %arg10[%get3A_788] {strides = array<i32>} : memref<20480xf32, #tpu.memory_space<vmem>>, vector<16xf32>,
          %add3A_790 = arith.constant 48 : i32
          %add3A_791 = arith.addi %mul3A_777, %add3A_790 : i32
          %get3A_792 = arith.index_cast %add3A_791 : i32 to index
          %get3A_793 = tpu.vector_load %arg10[%get3A_792] {strides = array<i32>} : memref<20480xf32, #tpu.memory_space<vmem>>, vector<16xf32>,
          %add3A_794 = arith.constant 64 : i32
          %add3A_795 = arith.addi %mul3A_777, %add3A_794 : i32
          %get3A_796 = arith.index_cast %add3A_795 : i32 to index
          %get3A_797 = tpu.vector_load %arg10[%get3A_796] {strides = array<i32>} : memref<20480xf32, #tpu.memory_space<vmem>>, vector<16xf32>,
          %add3A_798 = arith.constant 80 : i32
          %add3A_799 = arith.addi %mul3A_777, %add3A_798 : i32
          %get3A_800 = arith.index_cast %add3A_799 : i32 to index
          %get3A_801 = tpu.vector_load %arg10[%get3A_800] {strides = array<i32>} : memref<20480xf32, #tpu.memory_space<vmem>>, vector<16xf32>,
          %add3A_802 = arith.constant 96 : i32
          %add3A_803 = arith.addi %mul3A_777, %add3A_802 : i32
          %get3A_804 = arith.index_cast %add3A_803 : i32 to index
          %get3A_805 = tpu.vector_load %arg10[%get3A_804] {strides = array<i32>} : memref<20480xf32, #tpu.memory_space<vmem>>, vector<16xf32>,
          %add3A_806 = arith.constant 112 : i32
          %add3A_807 = arith.addi %mul3A_777, %add3A_806 : i32
          %get3A_808 = arith.index_cast %add3A_807 : i32 to index
          %get3A_809 = tpu.vector_load %arg10[%get3A_808] {strides = array<i32>} : memref<20480xf32, #tpu.memory_space<vmem>>, vector<16xf32>,
          %mul3A_810 = arith.mulf %get3A_781, %get3A_40 : vector<16xf32>
          %mul3A_811 = arith.mulf %get3A_785, %get3A_44 : vector<16xf32>
          %add3A_812 = arith.addf %mul3A_810, %mul3A_811 : vector<16xf32>
          %mul3A_813 = arith.mulf %get3A_789, %get3A_48 : vector<16xf32>
          %mul3A_814 = arith.mulf %get3A_793, %get3A_52 : vector<16xf32>
          %add3A_815 = arith.addf %mul3A_813, %mul3A_814 : vector<16xf32>
          %mul3A_816 = arith.mulf %get3A_797, %get3A_56 : vector<16xf32>
          %mul3A_817 = arith.mulf %get3A_801, %get3A_60 : vector<16xf32>
          %add3A_818 = arith.addf %mul3A_816, %mul3A_817 : vector<16xf32>
          %mul3A_819 = arith.mulf %get3A_805, %get3A_64 : vector<16xf32>
          %mul3A_820 = arith.mulf %get3A_809, %get3A_68 : vector<16xf32>
          %add3A_821 = arith.addf %mul3A_819, %mul3A_820 : vector<16xf32>
          %add3A_822 = arith.addf %add3A_812, %add3A_815 : vector<16xf32>
          %add3A_823 = arith.addf %add3A_818, %add3A_821 : vector<16xf32>
          %add3A_824 = arith.addf %add3A_822, %add3A_823 : vector<16xf32>
          %reduce_sum3A_825 = arith.constant true
          %reduce_sum3A_826 = vector.broadcast %reduce_sum3A_825 : i1 to vector<16xi1>
          %reduce_sum3A_827 = tpu.scan <sum>, %add3A_824 masked %reduce_sum3A_826 : vector<16xf32>, vector<16xi1> -> vector<16xf32>
          %reduce_sum3A_828 = vector.extract %reduce_sum3A_827[15] : f32 from vector<16xf32>
          %broadcast_in_dim3A_829 = vector.broadcast %reduce_sum3A_828 : f32 to vector<16xf32>
          %add3A_830 = arith.addf %broadcast_in_dim3A_829, %get3A_70 : vector<16xf32>
          %neg3A_831 = arith.constant 0.000000e+00 : f32
          %neg3A_832 = vector.broadcast %neg3A_831 : f32 to vector<16xf32>
          %neg3A_833 = arith.subf %neg3A_832, %add3A_830 : vector<16xf32>
          %exp3A_834 = math.exp %neg3A_833 : vector<16xf32>
          %slice3A_835 = vector.extract_strided_slice %gather3A_152 {offsets = [8], sizes = [1], strides = [1]} : vector<16xf32> to vector<1xf32>
          %squeeze3A_836 = vector.extract %slice3A_835[0] : f32 from vector<1xf32>
          %broadcast_in_dim3A_837 = vector.broadcast %squeeze3A_836 : f32 to vector<16xf32>
          %add3A_838 = arith.constant 1.000000e+00 : f32
          %add3A_839 = vector.broadcast %add3A_838 : f32 to vector<16xf32>
          %add3A_840 = arith.addf %add3A_839, %exp3A_834 : vector<16xf32>
          %div3A_841 = arith.divf %broadcast_in_dim3A_837, %add3A_840 : vector<16xf32>
          %add3A_842 = arith.constant 8 : i32
          %add3A_843 = arith.addi %add3A_148, %add3A_842 : i32
          %broadcast_in_dim3A_844 = vector.broadcast %add3A_843 : i32 to vector<16xi32>
          tpu.vector_store_idx %arg14[%broadcast_in_dim3A_844], %div3A_841 masked %eq3A_5 : memref<3200xf32, #tpu.memory_space<vmem>>[vector<16xi32>], vector<16xf32>, vector<16xi1>
          %slice3A_845 = vector.extract_strided_slice %gather3A_151 {offsets = [8], sizes = [1], strides = [1]} : vector<16xi32> to vector<1xi32>
          %squeeze3A_846 = vector.extract %slice3A_845[0] : i32 from vector<1xi32>
          %swap3A_847 = arith.index_cast %squeeze3A_846 : i32 to index
          %swap3A_848 = arith.constant 0 : index
          %swap3A_849 = tpu.vector_load %arg15[%swap3A_847, %swap3A_848] {strides = array<i32>} : memref<512x128xf32, #tpu.memory_space<vmem>>, vector<16xf32>,
          tpu.vector_store %arg15[%swap3A_847, %swap3A_848], %div3A_841 {add = true, strides = array<i32>} : memref<512x128xf32, #tpu.memory_space<vmem>>, vector<16xf32>,
          %mul3A_850 = arith.constant 16 : i32
          %mul3A_851 = arith.muli %scan3A_142, %mul3A_850 : i32
          %add3A_852 = arith.constant 9 : i32
          %add3A_853 = arith.addi %mul3A_851, %add3A_852 : i32
          %mul3A_854 = arith.constant 128 : i32
          %mul3A_855 = arith.muli %add3A_853, %mul3A_854 : i32
          %add3A_856 = arith.constant 0 : i32
          %add3A_857 = arith.addi %mul3A_855, %add3A_856 : i32
          %get3A_858 = arith.index_cast %add3A_857 : i32 to index
          %get3A_859 = tpu.vector_load %arg10[%get3A_858] {strides = array<i32>} : memref<20480xf32, #tpu.memory_space<vmem>>, vector<16xf32>,
          %add3A_860 = arith.constant 16 : i32
          %add3A_861 = arith.addi %mul3A_855, %add3A_860 : i32
          %get3A_862 = arith.index_cast %add3A_861 : i32 to index
          %get3A_863 = tpu.vector_load %arg10[%get3A_862] {strides = array<i32>} : memref<20480xf32, #tpu.memory_space<vmem>>, vector<16xf32>,
          %add3A_864 = arith.constant 32 : i32
          %add3A_865 = arith.addi %mul3A_855, %add3A_864 : i32
          %get3A_866 = arith.index_cast %add3A_865 : i32 to index
          %get3A_867 = tpu.vector_load %arg10[%get3A_866] {strides = array<i32>} : memref<20480xf32, #tpu.memory_space<vmem>>, vector<16xf32>,
          %add3A_868 = arith.constant 48 : i32
          %add3A_869 = arith.addi %mul3A_855, %add3A_868 : i32
          %get3A_870 = arith.index_cast %add3A_869 : i32 to index
          %get3A_871 = tpu.vector_load %arg10[%get3A_870] {strides = array<i32>} : memref<20480xf32, #tpu.memory_space<vmem>>, vector<16xf32>,
          %add3A_872 = arith.constant 64 : i32
          %add3A_873 = arith.addi %mul3A_855, %add3A_872 : i32
          %get3A_874 = arith.index_cast %add3A_873 : i32 to index
          %get3A_875 = tpu.vector_load %arg10[%get3A_874] {strides = array<i32>} : memref<20480xf32, #tpu.memory_space<vmem>>, vector<16xf32>,
          %add3A_876 = arith.constant 80 : i32
          %add3A_877 = arith.addi %mul3A_855, %add3A_876 : i32
          %get3A_878 = arith.index_cast %add3A_877 : i32 to index
          %get3A_879 = tpu.vector_load %arg10[%get3A_878] {strides = array<i32>} : memref<20480xf32, #tpu.memory_space<vmem>>, vector<16xf32>,
          %add3A_880 = arith.constant 96 : i32
          %add3A_881 = arith.addi %mul3A_855, %add3A_880 : i32
          %get3A_882 = arith.index_cast %add3A_881 : i32 to index
          %get3A_883 = tpu.vector_load %arg10[%get3A_882] {strides = array<i32>} : memref<20480xf32, #tpu.memory_space<vmem>>, vector<16xf32>,
          %add3A_884 = arith.constant 112 : i32
          %add3A_885 = arith.addi %mul3A_855, %add3A_884 : i32
          %get3A_886 = arith.index_cast %add3A_885 : i32 to index
          %get3A_887 = tpu.vector_load %arg10[%get3A_886] {strides = array<i32>} : memref<20480xf32, #tpu.memory_space<vmem>>, vector<16xf32>,
          %mul3A_888 = arith.mulf %get3A_859, %get3A_40 : vector<16xf32>
          %mul3A_889 = arith.mulf %get3A_863, %get3A_44 : vector<16xf32>
          %add3A_890 = arith.addf %mul3A_888, %mul3A_889 : vector<16xf32>
          %mul3A_891 = arith.mulf %get3A_867, %get3A_48 : vector<16xf32>
          %mul3A_892 = arith.mulf %get3A_871, %get3A_52 : vector<16xf32>
          %add3A_893 = arith.addf %mul3A_891, %mul3A_892 : vector<16xf32>
          %mul3A_894 = arith.mulf %get3A_875, %get3A_56 : vector<16xf32>
          %mul3A_895 = arith.mulf %get3A_879, %get3A_60 : vector<16xf32>
          %add3A_896 = arith.addf %mul3A_894, %mul3A_895 : vector<16xf32>
          %mul3A_897 = arith.mulf %get3A_883, %get3A_64 : vector<16xf32>
          %mul3A_898 = arith.mulf %get3A_887, %get3A_68 : vector<16xf32>
          %add3A_899 = arith.addf %mul3A_897, %mul3A_898 : vector<16xf32>
          %add3A_900 = arith.addf %add3A_890, %add3A_893 : vector<16xf32>
          %add3A_901 = arith.addf %add3A_896, %add3A_899 : vector<16xf32>
          %add3A_902 = arith.addf %add3A_900, %add3A_901 : vector<16xf32>
          %reduce_sum3A_903 = arith.constant true
          %reduce_sum3A_904 = vector.broadcast %reduce_sum3A_903 : i1 to vector<16xi1>
          %reduce_sum3A_905 = tpu.scan <sum>, %add3A_902 masked %reduce_sum3A_904 : vector<16xf32>, vector<16xi1> -> vector<16xf32>
          %reduce_sum3A_906 = vector.extract %reduce_sum3A_905[15] : f32 from vector<16xf32>
          %broadcast_in_dim3A_907 = vector.broadcast %reduce_sum3A_906 : f32 to vector<16xf32>
          %add3A_908 = arith.addf %broadcast_in_dim3A_907, %get3A_70 : vector<16xf32>
          %neg3A_909 = arith.constant 0.000000e+00 : f32
          %neg3A_910 = vector.broadcast %neg3A_909 : f32 to vector<16xf32>
          %neg3A_911 = arith.subf %neg3A_910, %add3A_908 : vector<16xf32>
          %exp3A_912 = math.exp %neg3A_911 : vector<16xf32>
          %slice3A_913 = vector.extract_strided_slice %gather3A_152 {offsets = [9], sizes = [1], strides = [1]} : vector<16xf32> to vector<1xf32>
          %squeeze3A_914 = vector.extract %slice3A_913[0] : f32 from vector<1xf32>
          %broadcast_in_dim3A_915 = vector.broadcast %squeeze3A_914 : f32 to vector<16xf32>
          %add3A_916 = arith.constant 1.000000e+00 : f32
          %add3A_917 = vector.broadcast %add3A_916 : f32 to vector<16xf32>
          %add3A_918 = arith.addf %add3A_917, %exp3A_912 : vector<16xf32>
          %div3A_919 = arith.divf %broadcast_in_dim3A_915, %add3A_918 : vector<16xf32>
          %add3A_920 = arith.constant 9 : i32
          %add3A_921 = arith.addi %add3A_148, %add3A_920 : i32
          %broadcast_in_dim3A_922 = vector.broadcast %add3A_921 : i32 to vector<16xi32>
          tpu.vector_store_idx %arg14[%broadcast_in_dim3A_922], %div3A_919 masked %eq3A_5 : memref<3200xf32, #tpu.memory_space<vmem>>[vector<16xi32>], vector<16xf32>, vector<16xi1>
          %slice3A_923 = vector.extract_strided_slice %gather3A_151 {offsets = [9], sizes = [1], strides = [1]} : vector<16xi32> to vector<1xi32>
          %squeeze3A_924 = vector.extract %slice3A_923[0] : i32 from vector<1xi32>
          %swap3A_925 = arith.index_cast %squeeze3A_924 : i32 to index
          %swap3A_926 = arith.constant 0 : index
          %swap3A_927 = tpu.vector_load %arg15[%swap3A_925, %swap3A_926] {strides = array<i32>} : memref<512x128xf32, #tpu.memory_space<vmem>>, vector<16xf32>,
          tpu.vector_store %arg15[%swap3A_925, %swap3A_926], %div3A_919 {add = true, strides = array<i32>} : memref<512x128xf32, #tpu.memory_space<vmem>>, vector<16xf32>,
          %mul3A_928 = arith.constant 16 : i32
          %mul3A_929 = arith.muli %scan3A_142, %mul3A_928 : i32
          %add3A_930 = arith.constant 10 : i32
          %add3A_931 = arith.addi %mul3A_929, %add3A_930 : i32
          %mul3A_932 = arith.constant 128 : i32
          %mul3A_933 = arith.muli %add3A_931, %mul3A_932 : i32
          %add3A_934 = arith.constant 0 : i32
          %add3A_935 = arith.addi %mul3A_933, %add3A_934 : i32
          %get3A_936 = arith.index_cast %add3A_935 : i32 to index
          %get3A_937 = tpu.vector_load %arg10[%get3A_936] {strides = array<i32>} : memref<20480xf32, #tpu.memory_space<vmem>>, vector<16xf32>,
          %add3A_938 = arith.constant 16 : i32
          %add3A_939 = arith.addi %mul3A_933, %add3A_938 : i32
          %get3A_940 = arith.index_cast %add3A_939 : i32 to index
          %get3A_941 = tpu.vector_load %arg10[%get3A_940] {strides = array<i32>} : memref<20480xf32, #tpu.memory_space<vmem>>, vector<16xf32>,
          %add3A_942 = arith.constant 32 : i32
          %add3A_943 = arith.addi %mul3A_933, %add3A_942 : i32
          %get3A_944 = arith.index_cast %add3A_943 : i32 to index
          %get3A_945 = tpu.vector_load %arg10[%get3A_944] {strides = array<i32>} : memref<20480xf32, #tpu.memory_space<vmem>>, vector<16xf32>,
          %add3A_946 = arith.constant 48 : i32
          %add3A_947 = arith.addi %mul3A_933, %add3A_946 : i32
          %get3A_948 = arith.index_cast %add3A_947 : i32 to index
          %get3A_949 = tpu.vector_load %arg10[%get3A_948] {strides = array<i32>} : memref<20480xf32, #tpu.memory_space<vmem>>, vector<16xf32>,
          %add3A_950 = arith.constant 64 : i32
          %add3A_951 = arith.addi %mul3A_933, %add3A_950 : i32
          %get3A_952 = arith.index_cast %add3A_951 : i32 to index
          %get3A_953 = tpu.vector_load %arg10[%get3A_952] {strides = array<i32>} : memref<20480xf32, #tpu.memory_space<vmem>>, vector<16xf32>,
          %add3A_954 = arith.constant 80 : i32
          %add3A_955 = arith.addi %mul3A_933, %add3A_954 : i32
          %get3A_956 = arith.index_cast %add3A_955 : i32 to index
          %get3A_957 = tpu.vector_load %arg10[%get3A_956] {strides = array<i32>} : memref<20480xf32, #tpu.memory_space<vmem>>, vector<16xf32>,
          %add3A_958 = arith.constant 96 : i32
          %add3A_959 = arith.addi %mul3A_933, %add3A_958 : i32
          %get3A_960 = arith.index_cast %add3A_959 : i32 to index
          %get3A_961 = tpu.vector_load %arg10[%get3A_960] {strides = array<i32>} : memref<20480xf32, #tpu.memory_space<vmem>>, vector<16xf32>,
          %add3A_962 = arith.constant 112 : i32
          %add3A_963 = arith.addi %mul3A_933, %add3A_962 : i32
          %get3A_964 = arith.index_cast %add3A_963 : i32 to index
          %get3A_965 = tpu.vector_load %arg10[%get3A_964] {strides = array<i32>} : memref<20480xf32, #tpu.memory_space<vmem>>, vector<16xf32>,
          %mul3A_966 = arith.mulf %get3A_937, %get3A_40 : vector<16xf32>
          %mul3A_967 = arith.mulf %get3A_941, %get3A_44 : vector<16xf32>
          %add3A_968 = arith.addf %mul3A_966, %mul3A_967 : vector<16xf32>
          %mul3A_969 = arith.mulf %get3A_945, %get3A_48 : vector<16xf32>
          %mul3A_970 = arith.mulf %get3A_949, %get3A_52 : vector<16xf32>
          %add3A_971 = arith.addf %mul3A_969, %mul3A_970 : vector<16xf32>
          %mul3A_972 = arith.mulf %get3A_953, %get3A_56 : vector<16xf32>
          %mul3A_973 = arith.mulf %get3A_957, %get3A_60 : vector<16xf32>
          %add3A_974 = arith.addf %mul3A_972, %mul3A_973 : vector<16xf32>
          %mul3A_975 = arith.mulf %get3A_961, %get3A_64 : vector<16xf32>
          %mul3A_976 = arith.mulf %get3A_965, %get3A_68 : vector<16xf32>
          %add3A_977 = arith.addf %mul3A_975, %mul3A_976 : vector<16xf32>
          %add3A_978 = arith.addf %add3A_968, %add3A_971 : vector<16xf32>
          %add3A_979 = arith.addf %add3A_974, %add3A_977 : vector<16xf32>
          %add3A_980 = arith.addf %add3A_978, %add3A_979 : vector<16xf32>
          %reduce_sum3A_981 = arith.constant true
          %reduce_sum3A_982 = vector.broadcast %reduce_sum3A_981 : i1 to vector<16xi1>
          %reduce_sum3A_983 = tpu.scan <sum>, %add3A_980 masked %reduce_sum3A_982 : vector<16xf32>, vector<16xi1> -> vector<16xf32>
          %reduce_sum3A_984 = vector.extract %reduce_sum3A_983[15] : f32 from vector<16xf32>
          %broadcast_in_dim3A_985 = vector.broadcast %reduce_sum3A_984 : f32 to vector<16xf32>
          %add3A_986 = arith.addf %broadcast_in_dim3A_985, %get3A_70 : vector<16xf32>
          %neg3A_987 = arith.constant 0.000000e+00 : f32
          %neg3A_988 = vector.broadcast %neg3A_987 : f32 to vector<16xf32>
          %neg3A_989 = arith.subf %neg3A_988, %add3A_986 : vector<16xf32>
          %exp3A_990 = math.exp %neg3A_989 : vector<16xf32>
          %slice3A_991 = vector.extract_strided_slice %gather3A_152 {offsets = [10], sizes = [1], strides = [1]} : vector<16xf32> to vector<1xf32>
          %squeeze3A_992 = vector.extract %slice3A_991[0] : f32 from vector<1xf32>
          %broadcast_in_dim3A_993 = vector.broadcast %squeeze3A_992 : f32 to vector<16xf32>
          %add3A_994 = arith.constant 1.000000e+00 : f32
          %add3A_995 = vector.broadcast %add3A_994 : f32 to vector<16xf32>
          %add3A_996 = arith.addf %add3A_995, %exp3A_990 : vector<16xf32>
          %div3A_997 = arith.divf %broadcast_in_dim3A_993, %add3A_996 : vector<16xf32>
          %add3A_998 = arith.constant 10 : i32
          %add3A_999 = arith.addi %add3A_148, %add3A_998 : i32
          %broadcast_in_dim3A_1000 = vector.broadcast %add3A_999 : i32 to vector<16xi32>
          tpu.vector_store_idx %arg14[%broadcast_in_dim3A_1000], %div3A_997 masked %eq3A_5 : memref<3200xf32, #tpu.memory_space<vmem>>[vector<16xi32>], vector<16xf32>, vector<16xi1>
          %slice3A_1001 = vector.extract_strided_slice %gather3A_151 {offsets = [10], sizes = [1], strides = [1]} : vector<16xi32> to vector<1xi32>
          %squeeze3A_1002 = vector.extract %slice3A_1001[0] : i32 from vector<1xi32>
          %swap3A_1003 = arith.index_cast %squeeze3A_1002 : i32 to index
          %swap3A_1004 = arith.constant 0 : index
          %swap3A_1005 = tpu.vector_load %arg15[%swap3A_1003, %swap3A_1004] {strides = array<i32>} : memref<512x128xf32, #tpu.memory_space<vmem>>, vector<16xf32>,
          tpu.vector_store %arg15[%swap3A_1003, %swap3A_1004], %div3A_997 {add = true, strides = array<i32>} : memref<512x128xf32, #tpu.memory_space<vmem>>, vector<16xf32>,
          %mul3A_1006 = arith.constant 16 : i32
          %mul3A_1007 = arith.muli %scan3A_142, %mul3A_1006 : i32
          %add3A_1008 = arith.constant 11 : i32
          %add3A_1009 = arith.addi %mul3A_1007, %add3A_1008 : i32
          %mul3A_1010 = arith.constant 128 : i32
          %mul3A_1011 = arith.muli %add3A_1009, %mul3A_1010 : i32
          %add3A_1012 = arith.constant 0 : i32
          %add3A_1013 = arith.addi %mul3A_1011, %add3A_1012 : i32
          %get3A_1014 = arith.index_cast %add3A_1013 : i32 to index
          %get3A_1015 = tpu.vector_load %arg10[%get3A_1014] {strides = array<i32>} : memref<20480xf32, #tpu.memory_space<vmem>>, vector<16xf32>,
          %add3A_1016 = arith.constant 16 : i32
          %add3A_1017 = arith.addi %mul3A_1011, %add3A_1016 : i32
          %get3A_1018 = arith.index_cast %add3A_1017 : i32 to index
          %get3A_1019 = tpu.vector_load %arg10[%get3A_1018] {strides = array<i32>} : memref<20480xf32, #tpu.memory_space<vmem>>, vector<16xf32>,
          %add3A_1020 = arith.constant 32 : i32
          %add3A_1021 = arith.addi %mul3A_1011, %add3A_1020 : i32
          %get3A_1022 = arith.index_cast %add3A_1021 : i32 to index
          %get3A_1023 = tpu.vector_load %arg10[%get3A_1022] {strides = array<i32>} : memref<20480xf32, #tpu.memory_space<vmem>>, vector<16xf32>,
          %add3A_1024 = arith.constant 48 : i32
          %add3A_1025 = arith.addi %mul3A_1011, %add3A_1024 : i32
          %get3A_1026 = arith.index_cast %add3A_1025 : i32 to index
          %get3A_1027 = tpu.vector_load %arg10[%get3A_1026] {strides = array<i32>} : memref<20480xf32, #tpu.memory_space<vmem>>, vector<16xf32>,
          %add3A_1028 = arith.constant 64 : i32
          %add3A_1029 = arith.addi %mul3A_1011, %add3A_1028 : i32
          %get3A_1030 = arith.index_cast %add3A_1029 : i32 to index
          %get3A_1031 = tpu.vector_load %arg10[%get3A_1030] {strides = array<i32>} : memref<20480xf32, #tpu.memory_space<vmem>>, vector<16xf32>,
          %add3A_1032 = arith.constant 80 : i32
          %add3A_1033 = arith.addi %mul3A_1011, %add3A_1032 : i32
          %get3A_1034 = arith.index_cast %add3A_1033 : i32 to index
          %get3A_1035 = tpu.vector_load %arg10[%get3A_1034] {strides = array<i32>} : memref<20480xf32, #tpu.memory_space<vmem>>, vector<16xf32>,
          %add3A_1036 = arith.constant 96 : i32
          %add3A_1037 = arith.addi %mul3A_1011, %add3A_1036 : i32
          %get3A_1038 = arith.index_cast %add3A_1037 : i32 to index
          %get3A_1039 = tpu.vector_load %arg10[%get3A_1038] {strides = array<i32>} : memref<20480xf32, #tpu.memory_space<vmem>>, vector<16xf32>,
          %add3A_1040 = arith.constant 112 : i32
          %add3A_1041 = arith.addi %mul3A_1011, %add3A_1040 : i32
          %get3A_1042 = arith.index_cast %add3A_1041 : i32 to index
          %get3A_1043 = tpu.vector_load %arg10[%get3A_1042] {strides = array<i32>} : memref<20480xf32, #tpu.memory_space<vmem>>, vector<16xf32>,
          %mul3A_1044 = arith.mulf %get3A_1015, %get3A_40 : vector<16xf32>
          %mul3A_1045 = arith.mulf %get3A_1019, %get3A_44 : vector<16xf32>
          %add3A_1046 = arith.addf %mul3A_1044, %mul3A_1045 : vector<16xf32>
          %mul3A_1047 = arith.mulf %get3A_1023, %get3A_48 : vector<16xf32>
          %mul3A_1048 = arith.mulf %get3A_1027, %get3A_52 : vector<16xf32>
          %add3A_1049 = arith.addf %mul3A_1047, %mul3A_1048 : vector<16xf32>
          %mul3A_1050 = arith.mulf %get3A_1031, %get3A_56 : vector<16xf32>
          %mul3A_1051 = arith.mulf %get3A_1035, %get3A_60 : vector<16xf32>
          %add3A_1052 = arith.addf %mul3A_1050, %mul3A_1051 : vector<16xf32>
          %mul3A_1053 = arith.mulf %get3A_1039, %get3A_64 : vector<16xf32>
          %mul3A_1054 = arith.mulf %get3A_1043, %get3A_68 : vector<16xf32>
          %add3A_1055 = arith.addf %mul3A_1053, %mul3A_1054 : vector<16xf32>
          %add3A_1056 = arith.addf %add3A_1046, %add3A_1049 : vector<16xf32>
          %add3A_1057 = arith.addf %add3A_1052, %add3A_1055 : vector<16xf32>
          %add3A_1058 = arith.addf %add3A_1056, %add3A_1057 : vector<16xf32>
          %reduce_sum3A_1059 = arith.constant true
          %reduce_sum3A_1060 = vector.broadcast %reduce_sum3A_1059 : i1 to vector<16xi1>
          %reduce_sum3A_1061 = tpu.scan <sum>, %add3A_1058 masked %reduce_sum3A_1060 : vector<16xf32>, vector<16xi1> -> vector<16xf32>
          %reduce_sum3A_1062 = vector.extract %reduce_sum3A_1061[15] : f32 from vector<16xf32>
          %broadcast_in_dim3A_1063 = vector.broadcast %reduce_sum3A_1062 : f32 to vector<16xf32>
          %add3A_1064 = arith.addf %broadcast_in_dim3A_1063, %get3A_70 : vector<16xf32>
          %neg3A_1065 = arith.constant 0.000000e+00 : f32
          %neg3A_1066 = vector.broadcast %neg3A_1065 : f32 to vector<16xf32>
          %neg3A_1067 = arith.subf %neg3A_1066, %add3A_1064 : vector<16xf32>
          %exp3A_1068 = math.exp %neg3A_1067 : vector<16xf32>
          %slice3A_1069 = vector.extract_strided_slice %gather3A_152 {offsets = [11], sizes = [1], strides = [1]} : vector<16xf32> to vector<1xf32>
          %squeeze3A_1070 = vector.extract %slice3A_1069[0] : f32 from vector<1xf32>
          %broadcast_in_dim3A_1071 = vector.broadcast %squeeze3A_1070 : f32 to vector<16xf32>
          %add3A_1072 = arith.constant 1.000000e+00 : f32
          %add3A_1073 = vector.broadcast %add3A_1072 : f32 to vector<16xf32>
          %add3A_1074 = arith.addf %add3A_1073, %exp3A_1068 : vector<16xf32>
          %div3A_1075 = arith.divf %broadcast_in_dim3A_1071, %add3A_1074 : vector<16xf32>
          %add3A_1076 = arith.constant 11 : i32
          %add3A_1077 = arith.addi %add3A_148, %add3A_1076 : i32
          %broadcast_in_dim3A_1078 = vector.broadcast %add3A_1077 : i32 to vector<16xi32>
          tpu.vector_store_idx %arg14[%broadcast_in_dim3A_1078], %div3A_1075 masked %eq3A_5 : memref<3200xf32, #tpu.memory_space<vmem>>[vector<16xi32>], vector<16xf32>, vector<16xi1>
          %slice3A_1079 = vector.extract_strided_slice %gather3A_151 {offsets = [11], sizes = [1], strides = [1]} : vector<16xi32> to vector<1xi32>
          %squeeze3A_1080 = vector.extract %slice3A_1079[0] : i32 from vector<1xi32>
          %swap3A_1081 = arith.index_cast %squeeze3A_1080 : i32 to index
          %swap3A_1082 = arith.constant 0 : index
          %swap3A_1083 = tpu.vector_load %arg15[%swap3A_1081, %swap3A_1082] {strides = array<i32>} : memref<512x128xf32, #tpu.memory_space<vmem>>, vector<16xf32>,
          tpu.vector_store %arg15[%swap3A_1081, %swap3A_1082], %div3A_1075 {add = true, strides = array<i32>} : memref<512x128xf32, #tpu.memory_space<vmem>>, vector<16xf32>,
          %mul3A_1084 = arith.constant 16 : i32
          %mul3A_1085 = arith.muli %scan3A_142, %mul3A_1084 : i32
          %add3A_1086 = arith.constant 12 : i32
          %add3A_1087 = arith.addi %mul3A_1085, %add3A_1086 : i32
          %mul3A_1088 = arith.constant 128 : i32
          %mul3A_1089 = arith.muli %add3A_1087, %mul3A_1088 : i32
          %add3A_1090 = arith.constant 0 : i32
          %add3A_1091 = arith.addi %mul3A_1089, %add3A_1090 : i32
          %get3A_1092 = arith.index_cast %add3A_1091 : i32 to index
          %get3A_1093 = tpu.vector_load %arg10[%get3A_1092] {strides = array<i32>} : memref<20480xf32, #tpu.memory_space<vmem>>, vector<16xf32>,
          %add3A_1094 = arith.constant 16 : i32
          %add3A_1095 = arith.addi %mul3A_1089, %add3A_1094 : i32
          %get3A_1096 = arith.index_cast %add3A_1095 : i32 to index
          %get3A_1097 = tpu.vector_load %arg10[%get3A_1096] {strides = array<i32>} : memref<20480xf32, #tpu.memory_space<vmem>>, vector<16xf32>,
          %add3A_1098 = arith.constant 32 : i32
          %add3A_1099 = arith.addi %mul3A_1089, %add3A_1098 : i32
          %get3A_1100 = arith.index_cast %add3A_1099 : i32 to index
          %get3A_1101 = tpu.vector_load %arg10[%get3A_1100] {strides = array<i32>} : memref<20480xf32, #tpu.memory_space<vmem>>, vector<16xf32>,
          %add3A_1102 = arith.constant 48 : i32
          %add3A_1103 = arith.addi %mul3A_1089, %add3A_1102 : i32
          %get3A_1104 = arith.index_cast %add3A_1103 : i32 to index
          %get3A_1105 = tpu.vector_load %arg10[%get3A_1104] {strides = array<i32>} : memref<20480xf32, #tpu.memory_space<vmem>>, vector<16xf32>,
          %add3A_1106 = arith.constant 64 : i32
          %add3A_1107 = arith.addi %mul3A_1089, %add3A_1106 : i32
          %get3A_1108 = arith.index_cast %add3A_1107 : i32 to index
          %get3A_1109 = tpu.vector_load %arg10[%get3A_1108] {strides = array<i32>} : memref<20480xf32, #tpu.memory_space<vmem>>, vector<16xf32>,
          %add3A_1110 = arith.constant 80 : i32
          %add3A_1111 = arith.addi %mul3A_1089, %add3A_1110 : i32
          %get3A_1112 = arith.index_cast %add3A_1111 : i32 to index
          %get3A_1113 = tpu.vector_load %arg10[%get3A_1112] {strides = array<i32>} : memref<20480xf32, #tpu.memory_space<vmem>>, vector<16xf32>,
          %add3A_1114 = arith.constant 96 : i32
          %add3A_1115 = arith.addi %mul3A_1089, %add3A_1114 : i32
          %get3A_1116 = arith.index_cast %add3A_1115 : i32 to index
          %get3A_1117 = tpu.vector_load %arg10[%get3A_1116] {strides = array<i32>} : memref<20480xf32, #tpu.memory_space<vmem>>, vector<16xf32>,
          %add3A_1118 = arith.constant 112 : i32
          %add3A_1119 = arith.addi %mul3A_1089, %add3A_1118 : i32
          %get3A_1120 = arith.index_cast %add3A_1119 : i32 to index
          %get3A_1121 = tpu.vector_load %arg10[%get3A_1120] {strides = array<i32>} : memref<20480xf32, #tpu.memory_space<vmem>>, vector<16xf32>,
          %mul3A_1122 = arith.mulf %get3A_1093, %get3A_40 : vector<16xf32>
          %mul3A_1123 = arith.mulf %get3A_1097, %get3A_44 : vector<16xf32>
          %add3A_1124 = arith.addf %mul3A_1122, %mul3A_1123 : vector<16xf32>
          %mul3A_1125 = arith.mulf %get3A_1101, %get3A_48 : vector<16xf32>
          %mul3A_1126 = arith.mulf %get3A_1105, %get3A_52 : vector<16xf32>
          %add3A_1127 = arith.addf %mul3A_1125, %mul3A_1126 : vector<16xf32>
          %mul3A_1128 = arith.mulf %get3A_1109, %get3A_56 : vector<16xf32>
          %mul3A_1129 = arith.mulf %get3A_1113, %get3A_60 : vector<16xf32>
          %add3A_1130 = arith.addf %mul3A_1128, %mul3A_1129 : vector<16xf32>
          %mul3A_1131 = arith.mulf %get3A_1117, %get3A_64 : vector<16xf32>
          %mul3A_1132 = arith.mulf %get3A_1121, %get3A_68 : vector<16xf32>
          %add3A_1133 = arith.addf %mul3A_1131, %mul3A_1132 : vector<16xf32>
          %add3A_1134 = arith.addf %add3A_1124, %add3A_1127 : vector<16xf32>
          %add3A_1135 = arith.addf %add3A_1130, %add3A_1133 : vector<16xf32>
          %add3A_1136 = arith.addf %add3A_1134, %add3A_1135 : vector<16xf32>
          %reduce_sum3A_1137 = arith.constant true
          %reduce_sum3A_1138 = vector.broadcast %reduce_sum3A_1137 : i1 to vector<16xi1>
          %reduce_sum3A_1139 = tpu.scan <sum>, %add3A_1136 masked %reduce_sum3A_1138 : vector<16xf32>, vector<16xi1> -> vector<16xf32>
          %reduce_sum3A_1140 = vector.extract %reduce_sum3A_1139[15] : f32 from vector<16xf32>
          %broadcast_in_dim3A_1141 = vector.broadcast %reduce_sum3A_1140 : f32 to vector<16xf32>
          %add3A_1142 = arith.addf %broadcast_in_dim3A_1141, %get3A_70 : vector<16xf32>
          %neg3A_1143 = arith.constant 0.000000e+00 : f32
          %neg3A_1144 = vector.broadcast %neg3A_1143 : f32 to vector<16xf32>
          %neg3A_1145 = arith.subf %neg3A_1144, %add3A_1142 : vector<16xf32>
          %exp3A_1146 = math.exp %neg3A_1145 : vector<16xf32>
          %slice3A_1147 = vector.extract_strided_slice %gather3A_152 {offsets = [12], sizes = [1], strides = [1]} : vector<16xf32> to vector<1xf32>
          %squeeze3A_1148 = vector.extract %slice3A_1147[0] : f32 from vector<1xf32>
          %broadcast_in_dim3A_1149 = vector.broadcast %squeeze3A_1148 : f32 to vector<16xf32>
          %add3A_1150 = arith.constant 1.000000e+00 : f32
          %add3A_1151 = vector.broadcast %add3A_1150 : f32 to vector<16xf32>
          %add3A_1152 = arith.addf %add3A_1151, %exp3A_1146 : vector<16xf32>
          %div3A_1153 = arith.divf %broadcast_in_dim3A_1149, %add3A_1152 : vector<16xf32>
          %add3A_1154 = arith.constant 12 : i32
          %add3A_1155 = arith.addi %add3A_148, %add3A_1154 : i32
          %broadcast_in_dim3A_1156 = vector.broadcast %add3A_1155 : i32 to vector<16xi32>
          tpu.vector_store_idx %arg14[%broadcast_in_dim3A_1156], %div3A_1153 masked %eq3A_5 : memref<3200xf32, #tpu.memory_space<vmem>>[vector<16xi32>], vector<16xf32>, vector<16xi1>
          %slice3A_1157 = vector.extract_strided_slice %gather3A_151 {offsets = [12], sizes = [1], strides = [1]} : vector<16xi32> to vector<1xi32>
          %squeeze3A_1158 = vector.extract %slice3A_1157[0] : i32 from vector<1xi32>
          %swap3A_1159 = arith.index_cast %squeeze3A_1158 : i32 to index
          %swap3A_1160 = arith.constant 0 : index
          %swap3A_1161 = tpu.vector_load %arg15[%swap3A_1159, %swap3A_1160] {strides = array<i32>} : memref<512x128xf32, #tpu.memory_space<vmem>>, vector<16xf32>,
          tpu.vector_store %arg15[%swap3A_1159, %swap3A_1160], %div3A_1153 {add = true, strides = array<i32>} : memref<512x128xf32, #tpu.memory_space<vmem>>, vector<16xf32>,
          %mul3A_1162 = arith.constant 16 : i32
          %mul3A_1163 = arith.muli %scan3A_142, %mul3A_1162 : i32
          %add3A_1164 = arith.constant 13 : i32
          %add3A_1165 = arith.addi %mul3A_1163, %add3A_1164 : i32
          %mul3A_1166 = arith.constant 128 : i32
          %mul3A_1167 = arith.muli %add3A_1165, %mul3A_1166 : i32
          %add3A_1168 = arith.constant 0 : i32
          %add3A_1169 = arith.addi %mul3A_1167, %add3A_1168 : i32
          %get3A_1170 = arith.index_cast %add3A_1169 : i32 to index
          %get3A_1171 = tpu.vector_load %arg10[%get3A_1170] {strides = array<i32>} : memref<20480xf32, #tpu.memory_space<vmem>>, vector<16xf32>,
          %add3A_1172 = arith.constant 16 : i32
          %add3A_1173 = arith.addi %mul3A_1167, %add3A_1172 : i32
          %get3A_1174 = arith.index_cast %add3A_1173 : i32 to index
          %get3A_1175 = tpu.vector_load %arg10[%get3A_1174] {strides = array<i32>} : memref<20480xf32, #tpu.memory_space<vmem>>, vector<16xf32>,
          %add3A_1176 = arith.constant 32 : i32
          %add3A_1177 = arith.addi %mul3A_1167, %add3A_1176 : i32
          %get3A_1178 = arith.index_cast %add3A_1177 : i32 to index
          %get3A_1179 = tpu.vector_load %arg10[%get3A_1178] {strides = array<i32>} : memref<20480xf32, #tpu.memory_space<vmem>>, vector<16xf32>,
          %add3A_1180 = arith.constant 48 : i32
          %add3A_1181 = arith.addi %mul3A_1167, %add3A_1180 : i32
          %get3A_1182 = arith.index_cast %add3A_1181 : i32 to index
          %get3A_1183 = tpu.vector_load %arg10[%get3A_1182] {strides = array<i32>} : memref<20480xf32, #tpu.memory_space<vmem>>, vector<16xf32>,
          %add3A_1184 = arith.constant 64 : i32
          %add3A_1185 = arith.addi %mul3A_1167, %add3A_1184 : i32
          %get3A_1186 = arith.index_cast %add3A_1185 : i32 to index
          %get3A_1187 = tpu.vector_load %arg10[%get3A_1186] {strides = array<i32>} : memref<20480xf32, #tpu.memory_space<vmem>>, vector<16xf32>,
          %add3A_1188 = arith.constant 80 : i32
          %add3A_1189 = arith.addi %mul3A_1167, %add3A_1188 : i32
          %get3A_1190 = arith.index_cast %add3A_1189 : i32 to index
          %get3A_1191 = tpu.vector_load %arg10[%get3A_1190] {strides = array<i32>} : memref<20480xf32, #tpu.memory_space<vmem>>, vector<16xf32>,
          %add3A_1192 = arith.constant 96 : i32
          %add3A_1193 = arith.addi %mul3A_1167, %add3A_1192 : i32
          %get3A_1194 = arith.index_cast %add3A_1193 : i32 to index
          %get3A_1195 = tpu.vector_load %arg10[%get3A_1194] {strides = array<i32>} : memref<20480xf32, #tpu.memory_space<vmem>>, vector<16xf32>,
          %add3A_1196 = arith.constant 112 : i32
          %add3A_1197 = arith.addi %mul3A_1167, %add3A_1196 : i32
          %get3A_1198 = arith.index_cast %add3A_1197 : i32 to index
          %get3A_1199 = tpu.vector_load %arg10[%get3A_1198] {strides = array<i32>} : memref<20480xf32, #tpu.memory_space<vmem>>, vector<16xf32>,
          %mul3A_1200 = arith.mulf %get3A_1171, %get3A_40 : vector<16xf32>
          %mul3A_1201 = arith.mulf %get3A_1175, %get3A_44 : vector<16xf32>
          %add3A_1202 = arith.addf %mul3A_1200, %mul3A_1201 : vector<16xf32>
          %mul3A_1203 = arith.mulf %get3A_1179, %get3A_48 : vector<16xf32>
          %mul3A_1204 = arith.mulf %get3A_1183, %get3A_52 : vector<16xf32>
          %add3A_1205 = arith.addf %mul3A_1203, %mul3A_1204 : vector<16xf32>
          %mul3A_1206 = arith.mulf %get3A_1187, %get3A_56 : vector<16xf32>
          %mul3A_1207 = arith.mulf %get3A_1191, %get3A_60 : vector<16xf32>
          %add3A_1208 = arith.addf %mul3A_1206, %mul3A_1207 : vector<16xf32>
          %mul3A_1209 = arith.mulf %get3A_1195, %get3A_64 : vector<16xf32>
          %mul3A_1210 = arith.mulf %get3A_1199, %get3A_68 : vector<16xf32>
          %add3A_1211 = arith.addf %mul3A_1209, %mul3A_1210 : vector<16xf32>
          %add3A_1212 = arith.addf %add3A_1202, %add3A_1205 : vector<16xf32>
          %add3A_1213 = arith.addf %add3A_1208, %add3A_1211 : vector<16xf32>
          %add3A_1214 = arith.addf %add3A_1212, %add3A_1213 : vector<16xf32>
          %reduce_sum3A_1215 = arith.constant true
          %reduce_sum3A_1216 = vector.broadcast %reduce_sum3A_1215 : i1 to vector<16xi1>
          %reduce_sum3A_1217 = tpu.scan <sum>, %add3A_1214 masked %reduce_sum3A_1216 : vector<16xf32>, vector<16xi1> -> vector<16xf32>
          %reduce_sum3A_1218 = vector.extract %reduce_sum3A_1217[15] : f32 from vector<16xf32>
          %broadcast_in_dim3A_1219 = vector.broadcast %reduce_sum3A_1218 : f32 to vector<16xf32>
          %add3A_1220 = arith.addf %broadcast_in_dim3A_1219, %get3A_70 : vector<16xf32>
          %neg3A_1221 = arith.constant 0.000000e+00 : f32
          %neg3A_1222 = vector.broadcast %neg3A_1221 : f32 to vector<16xf32>
          %neg3A_1223 = arith.subf %neg3A_1222, %add3A_1220 : vector<16xf32>
          %exp3A_1224 = math.exp %neg3A_1223 : vector<16xf32>
          %slice3A_1225 = vector.extract_strided_slice %gather3A_152 {offsets = [13], sizes = [1], strides = [1]} : vector<16xf32> to vector<1xf32>
          %squeeze3A_1226 = vector.extract %slice3A_1225[0] : f32 from vector<1xf32>
          %broadcast_in_dim3A_1227 = vector.broadcast %squeeze3A_1226 : f32 to vector<16xf32>
          %add3A_1228 = arith.constant 1.000000e+00 : f32
          %add3A_1229 = vector.broadcast %add3A_1228 : f32 to vector<16xf32>
          %add3A_1230 = arith.addf %add3A_1229, %exp3A_1224 : vector<16xf32>
          %div3A_1231 = arith.divf %broadcast_in_dim3A_1227, %add3A_1230 : vector<16xf32>
          %add3A_1232 = arith.constant 13 : i32
          %add3A_1233 = arith.addi %add3A_148, %add3A_1232 : i32
          %broadcast_in_dim3A_1234 = vector.broadcast %add3A_1233 : i32 to vector<16xi32>
          tpu.vector_store_idx %arg14[%broadcast_in_dim3A_1234], %div3A_1231 masked %eq3A_5 : memref<3200xf32, #tpu.memory_space<vmem>>[vector<16xi32>], vector<16xf32>, vector<16xi1>
          %slice3A_1235 = vector.extract_strided_slice %gather3A_151 {offsets = [13], sizes = [1], strides = [1]} : vector<16xi32> to vector<1xi32>
          %squeeze3A_1236 = vector.extract %slice3A_1235[0] : i32 from vector<1xi32>
          %swap3A_1237 = arith.index_cast %squeeze3A_1236 : i32 to index
          %swap3A_1238 = arith.constant 0 : index
          %swap3A_1239 = tpu.vector_load %arg15[%swap3A_1237, %swap3A_1238] {strides = array<i32>} : memref<512x128xf32, #tpu.memory_space<vmem>>, vector<16xf32>,
          tpu.vector_store %arg15[%swap3A_1237, %swap3A_1238], %div3A_1231 {add = true, strides = array<i32>} : memref<512x128xf32, #tpu.memory_space<vmem>>, vector<16xf32>,
          %mul3A_1240 = arith.constant 16 : i32
          %mul3A_1241 = arith.muli %scan3A_142, %mul3A_1240 : i32
          %add3A_1242 = arith.constant 14 : i32
          %add3A_1243 = arith.addi %mul3A_1241, %add3A_1242 : i32
          %mul3A_1244 = arith.constant 128 : i32
          %mul3A_1245 = arith.muli %add3A_1243, %mul3A_1244 : i32
          %add3A_1246 = arith.constant 0 : i32
          %add3A_1247 = arith.addi %mul3A_1245, %add3A_1246 : i32
          %get3A_1248 = arith.index_cast %add3A_1247 : i32 to index
          %get3A_1249 = tpu.vector_load %arg10[%get3A_1248] {strides = array<i32>} : memref<20480xf32, #tpu.memory_space<vmem>>, vector<16xf32>,
          %add3A_1250 = arith.constant 16 : i32
          %add3A_1251 = arith.addi %mul3A_1245, %add3A_1250 : i32
          %get3A_1252 = arith.index_cast %add3A_1251 : i32 to index
          %get3A_1253 = tpu.vector_load %arg10[%get3A_1252] {strides = array<i32>} : memref<20480xf32, #tpu.memory_space<vmem>>, vector<16xf32>,
          %add3A_1254 = arith.constant 32 : i32
          %add3A_1255 = arith.addi %mul3A_1245, %add3A_1254 : i32
          %get3A_1256 = arith.index_cast %add3A_1255 : i32 to index
          %get3A_1257 = tpu.vector_load %arg10[%get3A_1256] {strides = array<i32>} : memref<20480xf32, #tpu.memory_space<vmem>>, vector<16xf32>,
          %add3A_1258 = arith.constant 48 : i32
          %add3A_1259 = arith.addi %mul3A_1245, %add3A_1258 : i32
          %get3A_1260 = arith.index_cast %add3A_1259 : i32 to index
          %get3A_1261 = tpu.vector_load %arg10[%get3A_1260] {strides = array<i32>} : memref<20480xf32, #tpu.memory_space<vmem>>, vector<16xf32>,
          %add3A_1262 = arith.constant 64 : i32
          %add3A_1263 = arith.addi %mul3A_1245, %add3A_1262 : i32
          %get3A_1264 = arith.index_cast %add3A_1263 : i32 to index
          %get3A_1265 = tpu.vector_load %arg10[%get3A_1264] {strides = array<i32>} : memref<20480xf32, #tpu.memory_space<vmem>>, vector<16xf32>,
          %add3A_1266 = arith.constant 80 : i32
          %add3A_1267 = arith.addi %mul3A_1245, %add3A_1266 : i32
          %get3A_1268 = arith.index_cast %add3A_1267 : i32 to index
          %get3A_1269 = tpu.vector_load %arg10[%get3A_1268] {strides = array<i32>} : memref<20480xf32, #tpu.memory_space<vmem>>, vector<16xf32>,
          %add3A_1270 = arith.constant 96 : i32
          %add3A_1271 = arith.addi %mul3A_1245, %add3A_1270 : i32
          %get3A_1272 = arith.index_cast %add3A_1271 : i32 to index
          %get3A_1273 = tpu.vector_load %arg10[%get3A_1272] {strides = array<i32>} : memref<20480xf32, #tpu.memory_space<vmem>>, vector<16xf32>,
          %add3A_1274 = arith.constant 112 : i32
          %add3A_1275 = arith.addi %mul3A_1245, %add3A_1274 : i32
          %get3A_1276 = arith.index_cast %add3A_1275 : i32 to index
          %get3A_1277 = tpu.vector_load %arg10[%get3A_1276] {strides = array<i32>} : memref<20480xf32, #tpu.memory_space<vmem>>, vector<16xf32>,
          %mul3A_1278 = arith.mulf %get3A_1249, %get3A_40 : vector<16xf32>
          %mul3A_1279 = arith.mulf %get3A_1253, %get3A_44 : vector<16xf32>
          %add3A_1280 = arith.addf %mul3A_1278, %mul3A_1279 : vector<16xf32>
          %mul3A_1281 = arith.mulf %get3A_1257, %get3A_48 : vector<16xf32>
          %mul3A_1282 = arith.mulf %get3A_1261, %get3A_52 : vector<16xf32>
          %add3A_1283 = arith.addf %mul3A_1281, %mul3A_1282 : vector<16xf32>
          %mul3A_1284 = arith.mulf %get3A_1265, %get3A_56 : vector<16xf32>
          %mul3A_1285 = arith.mulf %get3A_1269, %get3A_60 : vector<16xf32>
          %add3A_1286 = arith.addf %mul3A_1284, %mul3A_1285 : vector<16xf32>
          %mul3A_1287 = arith.mulf %get3A_1273, %get3A_64 : vector<16xf32>
          %mul3A_1288 = arith.mulf %get3A_1277, %get3A_68 : vector<16xf32>
          %add3A_1289 = arith.addf %mul3A_1287, %mul3A_1288 : vector<16xf32>
          %add3A_1290 = arith.addf %add3A_1280, %add3A_1283 : vector<16xf32>
          %add3A_1291 = arith.addf %add3A_1286, %add3A_1289 : vector<16xf32>
          %add3A_1292 = arith.addf %add3A_1290, %add3A_1291 : vector<16xf32>
          %reduce_sum3A_1293 = arith.constant true
          %reduce_sum3A_1294 = vector.broadcast %reduce_sum3A_1293 : i1 to vector<16xi1>
          %reduce_sum3A_1295 = tpu.scan <sum>, %add3A_1292 masked %reduce_sum3A_1294 : vector<16xf32>, vector<16xi1> -> vector<16xf32>
          %reduce_sum3A_1296 = vector.extract %reduce_sum3A_1295[15] : f32 from vector<16xf32>
          %broadcast_in_dim3A_1297 = vector.broadcast %reduce_sum3A_1296 : f32 to vector<16xf32>
          %add3A_1298 = arith.addf %broadcast_in_dim3A_1297, %get3A_70 : vector<16xf32>
          %neg3A_1299 = arith.constant 0.000000e+00 : f32
          %neg3A_1300 = vector.broadcast %neg3A_1299 : f32 to vector<16xf32>
          %neg3A_1301 = arith.subf %neg3A_1300, %add3A_1298 : vector<16xf32>
          %exp3A_1302 = math.exp %neg3A_1301 : vector<16xf32>
          %slice3A_1303 = vector.extract_strided_slice %gather3A_152 {offsets = [14], sizes = [1], strides = [1]} : vector<16xf32> to vector<1xf32>
          %squeeze3A_1304 = vector.extract %slice3A_1303[0] : f32 from vector<1xf32>
          %broadcast_in_dim3A_1305 = vector.broadcast %squeeze3A_1304 : f32 to vector<16xf32>
          %add3A_1306 = arith.constant 1.000000e+00 : f32
          %add3A_1307 = vector.broadcast %add3A_1306 : f32 to vector<16xf32>
          %add3A_1308 = arith.addf %add3A_1307, %exp3A_1302 : vector<16xf32>
          %div3A_1309 = arith.divf %broadcast_in_dim3A_1305, %add3A_1308 : vector<16xf32>
          %add3A_1310 = arith.constant 14 : i32
          %add3A_1311 = arith.addi %add3A_148, %add3A_1310 : i32
          %broadcast_in_dim3A_1312 = vector.broadcast %add3A_1311 : i32 to vector<16xi32>
          tpu.vector_store_idx %arg14[%broadcast_in_dim3A_1312], %div3A_1309 masked %eq3A_5 : memref<3200xf32, #tpu.memory_space<vmem>>[vector<16xi32>], vector<16xf32>, vector<16xi1>
          %slice3A_1313 = vector.extract_strided_slice %gather3A_151 {offsets = [14], sizes = [1], strides = [1]} : vector<16xi32> to vector<1xi32>
          %squeeze3A_1314 = vector.extract %slice3A_1313[0] : i32 from vector<1xi32>
          %swap3A_1315 = arith.index_cast %squeeze3A_1314 : i32 to index
          %swap3A_1316 = arith.constant 0 : index
          %swap3A_1317 = tpu.vector_load %arg15[%swap3A_1315, %swap3A_1316] {strides = array<i32>} : memref<512x128xf32, #tpu.memory_space<vmem>>, vector<16xf32>,
          tpu.vector_store %arg15[%swap3A_1315, %swap3A_1316], %div3A_1309 {add = true, strides = array<i32>} : memref<512x128xf32, #tpu.memory_space<vmem>>, vector<16xf32>,
          %mul3A_1318 = arith.constant 16 : i32
          %mul3A_1319 = arith.muli %scan3A_142, %mul3A_1318 : i32
          %add3A_1320 = arith.constant 15 : i32
          %add3A_1321 = arith.addi %mul3A_1319, %add3A_1320 : i32
          %mul3A_1322 = arith.constant 128 : i32
          %mul3A_1323 = arith.muli %add3A_1321, %mul3A_1322 : i32
          %add3A_1324 = arith.constant 0 : i32
          %add3A_1325 = arith.addi %mul3A_1323, %add3A_1324 : i32
          %get3A_1326 = arith.index_cast %add3A_1325 : i32 to index
          %get3A_1327 = tpu.vector_load %arg10[%get3A_1326] {strides = array<i32>} : memref<20480xf32, #tpu.memory_space<vmem>>, vector<16xf32>,
          %add3A_1328 = arith.constant 16 : i32
          %add3A_1329 = arith.addi %mul3A_1323, %add3A_1328 : i32
          %get3A_1330 = arith.index_cast %add3A_1329 : i32 to index
          %get3A_1331 = tpu.vector_load %arg10[%get3A_1330] {strides = array<i32>} : memref<20480xf32, #tpu.memory_space<vmem>>, vector<16xf32>,
          %add3A_1332 = arith.constant 32 : i32
          %add3A_1333 = arith.addi %mul3A_1323, %add3A_1332 : i32
          %get3A_1334 = arith.index_cast %add3A_1333 : i32 to index
          %get3A_1335 = tpu.vector_load %arg10[%get3A_1334] {strides = array<i32>} : memref<20480xf32, #tpu.memory_space<vmem>>, vector<16xf32>,
          %add3A_1336 = arith.constant 48 : i32
          %add3A_1337 = arith.addi %mul3A_1323, %add3A_1336 : i32
          %get3A_1338 = arith.index_cast %add3A_1337 : i32 to index
          %get3A_1339 = tpu.vector_load %arg10[%get3A_1338] {strides = array<i32>} : memref<20480xf32, #tpu.memory_space<vmem>>, vector<16xf32>,
          %add3A_1340 = arith.constant 64 : i32
          %add3A_1341 = arith.addi %mul3A_1323, %add3A_1340 : i32
          %get3A_1342 = arith.index_cast %add3A_1341 : i32 to index
          %get3A_1343 = tpu.vector_load %arg10[%get3A_1342] {strides = array<i32>} : memref<20480xf32, #tpu.memory_space<vmem>>, vector<16xf32>,
          %add3A_1344 = arith.constant 80 : i32
          %add3A_1345 = arith.addi %mul3A_1323, %add3A_1344 : i32
          %get3A_1346 = arith.index_cast %add3A_1345 : i32 to index
          %get3A_1347 = tpu.vector_load %arg10[%get3A_1346] {strides = array<i32>} : memref<20480xf32, #tpu.memory_space<vmem>>, vector<16xf32>,
          %add3A_1348 = arith.constant 96 : i32
          %add3A_1349 = arith.addi %mul3A_1323, %add3A_1348 : i32
          %get3A_1350 = arith.index_cast %add3A_1349 : i32 to index
          %get3A_1351 = tpu.vector_load %arg10[%get3A_1350] {strides = array<i32>} : memref<20480xf32, #tpu.memory_space<vmem>>, vector<16xf32>,
          %add3A_1352 = arith.constant 112 : i32
          %add3A_1353 = arith.addi %mul3A_1323, %add3A_1352 : i32
          %get3A_1354 = arith.index_cast %add3A_1353 : i32 to index
          %get3A_1355 = tpu.vector_load %arg10[%get3A_1354] {strides = array<i32>} : memref<20480xf32, #tpu.memory_space<vmem>>, vector<16xf32>,
          %mul3A_1356 = arith.mulf %get3A_1327, %get3A_40 : vector<16xf32>
          %mul3A_1357 = arith.mulf %get3A_1331, %get3A_44 : vector<16xf32>
          %add3A_1358 = arith.addf %mul3A_1356, %mul3A_1357 : vector<16xf32>
          %mul3A_1359 = arith.mulf %get3A_1335, %get3A_48 : vector<16xf32>
          %mul3A_1360 = arith.mulf %get3A_1339, %get3A_52 : vector<16xf32>
          %add3A_1361 = arith.addf %mul3A_1359, %mul3A_1360 : vector<16xf32>
          %mul3A_1362 = arith.mulf %get3A_1343, %get3A_56 : vector<16xf32>
          %mul3A_1363 = arith.mulf %get3A_1347, %get3A_60 : vector<16xf32>
          %add3A_1364 = arith.addf %mul3A_1362, %mul3A_1363 : vector<16xf32>
          %mul3A_1365 = arith.mulf %get3A_1351, %get3A_64 : vector<16xf32>
          %mul3A_1366 = arith.mulf %get3A_1355, %get3A_68 : vector<16xf32>
          %add3A_1367 = arith.addf %mul3A_1365, %mul3A_1366 : vector<16xf32>
          %add3A_1368 = arith.addf %add3A_1358, %add3A_1361 : vector<16xf32>
          %add3A_1369 = arith.addf %add3A_1364, %add3A_1367 : vector<16xf32>
          %add3A_1370 = arith.addf %add3A_1368, %add3A_1369 : vector<16xf32>
          %reduce_sum3A_1371 = arith.constant true
          %reduce_sum3A_1372 = vector.broadcast %reduce_sum3A_1371 : i1 to vector<16xi1>
          %reduce_sum3A_1373 = tpu.scan <sum>, %add3A_1370 masked %reduce_sum3A_1372 : vector<16xf32>, vector<16xi1> -> vector<16xf32>
          %reduce_sum3A_1374 = vector.extract %reduce_sum3A_1373[15] : f32 from vector<16xf32>
          %broadcast_in_dim3A_1375 = vector.broadcast %reduce_sum3A_1374 : f32 to vector<16xf32>
          %add3A_1376 = arith.addf %broadcast_in_dim3A_1375, %get3A_70 : vector<16xf32>
          %neg3A_1377 = arith.constant 0.000000e+00 : f32
          %neg3A_1378 = vector.broadcast %neg3A_1377 : f32 to vector<16xf32>
          %neg3A_1379 = arith.subf %neg3A_1378, %add3A_1376 : vector<16xf32>
          %exp3A_1380 = math.exp %neg3A_1379 : vector<16xf32>
          %slice3A_1381 = vector.extract_strided_slice %gather3A_152 {offsets = [15], sizes = [1], strides = [1]} : vector<16xf32> to vector<1xf32>
          %squeeze3A_1382 = vector.extract %slice3A_1381[0] : f32 from vector<1xf32>
          %broadcast_in_dim3A_1383 = vector.broadcast %squeeze3A_1382 : f32 to vector<16xf32>
          %add3A_1384 = arith.constant 1.000000e+00 : f32
          %add3A_1385 = vector.broadcast %add3A_1384 : f32 to vector<16xf32>
          %add3A_1386 = arith.addf %add3A_1385, %exp3A_1380 : vector<16xf32>
          %div3A_1387 = arith.divf %broadcast_in_dim3A_1383, %add3A_1386 : vector<16xf32>
          %add3A_1388 = arith.constant 15 : i32
          %add3A_1389 = arith.addi %add3A_148, %add3A_1388 : i32
          %broadcast_in_dim3A_1390 = vector.broadcast %add3A_1389 : i32 to vector<16xi32>
          tpu.vector_store_idx %arg14[%broadcast_in_dim3A_1390], %div3A_1387 masked %eq3A_5 : memref<3200xf32, #tpu.memory_space<vmem>>[vector<16xi32>], vector<16xf32>, vector<16xi1>
          %slice3A_1391 = vector.extract_strided_slice %gather3A_151 {offsets = [15], sizes = [1], strides = [1]} : vector<16xi32> to vector<1xi32>
          %squeeze3A_1392 = vector.extract %slice3A_1391[0] : i32 from vector<1xi32>
          %swap3A_1393 = arith.index_cast %squeeze3A_1392 : i32 to index
          %swap3A_1394 = arith.constant 0 : index
          %swap3A_1395 = tpu.vector_load %arg15[%swap3A_1393, %swap3A_1394] {strides = array<i32>} : memref<512x128xf32, #tpu.memory_space<vmem>>, vector<16xf32>,
          tpu.vector_store %arg15[%swap3A_1393, %swap3A_1394], %div3A_1387 {add = true, strides = array<i32>} : memref<512x128xf32, #tpu.memory_space<vmem>>, vector<16xf32>,
          %scan3A_1396 = arith.constant 0 : i32
          scf.yield %scan3A_1396 : i32
        }
        %scan3A_135 = arith.constant 10 : i32
        %add3A_136 = arith.constant 2 : i32
        %add3A_137 = arith.addi %mul3A_109, %add3A_136 : i32
        %lt3A_138 = arith.cmpi slt, %add3A_137, %select_n3A : i32
        %convert_element_type3A_139 = arith.extui %lt3A_138 : i1 to i32
        %cond3A_140 = arith.constant 0 : i32
        %cond3A_141 = arith.cmpi ne, %convert_element_type3A_139, %cond3A_140 : i32
        scf.if %cond3A_141 {
          %add3A_142 = arith.constant 2 : i32
          %add3A_143 = arith.addi %mul3A_109, %add3A_142 : i32
          %mul3A_144 = arith.constant 160 : i32
          %mul3A_145 = arith.muli %add3A_143, %mul3A_144 : i32
          %add3A_146 = arith.addi %mul3A_13, %mul3A_145 : i32
          %mul3A_147 = arith.constant 128 : i32
          %mul3A_148 = arith.muli %add3A_146, %mul3A_147 : i32
          %dma_start3A_149 = tpu.memref_slice %arg2[%mul3A_148] : memref<12800000xf32, #tpu.memory_space<hbm>> -> memref<20480xf32, #tpu.memory_space<hbm>>
          %dma_start3A_150 = tpu.memref_slice %arg2[%mul3A_148] : memref<12800000xf32, #tpu.memory_space<hbm>> -> memref<20480xf32, #tpu.memory_space<hbm>>
          tpu.enqueue_dma source(%dma_start3A_150 : memref<20480xf32, #tpu.memory_space<hbm>>) target(%arg10 : memref<20480xf32, #tpu.memory_space<vmem>>) target_semaphore(%arg20 : memref<!tpu.dma_semaphore, #tpu.memory_space<semaphore_mem>>)
        } else {
        }
      } else {
      }
      %mul3A_114 = arith.constant 2 : i32
      %mul3A_115 = arith.muli %mul3A_114, %scan3A_106 : i32
      %add3A_116 = arith.constant 1 : i32
      %add3A_117 = arith.addi %mul3A_115, %add3A_116 : i32
      %lt3A_118 = arith.cmpi slt, %add3A_117, %select_n3A : i32
      %convert_element_type3A_119 = arith.extui %lt3A_118 : i1 to i32
      %cond3A_120 = arith.constant 0 : i32
      %cond3A_121 = arith.cmpi ne, %convert_element_type3A_119, %cond3A_120 : i32
      scf.if %cond3A_121 {
        %mul3A_123 = arith.constant 160 : i32
        %mul3A_124 = arith.muli %add3A_117, %mul3A_123 : i32
        %add3A_125 = arith.addi %mul3A_13, %mul3A_124 : i32
        %mul3A_126 = arith.constant 128 : i32
        %mul3A_127 = arith.muli %add3A_125, %mul3A_126 : i32
        %dma_wait3A = tpu.memref_slice %arg2[%mul3A_127] : memref<12800000xf32, #tpu.memory_space<hbm>> -> memref<20480xf32, #tpu.memory_space<hbm>>
        %dma_wait3A_128 = tpu.memref_slice %arg2[%mul3A_127] : memref<12800000xf32, #tpu.memory_space<hbm>> -> memref<20480xf32, #tpu.memory_space<hbm>>
        tpu.wait_dma2 semaphore(%arg21 : memref<!tpu.dma_semaphore, #tpu.memory_space<semaphore_mem>>) src(%dma_wait3A_128 : memref<20480xf32, #tpu.memory_space<hbm>>) dst(%arg11 : memref<20480xf32, #tpu.memory_space<vmem>>)
        %scan3A_129 = arith.constant 0 : i32
        %scan3A_130 = arith.constant 0 : i32
        %scan3A_131 = arith.constant 10 : i32
        %scan3A_132 = arith.addi %scan3A_130, %scan3A_131 : i32
        %scan3A_133 = arith.constant 1 : i32
        %scan3A_134 = scf.for %scan3A_142 = %scan3A_130 to %scan3A_132 step %scan3A_133 iter_args(%scan3A_143 = %scan3A_129) -> (i32)  : i32 {
          %mul3A_144 = arith.constant 160 : i32
          %mul3A_145 = arith.muli %add3A_117, %mul3A_144 : i32
          %mul3A_146 = arith.constant 16 : i32
          %mul3A_147 = arith.muli %scan3A_142, %mul3A_146 : i32
          %add3A_148 = arith.addi %mul3A_145, %mul3A_147 : i32
          %add3A_149 = vector.broadcast %add3A_148 : i32 to vector<16xi32>
          %add3A_150 = arith.addi %add3A_149, %iota3A : vector<16xi32>
          %gather3A_151 = tpu.vector_load_idx %arg12[%add3A_150] : memref<3200xi32, #tpu.memory_space<vmem>>[vector<16xi32>], vector<16xi32>,
          %gather3A_152 = tpu.vector_load_idx %arg13[%add3A_150] : memref<3200xf32, #tpu.memory_space<vmem>>[vector<16xi32>], vector<16xf32>,
          %mul3A_153 = arith.constant 16 : i32
          %mul3A_154 = arith.muli %scan3A_142, %mul3A_153 : i32
          %add3A_155 = arith.constant 0 : i32
          %add3A_156 = arith.addi %mul3A_154, %add3A_155 : i32
          %mul3A_157 = arith.constant 128 : i32
          %mul3A_158 = arith.muli %add3A_156, %mul3A_157 : i32
          %add3A_159 = arith.constant 0 : i32
          %add3A_160 = arith.addi %mul3A_158, %add3A_159 : i32
          %get3A_161 = arith.index_cast %add3A_160 : i32 to index
          %get3A_162 = tpu.vector_load %arg11[%get3A_161] {strides = array<i32>} : memref<20480xf32, #tpu.memory_space<vmem>>, vector<16xf32>,
          %add3A_163 = arith.constant 16 : i32
          %add3A_164 = arith.addi %mul3A_158, %add3A_163 : i32
          %get3A_165 = arith.index_cast %add3A_164 : i32 to index
          %get3A_166 = tpu.vector_load %arg11[%get3A_165] {strides = array<i32>} : memref<20480xf32, #tpu.memory_space<vmem>>, vector<16xf32>,
          %add3A_167 = arith.constant 32 : i32
          %add3A_168 = arith.addi %mul3A_158, %add3A_167 : i32
          %get3A_169 = arith.index_cast %add3A_168 : i32 to index
          %get3A_170 = tpu.vector_load %arg11[%get3A_169] {strides = array<i32>} : memref<20480xf32, #tpu.memory_space<vmem>>, vector<16xf32>,
          %add3A_171 = arith.constant 48 : i32
          %add3A_172 = arith.addi %mul3A_158, %add3A_171 : i32
          %get3A_173 = arith.index_cast %add3A_172 : i32 to index
          %get3A_174 = tpu.vector_load %arg11[%get3A_173] {strides = array<i32>} : memref<20480xf32, #tpu.memory_space<vmem>>, vector<16xf32>,
          %add3A_175 = arith.constant 64 : i32
          %add3A_176 = arith.addi %mul3A_158, %add3A_175 : i32
          %get3A_177 = arith.index_cast %add3A_176 : i32 to index
          %get3A_178 = tpu.vector_load %arg11[%get3A_177] {strides = array<i32>} : memref<20480xf32, #tpu.memory_space<vmem>>, vector<16xf32>,
          %add3A_179 = arith.constant 80 : i32
          %add3A_180 = arith.addi %mul3A_158, %add3A_179 : i32
          %get3A_181 = arith.index_cast %add3A_180 : i32 to index
          %get3A_182 = tpu.vector_load %arg11[%get3A_181] {strides = array<i32>} : memref<20480xf32, #tpu.memory_space<vmem>>, vector<16xf32>,
          %add3A_183 = arith.constant 96 : i32
          %add3A_184 = arith.addi %mul3A_158, %add3A_183 : i32
          %get3A_185 = arith.index_cast %add3A_184 : i32 to index
          %get3A_186 = tpu.vector_load %arg11[%get3A_185] {strides = array<i32>} : memref<20480xf32, #tpu.memory_space<vmem>>, vector<16xf32>,
          %add3A_187 = arith.constant 112 : i32
          %add3A_188 = arith.addi %mul3A_158, %add3A_187 : i32
          %get3A_189 = arith.index_cast %add3A_188 : i32 to index
          %get3A_190 = tpu.vector_load %arg11[%get3A_189] {strides = array<i32>} : memref<20480xf32, #tpu.memory_space<vmem>>, vector<16xf32>,
          %mul3A_191 = arith.mulf %get3A_162, %get3A_40 : vector<16xf32>
          %mul3A_192 = arith.mulf %get3A_166, %get3A_44 : vector<16xf32>
          %add3A_193 = arith.addf %mul3A_191, %mul3A_192 : vector<16xf32>
          %mul3A_194 = arith.mulf %get3A_170, %get3A_48 : vector<16xf32>
          %mul3A_195 = arith.mulf %get3A_174, %get3A_52 : vector<16xf32>
          %add3A_196 = arith.addf %mul3A_194, %mul3A_195 : vector<16xf32>
          %mul3A_197 = arith.mulf %get3A_178, %get3A_56 : vector<16xf32>
          %mul3A_198 = arith.mulf %get3A_182, %get3A_60 : vector<16xf32>
          %add3A_199 = arith.addf %mul3A_197, %mul3A_198 : vector<16xf32>
          %mul3A_200 = arith.mulf %get3A_186, %get3A_64 : vector<16xf32>
          %mul3A_201 = arith.mulf %get3A_190, %get3A_68 : vector<16xf32>
          %add3A_202 = arith.addf %mul3A_200, %mul3A_201 : vector<16xf32>
          %add3A_203 = arith.addf %add3A_193, %add3A_196 : vector<16xf32>
          %add3A_204 = arith.addf %add3A_199, %add3A_202 : vector<16xf32>
          %add3A_205 = arith.addf %add3A_203, %add3A_204 : vector<16xf32>
          %reduce_sum3A = arith.constant true
          %reduce_sum3A_206 = vector.broadcast %reduce_sum3A : i1 to vector<16xi1>
          %reduce_sum3A_207 = tpu.scan <sum>, %add3A_205 masked %reduce_sum3A_206 : vector<16xf32>, vector<16xi1> -> vector<16xf32>
          %reduce_sum3A_208 = vector.extract %reduce_sum3A_207[15] : f32 from vector<16xf32>
          %broadcast_in_dim3A_209 = vector.broadcast %reduce_sum3A_208 : f32 to vector<16xf32>
          %add3A_210 = arith.addf %broadcast_in_dim3A_209, %get3A_70 : vector<16xf32>
          %neg3A = arith.constant 0.000000e+00 : f32
          %neg3A_211 = vector.broadcast %neg3A : f32 to vector<16xf32>
          %neg3A_212 = arith.subf %neg3A_211, %add3A_210 : vector<16xf32>
          %exp3A = math.exp %neg3A_212 : vector<16xf32>
          %slice3A_213 = vector.extract_strided_slice %gather3A_152 {offsets = [0], sizes = [1], strides = [1]} : vector<16xf32> to vector<1xf32>
          %squeeze3A_214 = vector.extract %slice3A_213[0] : f32 from vector<1xf32>
          %broadcast_in_dim3A_215 = vector.broadcast %squeeze3A_214 : f32 to vector<16xf32>
          %add3A_216 = arith.constant 1.000000e+00 : f32
          %add3A_217 = vector.broadcast %add3A_216 : f32 to vector<16xf32>
          %add3A_218 = arith.addf %add3A_217, %exp3A : vector<16xf32>
          %div3A = arith.divf %broadcast_in_dim3A_215, %add3A_218 : vector<16xf32>
          %add3A_219 = arith.constant 0 : i32
          %add3A_220 = arith.addi %add3A_148, %add3A_219 : i32
          %broadcast_in_dim3A_221 = vector.broadcast %add3A_220 : i32 to vector<16xi32>
          tpu.vector_store_idx %arg14[%broadcast_in_dim3A_221], %div3A masked %eq3A_5 : memref<3200xf32, #tpu.memory_space<vmem>>[vector<16xi32>], vector<16xf32>, vector<16xi1>
          %slice3A_222 = vector.extract_strided_slice %gather3A_151 {offsets = [0], sizes = [1], strides = [1]} : vector<16xi32> to vector<1xi32>
          %squeeze3A_223 = vector.extract %slice3A_222[0] : i32 from vector<1xi32>
          %swap3A = arith.index_cast %squeeze3A_223 : i32 to index
          %swap3A_224 = arith.constant 0 : index
          %swap3A_225 = tpu.vector_load %arg15[%swap3A, %swap3A_224] {strides = array<i32>} : memref<512x128xf32, #tpu.memory_space<vmem>>, vector<16xf32>,
          tpu.vector_store %arg15[%swap3A, %swap3A_224], %div3A {add = true, strides = array<i32>} : memref<512x128xf32, #tpu.memory_space<vmem>>, vector<16xf32>,
          %mul3A_226 = arith.constant 16 : i32
          %mul3A_227 = arith.muli %scan3A_142, %mul3A_226 : i32
          %add3A_228 = arith.constant 1 : i32
          %add3A_229 = arith.addi %mul3A_227, %add3A_228 : i32
          %mul3A_230 = arith.constant 128 : i32
          %mul3A_231 = arith.muli %add3A_229, %mul3A_230 : i32
          %add3A_232 = arith.constant 0 : i32
          %add3A_233 = arith.addi %mul3A_231, %add3A_232 : i32
          %get3A_234 = arith.index_cast %add3A_233 : i32 to index
          %get3A_235 = tpu.vector_load %arg11[%get3A_234] {strides = array<i32>} : memref<20480xf32, #tpu.memory_space<vmem>>, vector<16xf32>,
          %add3A_236 = arith.constant 16 : i32
          %add3A_237 = arith.addi %mul3A_231, %add3A_236 : i32
          %get3A_238 = arith.index_cast %add3A_237 : i32 to index
          %get3A_239 = tpu.vector_load %arg11[%get3A_238] {strides = array<i32>} : memref<20480xf32, #tpu.memory_space<vmem>>, vector<16xf32>,
          %add3A_240 = arith.constant 32 : i32
          %add3A_241 = arith.addi %mul3A_231, %add3A_240 : i32
          %get3A_242 = arith.index_cast %add3A_241 : i32 to index
          %get3A_243 = tpu.vector_load %arg11[%get3A_242] {strides = array<i32>} : memref<20480xf32, #tpu.memory_space<vmem>>, vector<16xf32>,
          %add3A_244 = arith.constant 48 : i32
          %add3A_245 = arith.addi %mul3A_231, %add3A_244 : i32
          %get3A_246 = arith.index_cast %add3A_245 : i32 to index
          %get3A_247 = tpu.vector_load %arg11[%get3A_246] {strides = array<i32>} : memref<20480xf32, #tpu.memory_space<vmem>>, vector<16xf32>,
          %add3A_248 = arith.constant 64 : i32
          %add3A_249 = arith.addi %mul3A_231, %add3A_248 : i32
          %get3A_250 = arith.index_cast %add3A_249 : i32 to index
          %get3A_251 = tpu.vector_load %arg11[%get3A_250] {strides = array<i32>} : memref<20480xf32, #tpu.memory_space<vmem>>, vector<16xf32>,
          %add3A_252 = arith.constant 80 : i32
          %add3A_253 = arith.addi %mul3A_231, %add3A_252 : i32
          %get3A_254 = arith.index_cast %add3A_253 : i32 to index
          %get3A_255 = tpu.vector_load %arg11[%get3A_254] {strides = array<i32>} : memref<20480xf32, #tpu.memory_space<vmem>>, vector<16xf32>,
          %add3A_256 = arith.constant 96 : i32
          %add3A_257 = arith.addi %mul3A_231, %add3A_256 : i32
          %get3A_258 = arith.index_cast %add3A_257 : i32 to index
          %get3A_259 = tpu.vector_load %arg11[%get3A_258] {strides = array<i32>} : memref<20480xf32, #tpu.memory_space<vmem>>, vector<16xf32>,
          %add3A_260 = arith.constant 112 : i32
          %add3A_261 = arith.addi %mul3A_231, %add3A_260 : i32
          %get3A_262 = arith.index_cast %add3A_261 : i32 to index
          %get3A_263 = tpu.vector_load %arg11[%get3A_262] {strides = array<i32>} : memref<20480xf32, #tpu.memory_space<vmem>>, vector<16xf32>,
          %mul3A_264 = arith.mulf %get3A_235, %get3A_40 : vector<16xf32>
          %mul3A_265 = arith.mulf %get3A_239, %get3A_44 : vector<16xf32>
          %add3A_266 = arith.addf %mul3A_264, %mul3A_265 : vector<16xf32>
          %mul3A_267 = arith.mulf %get3A_243, %get3A_48 : vector<16xf32>
          %mul3A_268 = arith.mulf %get3A_247, %get3A_52 : vector<16xf32>
          %add3A_269 = arith.addf %mul3A_267, %mul3A_268 : vector<16xf32>
          %mul3A_270 = arith.mulf %get3A_251, %get3A_56 : vector<16xf32>
          %mul3A_271 = arith.mulf %get3A_255, %get3A_60 : vector<16xf32>
          %add3A_272 = arith.addf %mul3A_270, %mul3A_271 : vector<16xf32>
          %mul3A_273 = arith.mulf %get3A_259, %get3A_64 : vector<16xf32>
          %mul3A_274 = arith.mulf %get3A_263, %get3A_68 : vector<16xf32>
          %add3A_275 = arith.addf %mul3A_273, %mul3A_274 : vector<16xf32>
          %add3A_276 = arith.addf %add3A_266, %add3A_269 : vector<16xf32>
          %add3A_277 = arith.addf %add3A_272, %add3A_275 : vector<16xf32>
          %add3A_278 = arith.addf %add3A_276, %add3A_277 : vector<16xf32>
          %reduce_sum3A_279 = arith.constant true
          %reduce_sum3A_280 = vector.broadcast %reduce_sum3A_279 : i1 to vector<16xi1>
          %reduce_sum3A_281 = tpu.scan <sum>, %add3A_278 masked %reduce_sum3A_280 : vector<16xf32>, vector<16xi1> -> vector<16xf32>
          %reduce_sum3A_282 = vector.extract %reduce_sum3A_281[15] : f32 from vector<16xf32>
          %broadcast_in_dim3A_283 = vector.broadcast %reduce_sum3A_282 : f32 to vector<16xf32>
          %add3A_284 = arith.addf %broadcast_in_dim3A_283, %get3A_70 : vector<16xf32>
          %neg3A_285 = arith.constant 0.000000e+00 : f32
          %neg3A_286 = vector.broadcast %neg3A_285 : f32 to vector<16xf32>
          %neg3A_287 = arith.subf %neg3A_286, %add3A_284 : vector<16xf32>
          %exp3A_288 = math.exp %neg3A_287 : vector<16xf32>
          %slice3A_289 = vector.extract_strided_slice %gather3A_152 {offsets = [1], sizes = [1], strides = [1]} : vector<16xf32> to vector<1xf32>
          %squeeze3A_290 = vector.extract %slice3A_289[0] : f32 from vector<1xf32>
          %broadcast_in_dim3A_291 = vector.broadcast %squeeze3A_290 : f32 to vector<16xf32>
          %add3A_292 = arith.constant 1.000000e+00 : f32
          %add3A_293 = vector.broadcast %add3A_292 : f32 to vector<16xf32>
          %add3A_294 = arith.addf %add3A_293, %exp3A_288 : vector<16xf32>
          %div3A_295 = arith.divf %broadcast_in_dim3A_291, %add3A_294 : vector<16xf32>
          %add3A_296 = arith.constant 1 : i32
          %add3A_297 = arith.addi %add3A_148, %add3A_296 : i32
          %broadcast_in_dim3A_298 = vector.broadcast %add3A_297 : i32 to vector<16xi32>
          tpu.vector_store_idx %arg14[%broadcast_in_dim3A_298], %div3A_295 masked %eq3A_5 : memref<3200xf32, #tpu.memory_space<vmem>>[vector<16xi32>], vector<16xf32>, vector<16xi1>
          %slice3A_299 = vector.extract_strided_slice %gather3A_151 {offsets = [1], sizes = [1], strides = [1]} : vector<16xi32> to vector<1xi32>
          %squeeze3A_300 = vector.extract %slice3A_299[0] : i32 from vector<1xi32>
          %swap3A_301 = arith.index_cast %squeeze3A_300 : i32 to index
          %swap3A_302 = arith.constant 0 : index
          %swap3A_303 = tpu.vector_load %arg15[%swap3A_301, %swap3A_302] {strides = array<i32>} : memref<512x128xf32, #tpu.memory_space<vmem>>, vector<16xf32>,
          tpu.vector_store %arg15[%swap3A_301, %swap3A_302], %div3A_295 {add = true, strides = array<i32>} : memref<512x128xf32, #tpu.memory_space<vmem>>, vector<16xf32>,
          %mul3A_304 = arith.constant 16 : i32
          %mul3A_305 = arith.muli %scan3A_142, %mul3A_304 : i32
          %add3A_306 = arith.constant 2 : i32
          %add3A_307 = arith.addi %mul3A_305, %add3A_306 : i32
          %mul3A_308 = arith.constant 128 : i32
          %mul3A_309 = arith.muli %add3A_307, %mul3A_308 : i32
          %add3A_310 = arith.constant 0 : i32
          %add3A_311 = arith.addi %mul3A_309, %add3A_310 : i32
          %get3A_312 = arith.index_cast %add3A_311 : i32 to index
          %get3A_313 = tpu.vector_load %arg11[%get3A_312] {strides = array<i32>} : memref<20480xf32, #tpu.memory_space<vmem>>, vector<16xf32>,
          %add3A_314 = arith.constant 16 : i32
          %add3A_315 = arith.addi %mul3A_309, %add3A_314 : i32
          %get3A_316 = arith.index_cast %add3A_315 : i32 to index
          %get3A_317 = tpu.vector_load %arg11[%get3A_316] {strides = array<i32>} : memref<20480xf32, #tpu.memory_space<vmem>>, vector<16xf32>,
          %add3A_318 = arith.constant 32 : i32
          %add3A_319 = arith.addi %mul3A_309, %add3A_318 : i32
          %get3A_320 = arith.index_cast %add3A_319 : i32 to index
          %get3A_321 = tpu.vector_load %arg11[%get3A_320] {strides = array<i32>} : memref<20480xf32, #tpu.memory_space<vmem>>, vector<16xf32>,
          %add3A_322 = arith.constant 48 : i32
          %add3A_323 = arith.addi %mul3A_309, %add3A_322 : i32
          %get3A_324 = arith.index_cast %add3A_323 : i32 to index
          %get3A_325 = tpu.vector_load %arg11[%get3A_324] {strides = array<i32>} : memref<20480xf32, #tpu.memory_space<vmem>>, vector<16xf32>,
          %add3A_326 = arith.constant 64 : i32
          %add3A_327 = arith.addi %mul3A_309, %add3A_326 : i32
          %get3A_328 = arith.index_cast %add3A_327 : i32 to index
          %get3A_329 = tpu.vector_load %arg11[%get3A_328] {strides = array<i32>} : memref<20480xf32, #tpu.memory_space<vmem>>, vector<16xf32>,
          %add3A_330 = arith.constant 80 : i32
          %add3A_331 = arith.addi %mul3A_309, %add3A_330 : i32
          %get3A_332 = arith.index_cast %add3A_331 : i32 to index
          %get3A_333 = tpu.vector_load %arg11[%get3A_332] {strides = array<i32>} : memref<20480xf32, #tpu.memory_space<vmem>>, vector<16xf32>,
          %add3A_334 = arith.constant 96 : i32
          %add3A_335 = arith.addi %mul3A_309, %add3A_334 : i32
          %get3A_336 = arith.index_cast %add3A_335 : i32 to index
          %get3A_337 = tpu.vector_load %arg11[%get3A_336] {strides = array<i32>} : memref<20480xf32, #tpu.memory_space<vmem>>, vector<16xf32>,
          %add3A_338 = arith.constant 112 : i32
          %add3A_339 = arith.addi %mul3A_309, %add3A_338 : i32
          %get3A_340 = arith.index_cast %add3A_339 : i32 to index
          %get3A_341 = tpu.vector_load %arg11[%get3A_340] {strides = array<i32>} : memref<20480xf32, #tpu.memory_space<vmem>>, vector<16xf32>,
          %mul3A_342 = arith.mulf %get3A_313, %get3A_40 : vector<16xf32>
          %mul3A_343 = arith.mulf %get3A_317, %get3A_44 : vector<16xf32>
          %add3A_344 = arith.addf %mul3A_342, %mul3A_343 : vector<16xf32>
          %mul3A_345 = arith.mulf %get3A_321, %get3A_48 : vector<16xf32>
          %mul3A_346 = arith.mulf %get3A_325, %get3A_52 : vector<16xf32>
          %add3A_347 = arith.addf %mul3A_345, %mul3A_346 : vector<16xf32>
          %mul3A_348 = arith.mulf %get3A_329, %get3A_56 : vector<16xf32>
          %mul3A_349 = arith.mulf %get3A_333, %get3A_60 : vector<16xf32>
          %add3A_350 = arith.addf %mul3A_348, %mul3A_349 : vector<16xf32>
          %mul3A_351 = arith.mulf %get3A_337, %get3A_64 : vector<16xf32>
          %mul3A_352 = arith.mulf %get3A_341, %get3A_68 : vector<16xf32>
          %add3A_353 = arith.addf %mul3A_351, %mul3A_352 : vector<16xf32>
          %add3A_354 = arith.addf %add3A_344, %add3A_347 : vector<16xf32>
          %add3A_355 = arith.addf %add3A_350, %add3A_353 : vector<16xf32>
          %add3A_356 = arith.addf %add3A_354, %add3A_355 : vector<16xf32>
          %reduce_sum3A_357 = arith.constant true
          %reduce_sum3A_358 = vector.broadcast %reduce_sum3A_357 : i1 to vector<16xi1>
          %reduce_sum3A_359 = tpu.scan <sum>, %add3A_356 masked %reduce_sum3A_358 : vector<16xf32>, vector<16xi1> -> vector<16xf32>
          %reduce_sum3A_360 = vector.extract %reduce_sum3A_359[15] : f32 from vector<16xf32>
          %broadcast_in_dim3A_361 = vector.broadcast %reduce_sum3A_360 : f32 to vector<16xf32>
          %add3A_362 = arith.addf %broadcast_in_dim3A_361, %get3A_70 : vector<16xf32>
          %neg3A_363 = arith.constant 0.000000e+00 : f32
          %neg3A_364 = vector.broadcast %neg3A_363 : f32 to vector<16xf32>
          %neg3A_365 = arith.subf %neg3A_364, %add3A_362 : vector<16xf32>
          %exp3A_366 = math.exp %neg3A_365 : vector<16xf32>
          %slice3A_367 = vector.extract_strided_slice %gather3A_152 {offsets = [2], sizes = [1], strides = [1]} : vector<16xf32> to vector<1xf32>
          %squeeze3A_368 = vector.extract %slice3A_367[0] : f32 from vector<1xf32>
          %broadcast_in_dim3A_369 = vector.broadcast %squeeze3A_368 : f32 to vector<16xf32>
          %add3A_370 = arith.constant 1.000000e+00 : f32
          %add3A_371 = vector.broadcast %add3A_370 : f32 to vector<16xf32>
          %add3A_372 = arith.addf %add3A_371, %exp3A_366 : vector<16xf32>
          %div3A_373 = arith.divf %broadcast_in_dim3A_369, %add3A_372 : vector<16xf32>
          %add3A_374 = arith.constant 2 : i32
          %add3A_375 = arith.addi %add3A_148, %add3A_374 : i32
          %broadcast_in_dim3A_376 = vector.broadcast %add3A_375 : i32 to vector<16xi32>
          tpu.vector_store_idx %arg14[%broadcast_in_dim3A_376], %div3A_373 masked %eq3A_5 : memref<3200xf32, #tpu.memory_space<vmem>>[vector<16xi32>], vector<16xf32>, vector<16xi1>
          %slice3A_377 = vector.extract_strided_slice %gather3A_151 {offsets = [2], sizes = [1], strides = [1]} : vector<16xi32> to vector<1xi32>
          %squeeze3A_378 = vector.extract %slice3A_377[0] : i32 from vector<1xi32>
          %swap3A_379 = arith.index_cast %squeeze3A_378 : i32 to index
          %swap3A_380 = arith.constant 0 : index
          %swap3A_381 = tpu.vector_load %arg15[%swap3A_379, %swap3A_380] {strides = array<i32>} : memref<512x128xf32, #tpu.memory_space<vmem>>, vector<16xf32>,
          tpu.vector_store %arg15[%swap3A_379, %swap3A_380], %div3A_373 {add = true, strides = array<i32>} : memref<512x128xf32, #tpu.memory_space<vmem>>, vector<16xf32>,
          %mul3A_382 = arith.constant 16 : i32
          %mul3A_383 = arith.muli %scan3A_142, %mul3A_382 : i32
          %add3A_384 = arith.constant 3 : i32
          %add3A_385 = arith.addi %mul3A_383, %add3A_384 : i32
          %mul3A_386 = arith.constant 128 : i32
          %mul3A_387 = arith.muli %add3A_385, %mul3A_386 : i32
          %add3A_388 = arith.constant 0 : i32
          %add3A_389 = arith.addi %mul3A_387, %add3A_388 : i32
          %get3A_390 = arith.index_cast %add3A_389 : i32 to index
          %get3A_391 = tpu.vector_load %arg11[%get3A_390] {strides = array<i32>} : memref<20480xf32, #tpu.memory_space<vmem>>, vector<16xf32>,
          %add3A_392 = arith.constant 16 : i32
          %add3A_393 = arith.addi %mul3A_387, %add3A_392 : i32
          %get3A_394 = arith.index_cast %add3A_393 : i32 to index
          %get3A_395 = tpu.vector_load %arg11[%get3A_394] {strides = array<i32>} : memref<20480xf32, #tpu.memory_space<vmem>>, vector<16xf32>,
          %add3A_396 = arith.constant 32 : i32
          %add3A_397 = arith.addi %mul3A_387, %add3A_396 : i32
          %get3A_398 = arith.index_cast %add3A_397 : i32 to index
          %get3A_399 = tpu.vector_load %arg11[%get3A_398] {strides = array<i32>} : memref<20480xf32, #tpu.memory_space<vmem>>, vector<16xf32>,
          %add3A_400 = arith.constant 48 : i32
          %add3A_401 = arith.addi %mul3A_387, %add3A_400 : i32
          %get3A_402 = arith.index_cast %add3A_401 : i32 to index
          %get3A_403 = tpu.vector_load %arg11[%get3A_402] {strides = array<i32>} : memref<20480xf32, #tpu.memory_space<vmem>>, vector<16xf32>,
          %add3A_404 = arith.constant 64 : i32
          %add3A_405 = arith.addi %mul3A_387, %add3A_404 : i32
          %get3A_406 = arith.index_cast %add3A_405 : i32 to index
          %get3A_407 = tpu.vector_load %arg11[%get3A_406] {strides = array<i32>} : memref<20480xf32, #tpu.memory_space<vmem>>, vector<16xf32>,
          %add3A_408 = arith.constant 80 : i32
          %add3A_409 = arith.addi %mul3A_387, %add3A_408 : i32
          %get3A_410 = arith.index_cast %add3A_409 : i32 to index
          %get3A_411 = tpu.vector_load %arg11[%get3A_410] {strides = array<i32>} : memref<20480xf32, #tpu.memory_space<vmem>>, vector<16xf32>,
          %add3A_412 = arith.constant 96 : i32
          %add3A_413 = arith.addi %mul3A_387, %add3A_412 : i32
          %get3A_414 = arith.index_cast %add3A_413 : i32 to index
          %get3A_415 = tpu.vector_load %arg11[%get3A_414] {strides = array<i32>} : memref<20480xf32, #tpu.memory_space<vmem>>, vector<16xf32>,
          %add3A_416 = arith.constant 112 : i32
          %add3A_417 = arith.addi %mul3A_387, %add3A_416 : i32
          %get3A_418 = arith.index_cast %add3A_417 : i32 to index
          %get3A_419 = tpu.vector_load %arg11[%get3A_418] {strides = array<i32>} : memref<20480xf32, #tpu.memory_space<vmem>>, vector<16xf32>,
          %mul3A_420 = arith.mulf %get3A_391, %get3A_40 : vector<16xf32>
          %mul3A_421 = arith.mulf %get3A_395, %get3A_44 : vector<16xf32>
          %add3A_422 = arith.addf %mul3A_420, %mul3A_421 : vector<16xf32>
          %mul3A_423 = arith.mulf %get3A_399, %get3A_48 : vector<16xf32>
          %mul3A_424 = arith.mulf %get3A_403, %get3A_52 : vector<16xf32>
          %add3A_425 = arith.addf %mul3A_423, %mul3A_424 : vector<16xf32>
          %mul3A_426 = arith.mulf %get3A_407, %get3A_56 : vector<16xf32>
          %mul3A_427 = arith.mulf %get3A_411, %get3A_60 : vector<16xf32>
          %add3A_428 = arith.addf %mul3A_426, %mul3A_427 : vector<16xf32>
          %mul3A_429 = arith.mulf %get3A_415, %get3A_64 : vector<16xf32>
          %mul3A_430 = arith.mulf %get3A_419, %get3A_68 : vector<16xf32>
          %add3A_431 = arith.addf %mul3A_429, %mul3A_430 : vector<16xf32>
          %add3A_432 = arith.addf %add3A_422, %add3A_425 : vector<16xf32>
          %add3A_433 = arith.addf %add3A_428, %add3A_431 : vector<16xf32>
          %add3A_434 = arith.addf %add3A_432, %add3A_433 : vector<16xf32>
          %reduce_sum3A_435 = arith.constant true
          %reduce_sum3A_436 = vector.broadcast %reduce_sum3A_435 : i1 to vector<16xi1>
          %reduce_sum3A_437 = tpu.scan <sum>, %add3A_434 masked %reduce_sum3A_436 : vector<16xf32>, vector<16xi1> -> vector<16xf32>
          %reduce_sum3A_438 = vector.extract %reduce_sum3A_437[15] : f32 from vector<16xf32>
          %broadcast_in_dim3A_439 = vector.broadcast %reduce_sum3A_438 : f32 to vector<16xf32>
          %add3A_440 = arith.addf %broadcast_in_dim3A_439, %get3A_70 : vector<16xf32>
          %neg3A_441 = arith.constant 0.000000e+00 : f32
          %neg3A_442 = vector.broadcast %neg3A_441 : f32 to vector<16xf32>
          %neg3A_443 = arith.subf %neg3A_442, %add3A_440 : vector<16xf32>
          %exp3A_444 = math.exp %neg3A_443 : vector<16xf32>
          %slice3A_445 = vector.extract_strided_slice %gather3A_152 {offsets = [3], sizes = [1], strides = [1]} : vector<16xf32> to vector<1xf32>
          %squeeze3A_446 = vector.extract %slice3A_445[0] : f32 from vector<1xf32>
          %broadcast_in_dim3A_447 = vector.broadcast %squeeze3A_446 : f32 to vector<16xf32>
          %add3A_448 = arith.constant 1.000000e+00 : f32
          %add3A_449 = vector.broadcast %add3A_448 : f32 to vector<16xf32>
          %add3A_450 = arith.addf %add3A_449, %exp3A_444 : vector<16xf32>
          %div3A_451 = arith.divf %broadcast_in_dim3A_447, %add3A_450 : vector<16xf32>
          %add3A_452 = arith.constant 3 : i32
          %add3A_453 = arith.addi %add3A_148, %add3A_452 : i32
          %broadcast_in_dim3A_454 = vector.broadcast %add3A_453 : i32 to vector<16xi32>
          tpu.vector_store_idx %arg14[%broadcast_in_dim3A_454], %div3A_451 masked %eq3A_5 : memref<3200xf32, #tpu.memory_space<vmem>>[vector<16xi32>], vector<16xf32>, vector<16xi1>
          %slice3A_455 = vector.extract_strided_slice %gather3A_151 {offsets = [3], sizes = [1], strides = [1]} : vector<16xi32> to vector<1xi32>
          %squeeze3A_456 = vector.extract %slice3A_455[0] : i32 from vector<1xi32>
          %swap3A_457 = arith.index_cast %squeeze3A_456 : i32 to index
          %swap3A_458 = arith.constant 0 : index
          %swap3A_459 = tpu.vector_load %arg15[%swap3A_457, %swap3A_458] {strides = array<i32>} : memref<512x128xf32, #tpu.memory_space<vmem>>, vector<16xf32>,
          tpu.vector_store %arg15[%swap3A_457, %swap3A_458], %div3A_451 {add = true, strides = array<i32>} : memref<512x128xf32, #tpu.memory_space<vmem>>, vector<16xf32>,
          %mul3A_460 = arith.constant 16 : i32
          %mul3A_461 = arith.muli %scan3A_142, %mul3A_460 : i32
          %add3A_462 = arith.constant 4 : i32
          %add3A_463 = arith.addi %mul3A_461, %add3A_462 : i32
          %mul3A_464 = arith.constant 128 : i32
          %mul3A_465 = arith.muli %add3A_463, %mul3A_464 : i32
          %add3A_466 = arith.constant 0 : i32
          %add3A_467 = arith.addi %mul3A_465, %add3A_466 : i32
          %get3A_468 = arith.index_cast %add3A_467 : i32 to index
          %get3A_469 = tpu.vector_load %arg11[%get3A_468] {strides = array<i32>} : memref<20480xf32, #tpu.memory_space<vmem>>, vector<16xf32>,
          %add3A_470 = arith.constant 16 : i32
          %add3A_471 = arith.addi %mul3A_465, %add3A_470 : i32
          %get3A_472 = arith.index_cast %add3A_471 : i32 to index
          %get3A_473 = tpu.vector_load %arg11[%get3A_472] {strides = array<i32>} : memref<20480xf32, #tpu.memory_space<vmem>>, vector<16xf32>,
          %add3A_474 = arith.constant 32 : i32
          %add3A_475 = arith.addi %mul3A_465, %add3A_474 : i32
          %get3A_476 = arith.index_cast %add3A_475 : i32 to index
          %get3A_477 = tpu.vector_load %arg11[%get3A_476] {strides = array<i32>} : memref<20480xf32, #tpu.memory_space<vmem>>, vector<16xf32>,
          %add3A_478 = arith.constant 48 : i32
          %add3A_479 = arith.addi %mul3A_465, %add3A_478 : i32
          %get3A_480 = arith.index_cast %add3A_479 : i32 to index
          %get3A_481 = tpu.vector_load %arg11[%get3A_480] {strides = array<i32>} : memref<20480xf32, #tpu.memory_space<vmem>>, vector<16xf32>,
          %add3A_482 = arith.constant 64 : i32
          %add3A_483 = arith.addi %mul3A_465, %add3A_482 : i32
          %get3A_484 = arith.index_cast %add3A_483 : i32 to index
          %get3A_485 = tpu.vector_load %arg11[%get3A_484] {strides = array<i32>} : memref<20480xf32, #tpu.memory_space<vmem>>, vector<16xf32>,
          %add3A_486 = arith.constant 80 : i32
          %add3A_487 = arith.addi %mul3A_465, %add3A_486 : i32
          %get3A_488 = arith.index_cast %add3A_487 : i32 to index
          %get3A_489 = tpu.vector_load %arg11[%get3A_488] {strides = array<i32>} : memref<20480xf32, #tpu.memory_space<vmem>>, vector<16xf32>,
          %add3A_490 = arith.constant 96 : i32
          %add3A_491 = arith.addi %mul3A_465, %add3A_490 : i32
          %get3A_492 = arith.index_cast %add3A_491 : i32 to index
          %get3A_493 = tpu.vector_load %arg11[%get3A_492] {strides = array<i32>} : memref<20480xf32, #tpu.memory_space<vmem>>, vector<16xf32>,
          %add3A_494 = arith.constant 112 : i32
          %add3A_495 = arith.addi %mul3A_465, %add3A_494 : i32
          %get3A_496 = arith.index_cast %add3A_495 : i32 to index
          %get3A_497 = tpu.vector_load %arg11[%get3A_496] {strides = array<i32>} : memref<20480xf32, #tpu.memory_space<vmem>>, vector<16xf32>,
          %mul3A_498 = arith.mulf %get3A_469, %get3A_40 : vector<16xf32>
          %mul3A_499 = arith.mulf %get3A_473, %get3A_44 : vector<16xf32>
          %add3A_500 = arith.addf %mul3A_498, %mul3A_499 : vector<16xf32>
          %mul3A_501 = arith.mulf %get3A_477, %get3A_48 : vector<16xf32>
          %mul3A_502 = arith.mulf %get3A_481, %get3A_52 : vector<16xf32>
          %add3A_503 = arith.addf %mul3A_501, %mul3A_502 : vector<16xf32>
          %mul3A_504 = arith.mulf %get3A_485, %get3A_56 : vector<16xf32>
          %mul3A_505 = arith.mulf %get3A_489, %get3A_60 : vector<16xf32>
          %add3A_506 = arith.addf %mul3A_504, %mul3A_505 : vector<16xf32>
          %mul3A_507 = arith.mulf %get3A_493, %get3A_64 : vector<16xf32>
          %mul3A_508 = arith.mulf %get3A_497, %get3A_68 : vector<16xf32>
          %add3A_509 = arith.addf %mul3A_507, %mul3A_508 : vector<16xf32>
          %add3A_510 = arith.addf %add3A_500, %add3A_503 : vector<16xf32>
          %add3A_511 = arith.addf %add3A_506, %add3A_509 : vector<16xf32>
          %add3A_512 = arith.addf %add3A_510, %add3A_511 : vector<16xf32>
          %reduce_sum3A_513 = arith.constant true
          %reduce_sum3A_514 = vector.broadcast %reduce_sum3A_513 : i1 to vector<16xi1>
          %reduce_sum3A_515 = tpu.scan <sum>, %add3A_512 masked %reduce_sum3A_514 : vector<16xf32>, vector<16xi1> -> vector<16xf32>
          %reduce_sum3A_516 = vector.extract %reduce_sum3A_515[15] : f32 from vector<16xf32>
          %broadcast_in_dim3A_517 = vector.broadcast %reduce_sum3A_516 : f32 to vector<16xf32>
          %add3A_518 = arith.addf %broadcast_in_dim3A_517, %get3A_70 : vector<16xf32>
          %neg3A_519 = arith.constant 0.000000e+00 : f32
          %neg3A_520 = vector.broadcast %neg3A_519 : f32 to vector<16xf32>
          %neg3A_521 = arith.subf %neg3A_520, %add3A_518 : vector<16xf32>
          %exp3A_522 = math.exp %neg3A_521 : vector<16xf32>
          %slice3A_523 = vector.extract_strided_slice %gather3A_152 {offsets = [4], sizes = [1], strides = [1]} : vector<16xf32> to vector<1xf32>
          %squeeze3A_524 = vector.extract %slice3A_523[0] : f32 from vector<1xf32>
          %broadcast_in_dim3A_525 = vector.broadcast %squeeze3A_524 : f32 to vector<16xf32>
          %add3A_526 = arith.constant 1.000000e+00 : f32
          %add3A_527 = vector.broadcast %add3A_526 : f32 to vector<16xf32>
          %add3A_528 = arith.addf %add3A_527, %exp3A_522 : vector<16xf32>
          %div3A_529 = arith.divf %broadcast_in_dim3A_525, %add3A_528 : vector<16xf32>
          %add3A_530 = arith.constant 4 : i32
          %add3A_531 = arith.addi %add3A_148, %add3A_530 : i32
          %broadcast_in_dim3A_532 = vector.broadcast %add3A_531 : i32 to vector<16xi32>
          tpu.vector_store_idx %arg14[%broadcast_in_dim3A_532], %div3A_529 masked %eq3A_5 : memref<3200xf32, #tpu.memory_space<vmem>>[vector<16xi32>], vector<16xf32>, vector<16xi1>
          %slice3A_533 = vector.extract_strided_slice %gather3A_151 {offsets = [4], sizes = [1], strides = [1]} : vector<16xi32> to vector<1xi32>
          %squeeze3A_534 = vector.extract %slice3A_533[0] : i32 from vector<1xi32>
          %swap3A_535 = arith.index_cast %squeeze3A_534 : i32 to index
          %swap3A_536 = arith.constant 0 : index
          %swap3A_537 = tpu.vector_load %arg15[%swap3A_535, %swap3A_536] {strides = array<i32>} : memref<512x128xf32, #tpu.memory_space<vmem>>, vector<16xf32>,
          tpu.vector_store %arg15[%swap3A_535, %swap3A_536], %div3A_529 {add = true, strides = array<i32>} : memref<512x128xf32, #tpu.memory_space<vmem>>, vector<16xf32>,
          %mul3A_538 = arith.constant 16 : i32
          %mul3A_539 = arith.muli %scan3A_142, %mul3A_538 : i32
          %add3A_540 = arith.constant 5 : i32
          %add3A_541 = arith.addi %mul3A_539, %add3A_540 : i32
          %mul3A_542 = arith.constant 128 : i32
          %mul3A_543 = arith.muli %add3A_541, %mul3A_542 : i32
          %add3A_544 = arith.constant 0 : i32
          %add3A_545 = arith.addi %mul3A_543, %add3A_544 : i32
          %get3A_546 = arith.index_cast %add3A_545 : i32 to index
          %get3A_547 = tpu.vector_load %arg11[%get3A_546] {strides = array<i32>} : memref<20480xf32, #tpu.memory_space<vmem>>, vector<16xf32>,
          %add3A_548 = arith.constant 16 : i32
          %add3A_549 = arith.addi %mul3A_543, %add3A_548 : i32
          %get3A_550 = arith.index_cast %add3A_549 : i32 to index
          %get3A_551 = tpu.vector_load %arg11[%get3A_550] {strides = array<i32>} : memref<20480xf32, #tpu.memory_space<vmem>>, vector<16xf32>,
          %add3A_552 = arith.constant 32 : i32
          %add3A_553 = arith.addi %mul3A_543, %add3A_552 : i32
          %get3A_554 = arith.index_cast %add3A_553 : i32 to index
          %get3A_555 = tpu.vector_load %arg11[%get3A_554] {strides = array<i32>} : memref<20480xf32, #tpu.memory_space<vmem>>, vector<16xf32>,
          %add3A_556 = arith.constant 48 : i32
          %add3A_557 = arith.addi %mul3A_543, %add3A_556 : i32
          %get3A_558 = arith.index_cast %add3A_557 : i32 to index
          %get3A_559 = tpu.vector_load %arg11[%get3A_558] {strides = array<i32>} : memref<20480xf32, #tpu.memory_space<vmem>>, vector<16xf32>,
          %add3A_560 = arith.constant 64 : i32
          %add3A_561 = arith.addi %mul3A_543, %add3A_560 : i32
          %get3A_562 = arith.index_cast %add3A_561 : i32 to index
          %get3A_563 = tpu.vector_load %arg11[%get3A_562] {strides = array<i32>} : memref<20480xf32, #tpu.memory_space<vmem>>, vector<16xf32>,
          %add3A_564 = arith.constant 80 : i32
          %add3A_565 = arith.addi %mul3A_543, %add3A_564 : i32
          %get3A_566 = arith.index_cast %add3A_565 : i32 to index
          %get3A_567 = tpu.vector_load %arg11[%get3A_566] {strides = array<i32>} : memref<20480xf32, #tpu.memory_space<vmem>>, vector<16xf32>,
          %add3A_568 = arith.constant 96 : i32
          %add3A_569 = arith.addi %mul3A_543, %add3A_568 : i32
          %get3A_570 = arith.index_cast %add3A_569 : i32 to index
          %get3A_571 = tpu.vector_load %arg11[%get3A_570] {strides = array<i32>} : memref<20480xf32, #tpu.memory_space<vmem>>, vector<16xf32>,
          %add3A_572 = arith.constant 112 : i32
          %add3A_573 = arith.addi %mul3A_543, %add3A_572 : i32
          %get3A_574 = arith.index_cast %add3A_573 : i32 to index
          %get3A_575 = tpu.vector_load %arg11[%get3A_574] {strides = array<i32>} : memref<20480xf32, #tpu.memory_space<vmem>>, vector<16xf32>,
          %mul3A_576 = arith.mulf %get3A_547, %get3A_40 : vector<16xf32>
          %mul3A_577 = arith.mulf %get3A_551, %get3A_44 : vector<16xf32>
          %add3A_578 = arith.addf %mul3A_576, %mul3A_577 : vector<16xf32>
          %mul3A_579 = arith.mulf %get3A_555, %get3A_48 : vector<16xf32>
          %mul3A_580 = arith.mulf %get3A_559, %get3A_52 : vector<16xf32>
          %add3A_581 = arith.addf %mul3A_579, %mul3A_580 : vector<16xf32>
          %mul3A_582 = arith.mulf %get3A_563, %get3A_56 : vector<16xf32>
          %mul3A_583 = arith.mulf %get3A_567, %get3A_60 : vector<16xf32>
          %add3A_584 = arith.addf %mul3A_582, %mul3A_583 : vector<16xf32>
          %mul3A_585 = arith.mulf %get3A_571, %get3A_64 : vector<16xf32>
          %mul3A_586 = arith.mulf %get3A_575, %get3A_68 : vector<16xf32>
          %add3A_587 = arith.addf %mul3A_585, %mul3A_586 : vector<16xf32>
          %add3A_588 = arith.addf %add3A_578, %add3A_581 : vector<16xf32>
          %add3A_589 = arith.addf %add3A_584, %add3A_587 : vector<16xf32>
          %add3A_590 = arith.addf %add3A_588, %add3A_589 : vector<16xf32>
          %reduce_sum3A_591 = arith.constant true
          %reduce_sum3A_592 = vector.broadcast %reduce_sum3A_591 : i1 to vector<16xi1>
          %reduce_sum3A_593 = tpu.scan <sum>, %add3A_590 masked %reduce_sum3A_592 : vector<16xf32>, vector<16xi1> -> vector<16xf32>
          %reduce_sum3A_594 = vector.extract %reduce_sum3A_593[15] : f32 from vector<16xf32>
          %broadcast_in_dim3A_595 = vector.broadcast %reduce_sum3A_594 : f32 to vector<16xf32>
          %add3A_596 = arith.addf %broadcast_in_dim3A_595, %get3A_70 : vector<16xf32>
          %neg3A_597 = arith.constant 0.000000e+00 : f32
          %neg3A_598 = vector.broadcast %neg3A_597 : f32 to vector<16xf32>
          %neg3A_599 = arith.subf %neg3A_598, %add3A_596 : vector<16xf32>
          %exp3A_600 = math.exp %neg3A_599 : vector<16xf32>
          %slice3A_601 = vector.extract_strided_slice %gather3A_152 {offsets = [5], sizes = [1], strides = [1]} : vector<16xf32> to vector<1xf32>
          %squeeze3A_602 = vector.extract %slice3A_601[0] : f32 from vector<1xf32>
          %broadcast_in_dim3A_603 = vector.broadcast %squeeze3A_602 : f32 to vector<16xf32>
          %add3A_604 = arith.constant 1.000000e+00 : f32
          %add3A_605 = vector.broadcast %add3A_604 : f32 to vector<16xf32>
          %add3A_606 = arith.addf %add3A_605, %exp3A_600 : vector<16xf32>
          %div3A_607 = arith.divf %broadcast_in_dim3A_603, %add3A_606 : vector<16xf32>
          %add3A_608 = arith.constant 5 : i32
          %add3A_609 = arith.addi %add3A_148, %add3A_608 : i32
          %broadcast_in_dim3A_610 = vector.broadcast %add3A_609 : i32 to vector<16xi32>
          tpu.vector_store_idx %arg14[%broadcast_in_dim3A_610], %div3A_607 masked %eq3A_5 : memref<3200xf32, #tpu.memory_space<vmem>>[vector<16xi32>], vector<16xf32>, vector<16xi1>
          %slice3A_611 = vector.extract_strided_slice %gather3A_151 {offsets = [5], sizes = [1], strides = [1]} : vector<16xi32> to vector<1xi32>
          %squeeze3A_612 = vector.extract %slice3A_611[0] : i32 from vector<1xi32>
          %swap3A_613 = arith.index_cast %squeeze3A_612 : i32 to index
          %swap3A_614 = arith.constant 0 : index
          %swap3A_615 = tpu.vector_load %arg15[%swap3A_613, %swap3A_614] {strides = array<i32>} : memref<512x128xf32, #tpu.memory_space<vmem>>, vector<16xf32>,
          tpu.vector_store %arg15[%swap3A_613, %swap3A_614], %div3A_607 {add = true, strides = array<i32>} : memref<512x128xf32, #tpu.memory_space<vmem>>, vector<16xf32>,
          %mul3A_616 = arith.constant 16 : i32
          %mul3A_617 = arith.muli %scan3A_142, %mul3A_616 : i32
          %add3A_618 = arith.constant 6 : i32
          %add3A_619 = arith.addi %mul3A_617, %add3A_618 : i32
          %mul3A_620 = arith.constant 128 : i32
          %mul3A_621 = arith.muli %add3A_619, %mul3A_620 : i32
          %add3A_622 = arith.constant 0 : i32
          %add3A_623 = arith.addi %mul3A_621, %add3A_622 : i32
          %get3A_624 = arith.index_cast %add3A_623 : i32 to index
          %get3A_625 = tpu.vector_load %arg11[%get3A_624] {strides = array<i32>} : memref<20480xf32, #tpu.memory_space<vmem>>, vector<16xf32>,
          %add3A_626 = arith.constant 16 : i32
          %add3A_627 = arith.addi %mul3A_621, %add3A_626 : i32
          %get3A_628 = arith.index_cast %add3A_627 : i32 to index
          %get3A_629 = tpu.vector_load %arg11[%get3A_628] {strides = array<i32>} : memref<20480xf32, #tpu.memory_space<vmem>>, vector<16xf32>,
          %add3A_630 = arith.constant 32 : i32
          %add3A_631 = arith.addi %mul3A_621, %add3A_630 : i32
          %get3A_632 = arith.index_cast %add3A_631 : i32 to index
          %get3A_633 = tpu.vector_load %arg11[%get3A_632] {strides = array<i32>} : memref<20480xf32, #tpu.memory_space<vmem>>, vector<16xf32>,
          %add3A_634 = arith.constant 48 : i32
          %add3A_635 = arith.addi %mul3A_621, %add3A_634 : i32
          %get3A_636 = arith.index_cast %add3A_635 : i32 to index
          %get3A_637 = tpu.vector_load %arg11[%get3A_636] {strides = array<i32>} : memref<20480xf32, #tpu.memory_space<vmem>>, vector<16xf32>,
          %add3A_638 = arith.constant 64 : i32
          %add3A_639 = arith.addi %mul3A_621, %add3A_638 : i32
          %get3A_640 = arith.index_cast %add3A_639 : i32 to index
          %get3A_641 = tpu.vector_load %arg11[%get3A_640] {strides = array<i32>} : memref<20480xf32, #tpu.memory_space<vmem>>, vector<16xf32>,
          %add3A_642 = arith.constant 80 : i32
          %add3A_643 = arith.addi %mul3A_621, %add3A_642 : i32
          %get3A_644 = arith.index_cast %add3A_643 : i32 to index
          %get3A_645 = tpu.vector_load %arg11[%get3A_644] {strides = array<i32>} : memref<20480xf32, #tpu.memory_space<vmem>>, vector<16xf32>,
          %add3A_646 = arith.constant 96 : i32
          %add3A_647 = arith.addi %mul3A_621, %add3A_646 : i32
          %get3A_648 = arith.index_cast %add3A_647 : i32 to index
          %get3A_649 = tpu.vector_load %arg11[%get3A_648] {strides = array<i32>} : memref<20480xf32, #tpu.memory_space<vmem>>, vector<16xf32>,
          %add3A_650 = arith.constant 112 : i32
          %add3A_651 = arith.addi %mul3A_621, %add3A_650 : i32
          %get3A_652 = arith.index_cast %add3A_651 : i32 to index
          %get3A_653 = tpu.vector_load %arg11[%get3A_652] {strides = array<i32>} : memref<20480xf32, #tpu.memory_space<vmem>>, vector<16xf32>,
          %mul3A_654 = arith.mulf %get3A_625, %get3A_40 : vector<16xf32>
          %mul3A_655 = arith.mulf %get3A_629, %get3A_44 : vector<16xf32>
          %add3A_656 = arith.addf %mul3A_654, %mul3A_655 : vector<16xf32>
          %mul3A_657 = arith.mulf %get3A_633, %get3A_48 : vector<16xf32>
          %mul3A_658 = arith.mulf %get3A_637, %get3A_52 : vector<16xf32>
          %add3A_659 = arith.addf %mul3A_657, %mul3A_658 : vector<16xf32>
          %mul3A_660 = arith.mulf %get3A_641, %get3A_56 : vector<16xf32>
          %mul3A_661 = arith.mulf %get3A_645, %get3A_60 : vector<16xf32>
          %add3A_662 = arith.addf %mul3A_660, %mul3A_661 : vector<16xf32>
          %mul3A_663 = arith.mulf %get3A_649, %get3A_64 : vector<16xf32>
          %mul3A_664 = arith.mulf %get3A_653, %get3A_68 : vector<16xf32>
          %add3A_665 = arith.addf %mul3A_663, %mul3A_664 : vector<16xf32>
          %add3A_666 = arith.addf %add3A_656, %add3A_659 : vector<16xf32>
          %add3A_667 = arith.addf %add3A_662, %add3A_665 : vector<16xf32>
          %add3A_668 = arith.addf %add3A_666, %add3A_667 : vector<16xf32>
          %reduce_sum3A_669 = arith.constant true
          %reduce_sum3A_670 = vector.broadcast %reduce_sum3A_669 : i1 to vector<16xi1>
          %reduce_sum3A_671 = tpu.scan <sum>, %add3A_668 masked %reduce_sum3A_670 : vector<16xf32>, vector<16xi1> -> vector<16xf32>
          %reduce_sum3A_672 = vector.extract %reduce_sum3A_671[15] : f32 from vector<16xf32>
          %broadcast_in_dim3A_673 = vector.broadcast %reduce_sum3A_672 : f32 to vector<16xf32>
          %add3A_674 = arith.addf %broadcast_in_dim3A_673, %get3A_70 : vector<16xf32>
          %neg3A_675 = arith.constant 0.000000e+00 : f32
          %neg3A_676 = vector.broadcast %neg3A_675 : f32 to vector<16xf32>
          %neg3A_677 = arith.subf %neg3A_676, %add3A_674 : vector<16xf32>
          %exp3A_678 = math.exp %neg3A_677 : vector<16xf32>
          %slice3A_679 = vector.extract_strided_slice %gather3A_152 {offsets = [6], sizes = [1], strides = [1]} : vector<16xf32> to vector<1xf32>
          %squeeze3A_680 = vector.extract %slice3A_679[0] : f32 from vector<1xf32>
          %broadcast_in_dim3A_681 = vector.broadcast %squeeze3A_680 : f32 to vector<16xf32>
          %add3A_682 = arith.constant 1.000000e+00 : f32
          %add3A_683 = vector.broadcast %add3A_682 : f32 to vector<16xf32>
          %add3A_684 = arith.addf %add3A_683, %exp3A_678 : vector<16xf32>
          %div3A_685 = arith.divf %broadcast_in_dim3A_681, %add3A_684 : vector<16xf32>
          %add3A_686 = arith.constant 6 : i32
          %add3A_687 = arith.addi %add3A_148, %add3A_686 : i32
          %broadcast_in_dim3A_688 = vector.broadcast %add3A_687 : i32 to vector<16xi32>
          tpu.vector_store_idx %arg14[%broadcast_in_dim3A_688], %div3A_685 masked %eq3A_5 : memref<3200xf32, #tpu.memory_space<vmem>>[vector<16xi32>], vector<16xf32>, vector<16xi1>
          %slice3A_689 = vector.extract_strided_slice %gather3A_151 {offsets = [6], sizes = [1], strides = [1]} : vector<16xi32> to vector<1xi32>
          %squeeze3A_690 = vector.extract %slice3A_689[0] : i32 from vector<1xi32>
          %swap3A_691 = arith.index_cast %squeeze3A_690 : i32 to index
          %swap3A_692 = arith.constant 0 : index
          %swap3A_693 = tpu.vector_load %arg15[%swap3A_691, %swap3A_692] {strides = array<i32>} : memref<512x128xf32, #tpu.memory_space<vmem>>, vector<16xf32>,
          tpu.vector_store %arg15[%swap3A_691, %swap3A_692], %div3A_685 {add = true, strides = array<i32>} : memref<512x128xf32, #tpu.memory_space<vmem>>, vector<16xf32>,
          %mul3A_694 = arith.constant 16 : i32
          %mul3A_695 = arith.muli %scan3A_142, %mul3A_694 : i32
          %add3A_696 = arith.constant 7 : i32
          %add3A_697 = arith.addi %mul3A_695, %add3A_696 : i32
          %mul3A_698 = arith.constant 128 : i32
          %mul3A_699 = arith.muli %add3A_697, %mul3A_698 : i32
          %add3A_700 = arith.constant 0 : i32
          %add3A_701 = arith.addi %mul3A_699, %add3A_700 : i32
          %get3A_702 = arith.index_cast %add3A_701 : i32 to index
          %get3A_703 = tpu.vector_load %arg11[%get3A_702] {strides = array<i32>} : memref<20480xf32, #tpu.memory_space<vmem>>, vector<16xf32>,
          %add3A_704 = arith.constant 16 : i32
          %add3A_705 = arith.addi %mul3A_699, %add3A_704 : i32
          %get3A_706 = arith.index_cast %add3A_705 : i32 to index
          %get3A_707 = tpu.vector_load %arg11[%get3A_706] {strides = array<i32>} : memref<20480xf32, #tpu.memory_space<vmem>>, vector<16xf32>,
          %add3A_708 = arith.constant 32 : i32
          %add3A_709 = arith.addi %mul3A_699, %add3A_708 : i32
          %get3A_710 = arith.index_cast %add3A_709 : i32 to index
          %get3A_711 = tpu.vector_load %arg11[%get3A_710] {strides = array<i32>} : memref<20480xf32, #tpu.memory_space<vmem>>, vector<16xf32>,
          %add3A_712 = arith.constant 48 : i32
          %add3A_713 = arith.addi %mul3A_699, %add3A_712 : i32
          %get3A_714 = arith.index_cast %add3A_713 : i32 to index
          %get3A_715 = tpu.vector_load %arg11[%get3A_714] {strides = array<i32>} : memref<20480xf32, #tpu.memory_space<vmem>>, vector<16xf32>,
          %add3A_716 = arith.constant 64 : i32
          %add3A_717 = arith.addi %mul3A_699, %add3A_716 : i32
          %get3A_718 = arith.index_cast %add3A_717 : i32 to index
          %get3A_719 = tpu.vector_load %arg11[%get3A_718] {strides = array<i32>} : memref<20480xf32, #tpu.memory_space<vmem>>, vector<16xf32>,
          %add3A_720 = arith.constant 80 : i32
          %add3A_721 = arith.addi %mul3A_699, %add3A_720 : i32
          %get3A_722 = arith.index_cast %add3A_721 : i32 to index
          %get3A_723 = tpu.vector_load %arg11[%get3A_722] {strides = array<i32>} : memref<20480xf32, #tpu.memory_space<vmem>>, vector<16xf32>,
          %add3A_724 = arith.constant 96 : i32
          %add3A_725 = arith.addi %mul3A_699, %add3A_724 : i32
          %get3A_726 = arith.index_cast %add3A_725 : i32 to index
          %get3A_727 = tpu.vector_load %arg11[%get3A_726] {strides = array<i32>} : memref<20480xf32, #tpu.memory_space<vmem>>, vector<16xf32>,
          %add3A_728 = arith.constant 112 : i32
          %add3A_729 = arith.addi %mul3A_699, %add3A_728 : i32
          %get3A_730 = arith.index_cast %add3A_729 : i32 to index
          %get3A_731 = tpu.vector_load %arg11[%get3A_730] {strides = array<i32>} : memref<20480xf32, #tpu.memory_space<vmem>>, vector<16xf32>,
          %mul3A_732 = arith.mulf %get3A_703, %get3A_40 : vector<16xf32>
          %mul3A_733 = arith.mulf %get3A_707, %get3A_44 : vector<16xf32>
          %add3A_734 = arith.addf %mul3A_732, %mul3A_733 : vector<16xf32>
          %mul3A_735 = arith.mulf %get3A_711, %get3A_48 : vector<16xf32>
          %mul3A_736 = arith.mulf %get3A_715, %get3A_52 : vector<16xf32>
          %add3A_737 = arith.addf %mul3A_735, %mul3A_736 : vector<16xf32>
          %mul3A_738 = arith.mulf %get3A_719, %get3A_56 : vector<16xf32>
          %mul3A_739 = arith.mulf %get3A_723, %get3A_60 : vector<16xf32>
          %add3A_740 = arith.addf %mul3A_738, %mul3A_739 : vector<16xf32>
          %mul3A_741 = arith.mulf %get3A_727, %get3A_64 : vector<16xf32>
          %mul3A_742 = arith.mulf %get3A_731, %get3A_68 : vector<16xf32>
          %add3A_743 = arith.addf %mul3A_741, %mul3A_742 : vector<16xf32>
          %add3A_744 = arith.addf %add3A_734, %add3A_737 : vector<16xf32>
          %add3A_745 = arith.addf %add3A_740, %add3A_743 : vector<16xf32>
          %add3A_746 = arith.addf %add3A_744, %add3A_745 : vector<16xf32>
          %reduce_sum3A_747 = arith.constant true
          %reduce_sum3A_748 = vector.broadcast %reduce_sum3A_747 : i1 to vector<16xi1>
          %reduce_sum3A_749 = tpu.scan <sum>, %add3A_746 masked %reduce_sum3A_748 : vector<16xf32>, vector<16xi1> -> vector<16xf32>
          %reduce_sum3A_750 = vector.extract %reduce_sum3A_749[15] : f32 from vector<16xf32>
          %broadcast_in_dim3A_751 = vector.broadcast %reduce_sum3A_750 : f32 to vector<16xf32>
          %add3A_752 = arith.addf %broadcast_in_dim3A_751, %get3A_70 : vector<16xf32>
          %neg3A_753 = arith.constant 0.000000e+00 : f32
          %neg3A_754 = vector.broadcast %neg3A_753 : f32 to vector<16xf32>
          %neg3A_755 = arith.subf %neg3A_754, %add3A_752 : vector<16xf32>
          %exp3A_756 = math.exp %neg3A_755 : vector<16xf32>
          %slice3A_757 = vector.extract_strided_slice %gather3A_152 {offsets = [7], sizes = [1], strides = [1]} : vector<16xf32> to vector<1xf32>
          %squeeze3A_758 = vector.extract %slice3A_757[0] : f32 from vector<1xf32>
          %broadcast_in_dim3A_759 = vector.broadcast %squeeze3A_758 : f32 to vector<16xf32>
          %add3A_760 = arith.constant 1.000000e+00 : f32
          %add3A_761 = vector.broadcast %add3A_760 : f32 to vector<16xf32>
          %add3A_762 = arith.addf %add3A_761, %exp3A_756 : vector<16xf32>
          %div3A_763 = arith.divf %broadcast_in_dim3A_759, %add3A_762 : vector<16xf32>
          %add3A_764 = arith.constant 7 : i32
          %add3A_765 = arith.addi %add3A_148, %add3A_764 : i32
          %broadcast_in_dim3A_766 = vector.broadcast %add3A_765 : i32 to vector<16xi32>
          tpu.vector_store_idx %arg14[%broadcast_in_dim3A_766], %div3A_763 masked %eq3A_5 : memref<3200xf32, #tpu.memory_space<vmem>>[vector<16xi32>], vector<16xf32>, vector<16xi1>
          %slice3A_767 = vector.extract_strided_slice %gather3A_151 {offsets = [7], sizes = [1], strides = [1]} : vector<16xi32> to vector<1xi32>
          %squeeze3A_768 = vector.extract %slice3A_767[0] : i32 from vector<1xi32>
          %swap3A_769 = arith.index_cast %squeeze3A_768 : i32 to index
          %swap3A_770 = arith.constant 0 : index
          %swap3A_771 = tpu.vector_load %arg15[%swap3A_769, %swap3A_770] {strides = array<i32>} : memref<512x128xf32, #tpu.memory_space<vmem>>, vector<16xf32>,
          tpu.vector_store %arg15[%swap3A_769, %swap3A_770], %div3A_763 {add = true, strides = array<i32>} : memref<512x128xf32, #tpu.memory_space<vmem>>, vector<16xf32>,
          %mul3A_772 = arith.constant 16 : i32
          %mul3A_773 = arith.muli %scan3A_142, %mul3A_772 : i32
          %add3A_774 = arith.constant 8 : i32
          %add3A_775 = arith.addi %mul3A_773, %add3A_774 : i32
          %mul3A_776 = arith.constant 128 : i32
          %mul3A_777 = arith.muli %add3A_775, %mul3A_776 : i32
          %add3A_778 = arith.constant 0 : i32
          %add3A_779 = arith.addi %mul3A_777, %add3A_778 : i32
          %get3A_780 = arith.index_cast %add3A_779 : i32 to index
          %get3A_781 = tpu.vector_load %arg11[%get3A_780] {strides = array<i32>} : memref<20480xf32, #tpu.memory_space<vmem>>, vector<16xf32>,
          %add3A_782 = arith.constant 16 : i32
          %add3A_783 = arith.addi %mul3A_777, %add3A_782 : i32
          %get3A_784 = arith.index_cast %add3A_783 : i32 to index
          %get3A_785 = tpu.vector_load %arg11[%get3A_784] {strides = array<i32>} : memref<20480xf32, #tpu.memory_space<vmem>>, vector<16xf32>,
          %add3A_786 = arith.constant 32 : i32
          %add3A_787 = arith.addi %mul3A_777, %add3A_786 : i32
          %get3A_788 = arith.index_cast %add3A_787 : i32 to index
          %get3A_789 = tpu.vector_load %arg11[%get3A_788] {strides = array<i32>} : memref<20480xf32, #tpu.memory_space<vmem>>, vector<16xf32>,
          %add3A_790 = arith.constant 48 : i32
          %add3A_791 = arith.addi %mul3A_777, %add3A_790 : i32
          %get3A_792 = arith.index_cast %add3A_791 : i32 to index
          %get3A_793 = tpu.vector_load %arg11[%get3A_792] {strides = array<i32>} : memref<20480xf32, #tpu.memory_space<vmem>>, vector<16xf32>,
          %add3A_794 = arith.constant 64 : i32
          %add3A_795 = arith.addi %mul3A_777, %add3A_794 : i32
          %get3A_796 = arith.index_cast %add3A_795 : i32 to index
          %get3A_797 = tpu.vector_load %arg11[%get3A_796] {strides = array<i32>} : memref<20480xf32, #tpu.memory_space<vmem>>, vector<16xf32>,
          %add3A_798 = arith.constant 80 : i32
          %add3A_799 = arith.addi %mul3A_777, %add3A_798 : i32
          %get3A_800 = arith.index_cast %add3A_799 : i32 to index
          %get3A_801 = tpu.vector_load %arg11[%get3A_800] {strides = array<i32>} : memref<20480xf32, #tpu.memory_space<vmem>>, vector<16xf32>,
          %add3A_802 = arith.constant 96 : i32
          %add3A_803 = arith.addi %mul3A_777, %add3A_802 : i32
          %get3A_804 = arith.index_cast %add3A_803 : i32 to index
          %get3A_805 = tpu.vector_load %arg11[%get3A_804] {strides = array<i32>} : memref<20480xf32, #tpu.memory_space<vmem>>, vector<16xf32>,
          %add3A_806 = arith.constant 112 : i32
          %add3A_807 = arith.addi %mul3A_777, %add3A_806 : i32
          %get3A_808 = arith.index_cast %add3A_807 : i32 to index
          %get3A_809 = tpu.vector_load %arg11[%get3A_808] {strides = array<i32>} : memref<20480xf32, #tpu.memory_space<vmem>>, vector<16xf32>,
          %mul3A_810 = arith.mulf %get3A_781, %get3A_40 : vector<16xf32>
          %mul3A_811 = arith.mulf %get3A_785, %get3A_44 : vector<16xf32>
          %add3A_812 = arith.addf %mul3A_810, %mul3A_811 : vector<16xf32>
          %mul3A_813 = arith.mulf %get3A_789, %get3A_48 : vector<16xf32>
          %mul3A_814 = arith.mulf %get3A_793, %get3A_52 : vector<16xf32>
          %add3A_815 = arith.addf %mul3A_813, %mul3A_814 : vector<16xf32>
          %mul3A_816 = arith.mulf %get3A_797, %get3A_56 : vector<16xf32>
          %mul3A_817 = arith.mulf %get3A_801, %get3A_60 : vector<16xf32>
          %add3A_818 = arith.addf %mul3A_816, %mul3A_817 : vector<16xf32>
          %mul3A_819 = arith.mulf %get3A_805, %get3A_64 : vector<16xf32>
          %mul3A_820 = arith.mulf %get3A_809, %get3A_68 : vector<16xf32>
          %add3A_821 = arith.addf %mul3A_819, %mul3A_820 : vector<16xf32>
          %add3A_822 = arith.addf %add3A_812, %add3A_815 : vector<16xf32>
          %add3A_823 = arith.addf %add3A_818, %add3A_821 : vector<16xf32>
          %add3A_824 = arith.addf %add3A_822, %add3A_823 : vector<16xf32>
          %reduce_sum3A_825 = arith.constant true
          %reduce_sum3A_826 = vector.broadcast %reduce_sum3A_825 : i1 to vector<16xi1>
          %reduce_sum3A_827 = tpu.scan <sum>, %add3A_824 masked %reduce_sum3A_826 : vector<16xf32>, vector<16xi1> -> vector<16xf32>
          %reduce_sum3A_828 = vector.extract %reduce_sum3A_827[15] : f32 from vector<16xf32>
          %broadcast_in_dim3A_829 = vector.broadcast %reduce_sum3A_828 : f32 to vector<16xf32>
          %add3A_830 = arith.addf %broadcast_in_dim3A_829, %get3A_70 : vector<16xf32>
          %neg3A_831 = arith.constant 0.000000e+00 : f32
          %neg3A_832 = vector.broadcast %neg3A_831 : f32 to vector<16xf32>
          %neg3A_833 = arith.subf %neg3A_832, %add3A_830 : vector<16xf32>
          %exp3A_834 = math.exp %neg3A_833 : vector<16xf32>
          %slice3A_835 = vector.extract_strided_slice %gather3A_152 {offsets = [8], sizes = [1], strides = [1]} : vector<16xf32> to vector<1xf32>
          %squeeze3A_836 = vector.extract %slice3A_835[0] : f32 from vector<1xf32>
          %broadcast_in_dim3A_837 = vector.broadcast %squeeze3A_836 : f32 to vector<16xf32>
          %add3A_838 = arith.constant 1.000000e+00 : f32
          %add3A_839 = vector.broadcast %add3A_838 : f32 to vector<16xf32>
          %add3A_840 = arith.addf %add3A_839, %exp3A_834 : vector<16xf32>
          %div3A_841 = arith.divf %broadcast_in_dim3A_837, %add3A_840 : vector<16xf32>
          %add3A_842 = arith.constant 8 : i32
          %add3A_843 = arith.addi %add3A_148, %add3A_842 : i32
          %broadcast_in_dim3A_844 = vector.broadcast %add3A_843 : i32 to vector<16xi32>
          tpu.vector_store_idx %arg14[%broadcast_in_dim3A_844], %div3A_841 masked %eq3A_5 : memref<3200xf32, #tpu.memory_space<vmem>>[vector<16xi32>], vector<16xf32>, vector<16xi1>
          %slice3A_845 = vector.extract_strided_slice %gather3A_151 {offsets = [8], sizes = [1], strides = [1]} : vector<16xi32> to vector<1xi32>
          %squeeze3A_846 = vector.extract %slice3A_845[0] : i32 from vector<1xi32>
          %swap3A_847 = arith.index_cast %squeeze3A_846 : i32 to index
          %swap3A_848 = arith.constant 0 : index
          %swap3A_849 = tpu.vector_load %arg15[%swap3A_847, %swap3A_848] {strides = array<i32>} : memref<512x128xf32, #tpu.memory_space<vmem>>, vector<16xf32>,
          tpu.vector_store %arg15[%swap3A_847, %swap3A_848], %div3A_841 {add = true, strides = array<i32>} : memref<512x128xf32, #tpu.memory_space<vmem>>, vector<16xf32>,
          %mul3A_850 = arith.constant 16 : i32
          %mul3A_851 = arith.muli %scan3A_142, %mul3A_850 : i32
          %add3A_852 = arith.constant 9 : i32
          %add3A_853 = arith.addi %mul3A_851, %add3A_852 : i32
          %mul3A_854 = arith.constant 128 : i32
          %mul3A_855 = arith.muli %add3A_853, %mul3A_854 : i32
          %add3A_856 = arith.constant 0 : i32
          %add3A_857 = arith.addi %mul3A_855, %add3A_856 : i32
          %get3A_858 = arith.index_cast %add3A_857 : i32 to index
          %get3A_859 = tpu.vector_load %arg11[%get3A_858] {strides = array<i32>} : memref<20480xf32, #tpu.memory_space<vmem>>, vector<16xf32>,
          %add3A_860 = arith.constant 16 : i32
          %add3A_861 = arith.addi %mul3A_855, %add3A_860 : i32
          %get3A_862 = arith.index_cast %add3A_861 : i32 to index
          %get3A_863 = tpu.vector_load %arg11[%get3A_862] {strides = array<i32>} : memref<20480xf32, #tpu.memory_space<vmem>>, vector<16xf32>,
          %add3A_864 = arith.constant 32 : i32
          %add3A_865 = arith.addi %mul3A_855, %add3A_864 : i32
          %get3A_866 = arith.index_cast %add3A_865 : i32 to index
          %get3A_867 = tpu.vector_load %arg11[%get3A_866] {strides = array<i32>} : memref<20480xf32, #tpu.memory_space<vmem>>, vector<16xf32>,
          %add3A_868 = arith.constant 48 : i32
          %add3A_869 = arith.addi %mul3A_855, %add3A_868 : i32
          %get3A_870 = arith.index_cast %add3A_869 : i32 to index
          %get3A_871 = tpu.vector_load %arg11[%get3A_870] {strides = array<i32>} : memref<20480xf32, #tpu.memory_space<vmem>>, vector<16xf32>,
          %add3A_872 = arith.constant 64 : i32
          %add3A_873 = arith.addi %mul3A_855, %add3A_872 : i32
          %get3A_874 = arith.index_cast %add3A_873 : i32 to index
          %get3A_875 = tpu.vector_load %arg11[%get3A_874] {strides = array<i32>} : memref<20480xf32, #tpu.memory_space<vmem>>, vector<16xf32>,
          %add3A_876 = arith.constant 80 : i32
          %add3A_877 = arith.addi %mul3A_855, %add3A_876 : i32
          %get3A_878 = arith.index_cast %add3A_877 : i32 to index
          %get3A_879 = tpu.vector_load %arg11[%get3A_878] {strides = array<i32>} : memref<20480xf32, #tpu.memory_space<vmem>>, vector<16xf32>,
          %add3A_880 = arith.constant 96 : i32
          %add3A_881 = arith.addi %mul3A_855, %add3A_880 : i32
          %get3A_882 = arith.index_cast %add3A_881 : i32 to index
          %get3A_883 = tpu.vector_load %arg11[%get3A_882] {strides = array<i32>} : memref<20480xf32, #tpu.memory_space<vmem>>, vector<16xf32>,
          %add3A_884 = arith.constant 112 : i32
          %add3A_885 = arith.addi %mul3A_855, %add3A_884 : i32
          %get3A_886 = arith.index_cast %add3A_885 : i32 to index
          %get3A_887 = tpu.vector_load %arg11[%get3A_886] {strides = array<i32>} : memref<20480xf32, #tpu.memory_space<vmem>>, vector<16xf32>,
          %mul3A_888 = arith.mulf %get3A_859, %get3A_40 : vector<16xf32>
          %mul3A_889 = arith.mulf %get3A_863, %get3A_44 : vector<16xf32>
          %add3A_890 = arith.addf %mul3A_888, %mul3A_889 : vector<16xf32>
          %mul3A_891 = arith.mulf %get3A_867, %get3A_48 : vector<16xf32>
          %mul3A_892 = arith.mulf %get3A_871, %get3A_52 : vector<16xf32>
          %add3A_893 = arith.addf %mul3A_891, %mul3A_892 : vector<16xf32>
          %mul3A_894 = arith.mulf %get3A_875, %get3A_56 : vector<16xf32>
          %mul3A_895 = arith.mulf %get3A_879, %get3A_60 : vector<16xf32>
          %add3A_896 = arith.addf %mul3A_894, %mul3A_895 : vector<16xf32>
          %mul3A_897 = arith.mulf %get3A_883, %get3A_64 : vector<16xf32>
          %mul3A_898 = arith.mulf %get3A_887, %get3A_68 : vector<16xf32>
          %add3A_899 = arith.addf %mul3A_897, %mul3A_898 : vector<16xf32>
          %add3A_900 = arith.addf %add3A_890, %add3A_893 : vector<16xf32>
          %add3A_901 = arith.addf %add3A_896, %add3A_899 : vector<16xf32>
          %add3A_902 = arith.addf %add3A_900, %add3A_901 : vector<16xf32>
          %reduce_sum3A_903 = arith.constant true
          %reduce_sum3A_904 = vector.broadcast %reduce_sum3A_903 : i1 to vector<16xi1>
          %reduce_sum3A_905 = tpu.scan <sum>, %add3A_902 masked %reduce_sum3A_904 : vector<16xf32>, vector<16xi1> -> vector<16xf32>
          %reduce_sum3A_906 = vector.extract %reduce_sum3A_905[15] : f32 from vector<16xf32>
          %broadcast_in_dim3A_907 = vector.broadcast %reduce_sum3A_906 : f32 to vector<16xf32>
          %add3A_908 = arith.addf %broadcast_in_dim3A_907, %get3A_70 : vector<16xf32>
          %neg3A_909 = arith.constant 0.000000e+00 : f32
          %neg3A_910 = vector.broadcast %neg3A_909 : f32 to vector<16xf32>
          %neg3A_911 = arith.subf %neg3A_910, %add3A_908 : vector<16xf32>
          %exp3A_912 = math.exp %neg3A_911 : vector<16xf32>
          %slice3A_913 = vector.extract_strided_slice %gather3A_152 {offsets = [9], sizes = [1], strides = [1]} : vector<16xf32> to vector<1xf32>
          %squeeze3A_914 = vector.extract %slice3A_913[0] : f32 from vector<1xf32>
          %broadcast_in_dim3A_915 = vector.broadcast %squeeze3A_914 : f32 to vector<16xf32>
          %add3A_916 = arith.constant 1.000000e+00 : f32
          %add3A_917 = vector.broadcast %add3A_916 : f32 to vector<16xf32>
          %add3A_918 = arith.addf %add3A_917, %exp3A_912 : vector<16xf32>
          %div3A_919 = arith.divf %broadcast_in_dim3A_915, %add3A_918 : vector<16xf32>
          %add3A_920 = arith.constant 9 : i32
          %add3A_921 = arith.addi %add3A_148, %add3A_920 : i32
          %broadcast_in_dim3A_922 = vector.broadcast %add3A_921 : i32 to vector<16xi32>
          tpu.vector_store_idx %arg14[%broadcast_in_dim3A_922], %div3A_919 masked %eq3A_5 : memref<3200xf32, #tpu.memory_space<vmem>>[vector<16xi32>], vector<16xf32>, vector<16xi1>
          %slice3A_923 = vector.extract_strided_slice %gather3A_151 {offsets = [9], sizes = [1], strides = [1]} : vector<16xi32> to vector<1xi32>
          %squeeze3A_924 = vector.extract %slice3A_923[0] : i32 from vector<1xi32>
          %swap3A_925 = arith.index_cast %squeeze3A_924 : i32 to index
          %swap3A_926 = arith.constant 0 : index
          %swap3A_927 = tpu.vector_load %arg15[%swap3A_925, %swap3A_926] {strides = array<i32>} : memref<512x128xf32, #tpu.memory_space<vmem>>, vector<16xf32>,
          tpu.vector_store %arg15[%swap3A_925, %swap3A_926], %div3A_919 {add = true, strides = array<i32>} : memref<512x128xf32, #tpu.memory_space<vmem>>, vector<16xf32>,
          %mul3A_928 = arith.constant 16 : i32
          %mul3A_929 = arith.muli %scan3A_142, %mul3A_928 : i32
          %add3A_930 = arith.constant 10 : i32
          %add3A_931 = arith.addi %mul3A_929, %add3A_930 : i32
          %mul3A_932 = arith.constant 128 : i32
          %mul3A_933 = arith.muli %add3A_931, %mul3A_932 : i32
          %add3A_934 = arith.constant 0 : i32
          %add3A_935 = arith.addi %mul3A_933, %add3A_934 : i32
          %get3A_936 = arith.index_cast %add3A_935 : i32 to index
          %get3A_937 = tpu.vector_load %arg11[%get3A_936] {strides = array<i32>} : memref<20480xf32, #tpu.memory_space<vmem>>, vector<16xf32>,
          %add3A_938 = arith.constant 16 : i32
          %add3A_939 = arith.addi %mul3A_933, %add3A_938 : i32
          %get3A_940 = arith.index_cast %add3A_939 : i32 to index
          %get3A_941 = tpu.vector_load %arg11[%get3A_940] {strides = array<i32>} : memref<20480xf32, #tpu.memory_space<vmem>>, vector<16xf32>,
          %add3A_942 = arith.constant 32 : i32
          %add3A_943 = arith.addi %mul3A_933, %add3A_942 : i32
          %get3A_944 = arith.index_cast %add3A_943 : i32 to index
          %get3A_945 = tpu.vector_load %arg11[%get3A_944] {strides = array<i32>} : memref<20480xf32, #tpu.memory_space<vmem>>, vector<16xf32>,
          %add3A_946 = arith.constant 48 : i32
          %add3A_947 = arith.addi %mul3A_933, %add3A_946 : i32
          %get3A_948 = arith.index_cast %add3A_947 : i32 to index
          %get3A_949 = tpu.vector_load %arg11[%get3A_948] {strides = array<i32>} : memref<20480xf32, #tpu.memory_space<vmem>>, vector<16xf32>,
          %add3A_950 = arith.constant 64 : i32
          %add3A_951 = arith.addi %mul3A_933, %add3A_950 : i32
          %get3A_952 = arith.index_cast %add3A_951 : i32 to index
          %get3A_953 = tpu.vector_load %arg11[%get3A_952] {strides = array<i32>} : memref<20480xf32, #tpu.memory_space<vmem>>, vector<16xf32>,
          %add3A_954 = arith.constant 80 : i32
          %add3A_955 = arith.addi %mul3A_933, %add3A_954 : i32
          %get3A_956 = arith.index_cast %add3A_955 : i32 to index
          %get3A_957 = tpu.vector_load %arg11[%get3A_956] {strides = array<i32>} : memref<20480xf32, #tpu.memory_space<vmem>>, vector<16xf32>,
          %add3A_958 = arith.constant 96 : i32
          %add3A_959 = arith.addi %mul3A_933, %add3A_958 : i32
          %get3A_960 = arith.index_cast %add3A_959 : i32 to index
          %get3A_961 = tpu.vector_load %arg11[%get3A_960] {strides = array<i32>} : memref<20480xf32, #tpu.memory_space<vmem>>, vector<16xf32>,
          %add3A_962 = arith.constant 112 : i32
          %add3A_963 = arith.addi %mul3A_933, %add3A_962 : i32
          %get3A_964 = arith.index_cast %add3A_963 : i32 to index
          %get3A_965 = tpu.vector_load %arg11[%get3A_964] {strides = array<i32>} : memref<20480xf32, #tpu.memory_space<vmem>>, vector<16xf32>,
          %mul3A_966 = arith.mulf %get3A_937, %get3A_40 : vector<16xf32>
          %mul3A_967 = arith.mulf %get3A_941, %get3A_44 : vector<16xf32>
          %add3A_968 = arith.addf %mul3A_966, %mul3A_967 : vector<16xf32>
          %mul3A_969 = arith.mulf %get3A_945, %get3A_48 : vector<16xf32>
          %mul3A_970 = arith.mulf %get3A_949, %get3A_52 : vector<16xf32>
          %add3A_971 = arith.addf %mul3A_969, %mul3A_970 : vector<16xf32>
          %mul3A_972 = arith.mulf %get3A_953, %get3A_56 : vector<16xf32>
          %mul3A_973 = arith.mulf %get3A_957, %get3A_60 : vector<16xf32>
          %add3A_974 = arith.addf %mul3A_972, %mul3A_973 : vector<16xf32>
          %mul3A_975 = arith.mulf %get3A_961, %get3A_64 : vector<16xf32>
          %mul3A_976 = arith.mulf %get3A_965, %get3A_68 : vector<16xf32>
          %add3A_977 = arith.addf %mul3A_975, %mul3A_976 : vector<16xf32>
          %add3A_978 = arith.addf %add3A_968, %add3A_971 : vector<16xf32>
          %add3A_979 = arith.addf %add3A_974, %add3A_977 : vector<16xf32>
          %add3A_980 = arith.addf %add3A_978, %add3A_979 : vector<16xf32>
          %reduce_sum3A_981 = arith.constant true
          %reduce_sum3A_982 = vector.broadcast %reduce_sum3A_981 : i1 to vector<16xi1>
          %reduce_sum3A_983 = tpu.scan <sum>, %add3A_980 masked %reduce_sum3A_982 : vector<16xf32>, vector<16xi1> -> vector<16xf32>
          %reduce_sum3A_984 = vector.extract %reduce_sum3A_983[15] : f32 from vector<16xf32>
          %broadcast_in_dim3A_985 = vector.broadcast %reduce_sum3A_984 : f32 to vector<16xf32>
          %add3A_986 = arith.addf %broadcast_in_dim3A_985, %get3A_70 : vector<16xf32>
          %neg3A_987 = arith.constant 0.000000e+00 : f32
          %neg3A_988 = vector.broadcast %neg3A_987 : f32 to vector<16xf32>
          %neg3A_989 = arith.subf %neg3A_988, %add3A_986 : vector<16xf32>
          %exp3A_990 = math.exp %neg3A_989 : vector<16xf32>
          %slice3A_991 = vector.extract_strided_slice %gather3A_152 {offsets = [10], sizes = [1], strides = [1]} : vector<16xf32> to vector<1xf32>
          %squeeze3A_992 = vector.extract %slice3A_991[0] : f32 from vector<1xf32>
          %broadcast_in_dim3A_993 = vector.broadcast %squeeze3A_992 : f32 to vector<16xf32>
          %add3A_994 = arith.constant 1.000000e+00 : f32
          %add3A_995 = vector.broadcast %add3A_994 : f32 to vector<16xf32>
          %add3A_996 = arith.addf %add3A_995, %exp3A_990 : vector<16xf32>
          %div3A_997 = arith.divf %broadcast_in_dim3A_993, %add3A_996 : vector<16xf32>
          %add3A_998 = arith.constant 10 : i32
          %add3A_999 = arith.addi %add3A_148, %add3A_998 : i32
          %broadcast_in_dim3A_1000 = vector.broadcast %add3A_999 : i32 to vector<16xi32>
          tpu.vector_store_idx %arg14[%broadcast_in_dim3A_1000], %div3A_997 masked %eq3A_5 : memref<3200xf32, #tpu.memory_space<vmem>>[vector<16xi32>], vector<16xf32>, vector<16xi1>
          %slice3A_1001 = vector.extract_strided_slice %gather3A_151 {offsets = [10], sizes = [1], strides = [1]} : vector<16xi32> to vector<1xi32>
          %squeeze3A_1002 = vector.extract %slice3A_1001[0] : i32 from vector<1xi32>
          %swap3A_1003 = arith.index_cast %squeeze3A_1002 : i32 to index
          %swap3A_1004 = arith.constant 0 : index
          %swap3A_1005 = tpu.vector_load %arg15[%swap3A_1003, %swap3A_1004] {strides = array<i32>} : memref<512x128xf32, #tpu.memory_space<vmem>>, vector<16xf32>,
          tpu.vector_store %arg15[%swap3A_1003, %swap3A_1004], %div3A_997 {add = true, strides = array<i32>} : memref<512x128xf32, #tpu.memory_space<vmem>>, vector<16xf32>,
          %mul3A_1006 = arith.constant 16 : i32
          %mul3A_1007 = arith.muli %scan3A_142, %mul3A_1006 : i32
          %add3A_1008 = arith.constant 11 : i32
          %add3A_1009 = arith.addi %mul3A_1007, %add3A_1008 : i32
          %mul3A_1010 = arith.constant 128 : i32
          %mul3A_1011 = arith.muli %add3A_1009, %mul3A_1010 : i32
          %add3A_1012 = arith.constant 0 : i32
          %add3A_1013 = arith.addi %mul3A_1011, %add3A_1012 : i32
          %get3A_1014 = arith.index_cast %add3A_1013 : i32 to index
          %get3A_1015 = tpu.vector_load %arg11[%get3A_1014] {strides = array<i32>} : memref<20480xf32, #tpu.memory_space<vmem>>, vector<16xf32>,
          %add3A_1016 = arith.constant 16 : i32
          %add3A_1017 = arith.addi %mul3A_1011, %add3A_1016 : i32
          %get3A_1018 = arith.index_cast %add3A_1017 : i32 to index
          %get3A_1019 = tpu.vector_load %arg11[%get3A_1018] {strides = array<i32>} : memref<20480xf32, #tpu.memory_space<vmem>>, vector<16xf32>,
          %add3A_1020 = arith.constant 32 : i32
          %add3A_1021 = arith.addi %mul3A_1011, %add3A_1020 : i32
          %get3A_1022 = arith.index_cast %add3A_1021 : i32 to index
          %get3A_1023 = tpu.vector_load %arg11[%get3A_1022] {strides = array<i32>} : memref<20480xf32, #tpu.memory_space<vmem>>, vector<16xf32>,
          %add3A_1024 = arith.constant 48 : i32
          %add3A_1025 = arith.addi %mul3A_1011, %add3A_1024 : i32
          %get3A_1026 = arith.index_cast %add3A_1025 : i32 to index
          %get3A_1027 = tpu.vector_load %arg11[%get3A_1026] {strides = array<i32>} : memref<20480xf32, #tpu.memory_space<vmem>>, vector<16xf32>,
          %add3A_1028 = arith.constant 64 : i32
          %add3A_1029 = arith.addi %mul3A_1011, %add3A_1028 : i32
          %get3A_1030 = arith.index_cast %add3A_1029 : i32 to index
          %get3A_1031 = tpu.vector_load %arg11[%get3A_1030] {strides = array<i32>} : memref<20480xf32, #tpu.memory_space<vmem>>, vector<16xf32>,
          %add3A_1032 = arith.constant 80 : i32
          %add3A_1033 = arith.addi %mul3A_1011, %add3A_1032 : i32
          %get3A_1034 = arith.index_cast %add3A_1033 : i32 to index
          %get3A_1035 = tpu.vector_load %arg11[%get3A_1034] {strides = array<i32>} : memref<20480xf32, #tpu.memory_space<vmem>>, vector<16xf32>,
          %add3A_1036 = arith.constant 96 : i32
          %add3A_1037 = arith.addi %mul3A_1011, %add3A_1036 : i32
          %get3A_1038 = arith.index_cast %add3A_1037 : i32 to index
          %get3A_1039 = tpu.vector_load %arg11[%get3A_1038] {strides = array<i32>} : memref<20480xf32, #tpu.memory_space<vmem>>, vector<16xf32>,
          %add3A_1040 = arith.constant 112 : i32
          %add3A_1041 = arith.addi %mul3A_1011, %add3A_1040 : i32
          %get3A_1042 = arith.index_cast %add3A_1041 : i32 to index
          %get3A_1043 = tpu.vector_load %arg11[%get3A_1042] {strides = array<i32>} : memref<20480xf32, #tpu.memory_space<vmem>>, vector<16xf32>,
          %mul3A_1044 = arith.mulf %get3A_1015, %get3A_40 : vector<16xf32>
          %mul3A_1045 = arith.mulf %get3A_1019, %get3A_44 : vector<16xf32>
          %add3A_1046 = arith.addf %mul3A_1044, %mul3A_1045 : vector<16xf32>
          %mul3A_1047 = arith.mulf %get3A_1023, %get3A_48 : vector<16xf32>
          %mul3A_1048 = arith.mulf %get3A_1027, %get3A_52 : vector<16xf32>
          %add3A_1049 = arith.addf %mul3A_1047, %mul3A_1048 : vector<16xf32>
          %mul3A_1050 = arith.mulf %get3A_1031, %get3A_56 : vector<16xf32>
          %mul3A_1051 = arith.mulf %get3A_1035, %get3A_60 : vector<16xf32>
          %add3A_1052 = arith.addf %mul3A_1050, %mul3A_1051 : vector<16xf32>
          %mul3A_1053 = arith.mulf %get3A_1039, %get3A_64 : vector<16xf32>
          %mul3A_1054 = arith.mulf %get3A_1043, %get3A_68 : vector<16xf32>
          %add3A_1055 = arith.addf %mul3A_1053, %mul3A_1054 : vector<16xf32>
          %add3A_1056 = arith.addf %add3A_1046, %add3A_1049 : vector<16xf32>
          %add3A_1057 = arith.addf %add3A_1052, %add3A_1055 : vector<16xf32>
          %add3A_1058 = arith.addf %add3A_1056, %add3A_1057 : vector<16xf32>
          %reduce_sum3A_1059 = arith.constant true
          %reduce_sum3A_1060 = vector.broadcast %reduce_sum3A_1059 : i1 to vector<16xi1>
          %reduce_sum3A_1061 = tpu.scan <sum>, %add3A_1058 masked %reduce_sum3A_1060 : vector<16xf32>, vector<16xi1> -> vector<16xf32>
          %reduce_sum3A_1062 = vector.extract %reduce_sum3A_1061[15] : f32 from vector<16xf32>
          %broadcast_in_dim3A_1063 = vector.broadcast %reduce_sum3A_1062 : f32 to vector<16xf32>
          %add3A_1064 = arith.addf %broadcast_in_dim3A_1063, %get3A_70 : vector<16xf32>
          %neg3A_1065 = arith.constant 0.000000e+00 : f32
          %neg3A_1066 = vector.broadcast %neg3A_1065 : f32 to vector<16xf32>
          %neg3A_1067 = arith.subf %neg3A_1066, %add3A_1064 : vector<16xf32>
          %exp3A_1068 = math.exp %neg3A_1067 : vector<16xf32>
          %slice3A_1069 = vector.extract_strided_slice %gather3A_152 {offsets = [11], sizes = [1], strides = [1]} : vector<16xf32> to vector<1xf32>
          %squeeze3A_1070 = vector.extract %slice3A_1069[0] : f32 from vector<1xf32>
          %broadcast_in_dim3A_1071 = vector.broadcast %squeeze3A_1070 : f32 to vector<16xf32>
          %add3A_1072 = arith.constant 1.000000e+00 : f32
          %add3A_1073 = vector.broadcast %add3A_1072 : f32 to vector<16xf32>
          %add3A_1074 = arith.addf %add3A_1073, %exp3A_1068 : vector<16xf32>
          %div3A_1075 = arith.divf %broadcast_in_dim3A_1071, %add3A_1074 : vector<16xf32>
          %add3A_1076 = arith.constant 11 : i32
          %add3A_1077 = arith.addi %add3A_148, %add3A_1076 : i32
          %broadcast_in_dim3A_1078 = vector.broadcast %add3A_1077 : i32 to vector<16xi32>
          tpu.vector_store_idx %arg14[%broadcast_in_dim3A_1078], %div3A_1075 masked %eq3A_5 : memref<3200xf32, #tpu.memory_space<vmem>>[vector<16xi32>], vector<16xf32>, vector<16xi1>
          %slice3A_1079 = vector.extract_strided_slice %gather3A_151 {offsets = [11], sizes = [1], strides = [1]} : vector<16xi32> to vector<1xi32>
          %squeeze3A_1080 = vector.extract %slice3A_1079[0] : i32 from vector<1xi32>
          %swap3A_1081 = arith.index_cast %squeeze3A_1080 : i32 to index
          %swap3A_1082 = arith.constant 0 : index
          %swap3A_1083 = tpu.vector_load %arg15[%swap3A_1081, %swap3A_1082] {strides = array<i32>} : memref<512x128xf32, #tpu.memory_space<vmem>>, vector<16xf32>,
          tpu.vector_store %arg15[%swap3A_1081, %swap3A_1082], %div3A_1075 {add = true, strides = array<i32>} : memref<512x128xf32, #tpu.memory_space<vmem>>, vector<16xf32>,
          %mul3A_1084 = arith.constant 16 : i32
          %mul3A_1085 = arith.muli %scan3A_142, %mul3A_1084 : i32
          %add3A_1086 = arith.constant 12 : i32
          %add3A_1087 = arith.addi %mul3A_1085, %add3A_1086 : i32
          %mul3A_1088 = arith.constant 128 : i32
          %mul3A_1089 = arith.muli %add3A_1087, %mul3A_1088 : i32
          %add3A_1090 = arith.constant 0 : i32
          %add3A_1091 = arith.addi %mul3A_1089, %add3A_1090 : i32
          %get3A_1092 = arith.index_cast %add3A_1091 : i32 to index
          %get3A_1093 = tpu.vector_load %arg11[%get3A_1092] {strides = array<i32>} : memref<20480xf32, #tpu.memory_space<vmem>>, vector<16xf32>,
          %add3A_1094 = arith.constant 16 : i32
          %add3A_1095 = arith.addi %mul3A_1089, %add3A_1094 : i32
          %get3A_1096 = arith.index_cast %add3A_1095 : i32 to index
          %get3A_1097 = tpu.vector_load %arg11[%get3A_1096] {strides = array<i32>} : memref<20480xf32, #tpu.memory_space<vmem>>, vector<16xf32>,
          %add3A_1098 = arith.constant 32 : i32
          %add3A_1099 = arith.addi %mul3A_1089, %add3A_1098 : i32
          %get3A_1100 = arith.index_cast %add3A_1099 : i32 to index
          %get3A_1101 = tpu.vector_load %arg11[%get3A_1100] {strides = array<i32>} : memref<20480xf32, #tpu.memory_space<vmem>>, vector<16xf32>,
          %add3A_1102 = arith.constant 48 : i32
          %add3A_1103 = arith.addi %mul3A_1089, %add3A_1102 : i32
          %get3A_1104 = arith.index_cast %add3A_1103 : i32 to index
          %get3A_1105 = tpu.vector_load %arg11[%get3A_1104] {strides = array<i32>} : memref<20480xf32, #tpu.memory_space<vmem>>, vector<16xf32>,
          %add3A_1106 = arith.constant 64 : i32
          %add3A_1107 = arith.addi %mul3A_1089, %add3A_1106 : i32
          %get3A_1108 = arith.index_cast %add3A_1107 : i32 to index
          %get3A_1109 = tpu.vector_load %arg11[%get3A_1108] {strides = array<i32>} : memref<20480xf32, #tpu.memory_space<vmem>>, vector<16xf32>,
          %add3A_1110 = arith.constant 80 : i32
          %add3A_1111 = arith.addi %mul3A_1089, %add3A_1110 : i32
          %get3A_1112 = arith.index_cast %add3A_1111 : i32 to index
          %get3A_1113 = tpu.vector_load %arg11[%get3A_1112] {strides = array<i32>} : memref<20480xf32, #tpu.memory_space<vmem>>, vector<16xf32>,
          %add3A_1114 = arith.constant 96 : i32
          %add3A_1115 = arith.addi %mul3A_1089, %add3A_1114 : i32
          %get3A_1116 = arith.index_cast %add3A_1115 : i32 to index
          %get3A_1117 = tpu.vector_load %arg11[%get3A_1116] {strides = array<i32>} : memref<20480xf32, #tpu.memory_space<vmem>>, vector<16xf32>,
          %add3A_1118 = arith.constant 112 : i32
          %add3A_1119 = arith.addi %mul3A_1089, %add3A_1118 : i32
          %get3A_1120 = arith.index_cast %add3A_1119 : i32 to index
          %get3A_1121 = tpu.vector_load %arg11[%get3A_1120] {strides = array<i32>} : memref<20480xf32, #tpu.memory_space<vmem>>, vector<16xf32>,
          %mul3A_1122 = arith.mulf %get3A_1093, %get3A_40 : vector<16xf32>
          %mul3A_1123 = arith.mulf %get3A_1097, %get3A_44 : vector<16xf32>
          %add3A_1124 = arith.addf %mul3A_1122, %mul3A_1123 : vector<16xf32>
          %mul3A_1125 = arith.mulf %get3A_1101, %get3A_48 : vector<16xf32>
          %mul3A_1126 = arith.mulf %get3A_1105, %get3A_52 : vector<16xf32>
          %add3A_1127 = arith.addf %mul3A_1125, %mul3A_1126 : vector<16xf32>
          %mul3A_1128 = arith.mulf %get3A_1109, %get3A_56 : vector<16xf32>
          %mul3A_1129 = arith.mulf %get3A_1113, %get3A_60 : vector<16xf32>
          %add3A_1130 = arith.addf %mul3A_1128, %mul3A_1129 : vector<16xf32>
          %mul3A_1131 = arith.mulf %get3A_1117, %get3A_64 : vector<16xf32>
          %mul3A_1132 = arith.mulf %get3A_1121, %get3A_68 : vector<16xf32>
          %add3A_1133 = arith.addf %mul3A_1131, %mul3A_1132 : vector<16xf32>
          %add3A_1134 = arith.addf %add3A_1124, %add3A_1127 : vector<16xf32>
          %add3A_1135 = arith.addf %add3A_1130, %add3A_1133 : vector<16xf32>
          %add3A_1136 = arith.addf %add3A_1134, %add3A_1135 : vector<16xf32>
          %reduce_sum3A_1137 = arith.constant true
          %reduce_sum3A_1138 = vector.broadcast %reduce_sum3A_1137 : i1 to vector<16xi1>
          %reduce_sum3A_1139 = tpu.scan <sum>, %add3A_1136 masked %reduce_sum3A_1138 : vector<16xf32>, vector<16xi1> -> vector<16xf32>
          %reduce_sum3A_1140 = vector.extract %reduce_sum3A_1139[15] : f32 from vector<16xf32>
          %broadcast_in_dim3A_1141 = vector.broadcast %reduce_sum3A_1140 : f32 to vector<16xf32>
          %add3A_1142 = arith.addf %broadcast_in_dim3A_1141, %get3A_70 : vector<16xf32>
          %neg3A_1143 = arith.constant 0.000000e+00 : f32
          %neg3A_1144 = vector.broadcast %neg3A_1143 : f32 to vector<16xf32>
          %neg3A_1145 = arith.subf %neg3A_1144, %add3A_1142 : vector<16xf32>
          %exp3A_1146 = math.exp %neg3A_1145 : vector<16xf32>
          %slice3A_1147 = vector.extract_strided_slice %gather3A_152 {offsets = [12], sizes = [1], strides = [1]} : vector<16xf32> to vector<1xf32>
          %squeeze3A_1148 = vector.extract %slice3A_1147[0] : f32 from vector<1xf32>
          %broadcast_in_dim3A_1149 = vector.broadcast %squeeze3A_1148 : f32 to vector<16xf32>
          %add3A_1150 = arith.constant 1.000000e+00 : f32
          %add3A_1151 = vector.broadcast %add3A_1150 : f32 to vector<16xf32>
          %add3A_1152 = arith.addf %add3A_1151, %exp3A_1146 : vector<16xf32>
          %div3A_1153 = arith.divf %broadcast_in_dim3A_1149, %add3A_1152 : vector<16xf32>
          %add3A_1154 = arith.constant 12 : i32
          %add3A_1155 = arith.addi %add3A_148, %add3A_1154 : i32
          %broadcast_in_dim3A_1156 = vector.broadcast %add3A_1155 : i32 to vector<16xi32>
          tpu.vector_store_idx %arg14[%broadcast_in_dim3A_1156], %div3A_1153 masked %eq3A_5 : memref<3200xf32, #tpu.memory_space<vmem>>[vector<16xi32>], vector<16xf32>, vector<16xi1>
          %slice3A_1157 = vector.extract_strided_slice %gather3A_151 {offsets = [12], sizes = [1], strides = [1]} : vector<16xi32> to vector<1xi32>
          %squeeze3A_1158 = vector.extract %slice3A_1157[0] : i32 from vector<1xi32>
          %swap3A_1159 = arith.index_cast %squeeze3A_1158 : i32 to index
          %swap3A_1160 = arith.constant 0 : index
          %swap3A_1161 = tpu.vector_load %arg15[%swap3A_1159, %swap3A_1160] {strides = array<i32>} : memref<512x128xf32, #tpu.memory_space<vmem>>, vector<16xf32>,
          tpu.vector_store %arg15[%swap3A_1159, %swap3A_1160], %div3A_1153 {add = true, strides = array<i32>} : memref<512x128xf32, #tpu.memory_space<vmem>>, vector<16xf32>,
          %mul3A_1162 = arith.constant 16 : i32
          %mul3A_1163 = arith.muli %scan3A_142, %mul3A_1162 : i32
          %add3A_1164 = arith.constant 13 : i32
          %add3A_1165 = arith.addi %mul3A_1163, %add3A_1164 : i32
          %mul3A_1166 = arith.constant 128 : i32
          %mul3A_1167 = arith.muli %add3A_1165, %mul3A_1166 : i32
          %add3A_1168 = arith.constant 0 : i32
          %add3A_1169 = arith.addi %mul3A_1167, %add3A_1168 : i32
          %get3A_1170 = arith.index_cast %add3A_1169 : i32 to index
          %get3A_1171 = tpu.vector_load %arg11[%get3A_1170] {strides = array<i32>} : memref<20480xf32, #tpu.memory_space<vmem>>, vector<16xf32>,
          %add3A_1172 = arith.constant 16 : i32
          %add3A_1173 = arith.addi %mul3A_1167, %add3A_1172 : i32
          %get3A_1174 = arith.index_cast %add3A_1173 : i32 to index
          %get3A_1175 = tpu.vector_load %arg11[%get3A_1174] {strides = array<i32>} : memref<20480xf32, #tpu.memory_space<vmem>>, vector<16xf32>,
          %add3A_1176 = arith.constant 32 : i32
          %add3A_1177 = arith.addi %mul3A_1167, %add3A_1176 : i32
          %get3A_1178 = arith.index_cast %add3A_1177 : i32 to index
          %get3A_1179 = tpu.vector_load %arg11[%get3A_1178] {strides = array<i32>} : memref<20480xf32, #tpu.memory_space<vmem>>, vector<16xf32>,
          %add3A_1180 = arith.constant 48 : i32
          %add3A_1181 = arith.addi %mul3A_1167, %add3A_1180 : i32
          %get3A_1182 = arith.index_cast %add3A_1181 : i32 to index
          %get3A_1183 = tpu.vector_load %arg11[%get3A_1182] {strides = array<i32>} : memref<20480xf32, #tpu.memory_space<vmem>>, vector<16xf32>,
          %add3A_1184 = arith.constant 64 : i32
          %add3A_1185 = arith.addi %mul3A_1167, %add3A_1184 : i32
          %get3A_1186 = arith.index_cast %add3A_1185 : i32 to index
          %get3A_1187 = tpu.vector_load %arg11[%get3A_1186] {strides = array<i32>} : memref<20480xf32, #tpu.memory_space<vmem>>, vector<16xf32>,
          %add3A_1188 = arith.constant 80 : i32
          %add3A_1189 = arith.addi %mul3A_1167, %add3A_1188 : i32
          %get3A_1190 = arith.index_cast %add3A_1189 : i32 to index
          %get3A_1191 = tpu.vector_load %arg11[%get3A_1190] {strides = array<i32>} : memref<20480xf32, #tpu.memory_space<vmem>>, vector<16xf32>,
          %add3A_1192 = arith.constant 96 : i32
          %add3A_1193 = arith.addi %mul3A_1167, %add3A_1192 : i32
          %get3A_1194 = arith.index_cast %add3A_1193 : i32 to index
          %get3A_1195 = tpu.vector_load %arg11[%get3A_1194] {strides = array<i32>} : memref<20480xf32, #tpu.memory_space<vmem>>, vector<16xf32>,
          %add3A_1196 = arith.constant 112 : i32
          %add3A_1197 = arith.addi %mul3A_1167, %add3A_1196 : i32
          %get3A_1198 = arith.index_cast %add3A_1197 : i32 to index
          %get3A_1199 = tpu.vector_load %arg11[%get3A_1198] {strides = array<i32>} : memref<20480xf32, #tpu.memory_space<vmem>>, vector<16xf32>,
          %mul3A_1200 = arith.mulf %get3A_1171, %get3A_40 : vector<16xf32>
          %mul3A_1201 = arith.mulf %get3A_1175, %get3A_44 : vector<16xf32>
          %add3A_1202 = arith.addf %mul3A_1200, %mul3A_1201 : vector<16xf32>
          %mul3A_1203 = arith.mulf %get3A_1179, %get3A_48 : vector<16xf32>
          %mul3A_1204 = arith.mulf %get3A_1183, %get3A_52 : vector<16xf32>
          %add3A_1205 = arith.addf %mul3A_1203, %mul3A_1204 : vector<16xf32>
          %mul3A_1206 = arith.mulf %get3A_1187, %get3A_56 : vector<16xf32>
          %mul3A_1207 = arith.mulf %get3A_1191, %get3A_60 : vector<16xf32>
          %add3A_1208 = arith.addf %mul3A_1206, %mul3A_1207 : vector<16xf32>
          %mul3A_1209 = arith.mulf %get3A_1195, %get3A_64 : vector<16xf32>
          %mul3A_1210 = arith.mulf %get3A_1199, %get3A_68 : vector<16xf32>
          %add3A_1211 = arith.addf %mul3A_1209, %mul3A_1210 : vector<16xf32>
          %add3A_1212 = arith.addf %add3A_1202, %add3A_1205 : vector<16xf32>
          %add3A_1213 = arith.addf %add3A_1208, %add3A_1211 : vector<16xf32>
          %add3A_1214 = arith.addf %add3A_1212, %add3A_1213 : vector<16xf32>
          %reduce_sum3A_1215 = arith.constant true
          %reduce_sum3A_1216 = vector.broadcast %reduce_sum3A_1215 : i1 to vector<16xi1>
          %reduce_sum3A_1217 = tpu.scan <sum>, %add3A_1214 masked %reduce_sum3A_1216 : vector<16xf32>, vector<16xi1> -> vector<16xf32>
          %reduce_sum3A_1218 = vector.extract %reduce_sum3A_1217[15] : f32 from vector<16xf32>
          %broadcast_in_dim3A_1219 = vector.broadcast %reduce_sum3A_1218 : f32 to vector<16xf32>
          %add3A_1220 = arith.addf %broadcast_in_dim3A_1219, %get3A_70 : vector<16xf32>
          %neg3A_1221 = arith.constant 0.000000e+00 : f32
          %neg3A_1222 = vector.broadcast %neg3A_1221 : f32 to vector<16xf32>
          %neg3A_1223 = arith.subf %neg3A_1222, %add3A_1220 : vector<16xf32>
          %exp3A_1224 = math.exp %neg3A_1223 : vector<16xf32>
          %slice3A_1225 = vector.extract_strided_slice %gather3A_152 {offsets = [13], sizes = [1], strides = [1]} : vector<16xf32> to vector<1xf32>
          %squeeze3A_1226 = vector.extract %slice3A_1225[0] : f32 from vector<1xf32>
          %broadcast_in_dim3A_1227 = vector.broadcast %squeeze3A_1226 : f32 to vector<16xf32>
          %add3A_1228 = arith.constant 1.000000e+00 : f32
          %add3A_1229 = vector.broadcast %add3A_1228 : f32 to vector<16xf32>
          %add3A_1230 = arith.addf %add3A_1229, %exp3A_1224 : vector<16xf32>
          %div3A_1231 = arith.divf %broadcast_in_dim3A_1227, %add3A_1230 : vector<16xf32>
          %add3A_1232 = arith.constant 13 : i32
          %add3A_1233 = arith.addi %add3A_148, %add3A_1232 : i32
          %broadcast_in_dim3A_1234 = vector.broadcast %add3A_1233 : i32 to vector<16xi32>
          tpu.vector_store_idx %arg14[%broadcast_in_dim3A_1234], %div3A_1231 masked %eq3A_5 : memref<3200xf32, #tpu.memory_space<vmem>>[vector<16xi32>], vector<16xf32>, vector<16xi1>
          %slice3A_1235 = vector.extract_strided_slice %gather3A_151 {offsets = [13], sizes = [1], strides = [1]} : vector<16xi32> to vector<1xi32>
          %squeeze3A_1236 = vector.extract %slice3A_1235[0] : i32 from vector<1xi32>
          %swap3A_1237 = arith.index_cast %squeeze3A_1236 : i32 to index
          %swap3A_1238 = arith.constant 0 : index
          %swap3A_1239 = tpu.vector_load %arg15[%swap3A_1237, %swap3A_1238] {strides = array<i32>} : memref<512x128xf32, #tpu.memory_space<vmem>>, vector<16xf32>,
          tpu.vector_store %arg15[%swap3A_1237, %swap3A_1238], %div3A_1231 {add = true, strides = array<i32>} : memref<512x128xf32, #tpu.memory_space<vmem>>, vector<16xf32>,
          %mul3A_1240 = arith.constant 16 : i32
          %mul3A_1241 = arith.muli %scan3A_142, %mul3A_1240 : i32
          %add3A_1242 = arith.constant 14 : i32
          %add3A_1243 = arith.addi %mul3A_1241, %add3A_1242 : i32
          %mul3A_1244 = arith.constant 128 : i32
          %mul3A_1245 = arith.muli %add3A_1243, %mul3A_1244 : i32
          %add3A_1246 = arith.constant 0 : i32
          %add3A_1247 = arith.addi %mul3A_1245, %add3A_1246 : i32
          %get3A_1248 = arith.index_cast %add3A_1247 : i32 to index
          %get3A_1249 = tpu.vector_load %arg11[%get3A_1248] {strides = array<i32>} : memref<20480xf32, #tpu.memory_space<vmem>>, vector<16xf32>,
          %add3A_1250 = arith.constant 16 : i32
          %add3A_1251 = arith.addi %mul3A_1245, %add3A_1250 : i32
          %get3A_1252 = arith.index_cast %add3A_1251 : i32 to index
          %get3A_1253 = tpu.vector_load %arg11[%get3A_1252] {strides = array<i32>} : memref<20480xf32, #tpu.memory_space<vmem>>, vector<16xf32>,
          %add3A_1254 = arith.constant 32 : i32
          %add3A_1255 = arith.addi %mul3A_1245, %add3A_1254 : i32
          %get3A_1256 = arith.index_cast %add3A_1255 : i32 to index
          %get3A_1257 = tpu.vector_load %arg11[%get3A_1256] {strides = array<i32>} : memref<20480xf32, #tpu.memory_space<vmem>>, vector<16xf32>,
          %add3A_1258 = arith.constant 48 : i32
          %add3A_1259 = arith.addi %mul3A_1245, %add3A_1258 : i32
          %get3A_1260 = arith.index_cast %add3A_1259 : i32 to index
          %get3A_1261 = tpu.vector_load %arg11[%get3A_1260] {strides = array<i32>} : memref<20480xf32, #tpu.memory_space<vmem>>, vector<16xf32>,
          %add3A_1262 = arith.constant 64 : i32
          %add3A_1263 = arith.addi %mul3A_1245, %add3A_1262 : i32
          %get3A_1264 = arith.index_cast %add3A_1263 : i32 to index
          %get3A_1265 = tpu.vector_load %arg11[%get3A_1264] {strides = array<i32>} : memref<20480xf32, #tpu.memory_space<vmem>>, vector<16xf32>,
          %add3A_1266 = arith.constant 80 : i32
          %add3A_1267 = arith.addi %mul3A_1245, %add3A_1266 : i32
          %get3A_1268 = arith.index_cast %add3A_1267 : i32 to index
          %get3A_1269 = tpu.vector_load %arg11[%get3A_1268] {strides = array<i32>} : memref<20480xf32, #tpu.memory_space<vmem>>, vector<16xf32>,
          %add3A_1270 = arith.constant 96 : i32
          %add3A_1271 = arith.addi %mul3A_1245, %add3A_1270 : i32
          %get3A_1272 = arith.index_cast %add3A_1271 : i32 to index
          %get3A_1273 = tpu.vector_load %arg11[%get3A_1272] {strides = array<i32>} : memref<20480xf32, #tpu.memory_space<vmem>>, vector<16xf32>,
          %add3A_1274 = arith.constant 112 : i32
          %add3A_1275 = arith.addi %mul3A_1245, %add3A_1274 : i32
          %get3A_1276 = arith.index_cast %add3A_1275 : i32 to index
          %get3A_1277 = tpu.vector_load %arg11[%get3A_1276] {strides = array<i32>} : memref<20480xf32, #tpu.memory_space<vmem>>, vector<16xf32>,
          %mul3A_1278 = arith.mulf %get3A_1249, %get3A_40 : vector<16xf32>
          %mul3A_1279 = arith.mulf %get3A_1253, %get3A_44 : vector<16xf32>
          %add3A_1280 = arith.addf %mul3A_1278, %mul3A_1279 : vector<16xf32>
          %mul3A_1281 = arith.mulf %get3A_1257, %get3A_48 : vector<16xf32>
          %mul3A_1282 = arith.mulf %get3A_1261, %get3A_52 : vector<16xf32>
          %add3A_1283 = arith.addf %mul3A_1281, %mul3A_1282 : vector<16xf32>
          %mul3A_1284 = arith.mulf %get3A_1265, %get3A_56 : vector<16xf32>
          %mul3A_1285 = arith.mulf %get3A_1269, %get3A_60 : vector<16xf32>
          %add3A_1286 = arith.addf %mul3A_1284, %mul3A_1285 : vector<16xf32>
          %mul3A_1287 = arith.mulf %get3A_1273, %get3A_64 : vector<16xf32>
          %mul3A_1288 = arith.mulf %get3A_1277, %get3A_68 : vector<16xf32>
          %add3A_1289 = arith.addf %mul3A_1287, %mul3A_1288 : vector<16xf32>
          %add3A_1290 = arith.addf %add3A_1280, %add3A_1283 : vector<16xf32>
          %add3A_1291 = arith.addf %add3A_1286, %add3A_1289 : vector<16xf32>
          %add3A_1292 = arith.addf %add3A_1290, %add3A_1291 : vector<16xf32>
          %reduce_sum3A_1293 = arith.constant true
          %reduce_sum3A_1294 = vector.broadcast %reduce_sum3A_1293 : i1 to vector<16xi1>
          %reduce_sum3A_1295 = tpu.scan <sum>, %add3A_1292 masked %reduce_sum3A_1294 : vector<16xf32>, vector<16xi1> -> vector<16xf32>
          %reduce_sum3A_1296 = vector.extract %reduce_sum3A_1295[15] : f32 from vector<16xf32>
          %broadcast_in_dim3A_1297 = vector.broadcast %reduce_sum3A_1296 : f32 to vector<16xf32>
          %add3A_1298 = arith.addf %broadcast_in_dim3A_1297, %get3A_70 : vector<16xf32>
          %neg3A_1299 = arith.constant 0.000000e+00 : f32
          %neg3A_1300 = vector.broadcast %neg3A_1299 : f32 to vector<16xf32>
          %neg3A_1301 = arith.subf %neg3A_1300, %add3A_1298 : vector<16xf32>
          %exp3A_1302 = math.exp %neg3A_1301 : vector<16xf32>
          %slice3A_1303 = vector.extract_strided_slice %gather3A_152 {offsets = [14], sizes = [1], strides = [1]} : vector<16xf32> to vector<1xf32>
          %squeeze3A_1304 = vector.extract %slice3A_1303[0] : f32 from vector<1xf32>
          %broadcast_in_dim3A_1305 = vector.broadcast %squeeze3A_1304 : f32 to vector<16xf32>
          %add3A_1306 = arith.constant 1.000000e+00 : f32
          %add3A_1307 = vector.broadcast %add3A_1306 : f32 to vector<16xf32>
          %add3A_1308 = arith.addf %add3A_1307, %exp3A_1302 : vector<16xf32>
          %div3A_1309 = arith.divf %broadcast_in_dim3A_1305, %add3A_1308 : vector<16xf32>
          %add3A_1310 = arith.constant 14 : i32
          %add3A_1311 = arith.addi %add3A_148, %add3A_1310 : i32
          %broadcast_in_dim3A_1312 = vector.broadcast %add3A_1311 : i32 to vector<16xi32>
          tpu.vector_store_idx %arg14[%broadcast_in_dim3A_1312], %div3A_1309 masked %eq3A_5 : memref<3200xf32, #tpu.memory_space<vmem>>[vector<16xi32>], vector<16xf32>, vector<16xi1>
          %slice3A_1313 = vector.extract_strided_slice %gather3A_151 {offsets = [14], sizes = [1], strides = [1]} : vector<16xi32> to vector<1xi32>
          %squeeze3A_1314 = vector.extract %slice3A_1313[0] : i32 from vector<1xi32>
          %swap3A_1315 = arith.index_cast %squeeze3A_1314 : i32 to index
          %swap3A_1316 = arith.constant 0 : index
          %swap3A_1317 = tpu.vector_load %arg15[%swap3A_1315, %swap3A_1316] {strides = array<i32>} : memref<512x128xf32, #tpu.memory_space<vmem>>, vector<16xf32>,
          tpu.vector_store %arg15[%swap3A_1315, %swap3A_1316], %div3A_1309 {add = true, strides = array<i32>} : memref<512x128xf32, #tpu.memory_space<vmem>>, vector<16xf32>,
          %mul3A_1318 = arith.constant 16 : i32
          %mul3A_1319 = arith.muli %scan3A_142, %mul3A_1318 : i32
          %add3A_1320 = arith.constant 15 : i32
          %add3A_1321 = arith.addi %mul3A_1319, %add3A_1320 : i32
          %mul3A_1322 = arith.constant 128 : i32
          %mul3A_1323 = arith.muli %add3A_1321, %mul3A_1322 : i32
          %add3A_1324 = arith.constant 0 : i32
          %add3A_1325 = arith.addi %mul3A_1323, %add3A_1324 : i32
          %get3A_1326 = arith.index_cast %add3A_1325 : i32 to index
          %get3A_1327 = tpu.vector_load %arg11[%get3A_1326] {strides = array<i32>} : memref<20480xf32, #tpu.memory_space<vmem>>, vector<16xf32>,
          %add3A_1328 = arith.constant 16 : i32
          %add3A_1329 = arith.addi %mul3A_1323, %add3A_1328 : i32
          %get3A_1330 = arith.index_cast %add3A_1329 : i32 to index
          %get3A_1331 = tpu.vector_load %arg11[%get3A_1330] {strides = array<i32>} : memref<20480xf32, #tpu.memory_space<vmem>>, vector<16xf32>,
          %add3A_1332 = arith.constant 32 : i32
          %add3A_1333 = arith.addi %mul3A_1323, %add3A_1332 : i32
          %get3A_1334 = arith.index_cast %add3A_1333 : i32 to index
          %get3A_1335 = tpu.vector_load %arg11[%get3A_1334] {strides = array<i32>} : memref<20480xf32, #tpu.memory_space<vmem>>, vector<16xf32>,
          %add3A_1336 = arith.constant 48 : i32
          %add3A_1337 = arith.addi %mul3A_1323, %add3A_1336 : i32
          %get3A_1338 = arith.index_cast %add3A_1337 : i32 to index
          %get3A_1339 = tpu.vector_load %arg11[%get3A_1338] {strides = array<i32>} : memref<20480xf32, #tpu.memory_space<vmem>>, vector<16xf32>,
          %add3A_1340 = arith.constant 64 : i32
          %add3A_1341 = arith.addi %mul3A_1323, %add3A_1340 : i32
          %get3A_1342 = arith.index_cast %add3A_1341 : i32 to index
          %get3A_1343 = tpu.vector_load %arg11[%get3A_1342] {strides = array<i32>} : memref<20480xf32, #tpu.memory_space<vmem>>, vector<16xf32>,
          %add3A_1344 = arith.constant 80 : i32
          %add3A_1345 = arith.addi %mul3A_1323, %add3A_1344 : i32
          %get3A_1346 = arith.index_cast %add3A_1345 : i32 to index
          %get3A_1347 = tpu.vector_load %arg11[%get3A_1346] {strides = array<i32>} : memref<20480xf32, #tpu.memory_space<vmem>>, vector<16xf32>,
          %add3A_1348 = arith.constant 96 : i32
          %add3A_1349 = arith.addi %mul3A_1323, %add3A_1348 : i32
          %get3A_1350 = arith.index_cast %add3A_1349 : i32 to index
          %get3A_1351 = tpu.vector_load %arg11[%get3A_1350] {strides = array<i32>} : memref<20480xf32, #tpu.memory_space<vmem>>, vector<16xf32>,
          %add3A_1352 = arith.constant 112 : i32
          %add3A_1353 = arith.addi %mul3A_1323, %add3A_1352 : i32
          %get3A_1354 = arith.index_cast %add3A_1353 : i32 to index
          %get3A_1355 = tpu.vector_load %arg11[%get3A_1354] {strides = array<i32>} : memref<20480xf32, #tpu.memory_space<vmem>>, vector<16xf32>,
          %mul3A_1356 = arith.mulf %get3A_1327, %get3A_40 : vector<16xf32>
          %mul3A_1357 = arith.mulf %get3A_1331, %get3A_44 : vector<16xf32>
          %add3A_1358 = arith.addf %mul3A_1356, %mul3A_1357 : vector<16xf32>
          %mul3A_1359 = arith.mulf %get3A_1335, %get3A_48 : vector<16xf32>
          %mul3A_1360 = arith.mulf %get3A_1339, %get3A_52 : vector<16xf32>
          %add3A_1361 = arith.addf %mul3A_1359, %mul3A_1360 : vector<16xf32>
          %mul3A_1362 = arith.mulf %get3A_1343, %get3A_56 : vector<16xf32>
          %mul3A_1363 = arith.mulf %get3A_1347, %get3A_60 : vector<16xf32>
          %add3A_1364 = arith.addf %mul3A_1362, %mul3A_1363 : vector<16xf32>
          %mul3A_1365 = arith.mulf %get3A_1351, %get3A_64 : vector<16xf32>
          %mul3A_1366 = arith.mulf %get3A_1355, %get3A_68 : vector<16xf32>
          %add3A_1367 = arith.addf %mul3A_1365, %mul3A_1366 : vector<16xf32>
          %add3A_1368 = arith.addf %add3A_1358, %add3A_1361 : vector<16xf32>
          %add3A_1369 = arith.addf %add3A_1364, %add3A_1367 : vector<16xf32>
          %add3A_1370 = arith.addf %add3A_1368, %add3A_1369 : vector<16xf32>
          %reduce_sum3A_1371 = arith.constant true
          %reduce_sum3A_1372 = vector.broadcast %reduce_sum3A_1371 : i1 to vector<16xi1>
          %reduce_sum3A_1373 = tpu.scan <sum>, %add3A_1370 masked %reduce_sum3A_1372 : vector<16xf32>, vector<16xi1> -> vector<16xf32>
          %reduce_sum3A_1374 = vector.extract %reduce_sum3A_1373[15] : f32 from vector<16xf32>
          %broadcast_in_dim3A_1375 = vector.broadcast %reduce_sum3A_1374 : f32 to vector<16xf32>
          %add3A_1376 = arith.addf %broadcast_in_dim3A_1375, %get3A_70 : vector<16xf32>
          %neg3A_1377 = arith.constant 0.000000e+00 : f32
          %neg3A_1378 = vector.broadcast %neg3A_1377 : f32 to vector<16xf32>
          %neg3A_1379 = arith.subf %neg3A_1378, %add3A_1376 : vector<16xf32>
          %exp3A_1380 = math.exp %neg3A_1379 : vector<16xf32>
          %slice3A_1381 = vector.extract_strided_slice %gather3A_152 {offsets = [15], sizes = [1], strides = [1]} : vector<16xf32> to vector<1xf32>
          %squeeze3A_1382 = vector.extract %slice3A_1381[0] : f32 from vector<1xf32>
          %broadcast_in_dim3A_1383 = vector.broadcast %squeeze3A_1382 : f32 to vector<16xf32>
          %add3A_1384 = arith.constant 1.000000e+00 : f32
          %add3A_1385 = vector.broadcast %add3A_1384 : f32 to vector<16xf32>
          %add3A_1386 = arith.addf %add3A_1385, %exp3A_1380 : vector<16xf32>
          %div3A_1387 = arith.divf %broadcast_in_dim3A_1383, %add3A_1386 : vector<16xf32>
          %add3A_1388 = arith.constant 15 : i32
          %add3A_1389 = arith.addi %add3A_148, %add3A_1388 : i32
          %broadcast_in_dim3A_1390 = vector.broadcast %add3A_1389 : i32 to vector<16xi32>
          tpu.vector_store_idx %arg14[%broadcast_in_dim3A_1390], %div3A_1387 masked %eq3A_5 : memref<3200xf32, #tpu.memory_space<vmem>>[vector<16xi32>], vector<16xf32>, vector<16xi1>
          %slice3A_1391 = vector.extract_strided_slice %gather3A_151 {offsets = [15], sizes = [1], strides = [1]} : vector<16xi32> to vector<1xi32>
          %squeeze3A_1392 = vector.extract %slice3A_1391[0] : i32 from vector<1xi32>
          %swap3A_1393 = arith.index_cast %squeeze3A_1392 : i32 to index
          %swap3A_1394 = arith.constant 0 : index
          %swap3A_1395 = tpu.vector_load %arg15[%swap3A_1393, %swap3A_1394] {strides = array<i32>} : memref<512x128xf32, #tpu.memory_space<vmem>>, vector<16xf32>,
          tpu.vector_store %arg15[%swap3A_1393, %swap3A_1394], %div3A_1387 {add = true, strides = array<i32>} : memref<512x128xf32, #tpu.memory_space<vmem>>, vector<16xf32>,
          %scan3A_1396 = arith.constant 0 : i32
          scf.yield %scan3A_1396 : i32
        }
        %scan3A_135 = arith.constant 10 : i32
        %add3A_136 = arith.constant 2 : i32
        %add3A_137 = arith.addi %add3A_117, %add3A_136 : i32
        %lt3A_138 = arith.cmpi slt, %add3A_137, %select_n3A : i32
        %convert_element_type3A_139 = arith.extui %lt3A_138 : i1 to i32
        %cond3A_140 = arith.constant 0 : i32
        %cond3A_141 = arith.cmpi ne, %convert_element_type3A_139, %cond3A_140 : i32
        scf.if %cond3A_141 {
          %add3A_142 = arith.constant 2 : i32
          %add3A_143 = arith.addi %add3A_117, %add3A_142 : i32
          %mul3A_144 = arith.constant 160 : i32
          %mul3A_145 = arith.muli %add3A_143, %mul3A_144 : i32
          %add3A_146 = arith.addi %mul3A_13, %mul3A_145 : i32
          %mul3A_147 = arith.constant 128 : i32
          %mul3A_148 = arith.muli %add3A_146, %mul3A_147 : i32
          %dma_start3A_149 = tpu.memref_slice %arg2[%mul3A_148] : memref<12800000xf32, #tpu.memory_space<hbm>> -> memref<20480xf32, #tpu.memory_space<hbm>>
          %dma_start3A_150 = tpu.memref_slice %arg2[%mul3A_148] : memref<12800000xf32, #tpu.memory_space<hbm>> -> memref<20480xf32, #tpu.memory_space<hbm>>
          tpu.enqueue_dma source(%dma_start3A_150 : memref<20480xf32, #tpu.memory_space<hbm>>) target(%arg11 : memref<20480xf32, #tpu.memory_space<vmem>>) target_semaphore(%arg21 : memref<!tpu.dma_semaphore, #tpu.memory_space<semaphore_mem>>)
        } else {
        }
      } else {
      }
      %scan3A_122 = arith.constant 0 : i32
      scf.yield %scan3A_122 : i32
    }
    %scan3A_82 = arith.constant 10 : i32
    %convert_element_type3A_83 = arith.extui %lt3A_6 : i1 to i32
    %cond3A_84 = arith.constant 0 : i32
    %cond3A_85 = arith.cmpi ne, %convert_element_type3A_83, %cond3A_84 : i32
    scf.if %cond3A_85 {
      "tpu.region"() ({
        %run_scoped3A = tpu.sem_alloc : memref<!tpu.dma_semaphore, #tpu.memory_space<semaphore_mem>>
        %dma_start3A_106 = arith.constant 0 : i32
        %dma_start3A_107 = tpu.memref_slice %arg14[%dma_start3A_106] : memref<3200xf32, #tpu.memory_space<vmem>> -> memref<3200xf32, #tpu.memory_space<vmem>>
        %dma_start3A_108 = tpu.memref_slice %arg8[%mul3A_13] : memref<100000xf32, #tpu.memory_space<hbm>> -> memref<3200xf32, #tpu.memory_space<hbm>>
        %dma_start3A_109 = tpu.memref_slice %arg8[%mul3A_13] : memref<100000xf32, #tpu.memory_space<hbm>> -> memref<3200xf32, #tpu.memory_space<hbm>>
        %dma_start3A_110 = arith.constant 0 : i32
        %dma_start3A_111 = tpu.memref_slice %arg14[%dma_start3A_110] : memref<3200xf32, #tpu.memory_space<vmem>> -> memref<3200xf32, #tpu.memory_space<vmem>>
        tpu.enqueue_dma source(%dma_start3A_111 : memref<3200xf32, #tpu.memory_space<vmem>>) target(%dma_start3A_109 : memref<3200xf32, #tpu.memory_space<hbm>>) target_semaphore(%run_scoped3A : memref<!tpu.dma_semaphore, #tpu.memory_space<semaphore_mem>>)
        %dma_wait3A = arith.constant 0 : i32
        %dma_wait3A_112 = tpu.memref_slice %arg14[%dma_wait3A] : memref<3200xf32, #tpu.memory_space<vmem>> -> memref<3200xf32, #tpu.memory_space<vmem>>
        %dma_wait3A_113 = tpu.memref_slice %arg8[%mul3A_13] : memref<100000xf32, #tpu.memory_space<hbm>> -> memref<3200xf32, #tpu.memory_space<hbm>>
        %dma_wait3A_114 = tpu.memref_slice %arg8[%mul3A_13] : memref<100000xf32, #tpu.memory_space<hbm>> -> memref<3200xf32, #tpu.memory_space<hbm>>
        %dma_wait3A_115 = arith.constant 0 : i32
        %dma_wait3A_116 = tpu.memref_slice %arg14[%dma_wait3A_115] : memref<3200xf32, #tpu.memory_space<vmem>> -> memref<3200xf32, #tpu.memory_space<vmem>>
        tpu.wait_dma2 semaphore(%run_scoped3A : memref<!tpu.dma_semaphore, #tpu.memory_space<semaphore_mem>>) src(%dma_wait3A_116 : memref<3200xf32, #tpu.memory_space<vmem>>) dst(%dma_wait3A_114 : memref<3200xf32, #tpu.memory_space<hbm>>)
        tpu.yield
      }) : () -> ()
    } else {
    }
    %not3A_86 = arith.constant true
    %not3A_87 = arith.xori %lt3A_6, %not3A_86 : i1
    %convert_element_type3A_88 = arith.extui %not3A_87 : i1 to i32
    %cond3A_89 = arith.constant 0 : i32
    %cond3A_90 = arith.cmpi ne, %convert_element_type3A_88, %cond3A_89 : i32
    scf.if %cond3A_90 {
      "tpu.region"() ({
        %run_scoped3A = tpu.sem_alloc : memref<!tpu.dma_semaphore, #tpu.memory_space<semaphore_mem>>
        %dma_start3A_106 = arith.constant 0 : i32
        %dma_start3A_107 = tpu.memref_slice %arg14[%dma_start3A_106] : memref<3200xf32, #tpu.memory_space<vmem>> -> memref<3040xf32, #tpu.memory_space<vmem>>
        %dma_start3A_108 = tpu.memref_slice %arg8[%mul3A_13] : memref<100000xf32, #tpu.memory_space<hbm>> -> memref<3040xf32, #tpu.memory_space<hbm>>
        %dma_start3A_109 = tpu.memref_slice %arg8[%mul3A_13] : memref<100000xf32, #tpu.memory_space<hbm>> -> memref<3040xf32, #tpu.memory_space<hbm>>
        %dma_start3A_110 = arith.constant 0 : i32
        %dma_start3A_111 = tpu.memref_slice %arg14[%dma_start3A_110] : memref<3200xf32, #tpu.memory_space<vmem>> -> memref<3040xf32, #tpu.memory_space<vmem>>
        tpu.enqueue_dma source(%dma_start3A_111 : memref<3040xf32, #tpu.memory_space<vmem>>) target(%dma_start3A_109 : memref<3040xf32, #tpu.memory_space<hbm>>) target_semaphore(%run_scoped3A : memref<!tpu.dma_semaphore, #tpu.memory_space<semaphore_mem>>)
        %dma_wait3A = arith.constant 0 : i32
        %dma_wait3A_112 = tpu.memref_slice %arg14[%dma_wait3A] : memref<3200xf32, #tpu.memory_space<vmem>> -> memref<3040xf32, #tpu.memory_space<vmem>>
        %dma_wait3A_113 = tpu.memref_slice %arg8[%mul3A_13] : memref<100000xf32, #tpu.memory_space<hbm>> -> memref<3040xf32, #tpu.memory_space<hbm>>
        %dma_wait3A_114 = tpu.memref_slice %arg8[%mul3A_13] : memref<100000xf32, #tpu.memory_space<hbm>> -> memref<3040xf32, #tpu.memory_space<hbm>>
        %dma_wait3A_115 = arith.constant 0 : i32
        %dma_wait3A_116 = tpu.memref_slice %arg14[%dma_wait3A_115] : memref<3200xf32, #tpu.memory_space<vmem>> -> memref<3040xf32, #tpu.memory_space<vmem>>
        tpu.wait_dma2 semaphore(%run_scoped3A : memref<!tpu.dma_semaphore, #tpu.memory_space<semaphore_mem>>) src(%dma_wait3A_116 : memref<3040xf32, #tpu.memory_space<vmem>>) dst(%dma_wait3A_114 : memref<3040xf32, #tpu.memory_space<hbm>>)
        tpu.yield
      }) : () -> ()
    } else {
    }
    %scan3A_91 = arith.constant 0 : i32
    %scan3A_92 = arith.constant 0 : i32
    %scan3A_93 = arith.constant 16 : i32
    %scan3A_94 = arith.addi %scan3A_92, %scan3A_93 : i32
    %scan3A_95 = arith.constant 1 : i32
    %scan3A_96 = scf.for %scan3A_106 = %scan3A_92 to %scan3A_94 step %scan3A_95 iter_args(%scan3A_107 = %scan3A_91) -> (i32)  : i32 {
      %mul3A_108 = arith.constant 32 : i32
      %mul3A_109 = arith.muli %scan3A_106, %mul3A_108 : i32
      %add3A_110 = arith.constant 31 : i32
      %add3A_111 = arith.addi %mul3A_109, %add3A_110 : i32
      %ge3A = arith.cmpi sge, %add3A_111, %squeeze3A : i32
      %le3A = arith.cmpi sle, %mul3A_109, %squeeze3A_75 : i32
      %and3A = arith.andi %ge3A, %le3A : i1
      %convert_element_type3A_112 = arith.extui %and3A : i1 to i32
      %cond3A_113 = arith.constant 0 : i32
      %cond3A_114 = arith.cmpi ne, %convert_element_type3A_112, %cond3A_113 : i32
      scf.if %cond3A_114 {
        "tpu.region"() ({
          %run_scoped3A = tpu.sem_alloc : memref<!tpu.dma_semaphore, #tpu.memory_space<semaphore_mem>>
          %dma_start3A_116 = arith.constant 0 : i32
          %dma_start3A_117 = tpu.memref_slice %arg15[%mul3A_109, %dma_start3A_116] : memref<512x128xf32, #tpu.memory_space<vmem>> -> memref<32x128xf32, #tpu.memory_space<vmem>>
          %dma_start3A_118 = arith.constant 0 : i32
          %dma_start3A_119 = tpu.memref_slice %arg16[%scan3A_106, %dma_start3A_118] : memref<16x32xi32, #tpu.memory_space<vmem>> -> memref<1x32xi32, #tpu.memory_space<vmem>>
          %dma_start3A_120 = tpu.memref_squeeze %dma_start3A_119 : memref<1x32xi32, #tpu.memory_space<vmem>> -> memref<32xi32, #tpu.memory_space<vmem>>
          %dma_start3A_121 = arith.constant 0 : i32
          %dma_start3A_122 = arith.constant 0 : i32
          %dma_start3A_123 = tpu.memref_slice %arg19[%dma_start3A_121, %dma_start3A_122] : memref<512x128xf32, #tpu.memory_space<vmem_shared>> -> memref<512x128xf32, #tpu.memory_space<vmem_shared>>
          tpu.enqueue_indirect_dma source(%dma_start3A_117 : memref<32x128xf32, #tpu.memory_space<vmem>>) target(%dma_start3A_123 : memref<512x128xf32, #tpu.memory_space<vmem_shared>>) offsets(%dma_start3A_120 : memref<32xi32, #tpu.memory_space<vmem>>) semaphore(%run_scoped3A : memref<!tpu.dma_semaphore, #tpu.memory_space<semaphore_mem>>) {add = true}
          %dma_wait3A = arith.constant 0 : i32
          %dma_wait3A_124 = tpu.memref_slice %arg15[%mul3A_109, %dma_wait3A] : memref<512x128xf32, #tpu.memory_space<vmem>> -> memref<32x128xf32, #tpu.memory_space<vmem>>
          %dma_wait3A_125 = arith.constant 0 : i32
          %dma_wait3A_126 = tpu.memref_slice %arg16[%scan3A_106, %dma_wait3A_125] : memref<16x32xi32, #tpu.memory_space<vmem>> -> memref<1x32xi32, #tpu.memory_space<vmem>>
          %dma_wait3A_127 = tpu.memref_squeeze %dma_wait3A_126 : memref<1x32xi32, #tpu.memory_space<vmem>> -> memref<32xi32, #tpu.memory_space<vmem>>
          %dma_wait3A_128 = arith.constant 0 : i32
          %dma_wait3A_129 = arith.constant 0 : i32
          %dma_wait3A_130 = tpu.memref_slice %arg19[%dma_wait3A_128, %dma_wait3A_129] : memref<512x128xf32, #tpu.memory_space<vmem_shared>> -> memref<512x128xf32, #tpu.memory_space<vmem_shared>>
          tpu.wait_indirect_dma semaphore(%run_scoped3A : memref<!tpu.dma_semaphore, #tpu.memory_space<semaphore_mem>>) src(%dma_wait3A_124 : memref<32x128xf32, #tpu.memory_space<vmem>>) dst(%dma_wait3A_130 : memref<512x128xf32, #tpu.memory_space<vmem_shared>>)
          tpu.yield
        }) : () -> ()
      } else {
      }
      %scan3A_115 = arith.constant 0 : i32
      scf.yield %scan3A_115 : i32
    }
    %scan3A_97 = arith.constant 16 : i32
    %barrier3A_98 = arith.constant 0 : index
    tpu.barrier barrier_id(%barrier3A_98)
    %mul3A_99 = arith.constant 32 : i32
    %mul3A_100 = arith.muli %arg1, %mul3A_99 : i32
    %mul3A_101 = arith.constant 512 : i32
    %mul3A_102 = arith.muli %arg0, %mul3A_101 : i32
    %mul3A_103 = arith.constant 32 : i32
    %mul3A_104 = arith.muli %arg1, %mul3A_103 : i32
    %add3A_105 = arith.addi %mul3A_102, %mul3A_104 : i32
    "tpu.region"() ({
      %run_scoped3A = tpu.sem_alloc : memref<!tpu.dma_semaphore, #tpu.memory_space<semaphore_mem>>
      %dma_start3A_106 = arith.constant 0 : i32
      %dma_start3A_107 = tpu.memref_slice %arg9[%add3A_105, %dma_start3A_106] : memref<1024x128xf32, #tpu.memory_space<hbm>> -> memref<32x128xf32, #tpu.memory_space<hbm>>
      %dma_start3A_108 = arith.constant 0 : i32
      %dma_start3A_109 = tpu.memref_slice %arg19[%mul3A_100, %dma_start3A_108] : memref<512x128xf32, #tpu.memory_space<vmem_shared>> -> memref<32x128xf32, #tpu.memory_space<vmem_shared>>
      tpu.enqueue_dma source(%dma_start3A_109 : memref<32x128xf32, #tpu.memory_space<vmem_shared>>) target(%dma_start3A_107 : memref<32x128xf32, #tpu.memory_space<hbm>>) target_semaphore(%run_scoped3A : memref<!tpu.dma_semaphore, #tpu.memory_space<semaphore_mem>>)
      %dma_wait3A = arith.constant 0 : i32
      %dma_wait3A_110 = tpu.memref_slice %arg9[%add3A_105, %dma_wait3A] : memref<1024x128xf32, #tpu.memory_space<hbm>> -> memref<32x128xf32, #tpu.memory_space<hbm>>
      %dma_wait3A_111 = arith.constant 0 : i32
      %dma_wait3A_112 = tpu.memref_slice %arg19[%mul3A_100, %dma_wait3A_111] : memref<512x128xf32, #tpu.memory_space<vmem_shared>> -> memref<32x128xf32, #tpu.memory_space<vmem_shared>>
      tpu.wait_dma2 semaphore(%run_scoped3A : memref<!tpu.dma_semaphore, #tpu.memory_space<semaphore_mem>>) src(%dma_wait3A_112 : memref<32x128xf32, #tpu.memory_space<vmem_shared>>) dst(%dma_wait3A_110 : memref<32x128xf32, #tpu.memory_space<hbm>>)
      tpu.yield
    }) : () -> ()
    return
  }
}

module attributes {stable_mosaic.version = 14 : i64} {
  func.func @_combine(%arg0: memref<1024x128xf32, #tpu.memory_space<vmem>>, %arg1: memref<512x128xf32, #tpu.memory_space<vmem>>) attributes {dimension_semantics = [], scalar_prefetch = 0 : i64, scratch_operands = 0 : i64, tpu.core_type = #tpu.core_type<tc>} {
    %get3A = arith.constant 0 : index
    %get3A_0 = arith.constant 0 : index
    %get3A_1 = vector.load %arg0[%get3A, %get3A_0] : memref<1024x128xf32, #tpu.memory_space<vmem>>, vector<512x128xf32>
    %get3A_2 = arith.constant 512 : index
    %get3A_3 = arith.constant 0 : index
    %get3A_4 = vector.load %arg0[%get3A_2, %get3A_3] : memref<1024x128xf32, #tpu.memory_space<vmem>>, vector<512x128xf32>
    %add3A = arith.addf %get3A_1, %get3A_4 : vector<512x128xf32>
    %swap3A = arith.constant 0 : index
    %swap3A_5 = arith.constant 0 : index
    %swap3A_6 = vector.load %arg1[%swap3A, %swap3A_5] : memref<512x128xf32, #tpu.memory_space<vmem>>, vector<512x128xf32>
    tpu.vector_store %arg1[%swap3A, %swap3A_5], %add3A {strides = array<i32>} : memref<512x128xf32, #tpu.memory_space<vmem>>, vector<512x128xf32>,
    return
  }
}

</mosaic_0001>

<sc_bundles>
// kernel: kernel.4.cloned.1.call-start
scs
__scs_entry_jumppad:
0x0: {  	(pc) =	sbr.rel $0x88, $3  }
0x1: {  	(tag) =	ssettag $0x0;
	lr =	simm.s32 $0x1  }
0x2: {  	[smem:$0x3F9C] =	sst lr;
	_ =	strace $0xD0000000  }
0x3: {  	_ = 	snop  }
0x4: {  	_ = 	snop  }
0x5: {  	_ = 	snop  }
0x6: {  	_ = 	snop  }
0x7: {  	_ = 	snop  }
__scs_overlays_trampoline_lowered:
0x8: {  	[smem:$0x3FAB] =	sst s0  }
0x9: {  	[smem:$0x3FAC] =	sst s1  }
0xa: {  	[smem:$0x3FAD] =	sst s2  }
0xb: {  	[smem:$0x3FAE] =	sst s3  }
0xc: {  	[smem:$0x3FAF] =	sst s4  }
0xd: {  	[smem:$0x3FB0] =	sst s5  }
0xe: {  	[smem:$0x3FB1] =	sst s6  }
0xf: {  	[smem:$0x3FB2] =	sst s7  }
0x10: {  	[smem:$0x3FB3] =	sst s8  }
0x11: {  	[smem:$0x3FB4] =	sst s9;
	s0 =	simm.s32 @!p0 $0x0  }
0x12: {  	s1 =	sld [smem:$0x3F9A];
	s0 =	simm.s32 @p0 $0x1  }
0x13: {  	[smem:$0x3FB5] =	sst s0;
	s0 =	simm.s32 @!p1 $0x0  }
0x14: {  	s2 =	sld [smem:$0x3F99];
	s0 =	simm.s32 @p1 $0x1  }
0x15: {  	[smem:$0x3FB6] =	sst s0;
	s0 =	simm.s32 @!p2 $0x0  }
0x16: {  	s3 =	sld [smem:$0x3FDB];
	s0 =	simm.s32 @p2 $0x1  }
0x17: {  	s4 =	simm.s32 $0x1BF5;
	[smem:$0x3FB8] =	sst s0  }
0x18: {  	s0 =	sld [smem:$0x3F9B];
	_ =	swait.ge [sflag:s4], $0x0  }
0x19: {  	s7 =	sld [smem:$0x3F9C]  }
0x1a: {  	s8 =	sadd.s32 $0xFFFFE003, lr  }
0x1b: {  	s9 =	sadd.s32 $0xFFFFFEF7, lr;
	s5 =	simm.s32 $0xFFFFFFFF;
	p2 =	slt.u32 s8, $0xFFFFF086  }
0x1c: {  	p1 =	slt.u32 s9, $0xF7A;
	s5 =	simm.s32 @!p2 $0x0  }
0x1d: {  	s5 =	simm.s32 @p1 $0x1;
	p0 =	seq.s32 s7, s2  }
0x1e: {  	s7 =	smul.u32 @!p0 $0xF7A, s2;
	p2 =	seq.s32 @!p0 s5, $0x0  }
0x1f: {  	s9 =	smul.u32 $0xF7A, s1;
	s8 =	simm.s32 @!p0 $0x1BF5;
	p2 =	por !p2, p0  }
0x20: {  	[sflag:s8] =	ssyncset.s32 @!p0 $0xFFFFF086;
	s6 =	sadd.s32 @!p0 s3, s7;
	s7 =	simm.s32 @!p0 $0x108  }
0x21: {  	s3 =	sadd.s32 s3, s9;
	s6 =	sadd.s32 @!p0 $0x88, s6;
	s7 =	simm.s32 @p2 $0x1082  }
0x22: {  	[simem:s7], [sflag:s8] =	dma.local @!p0 [hbm:s6], $0xF7A  }
0x23: {  	s9 =	sor.u32 $0xD0000000, s2;
	s6 =	simm.s32 $0x108;
	_ =	swait.ge @!p0 [sflag:s8], $0x0  }
0x24: {  	s3 =	sadd.s32 $0x88, s3;
	s6 =	simm.s32 @!p1 $0x1082;
	[sflag:s4] =	ssyncset.s32 $0xFFFFF086  }
0x25: {  	[simem:s6], [sflag:s4] =	dma.local [hbm:s3], $0xF7A  }
0x26: {  	[smem:$0x3F9C] =	sst s1;
	(tag) =	ssettag s2;
	_ =	strace s9  }
0x27: {  	s1 =	sld [smem:$0x3FAC]  }
0x28: {  	s2 =	sld [smem:$0x3FAD]  }
0x29: {  	s4 =	sld [smem:$0x3FAF]  }
0x2a: {  	p0 =	seq.s32 s5, $0x0;
	s5 =	sld [smem:$0x3FB0]  }
0x2b: {  	s6 =	sld [smem:$0x3FB1]  }
0x2c: {  	s7 =	sld [smem:$0x3FB2]  }
0x2d: {  	s3 =	simm.s32 $0x108;
	s8 =	sld [smem:$0x3FB3]  }
0x2e: {  	s3 =	simm.s32 @!p0 $0x1082;
	s9 =	sld [smem:$0x3FB4]  }
0x2f: {  	lr =	sadd.s32 s0, s3;
	s0 =	sld [smem:$0x3FAB]  }
0x30: {  	s3 =	sld [smem:$0x3FAE]  }
0x31: {  	[smem:$0x3FB7] =	sst s10  }
0x32: {  	s10 =	sld [smem:$0x3FB5];
	_ =	sdelay $0x3  }
0x33: {  	p0 =	seq.s32 s10, $0x1;
	s10 =	sld [smem:$0x3FB7];
	_ =	sdelay $0x3  }
0x34: {  	[smem:$0x3FB7] =	sst s10  }
0x35: {  	s10 =	sld [smem:$0x3FB6];
	_ =	sdelay $0x3  }
0x36: {  	p1 =	seq.s32 s10, $0x1;
	s10 =	sld [smem:$0x3FB7];
	_ =	sdelay $0x3  }
0x37: {  	[smem:$0x3FB7] =	sst s10  }
0x38: {  	s10 =	sld [smem:$0x3FB8]  }
0x39: {  	_ = 	snop;
	(pc) =	sbr.ind lr, $3  }
0x3a: {  	_ = 	snop  }
0x3b: {  	_ = 	snop  }
0x3c: {  	p2 =	seq.s32 s10, $0x1;
	s10 =	sld [smem:$0x3FB7]  }
0x3d: {  	_ =	shalt  }
0x3e: {  	_ =	shalt  }
0x3f: {  	_ =	shalt  }
0x40: {  	_ =	shalt  }
0x41: {  	_ =	shalt  }
0x42: {  	_ =	shalt  }
0x43: {  	_ =	shalt  }
0x44: {  	_ =	shalt  }
0x45: {  	_ =	shalt  }
0x46: {  	_ =	shalt  }
0x47: {  	_ =	shalt  }
0x48: {  	_ =	shalt  }
0x49: {  	_ =	shalt  }
0x4a: {  	_ =	shalt  }
0x4b: {  	_ =	shalt  }
0x4c: {  	_ =	shalt  }
0x4d: {  	_ =	shalt  }
0x4e: {  	_ =	shalt  }
0x4f: {  	_ =	shalt  }
0x50: {  	_ =	shalt  }
0x51: {  	_ =	shalt  }
0x52: {  	_ =	shalt  }
0x53: {  	_ =	shalt  }
0x54: {  	_ =	shalt  }
0x55: {  	_ =	shalt  }
0x56: {  	_ =	shalt  }
0x57: {  	_ =	shalt  }
0x58: {  	_ =	shalt  }
0x59: {  	_ =	shalt  }
0x5a: {  	_ =	shalt  }
0x5b: {  	_ =	shalt  }
0x5c: {  	_ =	shalt  }
0x5d: {  	_ =	shalt  }
0x5e: {  	_ =	shalt  }
0x5f: {  	_ =	shalt  }
0x60: {  	_ =	shalt  }
0x61: {  	_ =	shalt  }
0x62: {  	_ =	shalt  }
0x63: {  	_ =	shalt  }
0x64: {  	_ =	shalt  }
0x65: {  	_ =	shalt  }
0x66: {  	_ =	shalt  }
0x67: {  	_ =	shalt  }
0x68: {  	_ =	shalt  }
0x69: {  	_ =	shalt  }
0x6a: {  	_ =	shalt  }
0x6b: {  	_ =	shalt  }
0x6c: {  	_ =	shalt  }
0x6d: {  	_ =	shalt  }
0x6e: {  	_ =	shalt  }
0x6f: {  	_ =	shalt  }
0x70: {  	_ =	shalt  }
0x71: {  	_ =	shalt  }
0x72: {  	_ =	shalt  }
0x73: {  	_ =	shalt  }
0x74: {  	_ =	shalt  }
0x75: {  	_ =	shalt  }
0x76: {  	_ =	shalt  }
0x77: {  	_ =	shalt  }
0x78: {  	_ =	shalt  }
0x79: {  	_ =	shalt  }
0x7a: {  	_ =	shalt  }
0x7b: {  	_ =	shalt  }
0x7c: {  	_ =	shalt  }
0x7d: {  	_ =	shalt  }
0x7e: {  	_ =	shalt  }
0x7f: {  	_ =	shalt  }
0x80: {  	_ =	shalt  }
0x81: {  	_ =	shalt  }
0x82: {  	_ =	shalt  }
0x83: {  	_ =	shalt  }
0x84: {  	_ =	shalt  }
0x85: {  	_ =	shalt  }
0x86: {  	_ =	shalt  }
0x87: {  	_ =	shalt  }
.Lfunc_end0:
.L_simem_size_0:
called_computation_lowered:
.L_overlay_start_0:
0x88: {  	s2 =	sld [smem:$0x3FD9]  }
0x89: {  	s3 =	sld [smem:$0x3FFE];
	_ =	sdelay $0x1  }
0x8a: {  	s1 =	srdreg.scid  }
0x8b: {  	s0 =	sand.u32 $0x1, s1  }
0x8c: {  	s14 =	sshll.u32 s0, $0xA;
	s2 =	sadd.s32 s3, s2  }
0x8d: {  	s2 =	sadd.s32 s2, s14  }
0x8e: {  	[smem:$0x3FC3] =	sst s2  }
0x8f: {  	_ = 	snop  }
0x90: {  	s2 =	sld [smem:$0x3FD0]  }
0x91: {  	s15 =	sld [smem:$0x3FC9]  }
0x92: {  	s4 =	sld [smem:$0x3FC8]  }
0x93: {  	s6 =	simm.s32 $0xA;
	s7 =	simm.s32 $0x10;
	s5 =	sld [smem:$0x3FC7]  }
0x94: {  	[smem:s7], [sflag:s6] =	dma.local [hbm:s2], $0x1  }
0x95: {  	_ =	swait.eq [sflag:s6], $0x1  }
0x96: {  	[sflag:s6] =	ssyncset.done $0x0  }
0x97: {  	s16 =	sld [smem:$0x10];
	[sflag:s6] =	ssyncadd.s32 $0xFFFFFFFF  }
0x98: {  	s17 =	sld [smem:$0x11];
	(tm) =	ssettm $0x1  }
0x99: {  	s18 =	sld [smem:$0x3FFB];
	_ =	sdelay $0x3  }
0x9a: {  	_ =	strace s18  }
0x9b: {  	s7 =	sld [smem:$0x3FFC];
	_ =	sdelay $0x3  }
0x9c: {  	_ =	strace s7  }
0x9d: {  	s7 =	sld [smem:$0x3FFD];
	_ =	sdelay $0x3  }
0x9e: {  	_ =	strace s7  }
0x9f: {  	_ =	strace $0x8FFFFFFF  }
0xa0: {  	s19 =	sld [smem:$0x3FDB];
	_ =	sdelay $0x1  }
0xa1: {  	s8 =	simm.s32 $_scs_section_size  }
0xa2: {  	s9 =	simm.s32 $_size__tile_overlayer_lowered;
	s10 =	simm.s32 $_tile_overlayer_lowered  }
0xa3: {  	s22 =	simm.s32 $0x1BFF;
	s21 =	sshll.u32 s10, $0x1;
	s7 =	sadd.s32 s8, s19  }
0xa4: {  	s11 =	simm.s32 $0x0;
	s20 =	sshll.u32 s9, $0x1;
	s9 =	sadd.s32 s21, s7  }
0xa5: {  	[timem:s11], [sflag:s22] =	dma.local [hbm:s9], s20  }
0xa6: {  	_ =	swait.ge [sflag:s22], s20  }
0xa7: {  	s8 =	ssub.s32 $0x0, s20;
	[sflag:s22] =	ssyncset.done $0x0  }
0xa8: {  	[sflag:s22] =	ssyncadd.s32 s8;
	_ =	sdelay $0x1  }
0xa9: {  	s23 =	simm.s32 $0x1B8B  }
0xaa: {  	_ =	swait.ge [sflag:s23], $0x1  }
0xab: {  	[sflag:s23] =	ssyncset.done $0x0  }
0xac: {  	s25 =	simm.s32 $0x1B8E;
	s24 =	sld [smem:$0x3FFE];
	[sflag:s23] =	ssyncadd.s32 $0xFFFFFFFF  }
0xad: {  	s26 =	simm.s32 $execute0_lowered;
	[smem:$0x3FD2] =	sst s25  }
0xae: {  	s9 =	sshll.u32 s26, $0x1;
	_ =	strace $0x80000046;
	[dreg:$0x1] =	wrdreg $0xFFFFFFFF  }
0xaf: {  	s28 =	simm.s32 $_size_execute0_lowered;
	s7 =	sadd.s32 s7, s9;
	[dreg:$0x0] =	wrdreg $0x0  }
0xb0: {  	s9 =	sshll.u32 s28, $0x1;
	[dreg:$0x2] =	wrdreg s7  }
0xb1: {  	[dreg:$0x3] =	wrdreg s9  }
0xb2: {  	[dreg:$0x4] =	wrdreg $0xC0  }
0xb3: {  	_ =	task [dreg:s11], $0x5FFFF  }
0xb4: {  	[dreg:$0x1] =	wrdreg $0xFFFFFFFF  }
0xb5: {  	[dreg:$0x0] =	wrdreg $0x60  }
0xb6: {  	[dreg:$0x2] =	wrdreg s15  }
0xb7: {  	[dreg:$0x3] =	wrdreg s4  }
0xb8: {  	[dreg:$0x4] =	wrdreg s5  }
0xb9: {  	[dreg:$0x5] =	wrdreg s17  }
0xba: {  	[dreg:$0x6] =	wrdreg s24  }
0xbb: {  	[dreg:$0x7] =	wrdreg s16  }
0xbc: {  	[dreg:$0x8] =	wrdreg $0x1D2000  }
0xbd: {  	[dreg:$0x9] =	wrdreg $0x9  }
0xbe: {  	_ =	task.clear_ibuf [dreg:s11], $0xAFFFF;
	_ =	strace $0x90000046  }
0xbf: {  	s29 =	simm.s32 $0x9;
	_ =	strace $0x80000048  }
0xc0: {  	_ =	swait.ge [sflag:s29], $0x1  }
0xc1: {  	[sflag:s29] =	ssyncadd.s32 $0xFFFFFFFF  }
0xc2: {  	_ =	strace $0x90000048  }
0xc3: {  	_ =	sfence  }
0xc4: {  	s30 =	sld [smem:$0x0];
	_ =	sdelay $0x2  }
0xc5: {  	s31 =	sshll.u32 s1, $0xD;
	s1 =	sshrl.u32 s1, $0x2  }
0xc6: {  	s3 =	sand.u32 $0x4000, s31;
	s1 =	sadd.s32 s1, s30  }
0xc7: {  	s0 =	sor.u32 s3, s0;
	s1 =	sshll.u32 s1, $0x11  }
0xc8: {  	s0 =	sor.u32 s1, s0  }
0xc9: {  	s0 =	sadd.s32 $0x8F2B, s0  }
0xca: {  	[sflag:s0] =	ssyncadd.remote.s32 $0x1  }
0xcb: {  	_ =	sfence.sel $0xFFFF  }
0xcc: {  	[dreg:$0x0] =	wrdreg $0xFFFFFFFF;
	(pc) =	sbr.abs _section_cstart, $3  }
0xcd: {  	[dreg:$0x1] =	wrdreg $0xFFFFFFFF  }
0xce: {  	_ =	task.clear_ibuf [dreg:s11], $0x2FFFF;
	_ =	strace $0x9FFFFFFF  }
0xcf: {  	(tm) =	ssettm $0x7FFFFFFF  }
tec
execute0_lowered:
.L_overlay_start_1:
0x0: {  	(tag) =	ssettag $0x1  }
0x1: {  	s1 =	rddreg [dreg:$0x0]  }
0x2: {  	s2 =	rddreg [dreg:$0x1]  }
0x3: {  	s3 =	rddreg [dreg:$0x2];
	s4 =	srdreg.scid  }
0x4: {  	s0 =	stileid.u32;
	s9 =	rddreg [dreg:$0x4];
	s6 =	simm.s32 $0x0  }
0x5: {  	s20 =	simm.s32 $0x3;
	s28 =	simm.s32 $0xB900;
	s29 =	simm.s32 $0x2  }
0x6: {  	s30 =	simm.s32 $0x0;
	s4 =	sand.u32 $0x1, s4;
	s5 =	sshll.u32 s0, $0x1  }
0x7: {  	[smem:$0x7FF] =	sst s6;
	s11 =	sshll.u32 s0, $0x9;
	s10 =	sor.u32 s4, s5  }
0x8: {  	s25 =	sshll.u32 s0, $0xC;
	s5 =	rddreg [dreg:$0x6];
	s7 =	smul.u32 $0x13, s10  }
0x9: {  	_ =	strace $0x80000047;
	s16 =	sadd.s32 s11, s9;
	s8 =	smin.u32 s10, $0x11  }
0xa: {  	s22 =	ssub.s32 $0x2, s4;
	s26 =	sshll.u32 s4, $0xD;
	s7 =	sadd.s32 s8, s7  }
0xb: {  	s14 =	sshrl.u32 s22, $0x1;
	p0 =	sgt.u32 s10, $0x10;
	s13 =	smul.u32 $0x14, s7  }
0xc: {  	s17 =	ssub.s32 s22, s14;
	s14 =	sadd.s32 s25, s5;
	s12 =	smul.u32 $0x5000, s7  }
0xd: {  	s25 =	simm.s32 $0x1;
	s8 =	sadd.s32 $0x800, s9;
	s23 =	smul.u32 $0xA00, s7  }
0xe: {  	s17 =	smax.u32 s17, $0x1;
	s15 =	sadd.s32 s13, s9;
	s9 =	simm.s32 $0x13  }
0xf: {  	s12 =	sshrl.u32 s12, $0x3;
	s10 =	sadd.s32 s1, s23;
	s9 =	simm.s32 @!p0 $0x14  }
0x10: {  	s23 =	simm.s32 $0x1C580;
	s24 =	sadd.s32 s1, s12;
	s18 =	smul.u32 $0xA0, s9  }
0x11: {  	s12 =	sadd.s32 s2, s13;
	s13 =	sadd.s32 s3, s13;
	s3 =	sadd.s32 s26, s16  }
0x12: {  	s15 =	sadd.s32 $0x4A00, s15;
	s26 =	simm.s32 $0xAC80;
	s31 =	sadd.s32 $0xFFFFFFFF, s18  }
0x13: {  	v1 =	vimm.f32 $0.0e+00;
	v2 =	vlaneseq.u32;
	s11 =	sadd.s32 $0xA00, s24;
	s16 =	sadd.s32 $0xA00, s3;
	s24 =	simm.s32 $0xA000;
	v0 =	vmov s31  }
.LBB2_1:
0x14: {  	[tilespmem:s6], [sflag:$0x1] =	stream.linear.gather [hbm4b:s10+s6], $0x5000, $0x38;
	[tilespmem:$0x1E200] =	vst v63  }
0x15: {  	s2 =	simm.s32 $0x5000  }
0x16: {  	[tilespmem:s2], [sflag:$0x2] =	stream.linear.gather [hbm4b:s11+s6], $0x5000, $0x38;
	[tilespmem:$0x1E200] =	vst v63  }
0x17: {  	s3 =	simm.s32 @p0 $0xA000;
	s2 =	simm.s32 @p0 $0x0  }
0x18: {  	[tilespmem:s3], [sflag:$0x3] =	stream.linear.gather @p0 [hbm4b:s12+s2], $0xBE0, $0x38;
	[tilespmem:$0x1E200] =	vst v63  }
0x19: {  	s3 =	simm.s32 @p0 $0x3  }
0x1a: {  	_ =	swait.ge @p0 [sflag:s3], $0xBE0  }
0x1b: {  	[sflag:s3] =	ssyncset.done @p0 $0x0  }
0x1c: {  	s4 =	simm.s32 @p0 $0xAC80;
	[sflag:s3] =	ssyncadd.s32 @p0 $0xFFFFF420  }
0x1d: {  	[tilespmem:s4], [sflag:$0x3] =	stream.linear.gather @p0 [hbm4b:s13+s2], $0xBE0, $0x38;
	[tilespmem:$0x1E200] =	vst v63  }
0x1e: {  	_ =	swait.ge @p0 [sflag:s3], $0xBE0  }
0x1f: {  	[sflag:s3] =	ssyncset.done @p0 $0x0  }
0x20: {  	s2 =	simm.s32 @!p0 $0x0;
	[sflag:s3] =	ssyncadd.s32 @p0 $0xFFFFF420;
	s3 =	simm.s32 @!p0 $0xA000  }
0x21: {  	[tilespmem:s3], [sflag:$0x3] =	stream.linear.gather @!p0 [hbm4b:s12+s2], $0xC80, $0x38;
	[tilespmem:$0x1E200] =	vst v63  }
0x22: {  	s3 =	simm.s32 @!p0 $0x3  }
0x23: {  	_ =	swait.ge @!p0 [sflag:s3], $0xC80  }
0x24: {  	[sflag:s3] =	ssyncset.done @!p0 $0x0  }
0x25: {  	s4 =	simm.s32 @!p0 $0xAC80;
	[sflag:s3] =	ssyncadd.s32 @!p0 $0xFFFFF380  }
0x26: {  	[tilespmem:s4], [sflag:$0x3] =	stream.linear.gather @!p0 [hbm4b:s13+s2], $0xC80, $0x38;
	[tilespmem:$0x1E200] =	vst v63  }
0x27: {  	_ =	swait.ge @!p0 [sflag:s3], $0xC80  }
0x28: {  	[sflag:s3] =	ssyncset.done @!p0 $0x0  }
0x29: {  	s2 =	simm.s32 $0x0;
	[sflag:s3] =	ssyncadd.s32 @!p0 $0xFFFFF380;
	s3 =	simm.s32 $0x200  }
.LBB2_2:
0x2a: {  	p1 =	sne.s32 s3, $0x3FE00;
	[tilespmem:s2+$0xC5F0] =	vst v1  }
0x2b: {  	[tilespmem:s2+$0xC580] =	vst v1  }
0x2c: {  	[tilespmem:s2+$0xC590] =	vst v1  }
.Ltmp0:
0x2d: {  	[tilespmem:s2+$0xC5A0] =	vst v1;
	(pc) =	sbr.rel @p1 .LBB2_2-.Ltmp0, $4  }
0x2e: {  	[tilespmem:s2+$0xC5B0] =	vst v1  }
0x2f: {  	[tilespmem:s2+$0xC5C0] =	vst v1  }
0x30: {  	[tilespmem:s2+$0xC5D0] =	vst v1  }
0x31: {  	[tilespmem:s2+$0xC5E0] =	vst v1;
	s2 =	sshra.s32 s3, $0x2;
	s3 =	sadd.s32 $0x200, s3  }
0x32: {  	[tilespmem:s2+$0xC5F0] =	vst v1  }
0x33: {  	[tilespmem:s2+$0xC580] =	vst v1  }
0x34: {  	[tilespmem:s2+$0xC590] =	vst v1  }
0x35: {  	[tilespmem:s2+$0xC5A0] =	vst v1  }
0x36: {  	[tilespmem:s2+$0xC5B0] =	vst v1  }
0x37: {  	[tilespmem:s2+$0xC5C0] =	vst v1  }
0x38: {  	[tilespmem:s2+$0xC5D0] =	vst v1  }
0x39: {  	[tilespmem:s2+$0xC5E0] =	vst v1;
	s18 =	simm.s32 $0xC580  }
0x3a: {  	[spmem:s14] =	stream.linear.scatter [tilespmem:s18], [sflag:$0x3], $0x1000, $0x38;
	[tilespmem:$0x1E200] =	vst v63  }
0x3b: {  	_ =	swait.ge [sflag:s20], $0x1000  }
0x3c: {  	[sflag:s20] =	ssyncset.done $0x0  }
0x3d: {  	[sflag:s20] =	ssyncadd.s32 $0xFFFFF000  }
0x3e: {  	s31 =	simm.s32 $0x0;
	s3 =	simm.s32 $0x1CD80;
	s19 =	rddreg [dreg:$0x3]  }
0x3f: {  	[tilespmem:s3], [sflag:$0x3] =	stream.linear.gather [hbm4b:s19+s31], $0x400, $0x38;
	[tilespmem:$0x1E200] =	vst v63  }
0x40: {  	_ =	swait.ge [sflag:s20], $0x400  }
0x41: {  	[sflag:s20] =	ssyncset.done $0x0  }
0x42: {  	s21 =	simm.s32 $0x1D180;
	[sflag:s20] =	ssyncadd.s32 $0xFFFFFC00  }
0x43: {  	[tilespmem:s21], [sflag:$0x3] =	stream.linear.gather [hbm4b:s8+s31], $0x80, $0x38;
	[tilespmem:$0x1E200] =	vst v63  }
0x44: {  	_ =	swait.ge [sflag:s20], $0x80  }
0x45: {  	[sflag:s20] =	ssyncset.done $0x0  }
0x46: {  	[sflag:s20] =	ssyncadd.s32 $0xFFFFFF80  }
0x47: {  	s22 =	rddreg [dreg:$0x5]  }
0x48: {  	[tilespmem:s23], [sflag:$0x3] =	stream.linear.gather [hbm4b:s22+s31], $0x800, $0x38;
	[tilespmem:$0x1E200] =	vst v63  }
0x49: {  	_ =	swait.ge [sflag:s20], $0x800  }
0x4a: {  	[sflag:s20] =	ssyncset.done $0x0  }
0x4b: {  	[sflag:s20] =	ssyncadd.s32 $0xFFFFF800  }
0x4c: {  	v3 =	vld [tilespmem:$0x1CD80]  }
0x4d: {  	v4 =	vld [tilespmem:$0x1CE00]  }
0x4e: {  	v5 =	vld [tilespmem:$0x1CE80]  }
0x4f: {  	v6 =	vld [tilespmem:$0x1CF00]  }
0x50: {  	v7 =	vld [tilespmem:$0x1CF80]  }
0x51: {  	v8 =	vld [tilespmem:$0x1D000]  }
0x52: {  	v9 =	vld [tilespmem:$0x1D080]  }
.Ltmp1:
0x53: {  	v10 =	vld [tilespmem:$0x1D100];
	(pc) =	sbr.rel .LBB2_4-.Ltmp1, $4  }
0x54: {  	v13 =	vld [tilespmem:$0x1D180]  }
0x55: {  	v11 =	vld.msk [tilespmem:s24+$0x0], $0xffff  }
0x56: {  	v12 =	vld.idx.msk [tilespmem:v0+s24+$0x0], $0xffff;
	[bflag:$0x0] =	sbarrier.arrive $0xFFFF  }
0x57: {  	s3 =	simm.s32 $0x0  }
.LBB2_12:
0x58: {  	s3 =	sadd.s32 $0x1, s3  }
0x59: {  	p1 =	sne.s32 s3, $0xA  }
.Ltmp2:
0x5a: {  	_ = 	snop;
	(pc) =	sbr.rel @!p1 .LBB2_13-.Ltmp2, $2  }
0x5b: {  	_ =	sdelay $0x2  }
0x5c: {  	s31 =	sadd.s32 $0x140, s31  }
.LBB2_4:
0x5d: {  	s2 =	sshll.u32 s3, $0x1  }
0x5e: {  	p1 =	sge.u32 s2, s9  }
.Ltmp3:
0x5f: {  	_ = 	snop;
	(pc) =	sbr.rel @p1 .LBB2_8-.Ltmp3, $1  }
0x60: {  	_ =	sdelay $0x3  }
0x61: {  	_ =	swait.ge [sflag:s25], $0x5000  }
0x62: {  	[sflag:s25] =	ssyncset.done $0x0  }
0x63: {  	s4 =	simm.s32 $0x0;
	s18 =	simm.s32 $0x400;
	[sflag:s25] =	ssyncadd.s32 $0xFFFFB000  }
.LBB2_6:
0x64: {  	v14 =	vld [tilespmem:s18+$0xFFFFFC00]  }
0x65: {  	v15 =	vld [tilespmem:s18+$0xFFFFFC10]  }
0x66: {  	v16 =	vld [tilespmem:s18+$0xFFFFFC20]  }
0x67: {  	v17 =	vld [tilespmem:s18+$0xFFFFFC30]  }
0x68: {  	v18 =	vld [tilespmem:s18+$0xFFFFFC40]  }
0x69: {  	v19 =	vld [tilespmem:s18+$0xFFFFFC50]  }
0x6a: {  	v20 =	vld [tilespmem:s18+$0xFFFFFC60]  }
0x6b: {  	v21 =	vld [tilespmem:s18+$0xFFFFFC70];
	_ =	sdelay $0x1  }
0x6c: {  	v14 =	vmul.f32 v14, v3;
	v15 =	vmul.f32 v15, v4  }
0x6d: {  	v16 =	vmul.f32 v16, v5;
	v17 =	vmul.f32 v17, v6  }
0x6e: {  	v18 =	vmul.f32 v18, v7;
	v19 =	vmul.f32 v19, v8  }
0x6f: {  	v20 =	vmul.f32 v20, v9;
	v21 =	vmul.f32 v21, v10  }
0x70: {  	v14 =	vadd.f32 v15, v14;
	v15 =	vadd.f32 v17, v16  }
0x71: {  	v30 =	vadd.f32 v19, v18;
	v31 =	vadd.f32 v21, v20;
	_ =	sdelay $0x1  }
0x72: {  	v14 =	vadd.f32 v15, v14;
	v15 =	vadd.f32 v31, v30;
	_ =	sdelay $0x1  }
0x73: {  	v14 =	vadd.f32 v15, v14;
	_ =	sdelay $0x1  }
0x74: {  	(xrf2) =	vadd.scan.msk.f32 $0xffff, v14;
	_ =	sdelay $0x9  }
0x75: {  	v14, _, _ =	vpop (xrf2)  }
0x76: {  	v14 =	vbroadcast v14, $0xF;
	_ =	sdelay $0x1  }
0x77: {  	s19 =	sadd.s32 s4, s31;
	v14 =	vadd.f32 v14, v13  }
0x78: {  	v32 =	vor.u32 s19, v2  }
0x79: {  	v14 =	vsub.f32 $0.0e+00, v14;
	_ =	sdelay $0x1  }
0x7a: {  	v14 =	vmul.f32 $1.442695020e+00, v14;
	_ =	sdelay $0x1  }
0x7b: {  	(erf) = vpow2.f32 v14;
	v14 =	vld.idx.msk [tilespmem:v32+s24+$0x0], $0xffff;
	_ =	sdelay $0x4  }
0x7c: {  	v14 =	vshll.u32 v14, $0x9  }
0x7d: {  	v14 =	vshra.s32 v14, $0x2;
	_ =	sdelay $0x1  }
0x7e: {  	v15 =	vadd.s32 $0xC580, v14  }
0x7f: {  	(v2sf) =	vpush v15, $0x0;
	v14 =	vpop (erf)  }
0x80: {  	v14 =	vadd.f32 $1.000000000e+00, v14;
	_ =	sdelay $0x1  }
0x81: {  	(erf) = vrcp.f32 v14;
	_ =	sdelay $0x2  }
0x82: {  	v14 =	vld.idx.msk [tilespmem:v32+s26+$0x0], $0xffff;
	_ =	sdelay $0x3  }
0x83: {  	v33 =	vmov s19  }
0x84: {  	v34 =	vbroadcast v14, $0x0  }
0x85: {  	v35 =	vpop (erf)  }
0x86: {  	v17 =	vmul.f32 v35, v34;
	_ =	sdelay $0x1  }
0x87: {  	s21 =	spop (v2sf);
	[tilespmem:v33+s28+$0x0] =	vst.idx.msk $0x1, v17  }
0x88: {  	[tilespmem:s21+$0x0] =	vst.add.f32.msk $0xffff, v17  }
0x89: {  	v16 =	vld [tilespmem:s18+$0xFFFFFC80]  }
0x8a: {  	v17 =	vld [tilespmem:s18+$0xFFFFFC90]  }
0x8b: {  	v36 =	vld [tilespmem:s18+$0xFFFFFCA0]  }
0x8c: {  	v37 =	vld [tilespmem:s18+$0xFFFFFCB0]  }
0x8d: {  	v38 =	vld [tilespmem:s18+$0xFFFFFCC0]  }
0x8e: {  	v39 =	vld [tilespmem:s18+$0xFFFFFCD0]  }
0x8f: {  	v22 =	vld [tilespmem:s18+$0xFFFFFCE0]  }
0x90: {  	v23 =	vld [tilespmem:s18+$0xFFFFFCF0];
	_ =	sdelay $0x1  }
0x91: {  	v16 =	vmul.f32 v16, v3;
	v17 =	vmul.f32 v17, v4  }
0x92: {  	v18 =	vmul.f32 v36, v5;
	v19 =	vmul.f32 v37, v6  }
0x93: {  	v20 =	vmul.f32 v38, v7;
	v21 =	vmul.f32 v39, v8  }
0x94: {  	v22 =	vmul.f32 v22, v9;
	v23 =	vmul.f32 v23, v10  }
0x95: {  	v16 =	vadd.f32 v17, v16;
	v40 =	vadd.f32 v19, v18  }
0x96: {  	v41 =	vadd.f32 v21, v20;
	v42 =	vadd.f32 v23, v22;
	_ =	sdelay $0x1  }
0x97: {  	v16 =	vadd.f32 v40, v16;
	v43 =	vadd.f32 v42, v41;
	_ =	sdelay $0x1  }
0x98: {  	v16 =	vadd.f32 v43, v16;
	_ =	sdelay $0x1  }
0x99: {  	(xrf2) =	vadd.scan.msk.f32 $0xffff, v16;
	_ =	sdelay $0x9  }
0x9a: {  	v16, _, _ =	vpop (xrf2)  }
0x9b: {  	v16 =	vbroadcast v16, $0xF;
	_ =	sdelay $0x1  }
0x9c: {  	v16 =	vadd.f32 v16, v13;
	_ =	sdelay $0x1  }
0x9d: {  	v16 =	vsub.f32 $0.0e+00, v16;
	_ =	sdelay $0x1  }
0x9e: {  	v16 =	vmul.f32 $1.442695020e+00, v16;
	_ =	sdelay $0x1  }
0x9f: {  	(erf) = vpow2.f32 v16;
	_ =	sdelay $0x8  }
0xa0: {  	(v2sf) =	vpush v15, $0x1;
	v16 =	vpop (erf)  }
0xa1: {  	v16 =	vadd.f32 $1.000000000e+00, v16;
	_ =	sdelay $0x1  }
0xa2: {  	(erf) = vrcp.f32 v16;
	_ =	sdelay $0x2  }
0xa3: {  	s22 =	sadd.s32 $0x1, s19  }
0xa4: {  	v44 =	vmov s22  }
0xa5: {  	v16 =	vand.u32 $0xFFFFFFF1, v44  }
0xa6: {  	v16 =	vbroadcast v16, $0x0;
	_ =	sdelay $0x1  }
0xa7: {  	v45 =	vbroadcast v14, $0x1  }
0xa8: {  	v46 =	vpop (erf)  }
0xa9: {  	v17 =	vmul.f32 v46, v45;
	_ =	sdelay $0x1  }
0xaa: {  	s22 =	spop (v2sf);
	[tilespmem:v16+s28+$0x0] =	vst.idx.msk $0x1, v17  }
0xab: {  	[tilespmem:s22+$0x0] =	vst.add.f32.msk $0xffff, v17  }
0xac: {  	v16 =	vld [tilespmem:s18+$0xFFFFFD00]  }
0xad: {  	v17 =	vld [tilespmem:s18+$0xFFFFFD10]  }
0xae: {  	v47 =	vld [tilespmem:s18+$0xFFFFFD20]  }
0xaf: {  	v48 =	vld [tilespmem:s18+$0xFFFFFD30]  }
0xb0: {  	v49 =	vld [tilespmem:s18+$0xFFFFFD40]  }
0xb1: {  	v50 =	vld [tilespmem:s18+$0xFFFFFD50]  }
0xb2: {  	v51 =	vld [tilespmem:s18+$0xFFFFFD60]  }
0xb3: {  	v52 =	vld [tilespmem:s18+$0xFFFFFD70];
	_ =	sdelay $0x1  }
0xb4: {  	v16 =	vmul.f32 v16, v3;
	v17 =	vmul.f32 v17, v4  }
0xb5: {  	v18 =	vmul.f32 v47, v5;
	v19 =	vmul.f32 v48, v6  }
0xb6: {  	v20 =	vmul.f32 v49, v7;
	v21 =	vmul.f32 v50, v8  }
0xb7: {  	v22 =	vmul.f32 v51, v9;
	v23 =	vmul.f32 v52, v10  }
0xb8: {  	v16 =	vadd.f32 v17, v16;
	v53 =	vadd.f32 v19, v18  }
0xb9: {  	v54 =	vadd.f32 v21, v20;
	v55 =	vadd.f32 v23, v22;
	_ =	sdelay $0x1  }
0xba: {  	v16 =	vadd.f32 v53, v16;
	v56 =	vadd.f32 v55, v54;
	_ =	sdelay $0x1  }
0xbb: {  	v16 =	vadd.f32 v56, v16;
	_ =	sdelay $0x1  }
0xbc: {  	(xrf2) =	vadd.scan.msk.f32 $0xffff, v16;
	_ =	sdelay $0x9  }
0xbd: {  	v16, _, _ =	vpop (xrf2)  }
0xbe: {  	v16 =	vbroadcast v16, $0xF;
	_ =	sdelay $0x1  }
0xbf: {  	v16 =	vadd.f32 v16, v13;
	_ =	sdelay $0x1  }
0xc0: {  	v16 =	vsub.f32 $0.0e+00, v16;
	_ =	sdelay $0x1  }
0xc1: {  	v16 =	vmul.f32 $1.442695020e+00, v16;
	_ =	sdelay $0x1  }
0xc2: {  	(erf) = vpow2.f32 v16;
	_ =	sdelay $0x8  }
0xc3: {  	(v2sf) =	vpush v15, $0x2;
	v16 =	vpop (erf)  }
0xc4: {  	v16 =	vadd.f32 $1.000000000e+00, v16;
	_ =	sdelay $0x1  }
0xc5: {  	(erf) = vrcp.f32 v16;
	_ =	sdelay $0x2  }
0xc6: {  	s22 =	sadd.s32 $0x2, s19  }
0xc7: {  	v57 =	vmov s22  }
0xc8: {  	v16 =	vand.u32 $0xFFFFFFF2, v57  }
0xc9: {  	v16 =	vbroadcast v16, $0x0;
	_ =	sdelay $0x1  }
0xca: {  	v58 =	vbroadcast v14, $0x2  }
0xcb: {  	v59 =	vpop (erf)  }
0xcc: {  	v17 =	vmul.f32 v59, v58;
	_ =	sdelay $0x1  }
0xcd: {  	s22 =	spop (v2sf);
	[tilespmem:v16+s28+$0x0] =	vst.idx.msk $0x1, v17  }
0xce: {  	[tilespmem:s22+$0x0] =	vst.add.f32.msk $0xffff, v17  }
0xcf: {  	v16 =	vld [tilespmem:s18+$0xFFFFFD80]  }
0xd0: {  	v17 =	vld [tilespmem:s18+$0xFFFFFD90]  }
0xd1: {  	v60 =	vld [tilespmem:s18+$0xFFFFFDA0]  }
0xd2: {  	v61 =	vld [tilespmem:s18+$0xFFFFFDB0]  }
0xd3: {  	v62 =	vld [tilespmem:s18+$0xFFFFFDC0]  }
0xd4: {  	v63 =	vld [tilespmem:s18+$0xFFFFFDD0]  }
0xd5: {  	v24 =	vld [tilespmem:s18+$0xFFFFFDE0]  }
0xd6: {  	v25 =	vld [tilespmem:s18+$0xFFFFFDF0];
	_ =	sdelay $0x1  }
0xd7: {  	v16 =	vmul.f32 v16, v3;
	v17 =	vmul.f32 v17, v4  }
0xd8: {  	v18 =	vmul.f32 v60, v5;
	v19 =	vmul.f32 v61, v6  }
0xd9: {  	v20 =	vmul.f32 v62, v7;
	v21 =	vmul.f32 v63, v8  }
0xda: {  	v22 =	vmul.f32 v24, v9;
	v23 =	vmul.f32 v25, v10  }
0xdb: {  	v16 =	vadd.f32 v17, v16;
	v26 =	vadd.f32 v19, v18  }
0xdc: {  	v27 =	vadd.f32 v21, v20;
	v28 =	vadd.f32 v23, v22;
	_ =	sdelay $0x1  }
0xdd: {  	v16 =	vadd.f32 v26, v16;
	v29 =	vadd.f32 v28, v27;
	_ =	sdelay $0x1  }
0xde: {  	v16 =	vadd.f32 v29, v16;
	_ =	sdelay $0x1  }
0xdf: {  	(xrf2) =	vadd.scan.msk.f32 $0xffff, v16;
	_ =	sdelay $0x9  }
0xe0: {  	v16, _, _ =	vpop (xrf2)  }
0xe1: {  	v16 =	vbroadcast v16, $0xF;
	_ =	sdelay $0x1  }
0xe2: {  	v16 =	vadd.f32 v16, v13;
	_ =	sdelay $0x1  }
0xe3: {  	v16 =	vsub.f32 $0.0e+00, v16;
	_ =	sdelay $0x1  }
0xe4: {  	v16 =	vmul.f32 $1.442695020e+00, v16;
	_ =	sdelay $0x1  }
0xe5: {  	(erf) = vpow2.f32 v16;
	_ =	sdelay $0x8  }
0xe6: {  	(v2sf) =	vpush v15, $0x3;
	v16 =	vpop (erf)  }
0xe7: {  	v16 =	vadd.f32 $1.000000000e+00, v16;
	_ =	sdelay $0x1  }
0xe8: {  	(erf) = vrcp.f32 v16;
	_ =	sdelay $0x2  }
0xe9: {  	s22 =	sadd.s32 $0x3, s19  }
0xea: {  	v30 =	vmov s22  }
0xeb: {  	v16 =	vand.u32 $0xFFFFFFF3, v30  }
0xec: {  	v16 =	vbroadcast v16, $0x0;
	_ =	sdelay $0x1  }
0xed: {  	v31 =	vbroadcast v14, $0x3  }
0xee: {  	v32 =	vpop (erf)  }
0xef: {  	v17 =	vmul.f32 v32, v31;
	_ =	sdelay $0x1  }
0xf0: {  	s22 =	spop (v2sf);
	[tilespmem:v16+s28+$0x0] =	vst.idx.msk $0x1, v17  }
0xf1: {  	[tilespmem:s22+$0x0] =	vst.add.f32.msk $0xffff, v17  }
0xf2: {  	v16 =	vld [tilespmem:s18+$0xFFFFFE00]  }
0xf3: {  	v17 =	vld [tilespmem:s18+$0xFFFFFE10]  }
0xf4: {  	v33 =	vld [tilespmem:s18+$0xFFFFFE20]  }
0xf5: {  	v34 =	vld [tilespmem:s18+$0xFFFFFE30]  }
0xf6: {  	v35 =	vld [tilespmem:s18+$0xFFFFFE40]  }
0xf7: {  	v36 =	vld [tilespmem:s18+$0xFFFFFE50]  }
0xf8: {  	v37 =	vld [tilespmem:s18+$0xFFFFFE60]  }
0xf9: {  	v38 =	vld [tilespmem:s18+$0xFFFFFE70];
	_ =	sdelay $0x1  }
0xfa: {  	v16 =	vmul.f32 v16, v3;
	v17 =	vmul.f32 v17, v4  }
0xfb: {  	v18 =	vmul.f32 v33, v5;
	v19 =	vmul.f32 v34, v6  }
0xfc: {  	v20 =	vmul.f32 v35, v7;
	v21 =	vmul.f32 v36, v8  }
0xfd: {  	v22 =	vmul.f32 v37, v9;
	v23 =	vmul.f32 v38, v10  }
0xfe: {  	v16 =	vadd.f32 v17, v16;
	v39 =	vadd.f32 v19, v18  }
0xff: {  	v40 =	vadd.f32 v21, v20;
	v41 =	vadd.f32 v23, v22;
	_ =	sdelay $0x1  }
0x100: {  	v16 =	vadd.f32 v39, v16;
	v42 =	vadd.f32 v41, v40;
	_ =	sdelay $0x1  }
0x101: {  	v16 =	vadd.f32 v42, v16;
	_ =	sdelay $0x1  }
0x102: {  	(xrf2) =	vadd.scan.msk.f32 $0xffff, v16;
	_ =	sdelay $0x9  }
0x103: {  	v16, _, _ =	vpop (xrf2)  }
0x104: {  	v16 =	vbroadcast v16, $0xF;
	_ =	sdelay $0x1  }
0x105: {  	v16 =	vadd.f32 v16, v13;
	_ =	sdelay $0x1  }
0x106: {  	v16 =	vsub.f32 $0.0e+00, v16;
	_ =	sdelay $0x1  }
0x107: {  	v16 =	vmul.f32 $1.442695020e+00, v16;
	_ =	sdelay $0x1  }
0x108: {  	(erf) = vpow2.f32 v16;
	_ =	sdelay $0x8  }
0x109: {  	(v2sf) =	vpush v15, $0x4;
	v16 =	vpop (erf)  }
0x10a: {  	v16 =	vadd.f32 $1.000000000e+00, v16;
	_ =	sdelay $0x1  }
0x10b: {  	(erf) = vrcp.f32 v16;
	_ =	sdelay $0x2  }
0x10c: {  	s22 =	sadd.s32 $0x4, s19  }
0x10d: {  	v43 =	vmov s22  }
0x10e: {  	v16 =	vand.u32 $0xFFFFFFF4, v43  }
0x10f: {  	v16 =	vbroadcast v16, $0x0;
	_ =	sdelay $0x1  }
0x110: {  	v44 =	vbroadcast v14, $0x4  }
0x111: {  	v45 =	vpop (erf)  }
0x112: {  	v17 =	vmul.f32 v45, v44;
	_ =	sdelay $0x1  }
0x113: {  	s22 =	spop (v2sf);
	[tilespmem:v16+s28+$0x0] =	vst.idx.msk $0x1, v17  }
0x114: {  	[tilespmem:s22+$0x0] =	vst.add.f32.msk $0xffff, v17  }
0x115: {  	v16 =	vld [tilespmem:s18+$0xFFFFFE80]  }
0x116: {  	v17 =	vld [tilespmem:s18+$0xFFFFFE90]  }
0x117: {  	v46 =	vld [tilespmem:s18+$0xFFFFFEA0]  }
0x118: {  	v47 =	vld [tilespmem:s18+$0xFFFFFEB0]  }
0x119: {  	v48 =	vld [tilespmem:s18+$0xFFFFFEC0]  }
0x11a: {  	v49 =	vld [tilespmem:s18+$0xFFFFFED0]  }
0x11b: {  	v50 =	vld [tilespmem:s18+$0xFFFFFEE0]  }
0x11c: {  	v51 =	vld [tilespmem:s18+$0xFFFFFEF0];
	_ =	sdelay $0x1  }
0x11d: {  	v16 =	vmul.f32 v16, v3;
	v17 =	vmul.f32 v17, v4  }
0x11e: {  	v18 =	vmul.f32 v46, v5;
	v19 =	vmul.f32 v47, v6  }
0x11f: {  	v20 =	vmul.f32 v48, v7;
	v21 =	vmul.f32 v49, v8  }
0x120: {  	v22 =	vmul.f32 v50, v9;
	v23 =	vmul.f32 v51, v10  }
0x121: {  	v16 =	vadd.f32 v17, v16;
	v52 =	vadd.f32 v19, v18  }
0x122: {  	v53 =	vadd.f32 v21, v20;
	v54 =	vadd.f32 v23, v22;
	_ =	sdelay $0x1  }
0x123: {  	v16 =	vadd.f32 v52, v16;
	v55 =	vadd.f32 v54, v53;
	_ =	sdelay $0x1  }
0x124: {  	v16 =	vadd.f32 v55, v16;
	_ =	sdelay $0x1  }
0x125: {  	(xrf2) =	vadd.scan.msk.f32 $0xffff, v16;
	_ =	sdelay $0x9  }
0x126: {  	v16, _, _ =	vpop (xrf2)  }
0x127: {  	v16 =	vbroadcast v16, $0xF;
	_ =	sdelay $0x1  }
0x128: {  	v16 =	vadd.f32 v16, v13;
	_ =	sdelay $0x1  }
0x129: {  	v16 =	vsub.f32 $0.0e+00, v16;
	_ =	sdelay $0x1  }
0x12a: {  	v16 =	vmul.f32 $1.442695020e+00, v16;
	_ =	sdelay $0x1  }
0x12b: {  	(erf) = vpow2.f32 v16;
	_ =	sdelay $0x8  }
0x12c: {  	(v2sf) =	vpush v15, $0x5;
	v16 =	vpop (erf)  }
0x12d: {  	v16 =	vadd.f32 $1.000000000e+00, v16;
	_ =	sdelay $0x1  }
0x12e: {  	(erf) = vrcp.f32 v16;
	_ =	sdelay $0x2  }
0x12f: {  	s22 =	sadd.s32 $0x5, s19  }
0x130: {  	v56 =	vmov s22  }
0x131: {  	v16 =	vand.u32 $0xFFFFFFF5, v56  }
0x132: {  	v16 =	vbroadcast v16, $0x0;
	_ =	sdelay $0x1  }
0x133: {  	v57 =	vbroadcast v14, $0x5  }
0x134: {  	v58 =	vpop (erf)  }
0x135: {  	v17 =	vmul.f32 v58, v57;
	_ =	sdelay $0x1  }
0x136: {  	s22 =	spop (v2sf);
	[tilespmem:v16+s28+$0x0] =	vst.idx.msk $0x1, v17  }
0x137: {  	[tilespmem:s22+$0x0] =	vst.add.f32.msk $0xffff, v17  }
0x138: {  	v16 =	vld [tilespmem:s18+$0xFFFFFF00]  }
0x139: {  	v17 =	vld [tilespmem:s18+$0xFFFFFF10]  }
0x13a: {  	v59 =	vld [tilespmem:s18+$0xFFFFFF20]  }
0x13b: {  	v60 =	vld [tilespmem:s18+$0xFFFFFF30]  }
0x13c: {  	v61 =	vld [tilespmem:s18+$0xFFFFFF40]  }
0x13d: {  	v62 =	vld [tilespmem:s18+$0xFFFFFF50]  }
0x13e: {  	v63 =	vld [tilespmem:s18+$0xFFFFFF60]  }
0x13f: {  	v24 =	vld [tilespmem:s18+$0xFFFFFF70];
	_ =	sdelay $0x1  }
0x140: {  	v16 =	vmul.f32 v16, v3;
	v17 =	vmul.f32 v17, v4  }
0x141: {  	v18 =	vmul.f32 v59, v5;
	v19 =	vmul.f32 v60, v6  }
0x142: {  	v20 =	vmul.f32 v61, v7;
	v21 =	vmul.f32 v62, v8  }
0x143: {  	v22 =	vmul.f32 v63, v9;
	v23 =	vmul.f32 v24, v10  }
0x144: {  	v16 =	vadd.f32 v17, v16;
	v25 =	vadd.f32 v19, v18  }
0x145: {  	v26 =	vadd.f32 v21, v20;
	v27 =	vadd.f32 v23, v22;
	_ =	sdelay $0x1  }
0x146: {  	v16 =	vadd.f32 v25, v16;
	v28 =	vadd.f32 v27, v26;
	_ =	sdelay $0x1  }
0x147: {  	v16 =	vadd.f32 v28, v16;
	_ =	sdelay $0x1  }
0x148: {  	(xrf2) =	vadd.scan.msk.f32 $0xffff, v16;
	_ =	sdelay $0x9  }
0x149: {  	v16, _, _ =	vpop (xrf2)  }
0x14a: {  	v16 =	vbroadcast v16, $0xF;
	_ =	sdelay $0x1  }
0x14b: {  	v16 =	vadd.f32 v16, v13;
	_ =	sdelay $0x1  }
0x14c: {  	v16 =	vsub.f32 $0.0e+00, v16;
	_ =	sdelay $0x1  }
0x14d: {  	v16 =	vmul.f32 $1.442695020e+00, v16;
	_ =	sdelay $0x1  }
0x14e: {  	(erf) = vpow2.f32 v16;
	_ =	sdelay $0x8  }
0x14f: {  	(v2sf) =	vpush v15, $0x6;
	v16 =	vpop (erf)  }
0x150: {  	v16 =	vadd.f32 $1.000000000e+00, v16;
	_ =	sdelay $0x1  }
0x151: {  	(erf) = vrcp.f32 v16;
	_ =	sdelay $0x2  }
0x152: {  	s22 =	sadd.s32 $0x6, s19  }
0x153: {  	v29 =	vmov s22  }
0x154: {  	v16 =	vand.u32 $0xFFFFFFF6, v29  }
0x155: {  	v16 =	vbroadcast v16, $0x0;
	_ =	sdelay $0x1  }
0x156: {  	v30 =	vbroadcast v14, $0x6  }
0x157: {  	v31 =	vpop (erf)  }
0x158: {  	v17 =	vmul.f32 v31, v30;
	_ =	sdelay $0x1  }
0x159: {  	s22 =	spop (v2sf);
	[tilespmem:v16+s28+$0x0] =	vst.idx.msk $0x1, v17  }
0x15a: {  	[tilespmem:s22+$0x0] =	vst.add.f32.msk $0xffff, v17  }
0x15b: {  	v16 =	vld [tilespmem:s18+$0xFFFFFF80]  }
0x15c: {  	v17 =	vld [tilespmem:s18+$0xFFFFFF90]  }
0x15d: {  	v32 =	vld [tilespmem:s18+$0xFFFFFFA0]  }
0x15e: {  	v33 =	vld [tilespmem:s18+$0xFFFFFFB0]  }
0x15f: {  	v34 =	vld [tilespmem:s18+$0xFFFFFFC0]  }
0x160: {  	v35 =	vld [tilespmem:s18+$0xFFFFFFD0]  }
0x161: {  	v36 =	vld [tilespmem:s18+$0xFFFFFFE0]  }
0x162: {  	v37 =	vld [tilespmem:s18+$0xFFFFFFF0];
	_ =	sdelay $0x1  }
0x163: {  	v16 =	vmul.f32 v16, v3;
	v17 =	vmul.f32 v17, v4  }
0x164: {  	v18 =	vmul.f32 v32, v5;
	v19 =	vmul.f32 v33, v6  }
0x165: {  	v20 =	vmul.f32 v34, v7;
	v21 =	vmul.f32 v35, v8  }
0x166: {  	v22 =	vmul.f32 v36, v9;
	v23 =	vmul.f32 v37, v10  }
0x167: {  	v16 =	vadd.f32 v17, v16;
	v38 =	vadd.f32 v19, v18  }
0x168: {  	v39 =	vadd.f32 v21, v20;
	v40 =	vadd.f32 v23, v22;
	_ =	sdelay $0x1  }
0x169: {  	v16 =	vadd.f32 v38, v16;
	v41 =	vadd.f32 v40, v39;
	_ =	sdelay $0x1  }
0x16a: {  	v16 =	vadd.f32 v41, v16;
	_ =	sdelay $0x1  }
0x16b: {  	(xrf2) =	vadd.scan.msk.f32 $0xffff, v16;
	_ =	sdelay $0x9  }
0x16c: {  	v16, _, _ =	vpop (xrf2)  }
0x16d: {  	v16 =	vbroadcast v16, $0xF;
	_ =	sdelay $0x1  }
0x16e: {  	v16 =	vadd.f32 v16, v13;
	_ =	sdelay $0x1  }
0x16f: {  	v16 =	vsub.f32 $0.0e+00, v16;
	_ =	sdelay $0x1  }
0x170: {  	v16 =	vmul.f32 $1.442695020e+00, v16;
	_ =	sdelay $0x1  }
0x171: {  	(erf) = vpow2.f32 v16;
	_ =	sdelay $0x8  }
0x172: {  	(v2sf) =	vpush v15, $0x7;
	v16 =	vpop (erf)  }
0x173: {  	v16 =	vadd.f32 $1.000000000e+00, v16;
	_ =	sdelay $0x1  }
0x174: {  	(erf) = vrcp.f32 v16;
	_ =	sdelay $0x2  }
0x175: {  	s22 =	sadd.s32 $0x7, s19  }
0x176: {  	v42 =	vmov s22  }
0x177: {  	v16 =	vand.u32 $0xFFFFFFF7, v42  }
0x178: {  	v16 =	vbroadcast v16, $0x0;
	_ =	sdelay $0x1  }
0x179: {  	v43 =	vbroadcast v14, $0x7  }
0x17a: {  	v44 =	vpop (erf)  }
0x17b: {  	v17 =	vmul.f32 v44, v43;
	_ =	sdelay $0x1  }
0x17c: {  	s22 =	spop (v2sf);
	[tilespmem:v16+s28+$0x0] =	vst.idx.msk $0x1, v17  }
0x17d: {  	[tilespmem:s22+$0x0] =	vst.add.f32.msk $0xffff, v17  }
0x17e: {  	v16 =	vld [tilespmem:s18+$0x0]  }
0x17f: {  	v17 =	vld [tilespmem:s18+$0x10]  }
0x180: {  	v45 =	vld [tilespmem:s18+$0x20]  }
0x181: {  	v46 =	vld [tilespmem:s18+$0x30]  }
0x182: {  	v47 =	vld [tilespmem:s18+$0x40]  }
0x183: {  	v48 =	vld [tilespmem:s18+$0x50]  }
0x184: {  	v49 =	vld [tilespmem:s18+$0x60]  }
0x185: {  	v50 =	vld [tilespmem:s18+$0x70];
	_ =	sdelay $0x1  }
0x186: {  	v16 =	vmul.f32 v16, v3;
	v17 =	vmul.f32 v17, v4  }
0x187: {  	v18 =	vmul.f32 v45, v5;
	v19 =	vmul.f32 v46, v6  }
0x188: {  	v20 =	vmul.f32 v47, v7;
	v21 =	vmul.f32 v48, v8  }
0x189: {  	v22 =	vmul.f32 v49, v9;
	v23 =	vmul.f32 v50, v10  }
0x18a: {  	v16 =	vadd.f32 v17, v16;
	v51 =	vadd.f32 v19, v18  }
0x18b: {  	v52 =	vadd.f32 v21, v20;
	v53 =	vadd.f32 v23, v22;
	_ =	sdelay $0x1  }
0x18c: {  	v16 =	vadd.f32 v51, v16;
	v54 =	vadd.f32 v53, v52;
	_ =	sdelay $0x1  }
0x18d: {  	v16 =	vadd.f32 v54, v16;
	_ =	sdelay $0x1  }
0x18e: {  	(xrf2) =	vadd.scan.msk.f32 $0xffff, v16;
	_ =	sdelay $0x9  }
0x18f: {  	v16, _, _ =	vpop (xrf2)  }
0x190: {  	v16 =	vbroadcast v16, $0xF;
	_ =	sdelay $0x1  }
0x191: {  	v16 =	vadd.f32 v16, v13;
	_ =	sdelay $0x1  }
0x192: {  	v16 =	vsub.f32 $0.0e+00, v16;
	_ =	sdelay $0x1  }
0x193: {  	v16 =	vmul.f32 $1.442695020e+00, v16;
	_ =	sdelay $0x1  }
0x194: {  	(erf) = vpow2.f32 v16;
	_ =	sdelay $0x8  }
0x195: {  	(v2sf) =	vpush v15, $0x8;
	v16 =	vpop (erf)  }
0x196: {  	v16 =	vadd.f32 $1.000000000e+00, v16;
	_ =	sdelay $0x1  }
0x197: {  	(erf) = vrcp.f32 v16;
	_ =	sdelay $0x2  }
0x198: {  	s22 =	sadd.s32 $0x8, s19  }
0x199: {  	v55 =	vmov s22  }
0x19a: {  	v16 =	vand.u32 $0xFFFFFFF8, v55  }
0x19b: {  	v16 =	vbroadcast v16, $0x0;
	_ =	sdelay $0x1  }
0x19c: {  	v56 =	vbroadcast v14, $0x8  }
0x19d: {  	v57 =	vpop (erf)  }
0x19e: {  	v17 =	vmul.f32 v57, v56;
	_ =	sdelay $0x1  }
0x19f: {  	s22 =	spop (v2sf);
	[tilespmem:v16+s28+$0x0] =	vst.idx.msk $0x1, v17  }
0x1a0: {  	[tilespmem:s22+$0x0] =	vst.add.f32.msk $0xffff, v17  }
0x1a1: {  	v16 =	vld [tilespmem:s18+$0x80]  }
0x1a2: {  	v17 =	vld [tilespmem:s18+$0x90]  }
0x1a3: {  	v58 =	vld [tilespmem:s18+$0xA0]  }
0x1a4: {  	v59 =	vld [tilespmem:s18+$0xB0]  }
0x1a5: {  	v60 =	vld [tilespmem:s18+$0xC0]  }
0x1a6: {  	v61 =	vld [tilespmem:s18+$0xD0]  }
0x1a7: {  	v62 =	vld [tilespmem:s18+$0xE0]  }
0x1a8: {  	v63 =	vld [tilespmem:s18+$0xF0];
	_ =	sdelay $0x1  }
0x1a9: {  	v16 =	vmul.f32 v16, v3;
	v17 =	vmul.f32 v17, v4  }
0x1aa: {  	v18 =	vmul.f32 v58, v5;
	v19 =	vmul.f32 v59, v6  }
0x1ab: {  	v20 =	vmul.f32 v60, v7;
	v21 =	vmul.f32 v61, v8  }
0x1ac: {  	v22 =	vmul.f32 v62, v9;
	v23 =	vmul.f32 v63, v10  }
0x1ad: {  	v16 =	vadd.f32 v17, v16;
	v24 =	vadd.f32 v19, v18  }
0x1ae: {  	v25 =	vadd.f32 v21, v20;
	v26 =	vadd.f32 v23, v22;
	_ =	sdelay $0x1  }
0x1af: {  	v16 =	vadd.f32 v24, v16;
	v27 =	vadd.f32 v26, v25;
	_ =	sdelay $0x1  }
0x1b0: {  	v16 =	vadd.f32 v27, v16;
	_ =	sdelay $0x1  }
0x1b1: {  	(xrf2) =	vadd.scan.msk.f32 $0xffff, v16;
	_ =	sdelay $0x9  }
0x1b2: {  	v16, _, _ =	vpop (xrf2)  }
0x1b3: {  	v16 =	vbroadcast v16, $0xF;
	_ =	sdelay $0x1  }
0x1b4: {  	v16 =	vadd.f32 v16, v13;
	_ =	sdelay $0x1  }
0x1b5: {  	v16 =	vsub.f32 $0.0e+00, v16;
	_ =	sdelay $0x1  }
0x1b6: {  	v16 =	vmul.f32 $1.442695020e+00, v16;
	_ =	sdelay $0x1  }
0x1b7: {  	(erf) = vpow2.f32 v16;
	_ =	sdelay $0x8  }
0x1b8: {  	(v2sf) =	vpush v15, $0x9;
	v16 =	vpop (erf)  }
0x1b9: {  	v16 =	vadd.f32 $1.000000000e+00, v16;
	_ =	sdelay $0x1  }
0x1ba: {  	(erf) = vrcp.f32 v16;
	_ =	sdelay $0x2  }
0x1bb: {  	s22 =	sadd.s32 $0x9, s19  }
0x1bc: {  	v28 =	vmov s22  }
0x1bd: {  	v16 =	vand.u32 $0xFFFFFFF9, v28  }
0x1be: {  	v16 =	vbroadcast v16, $0x0;
	_ =	sdelay $0x1  }
0x1bf: {  	v29 =	vbroadcast v14, $0x9  }
0x1c0: {  	v30 =	vpop (erf)  }
0x1c1: {  	v17 =	vmul.f32 v30, v29;
	_ =	sdelay $0x1  }
0x1c2: {  	s22 =	spop (v2sf);
	[tilespmem:v16+s28+$0x0] =	vst.idx.msk $0x1, v17  }
0x1c3: {  	[tilespmem:s22+$0x0] =	vst.add.f32.msk $0xffff, v17  }
0x1c4: {  	v16 =	vld [tilespmem:s18+$0x100]  }
0x1c5: {  	v17 =	vld [tilespmem:s18+$0x110]  }
0x1c6: {  	v31 =	vld [tilespmem:s18+$0x120]  }
0x1c7: {  	v32 =	vld [tilespmem:s18+$0x130]  }
0x1c8: {  	v33 =	vld [tilespmem:s18+$0x140]  }
0x1c9: {  	v34 =	vld [tilespmem:s18+$0x150]  }
0x1ca: {  	v35 =	vld [tilespmem:s18+$0x160]  }
0x1cb: {  	v36 =	vld [tilespmem:s18+$0x170];
	_ =	sdelay $0x1  }
0x1cc: {  	v16 =	vmul.f32 v16, v3;
	v17 =	vmul.f32 v17, v4  }
0x1cd: {  	v18 =	vmul.f32 v31, v5;
	v19 =	vmul.f32 v32, v6  }
0x1ce: {  	v20 =	vmul.f32 v33, v7;
	v21 =	vmul.f32 v34, v8  }
0x1cf: {  	v22 =	vmul.f32 v35, v9;
	v23 =	vmul.f32 v36, v10  }
0x1d0: {  	v16 =	vadd.f32 v17, v16;
	v37 =	vadd.f32 v19, v18  }
0x1d1: {  	v38 =	vadd.f32 v21, v20;
	v39 =	vadd.f32 v23, v22;
	_ =	sdelay $0x1  }
0x1d2: {  	v16 =	vadd.f32 v37, v16;
	v40 =	vadd.f32 v39, v38;
	_ =	sdelay $0x1  }
0x1d3: {  	v16 =	vadd.f32 v40, v16;
	_ =	sdelay $0x1  }
0x1d4: {  	(xrf2) =	vadd.scan.msk.f32 $0xffff, v16;
	_ =	sdelay $0x9  }
0x1d5: {  	v16, _, _ =	vpop (xrf2)  }
0x1d6: {  	v16 =	vbroadcast v16, $0xF;
	_ =	sdelay $0x1  }
0x1d7: {  	v16 =	vadd.f32 v16, v13;
	_ =	sdelay $0x1  }
0x1d8: {  	v16 =	vsub.f32 $0.0e+00, v16;
	_ =	sdelay $0x1  }
0x1d9: {  	v16 =	vmul.f32 $1.442695020e+00, v16;
	_ =	sdelay $0x1  }
0x1da: {  	(erf) = vpow2.f32 v16;
	_ =	sdelay $0x8  }
0x1db: {  	(v2sf) =	vpush v15, $0xA;
	v16 =	vpop (erf)  }
0x1dc: {  	v16 =	vadd.f32 $1.000000000e+00, v16;
	_ =	sdelay $0x1  }
0x1dd: {  	(erf) = vrcp.f32 v16;
	_ =	sdelay $0x2  }
0x1de: {  	s22 =	sadd.s32 $0xA, s19  }
0x1df: {  	v41 =	vmov s22  }
0x1e0: {  	v16 =	vand.u32 $0xFFFFFFFA, v41  }
0x1e1: {  	v16 =	vbroadcast v16, $0x0;
	_ =	sdelay $0x1  }
0x1e2: {  	v42 =	vbroadcast v14, $0xA  }
0x1e3: {  	v43 =	vpop (erf)  }
0x1e4: {  	v17 =	vmul.f32 v43, v42;
	_ =	sdelay $0x1  }
0x1e5: {  	s22 =	spop (v2sf);
	[tilespmem:v16+s28+$0x0] =	vst.idx.msk $0x1, v17  }
0x1e6: {  	[tilespmem:s22+$0x0] =	vst.add.f32.msk $0xffff, v17  }
0x1e7: {  	v16 =	vld [tilespmem:s18+$0x180]  }
0x1e8: {  	v17 =	vld [tilespmem:s18+$0x190]  }
0x1e9: {  	v44 =	vld [tilespmem:s18+$0x1A0]  }
0x1ea: {  	v45 =	vld [tilespmem:s18+$0x1B0]  }
0x1eb: {  	v46 =	vld [tilespmem:s18+$0x1C0]  }
0x1ec: {  	v47 =	vld [tilespmem:s18+$0x1D0]  }
0x1ed: {  	v48 =	vld [tilespmem:s18+$0x1E0]  }
0x1ee: {  	v49 =	vld [tilespmem:s18+$0x1F0];
	_ =	sdelay $0x1  }
0x1ef: {  	v16 =	vmul.f32 v16, v3;
	v17 =	vmul.f32 v17, v4  }
0x1f0: {  	v18 =	vmul.f32 v44, v5;
	v19 =	vmul.f32 v45, v6  }
0x1f1: {  	v20 =	vmul.f32 v46, v7;
	v21 =	vmul.f32 v47, v8  }
0x1f2: {  	v22 =	vmul.f32 v48, v9;
	v23 =	vmul.f32 v49, v10  }
0x1f3: {  	v16 =	vadd.f32 v17, v16;
	v50 =	vadd.f32 v19, v18  }
0x1f4: {  	v51 =	vadd.f32 v21, v20;
	v52 =	vadd.f32 v23, v22;
	_ =	sdelay $0x1  }
0x1f5: {  	v16 =	vadd.f32 v50, v16;
	v53 =	vadd.f32 v52, v51;
	_ =	sdelay $0x1  }
0x1f6: {  	v16 =	vadd.f32 v53, v16;
	_ =	sdelay $0x1  }
0x1f7: {  	(xrf2) =	vadd.scan.msk.f32 $0xffff, v16;
	_ =	sdelay $0x9  }
0x1f8: {  	v16, _, _ =	vpop (xrf2)  }
0x1f9: {  	v16 =	vbroadcast v16, $0xF;
	_ =	sdelay $0x1  }
0x1fa: {  	v16 =	vadd.f32 v16, v13;
	_ =	sdelay $0x1  }
0x1fb: {  	v16 =	vsub.f32 $0.0e+00, v16;
	_ =	sdelay $0x1  }
0x1fc: {  	v16 =	vmul.f32 $1.442695020e+00, v16;
	_ =	sdelay $0x1  }
0x1fd: {  	(erf) = vpow2.f32 v16;
	_ =	sdelay $0x8  }
0x1fe: {  	(v2sf) =	vpush v15, $0xB;
	v16 =	vpop (erf)  }
0x1ff: {  	v16 =	vadd.f32 $1.000000000e+00, v16;
	_ =	sdelay $0x1  }
0x200: {  	(erf) = vrcp.f32 v16;
	_ =	sdelay $0x2  }
0x201: {  	s22 =	sadd.s32 $0xB, s19  }
0x202: {  	v54 =	vmov s22  }
0x203: {  	v16 =	vand.u32 $0xFFFFFFFB, v54  }
0x204: {  	v16 =	vbroadcast v16, $0x0;
	_ =	sdelay $0x1  }
0x205: {  	v55 =	vbroadcast v14, $0xB  }
0x206: {  	v56 =	vpop (erf)  }
0x207: {  	v17 =	vmul.f32 v56, v55;
	_ =	sdelay $0x1  }
0x208: {  	s22 =	spop (v2sf);
	[tilespmem:v16+s28+$0x0] =	vst.idx.msk $0x1, v17  }
0x209: {  	[tilespmem:s22+$0x0] =	vst.add.f32.msk $0xffff, v17  }
0x20a: {  	v16 =	vld [tilespmem:s18+$0x200]  }
0x20b: {  	v17 =	vld [tilespmem:s18+$0x210]  }
0x20c: {  	v57 =	vld [tilespmem:s18+$0x220]  }
0x20d: {  	v58 =	vld [tilespmem:s18+$0x230]  }
0x20e: {  	v59 =	vld [tilespmem:s18+$0x240]  }
0x20f: {  	v60 =	vld [tilespmem:s18+$0x250]  }
0x210: {  	v61 =	vld [tilespmem:s18+$0x260]  }
0x211: {  	v62 =	vld [tilespmem:s18+$0x270];
	_ =	sdelay $0x1  }
0x212: {  	v16 =	vmul.f32 v16, v3;
	v17 =	vmul.f32 v17, v4  }
0x213: {  	v18 =	vmul.f32 v57, v5;
	v19 =	vmul.f32 v58, v6  }
0x214: {  	v20 =	vmul.f32 v59, v7;
	v21 =	vmul.f32 v60, v8  }
0x215: {  	v22 =	vmul.f32 v61, v9;
	v23 =	vmul.f32 v62, v10  }
0x216: {  	v16 =	vadd.f32 v17, v16;
	v63 =	vadd.f32 v19, v18  }
0x217: {  	v21 =	vadd.f32 v21, v20;
	v22 =	vadd.f32 v23, v22;
	_ =	sdelay $0x1  }
0x218: {  	v16 =	vadd.f32 v63, v16;
	v23 =	vadd.f32 v22, v21;
	_ =	sdelay $0x1  }
0x219: {  	v16 =	vadd.f32 v23, v16;
	_ =	sdelay $0x1  }
0x21a: {  	(xrf2) =	vadd.scan.msk.f32 $0xffff, v16;
	_ =	sdelay $0x9  }
0x21b: {  	v16, _, _ =	vpop (xrf2)  }
0x21c: {  	v16 =	vbroadcast v16, $0xF;
	_ =	sdelay $0x1  }
0x21d: {  	v16 =	vadd.f32 v16, v13;
	_ =	sdelay $0x1  }
0x21e: {  	v16 =	vsub.f32 $0.0e+00, v16;
	_ =	sdelay $0x1  }
0x21f: {  	v16 =	vmul.f32 $1.442695020e+00, v16;
	_ =	sdelay $0x1  }
0x220: {  	(erf) = vpow2.f32 v16;
	_ =	sdelay $0x8  }
0x221: {  	(v2sf) =	vpush v15, $0xC;
	v16 =	vpop (erf)  }
0x222: {  	v16 =	vadd.f32 $1.000000000e+00, v16;
	_ =	sdelay $0x1  }
0x223: {  	(erf) = vrcp.f32 v16;
	_ =	sdelay $0x2  }
0x224: {  	s22 =	sadd.s32 $0xC, s19  }
0x225: {  	v24 =	vmov s22  }
0x226: {  	v16 =	vand.u32 $0xFFFFFFFC, v24  }
0x227: {  	v16 =	vbroadcast v16, $0x0;
	_ =	sdelay $0x1  }
0x228: {  	v25 =	vbroadcast v14, $0xC  }
0x229: {  	v26 =	vpop (erf)  }
0x22a: {  	v17 =	vmul.f32 v26, v25;
	_ =	sdelay $0x1  }
0x22b: {  	s22 =	spop (v2sf);
	[tilespmem:v16+s28+$0x0] =	vst.idx.msk $0x1, v17  }
0x22c: {  	[tilespmem:s22+$0x0] =	vst.add.f32.msk $0xffff, v17  }
0x22d: {  	v16 =	vld [tilespmem:s18+$0x280]  }
0x22e: {  	v17 =	vld [tilespmem:s18+$0x290]  }
0x22f: {  	v27 =	vld [tilespmem:s18+$0x2A0]  }
0x230: {  	v28 =	vld [tilespmem:s18+$0x2B0]  }
0x231: {  	v29 =	vld [tilespmem:s18+$0x2C0]  }
0x232: {  	v30 =	vld [tilespmem:s18+$0x2D0]  }
0x233: {  	v31 =	vld [tilespmem:s18+$0x2E0]  }
0x234: {  	v32 =	vld [tilespmem:s18+$0x2F0];
	_ =	sdelay $0x1  }
0x235: {  	v16 =	vmul.f32 v16, v3;
	v17 =	vmul.f32 v17, v4  }
0x236: {  	v18 =	vmul.f32 v27, v5;
	v19 =	vmul.f32 v28, v6  }
0x237: {  	v20 =	vmul.f32 v29, v7;
	v21 =	vmul.f32 v30, v8  }
0x238: {  	v22 =	vmul.f32 v31, v9;
	v23 =	vmul.f32 v32, v10  }
0x239: {  	v16 =	vadd.f32 v17, v16;
	v33 =	vadd.f32 v19, v18  }
0x23a: {  	v34 =	vadd.f32 v21, v20;
	v35 =	vadd.f32 v23, v22;
	_ =	sdelay $0x1  }
0x23b: {  	v16 =	vadd.f32 v33, v16;
	v36 =	vadd.f32 v35, v34;
	_ =	sdelay $0x1  }
0x23c: {  	v16 =	vadd.f32 v36, v16;
	_ =	sdelay $0x1  }
0x23d: {  	(xrf2) =	vadd.scan.msk.f32 $0xffff, v16;
	_ =	sdelay $0x9  }
0x23e: {  	v16, _, _ =	vpop (xrf2)  }
0x23f: {  	v16 =	vbroadcast v16, $0xF;
	_ =	sdelay $0x1  }
0x240: {  	v16 =	vadd.f32 v16, v13;
	_ =	sdelay $0x1  }
0x241: {  	v16 =	vsub.f32 $0.0e+00, v16;
	_ =	sdelay $0x1  }
0x242: {  	v16 =	vmul.f32 $1.442695020e+00, v16;
	_ =	sdelay $0x1  }
0x243: {  	(erf) = vpow2.f32 v16;
	_ =	sdelay $0x8  }
0x244: {  	(v2sf) =	vpush v15, $0xD;
	v16 =	vpop (erf)  }
0x245: {  	v16 =	vadd.f32 $1.000000000e+00, v16;
	_ =	sdelay $0x1  }
0x246: {  	(erf) = vrcp.f32 v16;
	_ =	sdelay $0x2  }
0x247: {  	s22 =	sadd.s32 $0xD, s19  }
0x248: {  	v37 =	vmov s22  }
0x249: {  	v16 =	vand.u32 $0xFFFFFFFD, v37  }
0x24a: {  	v16 =	vbroadcast v16, $0x0;
	_ =	sdelay $0x1  }
0x24b: {  	v38 =	vbroadcast v14, $0xD  }
0x24c: {  	v39 =	vpop (erf)  }
0x24d: {  	v17 =	vmul.f32 v39, v38;
	_ =	sdelay $0x1  }
0x24e: {  	s22 =	spop (v2sf);
	[tilespmem:v16+s28+$0x0] =	vst.idx.msk $0x1, v17  }
0x24f: {  	[tilespmem:s22+$0x0] =	vst.add.f32.msk $0xffff, v17  }
0x250: {  	v16 =	vld [tilespmem:s18+$0x300]  }
0x251: {  	v17 =	vld [tilespmem:s18+$0x310]  }
0x252: {  	v40 =	vld [tilespmem:s18+$0x320]  }
0x253: {  	v41 =	vld [tilespmem:s18+$0x330]  }
0x254: {  	v42 =	vld [tilespmem:s18+$0x340]  }
0x255: {  	v43 =	vld [tilespmem:s18+$0x350]  }
0x256: {  	v44 =	vld [tilespmem:s18+$0x360]  }
0x257: {  	v45 =	vld [tilespmem:s18+$0x370];
	_ =	sdelay $0x1  }
0x258: {  	v16 =	vmul.f32 v16, v3;
	v17 =	vmul.f32 v17, v4  }
0x259: {  	v18 =	vmul.f32 v40, v5;
	v19 =	vmul.f32 v41, v6  }
0x25a: {  	v20 =	vmul.f32 v42, v7;
	v21 =	vmul.f32 v43, v8  }
0x25b: {  	v22 =	vmul.f32 v44, v9;
	v23 =	vmul.f32 v45, v10  }
0x25c: {  	v16 =	vadd.f32 v17, v16;
	v46 =	vadd.f32 v19, v18  }
0x25d: {  	v47 =	vadd.f32 v21, v20;
	v48 =	vadd.f32 v23, v22;
	_ =	sdelay $0x1  }
0x25e: {  	v16 =	vadd.f32 v46, v16;
	v49 =	vadd.f32 v48, v47;
	_ =	sdelay $0x1  }
0x25f: {  	v16 =	vadd.f32 v49, v16;
	_ =	sdelay $0x1  }
0x260: {  	(xrf2) =	vadd.scan.msk.f32 $0xffff, v16;
	_ =	sdelay $0x9  }
0x261: {  	v16, _, _ =	vpop (xrf2)  }
0x262: {  	v16 =	vbroadcast v16, $0xF;
	_ =	sdelay $0x1  }
0x263: {  	v16 =	vadd.f32 v16, v13;
	_ =	sdelay $0x1  }
0x264: {  	v16 =	vsub.f32 $0.0e+00, v16;
	_ =	sdelay $0x1  }
0x265: {  	v16 =	vmul.f32 $1.442695020e+00, v16;
	_ =	sdelay $0x1  }
0x266: {  	(erf) = vpow2.f32 v16;
	_ =	sdelay $0x8  }
0x267: {  	(v2sf) =	vpush v15, $0xE;
	v16 =	vpop (erf)  }
0x268: {  	v16 =	vadd.f32 $1.000000000e+00, v16;
	_ =	sdelay $0x1  }
0x269: {  	(erf) = vrcp.f32 v16;
	_ =	sdelay $0x2  }
0x26a: {  	s22 =	sadd.s32 $0xE, s19  }
0x26b: {  	v50 =	vmov s22  }
0x26c: {  	v16 =	vand.u32 $0xFFFFFFFE, v50  }
0x26d: {  	v16 =	vbroadcast v16, $0x0;
	_ =	sdelay $0x1  }
0x26e: {  	v51 =	vbroadcast v14, $0xE  }
0x26f: {  	v52 =	vpop (erf)  }
0x270: {  	v17 =	vmul.f32 v52, v51;
	_ =	sdelay $0x1  }
0x271: {  	s22 =	spop (v2sf);
	[tilespmem:v16+s28+$0x0] =	vst.idx.msk $0x1, v17  }
0x272: {  	[tilespmem:s22+$0x0] =	vst.add.f32.msk $0xffff, v17  }
0x273: {  	v16 =	vld [tilespmem:s18+$0x380]  }
0x274: {  	v17 =	vld [tilespmem:s18+$0x390]  }
0x275: {  	v53 =	vld [tilespmem:s18+$0x3A0]  }
0x276: {  	v54 =	vld [tilespmem:s18+$0x3B0]  }
0x277: {  	v55 =	vld [tilespmem:s18+$0x3C0]  }
0x278: {  	v56 =	vld [tilespmem:s18+$0x3D0]  }
0x279: {  	v57 =	vld [tilespmem:s18+$0x3E0]  }
0x27a: {  	v58 =	vld [tilespmem:s18+$0x3F0];
	_ =	sdelay $0x1  }
0x27b: {  	v16 =	vmul.f32 v16, v3;
	v17 =	vmul.f32 v17, v4  }
0x27c: {  	v18 =	vmul.f32 v53, v5;
	v19 =	vmul.f32 v54, v6  }
0x27d: {  	v20 =	vmul.f32 v55, v7;
	v21 =	vmul.f32 v56, v8  }
0x27e: {  	v22 =	vmul.f32 v57, v9;
	v23 =	vmul.f32 v58, v10  }
0x27f: {  	v16 =	vadd.f32 v17, v16;
	v59 =	vadd.f32 v19, v18  }
0x280: {  	v60 =	vadd.f32 v21, v20;
	v61 =	vadd.f32 v23, v22;
	_ =	sdelay $0x1  }
0x281: {  	v16 =	vadd.f32 v59, v16;
	v62 =	vadd.f32 v61, v60;
	_ =	sdelay $0x1  }
0x282: {  	v16 =	vadd.f32 v62, v16;
	_ =	sdelay $0x1  }
0x283: {  	(xrf2) =	vadd.scan.msk.f32 $0xffff, v16;
	_ =	sdelay $0x9  }
0x284: {  	v16, _, _ =	vpop (xrf2)  }
0x285: {  	v16 =	vbroadcast v16, $0xF;
	_ =	sdelay $0x1  }
0x286: {  	v16 =	vadd.f32 v16, v13;
	_ =	sdelay $0x1  }
0x287: {  	v16 =	vsub.f32 $0.0e+00, v16;
	_ =	sdelay $0x1  }
0x288: {  	v16 =	vmul.f32 $1.442695020e+00, v16;
	_ =	sdelay $0x1  }
0x289: {  	(erf) = vpow2.f32 v16;
	_ =	sdelay $0x8  }
0x28a: {  	(v2sf) =	vpush v15, $0xF;
	v16 =	vpop (erf)  }
0x28b: {  	v15 =	vadd.f32 $1.000000000e+00, v16;
	_ =	sdelay $0x1  }
0x28c: {  	(erf) = vrcp.f32 v15;
	_ =	sdelay $0x5  }
0x28d: {  	s19 =	sadd.s32 $0xF, s19  }
0x28e: {  	v15 =	vmov s19  }
0x28f: {  	p1 =	sne.s32 s4, $0x90;
	v14 =	vbroadcast v14, $0xF  }
.Ltmp4:
0x290: {  	v63 =	vpop (erf);
	(pc) =	sbr.rel @p1 .LBB2_6-.Ltmp4, $3  }
0x291: {  	v14 =	vmul.f32 v63, v14;
	_ =	sdelay $0x1  }
0x292: {  	s22 =	spop (v2sf);
	[tilespmem:v15+s28+$0x0] =	vst.idx.msk $0x1, v14  }
0x293: {  	s4 =	sadd.s32 $0x10, s4;
	s18 =	sadd.s32 $0x800, s18;
	[tilespmem:s22+$0x0] =	vst.add.f32.msk $0xffff, v14  }
0x294: {  	s4 =	sadd.s32 $0x2, s2  }
0x295: {  	p1 =	sge.u32 s4, s9  }
0x296: {  	s4 =	sadd.s32 @!p1 s7, s4  }
0x297: {  	s4 =	smul.u32 @!p1 $0xA00, s4;
	_ =	sdelay $0x1  }
0x298: {  	s18 =	simm.s32 @!p1 $0x0;
	s4 =	sadd.s32 @!p1 s1, s4  }
0x299: {  	[tilespmem:s18], [sflag:$0x1] =	stream.linear.gather @!p1 [hbm4b:s4+s18], $0x5000, $0x38;
	[tilespmem:$0x1E200] =	vst v63  }
.LBB2_8:
0x29a: {  	s4 =	sor.u32 $0x1, s2  }
0x29b: {  	p1 =	sge.u32 s4, s9  }
.Ltmp5:
0x29c: {  	_ = 	snop;
	(pc) =	sbr.rel @p1 .LBB2_12-.Ltmp5, $1  }
0x29d: {  	_ =	sdelay $0x3  }
0x29e: {  	_ =	swait.ge [sflag:s29], $0x5000  }
0x29f: {  	[sflag:s29] =	ssyncset.done $0x0  }
0x2a0: {  	s4 =	simm.s32 $0x0;
	s18 =	simm.s32 $0x5400;
	[sflag:s29] =	ssyncadd.s32 $0xFFFFB000  }
.LBB2_10:
0x2a1: {  	v14 =	vld [tilespmem:s18+$0xFFFFFC00]  }
0x2a2: {  	v15 =	vld [tilespmem:s18+$0xFFFFFC10]  }
0x2a3: {  	v16 =	vld [tilespmem:s18+$0xFFFFFC20]  }
0x2a4: {  	v17 =	vld [tilespmem:s18+$0xFFFFFC30]  }
0x2a5: {  	v18 =	vld [tilespmem:s18+$0xFFFFFC40]  }
0x2a6: {  	v19 =	vld [tilespmem:s18+$0xFFFFFC50]  }
0x2a7: {  	v20 =	vld [tilespmem:s18+$0xFFFFFC60]  }
0x2a8: {  	v21 =	vld [tilespmem:s18+$0xFFFFFC70];
	_ =	sdelay $0x1  }
0x2a9: {  	v14 =	vmul.f32 v14, v3;
	v15 =	vmul.f32 v15, v4  }
0x2aa: {  	v16 =	vmul.f32 v16, v5;
	v17 =	vmul.f32 v17, v6  }
0x2ab: {  	v18 =	vmul.f32 v18, v7;
	v19 =	vmul.f32 v19, v8  }
0x2ac: {  	v20 =	vmul.f32 v20, v9;
	v21 =	vmul.f32 v21, v10  }
0x2ad: {  	v14 =	vadd.f32 v15, v14;
	v15 =	vadd.f32 v17, v16  }
0x2ae: {  	v30 =	vadd.f32 v19, v18;
	v31 =	vadd.f32 v21, v20;
	_ =	sdelay $0x1  }
0x2af: {  	v14 =	vadd.f32 v15, v14;
	v15 =	vadd.f32 v31, v30;
	_ =	sdelay $0x1  }
0x2b0: {  	v14 =	vadd.f32 v15, v14;
	_ =	sdelay $0x1  }
0x2b1: {  	(xrf2) =	vadd.scan.msk.f32 $0xffff, v14;
	_ =	sdelay $0x9  }
0x2b2: {  	v14, _, _ =	vpop (xrf2)  }
0x2b3: {  	v14 =	vbroadcast v14, $0xF  }
0x2b4: {  	s19 =	sadd.s32 s4, s31  }
0x2b5: {  	s21 =	sadd.s32 $0xA0, s19;
	v14 =	vadd.f32 v14, v13  }
0x2b6: {  	v32 =	vor.u32 s21, v2  }
0x2b7: {  	v14 =	vsub.f32 $0.0e+00, v14;
	_ =	sdelay $0x1  }
0x2b8: {  	v14 =	vmul.f32 $1.442695020e+00, v14;
	_ =	sdelay $0x1  }
0x2b9: {  	(erf) = vpow2.f32 v14;
	v14 =	vld.idx.msk [tilespmem:v32+s24+$0x0], $0xffff;
	_ =	sdelay $0x4  }
0x2ba: {  	v14 =	vshll.u32 v14, $0x9  }
0x2bb: {  	v14 =	vshra.s32 v14, $0x2;
	_ =	sdelay $0x1  }
0x2bc: {  	v15 =	vadd.s32 $0xC580, v14  }
0x2bd: {  	(v2sf) =	vpush v15, $0x0;
	v14 =	vpop (erf)  }
0x2be: {  	v14 =	vadd.f32 $1.000000000e+00, v14;
	_ =	sdelay $0x1  }
0x2bf: {  	(erf) = vrcp.f32 v14;
	_ =	sdelay $0x2  }
0x2c0: {  	v14 =	vld.idx.msk [tilespmem:v32+s26+$0x0], $0xffff;
	_ =	sdelay $0x3  }
0x2c1: {  	v33 =	vmov s21  }
0x2c2: {  	v34 =	vbroadcast v14, $0x0  }
0x2c3: {  	v35 =	vpop (erf)  }
0x2c4: {  	v17 =	vmul.f32 v35, v34;
	_ =	sdelay $0x1  }
0x2c5: {  	s22 =	spop (v2sf);
	[tilespmem:v33+s28+$0x0] =	vst.idx.msk $0x1, v17  }
0x2c6: {  	[tilespmem:s22+$0x0] =	vst.add.f32.msk $0xffff, v17  }
0x2c7: {  	v16 =	vld [tilespmem:s18+$0xFFFFFC80]  }
0x2c8: {  	v17 =	vld [tilespmem:s18+$0xFFFFFC90]  }
0x2c9: {  	v36 =	vld [tilespmem:s18+$0xFFFFFCA0]  }
0x2ca: {  	v37 =	vld [tilespmem:s18+$0xFFFFFCB0]  }
0x2cb: {  	v38 =	vld [tilespmem:s18+$0xFFFFFCC0]  }
0x2cc: {  	v39 =	vld [tilespmem:s18+$0xFFFFFCD0]  }
0x2cd: {  	v22 =	vld [tilespmem:s18+$0xFFFFFCE0]  }
0x2ce: {  	v23 =	vld [tilespmem:s18+$0xFFFFFCF0];
	_ =	sdelay $0x1  }
0x2cf: {  	v16 =	vmul.f32 v16, v3;
	v17 =	vmul.f32 v17, v4  }
0x2d0: {  	v18 =	vmul.f32 v36, v5;
	v19 =	vmul.f32 v37, v6  }
0x2d1: {  	v20 =	vmul.f32 v38, v7;
	v21 =	vmul.f32 v39, v8  }
0x2d2: {  	v22 =	vmul.f32 v22, v9;
	v23 =	vmul.f32 v23, v10  }
0x2d3: {  	v16 =	vadd.f32 v17, v16;
	v40 =	vadd.f32 v19, v18  }
0x2d4: {  	v41 =	vadd.f32 v21, v20;
	v42 =	vadd.f32 v23, v22;
	_ =	sdelay $0x1  }
0x2d5: {  	v16 =	vadd.f32 v40, v16;
	v43 =	vadd.f32 v42, v41;
	_ =	sdelay $0x1  }
0x2d6: {  	v16 =	vadd.f32 v43, v16;
	_ =	sdelay $0x1  }
0x2d7: {  	(xrf2) =	vadd.scan.msk.f32 $0xffff, v16;
	_ =	sdelay $0x9  }
0x2d8: {  	v16, _, _ =	vpop (xrf2)  }
0x2d9: {  	v16 =	vbroadcast v16, $0xF;
	_ =	sdelay $0x1  }
0x2da: {  	v16 =	vadd.f32 v16, v13;
	_ =	sdelay $0x1  }
0x2db: {  	v16 =	vsub.f32 $0.0e+00, v16;
	_ =	sdelay $0x1  }
0x2dc: {  	v16 =	vmul.f32 $1.442695020e+00, v16;
	_ =	sdelay $0x1  }
0x2dd: {  	(erf) = vpow2.f32 v16;
	_ =	sdelay $0x8  }
0x2de: {  	(v2sf) =	vpush v15, $0x1;
	v16 =	vpop (erf)  }
0x2df: {  	v16 =	vadd.f32 $1.000000000e+00, v16;
	_ =	sdelay $0x1  }
0x2e0: {  	(erf) = vrcp.f32 v16;
	_ =	sdelay $0x2  }
0x2e1: {  	s22 =	sadd.s32 $0xA1, s19  }
0x2e2: {  	v44 =	vmov s22  }
0x2e3: {  	v16 =	vand.u32 $0xFFFFFFF1, v44  }
0x2e4: {  	v16 =	vbroadcast v16, $0x0;
	_ =	sdelay $0x1  }
0x2e5: {  	v45 =	vbroadcast v14, $0x1  }
0x2e6: {  	v46 =	vpop (erf)  }
0x2e7: {  	v17 =	vmul.f32 v46, v45;
	_ =	sdelay $0x1  }
0x2e8: {  	s22 =	spop (v2sf);
	[tilespmem:v16+s28+$0x0] =	vst.idx.msk $0x1, v17  }
0x2e9: {  	[tilespmem:s22+$0x0] =	vst.add.f32.msk $0xffff, v17  }
0x2ea: {  	v16 =	vld [tilespmem:s18+$0xFFFFFD00]  }
0x2eb: {  	v17 =	vld [tilespmem:s18+$0xFFFFFD10]  }
0x2ec: {  	v47 =	vld [tilespmem:s18+$0xFFFFFD20]  }
0x2ed: {  	v48 =	vld [tilespmem:s18+$0xFFFFFD30]  }
0x2ee: {  	v49 =	vld [tilespmem:s18+$0xFFFFFD40]  }
0x2ef: {  	v50 =	vld [tilespmem:s18+$0xFFFFFD50]  }
0x2f0: {  	v51 =	vld [tilespmem:s18+$0xFFFFFD60]  }
0x2f1: {  	v52 =	vld [tilespmem:s18+$0xFFFFFD70];
	_ =	sdelay $0x1  }
0x2f2: {  	v16 =	vmul.f32 v16, v3;
	v17 =	vmul.f32 v17, v4  }
0x2f3: {  	v18 =	vmul.f32 v47, v5;
	v19 =	vmul.f32 v48, v6  }
0x2f4: {  	v20 =	vmul.f32 v49, v7;
	v21 =	vmul.f32 v50, v8  }
0x2f5: {  	v22 =	vmul.f32 v51, v9;
	v23 =	vmul.f32 v52, v10  }
0x2f6: {  	v16 =	vadd.f32 v17, v16;
	v53 =	vadd.f32 v19, v18  }
0x2f7: {  	v54 =	vadd.f32 v21, v20;
	v55 =	vadd.f32 v23, v22;
	_ =	sdelay $0x1  }
0x2f8: {  	v16 =	vadd.f32 v53, v16;
	v56 =	vadd.f32 v55, v54;
	_ =	sdelay $0x1  }
0x2f9: {  	v16 =	vadd.f32 v56, v16;
	_ =	sdelay $0x1  }
0x2fa: {  	(xrf2) =	vadd.scan.msk.f32 $0xffff, v16;
	_ =	sdelay $0x9  }
0x2fb: {  	v16, _, _ =	vpop (xrf2)  }
0x2fc: {  	v16 =	vbroadcast v16, $0xF;
	_ =	sdelay $0x1  }
0x2fd: {  	v16 =	vadd.f32 v16, v13;
	_ =	sdelay $0x1  }
0x2fe: {  	v16 =	vsub.f32 $0.0e+00, v16;
	_ =	sdelay $0x1  }
0x2ff: {  	v16 =	vmul.f32 $1.442695020e+00, v16;
	_ =	sdelay $0x1  }
0x300: {  	(erf) = vpow2.f32 v16;
	_ =	sdelay $0x8  }
0x301: {  	(v2sf) =	vpush v15, $0x2;
	v16 =	vpop (erf)  }
0x302: {  	v16 =	vadd.f32 $1.000000000e+00, v16;
	_ =	sdelay $0x1  }
0x303: {  	(erf) = vrcp.f32 v16;
	_ =	sdelay $0x2  }
0x304: {  	s22 =	sadd.s32 $0xA2, s19  }
0x305: {  	v57 =	vmov s22  }
0x306: {  	v16 =	vand.u32 $0xFFFFFFF2, v57  }
0x307: {  	v16 =	vbroadcast v16, $0x0;
	_ =	sdelay $0x1  }
0x308: {  	v58 =	vbroadcast v14, $0x2  }
0x309: {  	v59 =	vpop (erf)  }
0x30a: {  	v17 =	vmul.f32 v59, v58;
	_ =	sdelay $0x1  }
0x30b: {  	s22 =	spop (v2sf);
	[tilespmem:v16+s28+$0x0] =	vst.idx.msk $0x1, v17  }
0x30c: {  	[tilespmem:s22+$0x0] =	vst.add.f32.msk $0xffff, v17  }
0x30d: {  	v16 =	vld [tilespmem:s18+$0xFFFFFD80]  }
0x30e: {  	v17 =	vld [tilespmem:s18+$0xFFFFFD90]  }
0x30f: {  	v60 =	vld [tilespmem:s18+$0xFFFFFDA0]  }
0x310: {  	v61 =	vld [tilespmem:s18+$0xFFFFFDB0]  }
0x311: {  	v62 =	vld [tilespmem:s18+$0xFFFFFDC0]  }
0x312: {  	v63 =	vld [tilespmem:s18+$0xFFFFFDD0]  }
0x313: {  	v24 =	vld [tilespmem:s18+$0xFFFFFDE0]  }
0x314: {  	v25 =	vld [tilespmem:s18+$0xFFFFFDF0];
	_ =	sdelay $0x1  }
0x315: {  	v16 =	vmul.f32 v16, v3;
	v17 =	vmul.f32 v17, v4  }
0x316: {  	v18 =	vmul.f32 v60, v5;
	v19 =	vmul.f32 v61, v6  }
0x317: {  	v20 =	vmul.f32 v62, v7;
	v21 =	vmul.f32 v63, v8  }
0x318: {  	v22 =	vmul.f32 v24, v9;
	v23 =	vmul.f32 v25, v10  }
0x319: {  	v16 =	vadd.f32 v17, v16;
	v26 =	vadd.f32 v19, v18  }
0x31a: {  	v27 =	vadd.f32 v21, v20;
	v28 =	vadd.f32 v23, v22;
	_ =	sdelay $0x1  }
0x31b: {  	v16 =	vadd.f32 v26, v16;
	v29 =	vadd.f32 v28, v27;
	_ =	sdelay $0x1  }
0x31c: {  	v16 =	vadd.f32 v29, v16;
	_ =	sdelay $0x1  }
0x31d: {  	(xrf2) =	vadd.scan.msk.f32 $0xffff, v16;
	_ =	sdelay $0x9  }
0x31e: {  	v16, _, _ =	vpop (xrf2)  }
0x31f: {  	v16 =	vbroadcast v16, $0xF;
	_ =	sdelay $0x1  }
0x320: {  	v16 =	vadd.f32 v16, v13;
	_ =	sdelay $0x1  }
0x321: {  	v16 =	vsub.f32 $0.0e+00, v16;
	_ =	sdelay $0x1  }
0x322: {  	v16 =	vmul.f32 $1.442695020e+00, v16;
	_ =	sdelay $0x1  }
0x323: {  	(erf) = vpow2.f32 v16;
	_ =	sdelay $0x8  }
0x324: {  	(v2sf) =	vpush v15, $0x3;
	v16 =	vpop (erf)  }
0x325: {  	v16 =	vadd.f32 $1.000000000e+00, v16;
	_ =	sdelay $0x1  }
0x326: {  	(erf) = vrcp.f32 v16;
	_ =	sdelay $0x2  }
0x327: {  	s22 =	sadd.s32 $0xA3, s19  }
0x328: {  	v30 =	vmov s22  }
0x329: {  	v16 =	vand.u32 $0xFFFFFFF3, v30  }
0x32a: {  	v16 =	vbroadcast v16, $0x0;
	_ =	sdelay $0x1  }
0x32b: {  	v31 =	vbroadcast v14, $0x3  }
0x32c: {  	v32 =	vpop (erf)  }
0x32d: {  	v17 =	vmul.f32 v32, v31;
	_ =	sdelay $0x1  }
0x32e: {  	s22 =	spop (v2sf);
	[tilespmem:v16+s28+$0x0] =	vst.idx.msk $0x1, v17  }
0x32f: {  	[tilespmem:s22+$0x0] =	vst.add.f32.msk $0xffff, v17  }
0x330: {  	v16 =	vld [tilespmem:s18+$0xFFFFFE00]  }
0x331: {  	v17 =	vld [tilespmem:s18+$0xFFFFFE10]  }
0x332: {  	v33 =	vld [tilespmem:s18+$0xFFFFFE20]  }
0x333: {  	v34 =	vld [tilespmem:s18+$0xFFFFFE30]  }
0x334: {  	v35 =	vld [tilespmem:s18+$0xFFFFFE40]  }
0x335: {  	v36 =	vld [tilespmem:s18+$0xFFFFFE50]  }
0x336: {  	v37 =	vld [tilespmem:s18+$0xFFFFFE60]  }
0x337: {  	v38 =	vld [tilespmem:s18+$0xFFFFFE70];
	_ =	sdelay $0x1  }
0x338: {  	v16 =	vmul.f32 v16, v3;
	v17 =	vmul.f32 v17, v4  }
0x339: {  	v18 =	vmul.f32 v33, v5;
	v19 =	vmul.f32 v34, v6  }
0x33a: {  	v20 =	vmul.f32 v35, v7;
	v21 =	vmul.f32 v36, v8  }
0x33b: {  	v22 =	vmul.f32 v37, v9;
	v23 =	vmul.f32 v38, v10  }
0x33c: {  	v16 =	vadd.f32 v17, v16;
	v39 =	vadd.f32 v19, v18  }
0x33d: {  	v40 =	vadd.f32 v21, v20;
	v41 =	vadd.f32 v23, v22;
	_ =	sdelay $0x1  }
0x33e: {  	v16 =	vadd.f32 v39, v16;
	v42 =	vadd.f32 v41, v40;
	_ =	sdelay $0x1  }
0x33f: {  	v16 =	vadd.f32 v42, v16;
	_ =	sdelay $0x1  }
0x340: {  	(xrf2) =	vadd.scan.msk.f32 $0xffff, v16;
	_ =	sdelay $0x9  }
0x341: {  	v16, _, _ =	vpop (xrf2)  }
0x342: {  	v16 =	vbroadcast v16, $0xF;
	_ =	sdelay $0x1  }
0x343: {  	v16 =	vadd.f32 v16, v13;
	_ =	sdelay $0x1  }
0x344: {  	v16 =	vsub.f32 $0.0e+00, v16;
	_ =	sdelay $0x1  }
0x345: {  	v16 =	vmul.f32 $1.442695020e+00, v16;
	_ =	sdelay $0x1  }
0x346: {  	(erf) = vpow2.f32 v16;
	_ =	sdelay $0x8  }
0x347: {  	(v2sf) =	vpush v15, $0x4;
	v16 =	vpop (erf)  }
0x348: {  	v16 =	vadd.f32 $1.000000000e+00, v16;
	_ =	sdelay $0x1  }
0x349: {  	(erf) = vrcp.f32 v16;
	_ =	sdelay $0x2  }
0x34a: {  	s22 =	sadd.s32 $0xA4, s19  }
0x34b: {  	v43 =	vmov s22  }
0x34c: {  	v16 =	vand.u32 $0xFFFFFFF4, v43  }
0x34d: {  	v16 =	vbroadcast v16, $0x0;
	_ =	sdelay $0x1  }
0x34e: {  	v44 =	vbroadcast v14, $0x4  }
0x34f: {  	v45 =	vpop (erf)  }
0x350: {  	v17 =	vmul.f32 v45, v44;
	_ =	sdelay $0x1  }
0x351: {  	s22 =	spop (v2sf);
	[tilespmem:v16+s28+$0x0] =	vst.idx.msk $0x1, v17  }
0x352: {  	[tilespmem:s22+$0x0] =	vst.add.f32.msk $0xffff, v17  }
0x353: {  	v16 =	vld [tilespmem:s18+$0xFFFFFE80]  }
0x354: {  	v17 =	vld [tilespmem:s18+$0xFFFFFE90]  }
0x355: {  	v46 =	vld [tilespmem:s18+$0xFFFFFEA0]  }
0x356: {  	v47 =	vld [tilespmem:s18+$0xFFFFFEB0]  }
0x357: {  	v48 =	vld [tilespmem:s18+$0xFFFFFEC0]  }
0x358: {  	v49 =	vld [tilespmem:s18+$0xFFFFFED0]  }
0x359: {  	v50 =	vld [tilespmem:s18+$0xFFFFFEE0]  }
0x35a: {  	v51 =	vld [tilespmem:s18+$0xFFFFFEF0];
	_ =	sdelay $0x1  }
0x35b: {  	v16 =	vmul.f32 v16, v3;
	v17 =	vmul.f32 v17, v4  }
0x35c: {  	v18 =	vmul.f32 v46, v5;
	v19 =	vmul.f32 v47, v6  }
0x35d: {  	v20 =	vmul.f32 v48, v7;
	v21 =	vmul.f32 v49, v8  }
0x35e: {  	v22 =	vmul.f32 v50, v9;
	v23 =	vmul.f32 v51, v10  }
0x35f: {  	v16 =	vadd.f32 v17, v16;
	v52 =	vadd.f32 v19, v18  }
0x360: {  	v53 =	vadd.f32 v21, v20;
	v54 =	vadd.f32 v23, v22;
	_ =	sdelay $0x1  }
0x361: {  	v16 =	vadd.f32 v52, v16;
	v55 =	vadd.f32 v54, v53;
	_ =	sdelay $0x1  }
0x362: {  	v16 =	vadd.f32 v55, v16;
	_ =	sdelay $0x1  }
0x363: {  	(xrf2) =	vadd.scan.msk.f32 $0xffff, v16;
	_ =	sdelay $0x9  }
0x364: {  	v16, _, _ =	vpop (xrf2)  }
0x365: {  	v16 =	vbroadcast v16, $0xF;
	_ =	sdelay $0x1  }
0x366: {  	v16 =	vadd.f32 v16, v13;
	_ =	sdelay $0x1  }
0x367: {  	v16 =	vsub.f32 $0.0e+00, v16;
	_ =	sdelay $0x1  }
0x368: {  	v16 =	vmul.f32 $1.442695020e+00, v16;
	_ =	sdelay $0x1  }
0x369: {  	(erf) = vpow2.f32 v16;
	_ =	sdelay $0x8  }
0x36a: {  	(v2sf) =	vpush v15, $0x5;
	v16 =	vpop (erf)  }
0x36b: {  	v16 =	vadd.f32 $1.000000000e+00, v16;
	_ =	sdelay $0x1  }
0x36c: {  	(erf) = vrcp.f32 v16;
	_ =	sdelay $0x2  }
0x36d: {  	s22 =	sadd.s32 $0xA5, s19  }
0x36e: {  	v56 =	vmov s22  }
0x36f: {  	v16 =	vand.u32 $0xFFFFFFF5, v56  }
0x370: {  	v16 =	vbroadcast v16, $0x0;
	_ =	sdelay $0x1  }
0x371: {  	v57 =	vbroadcast v14, $0x5  }
0x372: {  	v58 =	vpop (erf)  }
0x373: {  	v17 =	vmul.f32 v58, v57;
	_ =	sdelay $0x1  }
0x374: {  	s22 =	spop (v2sf);
	[tilespmem:v16+s28+$0x0] =	vst.idx.msk $0x1, v17  }
0x375: {  	[tilespmem:s22+$0x0] =	vst.add.f32.msk $0xffff, v17  }
0x376: {  	v16 =	vld [tilespmem:s18+$0xFFFFFF00]  }
0x377: {  	v17 =	vld [tilespmem:s18+$0xFFFFFF10]  }
0x378: {  	v59 =	vld [tilespmem:s18+$0xFFFFFF20]  }
0x379: {  	v60 =	vld [tilespmem:s18+$0xFFFFFF30]  }
0x37a: {  	v61 =	vld [tilespmem:s18+$0xFFFFFF40]  }
0x37b: {  	v62 =	vld [tilespmem:s18+$0xFFFFFF50]  }
0x37c: {  	v63 =	vld [tilespmem:s18+$0xFFFFFF60]  }
0x37d: {  	v24 =	vld [tilespmem:s18+$0xFFFFFF70];
	_ =	sdelay $0x1  }
0x37e: {  	v16 =	vmul.f32 v16, v3;
	v17 =	vmul.f32 v17, v4  }
0x37f: {  	v18 =	vmul.f32 v59, v5;
	v19 =	vmul.f32 v60, v6  }
0x380: {  	v20 =	vmul.f32 v61, v7;
	v21 =	vmul.f32 v62, v8  }
0x381: {  	v22 =	vmul.f32 v63, v9;
	v23 =	vmul.f32 v24, v10  }
0x382: {  	v16 =	vadd.f32 v17, v16;
	v25 =	vadd.f32 v19, v18  }
0x383: {  	v26 =	vadd.f32 v21, v20;
	v27 =	vadd.f32 v23, v22;
	_ =	sdelay $0x1  }
0x384: {  	v16 =	vadd.f32 v25, v16;
	v28 =	vadd.f32 v27, v26;
	_ =	sdelay $0x1  }
0x385: {  	v16 =	vadd.f32 v28, v16;
	_ =	sdelay $0x1  }
0x386: {  	(xrf2) =	vadd.scan.msk.f32 $0xffff, v16;
	_ =	sdelay $0x9  }
0x387: {  	v16, _, _ =	vpop (xrf2)  }
0x388: {  	v16 =	vbroadcast v16, $0xF;
	_ =	sdelay $0x1  }
0x389: {  	v16 =	vadd.f32 v16, v13;
	_ =	sdelay $0x1  }
0x38a: {  	v16 =	vsub.f32 $0.0e+00, v16;
	_ =	sdelay $0x1  }
0x38b: {  	v16 =	vmul.f32 $1.442695020e+00, v16;
	_ =	sdelay $0x1  }
0x38c: {  	(erf) = vpow2.f32 v16;
	_ =	sdelay $0x8  }
0x38d: {  	(v2sf) =	vpush v15, $0x6;
	v16 =	vpop (erf)  }
0x38e: {  	v16 =	vadd.f32 $1.000000000e+00, v16;
	_ =	sdelay $0x1  }
0x38f: {  	(erf) = vrcp.f32 v16;
	_ =	sdelay $0x2  }
0x390: {  	s22 =	sadd.s32 $0xA6, s19  }
0x391: {  	v29 =	vmov s22  }
0x392: {  	v16 =	vand.u32 $0xFFFFFFF6, v29  }
0x393: {  	v16 =	vbroadcast v16, $0x0;
	_ =	sdelay $0x1  }
0x394: {  	v30 =	vbroadcast v14, $0x6  }
0x395: {  	v31 =	vpop (erf)  }
0x396: {  	v17 =	vmul.f32 v31, v30;
	_ =	sdelay $0x1  }
0x397: {  	s22 =	spop (v2sf);
	[tilespmem:v16+s28+$0x0] =	vst.idx.msk $0x1, v17  }
0x398: {  	[tilespmem:s22+$0x0] =	vst.add.f32.msk $0xffff, v17  }
0x399: {  	v16 =	vld [tilespmem:s18+$0xFFFFFF80]  }
0x39a: {  	v17 =	vld [tilespmem:s18+$0xFFFFFF90]  }
0x39b: {  	v32 =	vld [tilespmem:s18+$0xFFFFFFA0]  }
0x39c: {  	v33 =	vld [tilespmem:s18+$0xFFFFFFB0]  }
0x39d: {  	v34 =	vld [tilespmem:s18+$0xFFFFFFC0]  }
0x39e: {  	v35 =	vld [tilespmem:s18+$0xFFFFFFD0]  }
0x39f: {  	v36 =	vld [tilespmem:s18+$0xFFFFFFE0]  }
0x3a0: {  	v37 =	vld [tilespmem:s18+$0xFFFFFFF0];
	_ =	sdelay $0x1  }
0x3a1: {  	v16 =	vmul.f32 v16, v3;
	v17 =	vmul.f32 v17, v4  }
0x3a2: {  	v18 =	vmul.f32 v32, v5;
	v19 =	vmul.f32 v33, v6  }
0x3a3: {  	v20 =	vmul.f32 v34, v7;
	v21 =	vmul.f32 v35, v8  }
0x3a4: {  	v22 =	vmul.f32 v36, v9;
	v23 =	vmul.f32 v37, v10  }
0x3a5: {  	v16 =	vadd.f32 v17, v16;
	v38 =	vadd.f32 v19, v18  }
0x3a6: {  	v39 =	vadd.f32 v21, v20;
	v40 =	vadd.f32 v23, v22;
	_ =	sdelay $0x1  }
0x3a7: {  	v16 =	vadd.f32 v38, v16;
	v41 =	vadd.f32 v40, v39;
	_ =	sdelay $0x1  }
0x3a8: {  	v16 =	vadd.f32 v41, v16;
	_ =	sdelay $0x1  }
0x3a9: {  	(xrf2) =	vadd.scan.msk.f32 $0xffff, v16;
	_ =	sdelay $0x9  }
0x3aa: {  	v16, _, _ =	vpop (xrf2)  }
0x3ab: {  	v16 =	vbroadcast v16, $0xF;
	_ =	sdelay $0x1  }
0x3ac: {  	v16 =	vadd.f32 v16, v13;
	_ =	sdelay $0x1  }
0x3ad: {  	v16 =	vsub.f32 $0.0e+00, v16;
	_ =	sdelay $0x1  }
0x3ae: {  	v16 =	vmul.f32 $1.442695020e+00, v16;
	_ =	sdelay $0x1  }
0x3af: {  	(erf) = vpow2.f32 v16;
	_ =	sdelay $0x8  }
0x3b0: {  	(v2sf) =	vpush v15, $0x7;
	v16 =	vpop (erf)  }
0x3b1: {  	v16 =	vadd.f32 $1.000000000e+00, v16;
	_ =	sdelay $0x1  }
0x3b2: {  	(erf) = vrcp.f32 v16;
	_ =	sdelay $0x2  }
0x3b3: {  	s22 =	sadd.s32 $0xA7, s19  }
0x3b4: {  	v42 =	vmov s22  }
0x3b5: {  	v16 =	vand.u32 $0xFFFFFFF7, v42  }
0x3b6: {  	v16 =	vbroadcast v16, $0x0;
	_ =	sdelay $0x1  }
0x3b7: {  	v43 =	vbroadcast v14, $0x7  }
0x3b8: {  	v44 =	vpop (erf)  }
0x3b9: {  	v17 =	vmul.f32 v44, v43;
	_ =	sdelay $0x1  }
0x3ba: {  	s22 =	spop (v2sf);
	[tilespmem:v16+s28+$0x0] =	vst.idx.msk $0x1, v17  }
0x3bb: {  	[tilespmem:s22+$0x0] =	vst.add.f32.msk $0xffff, v17  }
0x3bc: {  	v16 =	vld [tilespmem:s18+$0x0]  }
0x3bd: {  	v17 =	vld [tilespmem:s18+$0x10]  }
0x3be: {  	v45 =	vld [tilespmem:s18+$0x20]  }
0x3bf: {  	v46 =	vld [tilespmem:s18+$0x30]  }
0x3c0: {  	v47 =	vld [tilespmem:s18+$0x40]  }
0x3c1: {  	v48 =	vld [tilespmem:s18+$0x50]  }
0x3c2: {  	v49 =	vld [tilespmem:s18+$0x60]  }
0x3c3: {  	v50 =	vld [tilespmem:s18+$0x70];
	_ =	sdelay $0x1  }
0x3c4: {  	v16 =	vmul.f32 v16, v3;
	v17 =	vmul.f32 v17, v4  }
0x3c5: {  	v18 =	vmul.f32 v45, v5;
	v19 =	vmul.f32 v46, v6  }
0x3c6: {  	v20 =	vmul.f32 v47, v7;
	v21 =	vmul.f32 v48, v8  }
0x3c7: {  	v22 =	vmul.f32 v49, v9;
	v23 =	vmul.f32 v50, v10  }
0x3c8: {  	v16 =	vadd.f32 v17, v16;
	v51 =	vadd.f32 v19, v18  }
0x3c9: {  	v52 =	vadd.f32 v21, v20;
	v53 =	vadd.f32 v23, v22;
	_ =	sdelay $0x1  }
0x3ca: {  	v16 =	vadd.f32 v51, v16;
	v54 =	vadd.f32 v53, v52;
	_ =	sdelay $0x1  }
0x3cb: {  	v16 =	vadd.f32 v54, v16;
	_ =	sdelay $0x1  }
0x3cc: {  	(xrf2) =	vadd.scan.msk.f32 $0xffff, v16;
	_ =	sdelay $0x9  }
0x3cd: {  	v16, _, _ =	vpop (xrf2)  }
0x3ce: {  	v16 =	vbroadcast v16, $0xF;
	_ =	sdelay $0x1  }
0x3cf: {  	v16 =	vadd.f32 v16, v13;
	_ =	sdelay $0x1  }
0x3d0: {  	v16 =	vsub.f32 $0.0e+00, v16;
	_ =	sdelay $0x1  }
0x3d1: {  	v16 =	vmul.f32 $1.442695020e+00, v16;
	_ =	sdelay $0x1  }
0x3d2: {  	(erf) = vpow2.f32 v16;
	_ =	sdelay $0x8  }
0x3d3: {  	(v2sf) =	vpush v15, $0x8;
	v16 =	vpop (erf)  }
0x3d4: {  	v16 =	vadd.f32 $1.000000000e+00, v16;
	_ =	sdelay $0x1  }
0x3d5: {  	(erf) = vrcp.f32 v16;
	_ =	sdelay $0x2  }
0x3d6: {  	s22 =	sadd.s32 $0xA8, s19  }
0x3d7: {  	v55 =	vmov s22  }
0x3d8: {  	v16 =	vand.u32 $0xFFFFFFF8, v55  }
0x3d9: {  	v16 =	vbroadcast v16, $0x0;
	_ =	sdelay $0x1  }
0x3da: {  	v56 =	vbroadcast v14, $0x8  }
0x3db: {  	v57 =	vpop (erf)  }
0x3dc: {  	v17 =	vmul.f32 v57, v56;
	_ =	sdelay $0x1  }
0x3dd: {  	s22 =	spop (v2sf);
	[tilespmem:v16+s28+$0x0] =	vst.idx.msk $0x1, v17  }
0x3de: {  	[tilespmem:s22+$0x0] =	vst.add.f32.msk $0xffff, v17  }
0x3df: {  	v16 =	vld [tilespmem:s18+$0x80]  }
0x3e0: {  	v17 =	vld [tilespmem:s18+$0x90]  }
0x3e1: {  	v58 =	vld [tilespmem:s18+$0xA0]  }
0x3e2: {  	v59 =	vld [tilespmem:s18+$0xB0]  }
0x3e3: {  	v60 =	vld [tilespmem:s18+$0xC0]  }
0x3e4: {  	v61 =	vld [tilespmem:s18+$0xD0]  }
0x3e5: {  	v62 =	vld [tilespmem:s18+$0xE0]  }
0x3e6: {  	v63 =	vld [tilespmem:s18+$0xF0];
	_ =	sdelay $0x1  }
0x3e7: {  	v16 =	vmul.f32 v16, v3;
	v17 =	vmul.f32 v17, v4  }
0x3e8: {  	v18 =	vmul.f32 v58, v5;
	v19 =	vmul.f32 v59, v6  }
0x3e9: {  	v20 =	vmul.f32 v60, v7;
	v21 =	vmul.f32 v61, v8  }
0x3ea: {  	v22 =	vmul.f32 v62, v9;
	v23 =	vmul.f32 v63, v10  }
0x3eb: {  	v16 =	vadd.f32 v17, v16;
	v24 =	vadd.f32 v19, v18  }
0x3ec: {  	v25 =	vadd.f32 v21, v20;
	v26 =	vadd.f32 v23, v22;
	_ =	sdelay $0x1  }
0x3ed: {  	v16 =	vadd.f32 v24, v16;
	v27 =	vadd.f32 v26, v25;
	_ =	sdelay $0x1  }
0x3ee: {  	v16 =	vadd.f32 v27, v16;
	_ =	sdelay $0x1  }
0x3ef: {  	(xrf2) =	vadd.scan.msk.f32 $0xffff, v16;
	_ =	sdelay $0x9  }
0x3f0: {  	v16, _, _ =	vpop (xrf2)  }
0x3f1: {  	v16 =	vbroadcast v16, $0xF;
	_ =	sdelay $0x1  }
0x3f2: {  	v16 =	vadd.f32 v16, v13;
	_ =	sdelay $0x1  }
0x3f3: {  	v16 =	vsub.f32 $0.0e+00, v16;
	_ =	sdelay $0x1  }
0x3f4: {  	v16 =	vmul.f32 $1.442695020e+00, v16;
	_ =	sdelay $0x1  }
0x3f5: {  	(erf) = vpow2.f32 v16;
	_ =	sdelay $0x8  }
0x3f6: {  	(v2sf) =	vpush v15, $0x9;
	v16 =	vpop (erf)  }
0x3f7: {  	v16 =	vadd.f32 $1.000000000e+00, v16;
	_ =	sdelay $0x1  }
0x3f8: {  	(erf) = vrcp.f32 v16;
	_ =	sdelay $0x2  }
0x3f9: {  	s22 =	sadd.s32 $0xA9, s19  }
0x3fa: {  	v28 =	vmov s22  }
0x3fb: {  	v16 =	vand.u32 $0xFFFFFFF9, v28  }
0x3fc: {  	v16 =	vbroadcast v16, $0x0;
	_ =	sdelay $0x1  }
0x3fd: {  	v29 =	vbroadcast v14, $0x9  }
0x3fe: {  	v30 =	vpop (erf)  }
0x3ff: {  	v17 =	vmul.f32 v30, v29;
	_ =	sdelay $0x1  }
0x400: {  	s22 =	spop (v2sf);
	[tilespmem:v16+s28+$0x0] =	vst.idx.msk $0x1, v17  }
0x401: {  	[tilespmem:s22+$0x0] =	vst.add.f32.msk $0xffff, v17  }
0x402: {  	v16 =	vld [tilespmem:s18+$0x100]  }
0x403: {  	v17 =	vld [tilespmem:s18+$0x110]  }
0x404: {  	v31 =	vld [tilespmem:s18+$0x120]  }
0x405: {  	v32 =	vld [tilespmem:s18+$0x130]  }
0x406: {  	v33 =	vld [tilespmem:s18+$0x140]  }
0x407: {  	v34 =	vld [tilespmem:s18+$0x150]  }
0x408: {  	v35 =	vld [tilespmem:s18+$0x160]  }
0x409: {  	v36 =	vld [tilespmem:s18+$0x170];
	_ =	sdelay $0x1  }
0x40a: {  	v16 =	vmul.f32 v16, v3;
	v17 =	vmul.f32 v17, v4  }
0x40b: {  	v18 =	vmul.f32 v31, v5;
	v19 =	vmul.f32 v32, v6  }
0x40c: {  	v20 =	vmul.f32 v33, v7;
	v21 =	vmul.f32 v34, v8  }
0x40d: {  	v22 =	vmul.f32 v35, v9;
	v23 =	vmul.f32 v36, v10  }
0x40e: {  	v16 =	vadd.f32 v17, v16;
	v37 =	vadd.f32 v19, v18  }
0x40f: {  	v38 =	vadd.f32 v21, v20;
	v39 =	vadd.f32 v23, v22;
	_ =	sdelay $0x1  }
0x410: {  	v16 =	vadd.f32 v37, v16;
	v40 =	vadd.f32 v39, v38;
	_ =	sdelay $0x1  }
0x411: {  	v16 =	vadd.f32 v40, v16;
	_ =	sdelay $0x1  }
0x412: {  	(xrf2) =	vadd.scan.msk.f32 $0xffff, v16;
	_ =	sdelay $0x9  }
0x413: {  	v16, _, _ =	vpop (xrf2)  }
0x414: {  	v16 =	vbroadcast v16, $0xF;
	_ =	sdelay $0x1  }
0x415: {  	v16 =	vadd.f32 v16, v13;
	_ =	sdelay $0x1  }
0x416: {  	v16 =	vsub.f32 $0.0e+00, v16;
	_ =	sdelay $0x1  }
0x417: {  	v16 =	vmul.f32 $1.442695020e+00, v16;
	_ =	sdelay $0x1  }
0x418: {  	(erf) = vpow2.f32 v16;
	_ =	sdelay $0x8  }
0x419: {  	(v2sf) =	vpush v15, $0xA;
	v16 =	vpop (erf)  }
0x41a: {  	v16 =	vadd.f32 $1.000000000e+00, v16;
	_ =	sdelay $0x1  }
0x41b: {  	(erf) = vrcp.f32 v16;
	_ =	sdelay $0x2  }
0x41c: {  	s22 =	sadd.s32 $0xAA, s19  }
0x41d: {  	v41 =	vmov s22  }
0x41e: {  	v16 =	vand.u32 $0xFFFFFFFA, v41  }
0x41f: {  	v16 =	vbroadcast v16, $0x0;
	_ =	sdelay $0x1  }
0x420: {  	v42 =	vbroadcast v14, $0xA  }
0x421: {  	v43 =	vpop (erf)  }
0x422: {  	v17 =	vmul.f32 v43, v42;
	_ =	sdelay $0x1  }
0x423: {  	s22 =	spop (v2sf);
	[tilespmem:v16+s28+$0x0] =	vst.idx.msk $0x1, v17  }
0x424: {  	[tilespmem:s22+$0x0] =	vst.add.f32.msk $0xffff, v17  }
0x425: {  	v16 =	vld [tilespmem:s18+$0x180]  }
0x426: {  	v17 =	vld [tilespmem:s18+$0x190]  }
0x427: {  	v44 =	vld [tilespmem:s18+$0x1A0]  }
0x428: {  	v45 =	vld [tilespmem:s18+$0x1B0]  }
0x429: {  	v46 =	vld [tilespmem:s18+$0x1C0]  }
0x42a: {  	v47 =	vld [tilespmem:s18+$0x1D0]  }
0x42b: {  	v48 =	vld [tilespmem:s18+$0x1E0]  }
0x42c: {  	v49 =	vld [tilespmem:s18+$0x1F0];
	_ =	sdelay $0x1  }
0x42d: {  	v16 =	vmul.f32 v16, v3;
	v17 =	vmul.f32 v17, v4  }
0x42e: {  	v18 =	vmul.f32 v44, v5;
	v19 =	vmul.f32 v45, v6  }
0x42f: {  	v20 =	vmul.f32 v46, v7;
	v21 =	vmul.f32 v47, v8  }
0x430: {  	v22 =	vmul.f32 v48, v9;
	v23 =	vmul.f32 v49, v10  }
0x431: {  	v16 =	vadd.f32 v17, v16;
	v50 =	vadd.f32 v19, v18  }
0x432: {  	v51 =	vadd.f32 v21, v20;
	v52 =	vadd.f32 v23, v22;
	_ =	sdelay $0x1  }
0x433: {  	v16 =	vadd.f32 v50, v16;
	v53 =	vadd.f32 v52, v51;
	_ =	sdelay $0x1  }
0x434: {  	v16 =	vadd.f32 v53, v16;
	_ =	sdelay $0x1  }
0x435: {  	(xrf2) =	vadd.scan.msk.f32 $0xffff, v16;
	_ =	sdelay $0x9  }
0x436: {  	v16, _, _ =	vpop (xrf2)  }
0x437: {  	v16 =	vbroadcast v16, $0xF;
	_ =	sdelay $0x1  }
0x438: {  	v16 =	vadd.f32 v16, v13;
	_ =	sdelay $0x1  }
0x439: {  	v16 =	vsub.f32 $0.0e+00, v16;
	_ =	sdelay $0x1  }
0x43a: {  	v16 =	vmul.f32 $1.442695020e+00, v16;
	_ =	sdelay $0x1  }
0x43b: {  	(erf) = vpow2.f32 v16;
	_ =	sdelay $0x8  }
0x43c: {  	(v2sf) =	vpush v15, $0xB;
	v16 =	vpop (erf)  }
0x43d: {  	v16 =	vadd.f32 $1.000000000e+00, v16;
	_ =	sdelay $0x1  }
0x43e: {  	(erf) = vrcp.f32 v16;
	_ =	sdelay $0x2  }
0x43f: {  	s22 =	sadd.s32 $0xAB, s19  }
0x440: {  	v54 =	vmov s22  }
0x441: {  	v16 =	vand.u32 $0xFFFFFFFB, v54  }
0x442: {  	v16 =	vbroadcast v16, $0x0;
	_ =	sdelay $0x1  }
0x443: {  	v55 =	vbroadcast v14, $0xB  }
0x444: {  	v56 =	vpop (erf)  }
0x445: {  	v17 =	vmul.f32 v56, v55;
	_ =	sdelay $0x1  }
0x446: {  	s22 =	spop (v2sf);
	[tilespmem:v16+s28+$0x0] =	vst.idx.msk $0x1, v17  }
0x447: {  	[tilespmem:s22+$0x0] =	vst.add.f32.msk $0xffff, v17  }
0x448: {  	v16 =	vld [tilespmem:s18+$0x200]  }
0x449: {  	v17 =	vld [tilespmem:s18+$0x210]  }
0x44a: {  	v57 =	vld [tilespmem:s18+$0x220]  }
0x44b: {  	v58 =	vld [tilespmem:s18+$0x230]  }
0x44c: {  	v59 =	vld [tilespmem:s18+$0x240]  }
0x44d: {  	v60 =	vld [tilespmem:s18+$0x250]  }
0x44e: {  	v61 =	vld [tilespmem:s18+$0x260]  }
0x44f: {  	v62 =	vld [tilespmem:s18+$0x270];
	_ =	sdelay $0x1  }
0x450: {  	v16 =	vmul.f32 v16, v3;
	v17 =	vmul.f32 v17, v4  }
0x451: {  	v18 =	vmul.f32 v57, v5;
	v19 =	vmul.f32 v58, v6  }
0x452: {  	v20 =	vmul.f32 v59, v7;
	v21 =	vmul.f32 v60, v8  }
0x453: {  	v22 =	vmul.f32 v61, v9;
	v23 =	vmul.f32 v62, v10  }
0x454: {  	v16 =	vadd.f32 v17, v16;
	v63 =	vadd.f32 v19, v18  }
0x455: {  	v21 =	vadd.f32 v21, v20;
	v22 =	vadd.f32 v23, v22;
	_ =	sdelay $0x1  }
0x456: {  	v16 =	vadd.f32 v63, v16;
	v23 =	vadd.f32 v22, v21;
	_ =	sdelay $0x1  }
0x457: {  	v16 =	vadd.f32 v23, v16;
	_ =	sdelay $0x1  }
0x458: {  	(xrf2) =	vadd.scan.msk.f32 $0xffff, v16;
	_ =	sdelay $0x9  }
0x459: {  	v16, _, _ =	vpop (xrf2)  }
0x45a: {  	v16 =	vbroadcast v16, $0xF;
	_ =	sdelay $0x1  }
0x45b: {  	v16 =	vadd.f32 v16, v13;
	_ =	sdelay $0x1  }
0x45c: {  	v16 =	vsub.f32 $0.0e+00, v16;
	_ =	sdelay $0x1  }
0x45d: {  	v16 =	vmul.f32 $1.442695020e+00, v16;
	_ =	sdelay $0x1  }
0x45e: {  	(erf) = vpow2.f32 v16;
	_ =	sdelay $0x8  }
0x45f: {  	(v2sf) =	vpush v15, $0xC;
	v16 =	vpop (erf)  }
0x460: {  	v16 =	vadd.f32 $1.000000000e+00, v16;
	_ =	sdelay $0x1  }
0x461: {  	(erf) = vrcp.f32 v16;
	_ =	sdelay $0x2  }
0x462: {  	s22 =	sadd.s32 $0xAC, s19  }
0x463: {  	v24 =	vmov s22  }
0x464: {  	v16 =	vand.u32 $0xFFFFFFFC, v24  }
0x465: {  	v16 =	vbroadcast v16, $0x0;
	_ =	sdelay $0x1  }
0x466: {  	v25 =	vbroadcast v14, $0xC  }
0x467: {  	v26 =	vpop (erf)  }
0x468: {  	v17 =	vmul.f32 v26, v25;
	_ =	sdelay $0x1  }
0x469: {  	s22 =	spop (v2sf);
	[tilespmem:v16+s28+$0x0] =	vst.idx.msk $0x1, v17  }
0x46a: {  	[tilespmem:s22+$0x0] =	vst.add.f32.msk $0xffff, v17  }
0x46b: {  	v16 =	vld [tilespmem:s18+$0x280]  }
0x46c: {  	v17 =	vld [tilespmem:s18+$0x290]  }
0x46d: {  	v27 =	vld [tilespmem:s18+$0x2A0]  }
0x46e: {  	v28 =	vld [tilespmem:s18+$0x2B0]  }
0x46f: {  	v29 =	vld [tilespmem:s18+$0x2C0]  }
0x470: {  	v30 =	vld [tilespmem:s18+$0x2D0]  }
0x471: {  	v31 =	vld [tilespmem:s18+$0x2E0]  }
0x472: {  	v32 =	vld [tilespmem:s18+$0x2F0];
	_ =	sdelay $0x1  }
0x473: {  	v16 =	vmul.f32 v16, v3;
	v17 =	vmul.f32 v17, v4  }
0x474: {  	v18 =	vmul.f32 v27, v5;
	v19 =	vmul.f32 v28, v6  }
0x475: {  	v20 =	vmul.f32 v29, v7;
	v21 =	vmul.f32 v30, v8  }
0x476: {  	v22 =	vmul.f32 v31, v9;
	v23 =	vmul.f32 v32, v10  }
0x477: {  	v16 =	vadd.f32 v17, v16;
	v33 =	vadd.f32 v19, v18  }
0x478: {  	v34 =	vadd.f32 v21, v20;
	v35 =	vadd.f32 v23, v22;
	_ =	sdelay $0x1  }
0x479: {  	v16 =	vadd.f32 v33, v16;
	v36 =	vadd.f32 v35, v34;
	_ =	sdelay $0x1  }
0x47a: {  	v16 =	vadd.f32 v36, v16;
	_ =	sdelay $0x1  }
0x47b: {  	(xrf2) =	vadd.scan.msk.f32 $0xffff, v16;
	_ =	sdelay $0x9  }
0x47c: {  	v16, _, _ =	vpop (xrf2)  }
0x47d: {  	v16 =	vbroadcast v16, $0xF;
	_ =	sdelay $0x1  }
0x47e: {  	v16 =	vadd.f32 v16, v13;
	_ =	sdelay $0x1  }
0x47f: {  	v16 =	vsub.f32 $0.0e+00, v16;
	_ =	sdelay $0x1  }
0x480: {  	v16 =	vmul.f32 $1.442695020e+00, v16;
	_ =	sdelay $0x1  }
0x481: {  	(erf) = vpow2.f32 v16;
	_ =	sdelay $0x8  }
0x482: {  	(v2sf) =	vpush v15, $0xD;
	v16 =	vpop (erf)  }
0x483: {  	v16 =	vadd.f32 $1.000000000e+00, v16;
	_ =	sdelay $0x1  }
0x484: {  	(erf) = vrcp.f32 v16;
	_ =	sdelay $0x2  }
0x485: {  	s22 =	sadd.s32 $0xAD, s19  }
0x486: {  	v37 =	vmov s22  }
0x487: {  	v16 =	vand.u32 $0xFFFFFFFD, v37  }
0x488: {  	v16 =	vbroadcast v16, $0x0;
	_ =	sdelay $0x1  }
0x489: {  	v38 =	vbroadcast v14, $0xD  }
0x48a: {  	v39 =	vpop (erf)  }
0x48b: {  	v17 =	vmul.f32 v39, v38;
	_ =	sdelay $0x1  }
0x48c: {  	s22 =	spop (v2sf);
	[tilespmem:v16+s28+$0x0] =	vst.idx.msk $0x1, v17  }
0x48d: {  	[tilespmem:s22+$0x0] =	vst.add.f32.msk $0xffff, v17  }
0x48e: {  	v16 =	vld [tilespmem:s18+$0x300]  }
0x48f: {  	v17 =	vld [tilespmem:s18+$0x310]  }
0x490: {  	v40 =	vld [tilespmem:s18+$0x320]  }
0x491: {  	v41 =	vld [tilespmem:s18+$0x330]  }
0x492: {  	v42 =	vld [tilespmem:s18+$0x340]  }
0x493: {  	v43 =	vld [tilespmem:s18+$0x350]  }
0x494: {  	v44 =	vld [tilespmem:s18+$0x360]  }
0x495: {  	v45 =	vld [tilespmem:s18+$0x370];
	_ =	sdelay $0x1  }
0x496: {  	v16 =	vmul.f32 v16, v3;
	v17 =	vmul.f32 v17, v4  }
0x497: {  	v18 =	vmul.f32 v40, v5;
	v19 =	vmul.f32 v41, v6  }
0x498: {  	v20 =	vmul.f32 v42, v7;
	v21 =	vmul.f32 v43, v8  }
0x499: {  	v22 =	vmul.f32 v44, v9;
	v23 =	vmul.f32 v45, v10  }
0x49a: {  	v16 =	vadd.f32 v17, v16;
	v46 =	vadd.f32 v19, v18  }
0x49b: {  	v47 =	vadd.f32 v21, v20;
	v48 =	vadd.f32 v23, v22;
	_ =	sdelay $0x1  }
0x49c: {  	v16 =	vadd.f32 v46, v16;
	v49 =	vadd.f32 v48, v47;
	_ =	sdelay $0x1  }
0x49d: {  	v16 =	vadd.f32 v49, v16;
	_ =	sdelay $0x1  }
0x49e: {  	(xrf2) =	vadd.scan.msk.f32 $0xffff, v16;
	_ =	sdelay $0x9  }
0x49f: {  	v16, _, _ =	vpop (xrf2)  }
0x4a0: {  	v16 =	vbroadcast v16, $0xF;
	_ =	sdelay $0x1  }
0x4a1: {  	v16 =	vadd.f32 v16, v13;
	_ =	sdelay $0x1  }
0x4a2: {  	v16 =	vsub.f32 $0.0e+00, v16;
	_ =	sdelay $0x1  }
0x4a3: {  	v16 =	vmul.f32 $1.442695020e+00, v16;
	_ =	sdelay $0x1  }
0x4a4: {  	(erf) = vpow2.f32 v16;
	_ =	sdelay $0x8  }
0x4a5: {  	(v2sf) =	vpush v15, $0xE;
	v16 =	vpop (erf)  }
0x4a6: {  	v16 =	vadd.f32 $1.000000000e+00, v16;
	_ =	sdelay $0x1  }
0x4a7: {  	(erf) = vrcp.f32 v16;
	_ =	sdelay $0x2  }
0x4a8: {  	s22 =	sadd.s32 $0xAE, s19  }
0x4a9: {  	v50 =	vmov s22  }
0x4aa: {  	v16 =	vand.u32 $0xFFFFFFFE, v50  }
0x4ab: {  	v16 =	vbroadcast v16, $0x0;
	_ =	sdelay $0x1  }
0x4ac: {  	v51 =	vbroadcast v14, $0xE  }
0x4ad: {  	v52 =	vpop (erf)  }
0x4ae: {  	v17 =	vmul.f32 v52, v51;
	_ =	sdelay $0x1  }
0x4af: {  	s22 =	spop (v2sf);
	[tilespmem:v16+s28+$0x0] =	vst.idx.msk $0x1, v17  }
0x4b0: {  	[tilespmem:s22+$0x0] =	vst.add.f32.msk $0xffff, v17  }
0x4b1: {  	v16 =	vld [tilespmem:s18+$0x380]  }
0x4b2: {  	v17 =	vld [tilespmem:s18+$0x390]  }
0x4b3: {  	v53 =	vld [tilespmem:s18+$0x3A0]  }
0x4b4: {  	v54 =	vld [tilespmem:s18+$0x3B0]  }
0x4b5: {  	v55 =	vld [tilespmem:s18+$0x3C0]  }
0x4b6: {  	v56 =	vld [tilespmem:s18+$0x3D0]  }
0x4b7: {  	v57 =	vld [tilespmem:s18+$0x3E0]  }
0x4b8: {  	v58 =	vld [tilespmem:s18+$0x3F0];
	_ =	sdelay $0x1  }
0x4b9: {  	v16 =	vmul.f32 v16, v3;
	v17 =	vmul.f32 v17, v4  }
0x4ba: {  	v18 =	vmul.f32 v53, v5;
	v19 =	vmul.f32 v54, v6  }
0x4bb: {  	v20 =	vmul.f32 v55, v7;
	v21 =	vmul.f32 v56, v8  }
0x4bc: {  	v22 =	vmul.f32 v57, v9;
	v23 =	vmul.f32 v58, v10  }
0x4bd: {  	v16 =	vadd.f32 v17, v16;
	v59 =	vadd.f32 v19, v18  }
0x4be: {  	v60 =	vadd.f32 v21, v20;
	v61 =	vadd.f32 v23, v22;
	_ =	sdelay $0x1  }
0x4bf: {  	v16 =	vadd.f32 v59, v16;
	v62 =	vadd.f32 v61, v60;
	_ =	sdelay $0x1  }
0x4c0: {  	v16 =	vadd.f32 v62, v16;
	_ =	sdelay $0x1  }
0x4c1: {  	(xrf2) =	vadd.scan.msk.f32 $0xffff, v16;
	_ =	sdelay $0x9  }
0x4c2: {  	v16, _, _ =	vpop (xrf2)  }
0x4c3: {  	v16 =	vbroadcast v16, $0xF;
	_ =	sdelay $0x1  }
0x4c4: {  	v16 =	vadd.f32 v16, v13;
	_ =	sdelay $0x1  }
0x4c5: {  	v16 =	vsub.f32 $0.0e+00, v16;
	_ =	sdelay $0x1  }
0x4c6: {  	v16 =	vmul.f32 $1.442695020e+00, v16;
	_ =	sdelay $0x1  }
0x4c7: {  	(erf) = vpow2.f32 v16;
	_ =	sdelay $0x8  }
0x4c8: {  	(v2sf) =	vpush v15, $0xF;
	v16 =	vpop (erf)  }
0x4c9: {  	v15 =	vadd.f32 $1.000000000e+00, v16;
	_ =	sdelay $0x1  }
0x4ca: {  	(erf) = vrcp.f32 v15;
	_ =	sdelay $0x5  }
0x4cb: {  	s19 =	sadd.s32 $0xAF, s19  }
0x4cc: {  	v15 =	vmov s19  }
0x4cd: {  	p1 =	sne.s32 s4, $0x90;
	v14 =	vbroadcast v14, $0xF  }
.Ltmp6:
0x4ce: {  	v63 =	vpop (erf);
	(pc) =	sbr.rel @p1 .LBB2_10-.Ltmp6, $3  }
0x4cf: {  	v14 =	vmul.f32 v63, v14;
	_ =	sdelay $0x1  }
0x4d0: {  	s22 =	spop (v2sf);
	[tilespmem:v15+s28+$0x0] =	vst.idx.msk $0x1, v14  }
0x4d1: {  	s4 =	sadd.s32 $0x10, s4;
	s18 =	sadd.s32 $0x800, s18;
	[tilespmem:s22+$0x0] =	vst.add.f32.msk $0xffff, v14  }
0x4d2: {  	s2 =	sadd.s32 $0x3, s2  }
0x4d3: {  	p1 =	sge.u32 s2, s9  }
.Ltmp7:
0x4d4: {  	s2 =	sadd.s32 @!p1 s7, s2;
	(pc) =	sbr.rel .LBB2_12-.Ltmp7, $3  }
0x4d5: {  	s2 =	smul.u32 @!p1 $0xA00, s2;
	_ =	sdelay $0x1  }
0x4d6: {  	s4 =	simm.s32 @!p1 $0x0;
	s18 =	simm.s32 @!p1 $0x5000;
	s2 =	sadd.s32 @!p1 s1, s2  }
0x4d7: {  	[tilespmem:s18], [sflag:$0x2] =	stream.linear.gather @!p1 [hbm4b:s2+s4], $0x5000, $0x38;
	[tilespmem:$0x1E200] =	vst v63  }
.LBB2_13:
0x4d8: {  	(v2sf) =	vpush v11, $0x0  }
0x4d9: {  	(v2sf) =	vpush v12, $0x0;
	_ =	sdelay $0xb  }
0x4da: {  	s3 =	simm.s32 @p0 $0x0;
	s4 =	simm.s32 @p0 $0xB900  }
0x4db: {  	[hbm4b:s15+s3] =	stream.linear.scatter @p0 [tilespmem:s4], [sflag:$0x3], $0xBE0, $0x38;
	[tilespmem:$0x1E200] =	vst v63  }
0x4dc: {  	s2 =	spop (v2sf)  }
0x4dd: {  	s4 =	simm.s32 @p0 $0x3;
	s3 =	spop (v2sf)  }
0x4de: {  	_ =	swait.ge @p0 [sflag:s4], $0xBE0  }
0x4df: {  	s18 =	simm.s32 @!p0 $0xB900;
	[sflag:s4] =	ssyncset.done @p0 $0x0  }
0x4e0: {  	p1 =	slt.s32 s3, $0x0;
	[sflag:s4] =	ssyncadd.s32 @p0 $0xFFFFF420;
	s4 =	simm.s32 @!p0 $0x0  }
0x4e1: {  	[hbm4b:s15+s4] =	stream.linear.scatter @!p0 [tilespmem:s18], [sflag:$0x3], $0xC80, $0x38;
	[tilespmem:$0x1E200] =	vst v63  }
0x4e2: {  	p2 =	sgt.s32 @!p1 s2, $0x1F;
	s4 =	simm.s32 @!p0 $0x3  }
0x4e3: {  	s19 =	simm.s32 $0x40;
	p1 =	por p2, p1;
	_ =	swait.ge @!p0 [sflag:s4], $0xC80  }
0x4e4: {  	s18 =	simm.s32 $0xC580;
	s21 =	simm.s32 @!p1 $0x20;
	[sflag:s4] =	ssyncset.done @!p0 $0x0  }
0x4e5: {  	s31 =	simm.s32 @!p1 $0x3;
	[sflag:s4] =	ssyncadd.s32 @!p0 $0xFFFFF380;
	s4 =	simm.s32 $0x1C580  }
0x4e6: {  	[spmem:s5] =	stream.indirect.scatter.add.f32 @!p1 [tilespmem:s18], [sflag:$0x3], $0x80, s4, s21, $0xb8;
	[tilespmem:$0x1E200] =	vst v63  }
0x4e7: {  	p2 =	slt.s32 s3, $0x20;
	s4 =	simm.s32 $0x1C600;
	_ =	swait.ge @!p1 [sflag:s31], $0x1000  }
0x4e8: {  	s18 =	simm.s32 $0xD580;
	s21 =	simm.s32 $0x3F;
	[sflag:s31] =	ssyncset.done @!p1 $0x0  }
.LBB2_14:
0x4e9: {  	s22 =	smov.u32 s19;
	s19 =	sadd.s32 $0x20, s19  }
0x4ea: {  	p4 =	slt.s32 @!p2 s21, s2;
	[sflag:s31] =	ssyncadd.s32 @!p1 $0xFFFFF000;
	p3 =	sne.s32 s19, $0x200  }
.Ltmp8:
0x4eb: {  	p1 =	por p4, p2;
	(pc) =	sbr.rel @p3 .LBB2_14-.Ltmp8, $4  }
0x4ec: {  	s21 =	simm.s32 @!p1 $0x20;
	s31 =	simm.s32 @!p1 $0x3  }
0x4ed: {  	[spmem:s5] =	stream.indirect.scatter.add.f32 @!p1 [tilespmem:s18], [sflag:$0x3], $0x80, s4, s21, $0xb8;
	[tilespmem:$0x1E200] =	vst v63  }
0x4ee: {  	s4 =	sadd.s32 $0x80, s4;
	s18 =	sadd.s32 $0x1000, s18;
	_ =	swait.ge @!p1 [sflag:s31], $0x1000  }
0x4ef: {  	p2 =	sgt.s32 s22, s3;
	s21 =	sadd.s32 $0x1F, s22;
	[sflag:s31] =	ssyncset.done @!p1 $0x0  }
0x4f0: {  	p3 =	slt.s32 @!p2 s21, s2  }
0x4f1: {  	p2 =	por p3, p2  }
0x4f2: {  	[sflag:s31] =	ssyncadd.s32 @!p1 $0xFFFFF000;
	s2 =	simm.s32 @!p2 $0x20;
	s3 =	simm.s32 @!p2 $0x3  }
0x4f3: {  	[spmem:s5] =	stream.indirect.scatter.add.f32 @!p2 [tilespmem:s18], [sflag:$0x3], $0x80, s4, s2, $0xb8;
	[tilespmem:$0x1E200] =	vst v63  }
0x4f4: {  	_ =	swait.ge @!p2 [sflag:s3], $0x1000  }
0x4f5: {  	s22 =	sshll.u32 s0, $0x6;
	s30 =	sadd.s32 $0x1, s30;
	[sflag:s3] =	ssyncset.done @!p2 $0x0  }
0x4f6: {  	s31 =	sshrl.u32 s14, $0x3;
	p1 =	sne.s32 s30, s17;
	[sflag:s3] =	ssyncadd.s32 @!p2 $0xFFFFF000  }
.Ltmp9:
0x4f7: {  	s2 =	sor.u32 $0x1C03, s22;
	[bflag:$0x0] =	sbarrier.arrive $0xFFFF;
	(pc) =	sbr.rel @p1 .LBB2_1-.Ltmp9, $4  }
0x4f8: {  	[hbm:s16], [sflag:s2] =	dma.local [spmem:s31], $0x200  }
0x4f9: {  	_ =	swait.ge [sflag:s20], $0x200  }
0x4fa: {  	[sflag:s20] =	ssyncset.done $0x0  }
0x4fb: {  	[sflag:s20] =	ssyncadd.s32 $0xFFFFFE00  }
0x4fc: {  	_ =	sfence.sel $0x180000  }
0x4fd: {  	[bflag:$0x0] =	sbarrier.arrive $0xFFFF  }
0x4fe: {  	_ =	strace $0x90000047  }
0x4ff: {  	[bflag:$0x2] =	sbarrier.arrive $0xFFFF  }
0x500: {  	p0 =	sne.s32 s0, $0x0;
	s0 =	rddreg [dreg:$0x7]  }
0x501: {  	s0 =	sadd.s32 @!p0 $0x100000, s0  }
0x502: {  	[sflag:s0] =	ssyncadd.tile.s32 @!p0 $0x1;
	_ =	shalt  }
.Lfunc_end2:
_tile_overlayer_lowered:
.L_overlay_start_2:
0x503: {  	(tag) =	ssettag $0x2  }
0x504: {  	s0 =	rddreg [dreg:$0x0];
	s2 =	stileid.u32  }
0x505: {  	s1 =	rddreg [dreg:$0x1];
	p0 =	sne.s32 s2, $0x0  }
0x506: {  	s3 =	rddreg [dreg:$0x2];
	[bflag:$0x3] =	sbarrier.arrive $0xFFFF;
	s2 =	simm.s32 @!p0 $0x1C03  }
0x507: {  	[timem:s3], [sflag:s2] =	dma.local @!p0 [hbm:s0], s1  }
0x508: {  	s0 =	simm.s32 @!p0 $0x3  }
0x509: {  	_ =	swait.ge @!p0 [sflag:s0], s1  }
0x50a: {  	s1 =	ssub.s32 @!p0 $0x0, s1;
	[sflag:s0] =	ssyncset.done @!p0 $0x0  }
0x50b: {  	[sflag:s0] =	ssyncadd.s32 @!p0 s1  }
0x50c: {  	[bflag:$0x3] =	sbarrier.arrive $0xFFFF  }
0x50d: {  	_ =	shalt  }

</sc_bundles>
